<compile_context>
chip_gen: v7x
topology: tpu7x:2x2x1
jax: 0.10.2.dev20260603
libtpu: 0.0.44.dev20260713+nightly
codegen_flags: <defaults>
</compile_context>

<pallas_src>
import functools

import jax
import jax.numpy as jnp
from jax import lax
from jax.experimental import pallas as pl
from jax.experimental.pallas import tpu as pltpu
from jax.experimental.pallas import tpu_sc as plsc

NW = 32
NB = 2
SB_TOTAL = 200 * 16
SB_PER_W = SB_TOTAL // NW


def _emb_body(x5_hbm, w_hbm, out5_hbm,
              idxv, widebuf, outbuf,
              gsem0, gsem1, ssem0, ssem1):
    wid = lax.axis_index("s") * 2 + lax.axis_index("c")
    iota16 = lax.iota(jnp.int32, 16)
    gsems = (gsem0, gsem1)
    ssems = (ssem0, ssem1)
    rvecs = [iota16 + 16 * g for g in range(8)]
    bvecs = [jnp.full((16,), b, jnp.int32) for b in range(NB)]

    def coords(t):
        s = wid * SB_PER_W + t
        j = s // 16
        i2 = s % 16
        return j // 8, j % 8, j, i2

    def stage_a(t, slot):
        jr, jj, j, i2 = coords(t)
        pltpu.sync_copy(x5_hbm.at[jr, pl.ds(NB * i2, NB), jj], idxv.at[slot])
        for b in range(NB):
            pltpu.async_copy(w_hbm.at[idxv.at[slot, b]],
                             widebuf.at[slot, b], gsems[slot])

    def stage_b(t, slot):
        jr, jj, j, i2 = coords(t)
        for b in range(NB):
            pltpu.make_async_copy(w_hbm.at[idxv.at[slot, b]],
                                  widebuf.at[slot, b], gsems[slot]).wait()

        @pl.when(t >= 2)
        def _():
            for b in range(NB):
                pltpu.make_async_copy(outbuf.at[slot, b],
                                      out5_hbm.at[j, :, NB * i2 + b],
                                      ssems[slot]).wait()

        wide = widebuf.at[slot]

        def diag(d4, carry):
            for dk in range(4):
                cvec = (iota16 + (d4 * 4 + dk)) & 63
                dmaj = lax.shift_right_logical(cvec, 3)
                dmin = cvec & 7
                vals = [plsc.load_gather(wide, [bvecs[b], rvecs[g], cvec])
                        for b in range(NB) for g in range(8)]
                for b in range(NB):
                    for g in range(8):
                        plsc.store_scatter(outbuf.at[slot, b],
                                           [dmaj, dmin, rvecs[g]],
                                           vals[b * 8 + g])
            return carry

        lax.fori_loop(0, 16, diag, 0)

        for b in range(NB):
            pltpu.async_copy(outbuf.at[slot, b],
                             out5_hbm.at[j, :, NB * i2 + b],
                             ssems[slot])

    stage_a(0, 0)

    def body(tt, carry):
        t0 = 2 * tt
        stage_a(t0 + 1, 1)
        stage_b(t0, 0)

        @pl.when(tt < SB_PER_W // 2 - 1)
        def _():
            stage_a(t0 + 2, 0)

        stage_b(t0 + 1, 1)
        return carry

    lax.fori_loop(0, SB_PER_W // 2, body, 0)

    for slot in range(2):
        _, _, j, i2 = coords(SB_PER_W - 2 + slot)
        for b in range(NB):
            pltpu.make_async_copy(outbuf.at[slot, b],
                                  out5_hbm.at[j, :, NB * i2 + b],
                                  ssems[slot]).wait()


@jax.jit
def _embedding_lookup(x5, weight):
    mesh = plsc.VectorSubcoreMesh(core_axis_name="c", subcore_axis_name="s")
    k = functools.partial(
        pl.kernel,
        mesh=mesh,
        out_type=jax.ShapeDtypeStruct((200, 8, 32, 8, 128), jnp.float32),
        scratch_types=[
            pltpu.VMEM((2, NB, 128), jnp.int32),
            pltpu.VMEM((2, NB, 128, 128), jnp.float32),
            pltpu.VMEM((2, NB, 8, 8, 128), jnp.float32),
            pltpu.SemaphoreType.DMA,
            pltpu.SemaphoreType.DMA,
            pltpu.SemaphoreType.DMA,
            pltpu.SemaphoreType.DMA,
        ],
        compiler_params=pltpu.CompilerParams(
            use_tc_tiling_on_sc=False, needs_layout_passes=False),
    )(_emb_body)
    return k(x5, weight)


def kernel(x, weight):
    x5 = x.reshape(32, 128, 25, 8).transpose(2, 0, 3, 1)
    wpad = jnp.pad(weight, ((0, 0), (0, 64)))
    out5 = _embedding_lookup(x5, wpad)
    return out5.transpose(2, 4, 0, 1, 3).reshape(4096, 200, 64)

# --- scband reference (transcript-rebuilt; emitter-appended) ---
"""Pipeline reference for scband-embedding-58695023067213 (READ-ONLY COPY).

The authoritative reference and input builder live on the scoring server;
editing this copy changes nothing except your own understanding.
"""

import jax, jax.numpy as jnp
import numpy as np

NUM_EMBEDDINGS = 1000000
EMBEDDING_DIM = 64

def setup_inputs(seed: int = 0) -> dict:
    key = jax.random.key(seed)
    k1, k2 = jax.random.split(key)
    x = jax.random.randint(k1, (4096, 200), 0, NUM_EMBEDDINGS, dtype=jnp.int64 if jax.config.jax_enable_x64 else jnp.int32)
    # trunc_normal(std=1.0, a=-3, b=3) approximated by truncated normal
    weight = jax.random.truncated_normal(k2, -3.0, 3.0, (NUM_EMBEDDINGS, EMBEDDING_DIM), dtype=jnp.float32)
    return {"x": x, "weight": weight}

def reference(x, weight):
    # Embedding lookup: weight[x]
    return jnp.take(weight, x, axis=0)

if __name__ == "__main__":
    import jax
    _d = setup_inputs()
    print(jax.jit(kernel)(*tuple(_d.values())))

</pallas_src>

<mosaic_0001>
#map = affine_map<(d0, d1) -> (0, 0, 0, 0)>
#map1 = affine_map<(d0, d1) -> (0, 0)>
#map2 = affine_map<(d0, d1) -> (0, 0, 0, 0, 0)>
module attributes {stable_mosaic.version = 14 : i64} {
  func.func @_emb_body(%arg0: i32, %arg1: i32, %arg2: memref<25x32x8x128xi32, #tpu.memory_space<hbm>>, %arg3: memref<1000000x128xf32, #tpu.memory_space<hbm>>, %arg4: memref<200x8x32x8x128xf32, #tpu.memory_space<hbm>>, %arg5: memref<2x2x128xi32, #tpu.memory_space<vmem>>, %arg6: memref<2x2x128x128xf32, #tpu.memory_space<vmem>>, %arg7: memref<2x2x8x8x128xf32, #tpu.memory_space<vmem>>, %arg8: memref<!tpu.dma_semaphore, #tpu.memory_space<semaphore_mem>>, %arg9: memref<!tpu.dma_semaphore, #tpu.memory_space<semaphore_mem>>, %arg10: memref<!tpu.dma_semaphore, #tpu.memory_space<semaphore_mem>>, %arg11: memref<!tpu.dma_semaphore, #tpu.memory_space<semaphore_mem>>) attributes {dimension_semantics = [#tpu.dimension_semantics<core_parallel>, #tpu.dimension_semantics<subcore_parallel>], iteration_bounds = array<i64: 2, 16>, scalar_prefetch = 0 : i64, scratch_operands = 7 : i64, tpu.core_type = #tpu.core_type<sc_vector_subcore>, window_params = [{transform_indices = #map}, {transform_indices = #map1}, {transform_indices = #map2}]} {
    %mul3A = arith.constant 2 : i32
    %mul3A_0 = arith.muli %arg1, %mul3A : i32
    %add3A = arith.addi %mul3A_0, %arg0 : i32
    %iota3A = tpu.iota {dimensions = array<i32: 0>} : vector<16xi32>
    %add3A_1 = arith.constant 0 : i32
    %add3A_2 = vector.broadcast %add3A_1 : i32 to vector<16xi32>
    %add3A_3 = arith.addi %iota3A, %add3A_2 : vector<16xi32>
    %add3A_4 = arith.constant 16 : i32
    %add3A_5 = vector.broadcast %add3A_4 : i32 to vector<16xi32>
    %add3A_6 = arith.addi %iota3A, %add3A_5 : vector<16xi32>
    %add3A_7 = arith.constant 32 : i32
    %add3A_8 = vector.broadcast %add3A_7 : i32 to vector<16xi32>
    %add3A_9 = arith.addi %iota3A, %add3A_8 : vector<16xi32>
    %add3A_10 = arith.constant 48 : i32
    %add3A_11 = vector.broadcast %add3A_10 : i32 to vector<16xi32>
    %add3A_12 = arith.addi %iota3A, %add3A_11 : vector<16xi32>
    %add3A_13 = arith.constant 64 : i32
    %add3A_14 = vector.broadcast %add3A_13 : i32 to vector<16xi32>
    %add3A_15 = arith.addi %iota3A, %add3A_14 : vector<16xi32>
    %add3A_16 = arith.constant 80 : i32
    %add3A_17 = vector.broadcast %add3A_16 : i32 to vector<16xi32>
    %add3A_18 = arith.addi %iota3A, %add3A_17 : vector<16xi32>
    %add3A_19 = arith.constant 96 : i32
    %add3A_20 = vector.broadcast %add3A_19 : i32 to vector<16xi32>
    %add3A_21 = arith.addi %iota3A, %add3A_20 : vector<16xi32>
    %add3A_22 = arith.constant 112 : i32
    %add3A_23 = vector.broadcast %add3A_22 : i32 to vector<16xi32>
    %add3A_24 = arith.addi %iota3A, %add3A_23 : vector<16xi32>
    %broadcast_in_dim3A = arith.constant 0 : i32
    %broadcast_in_dim3A_25 = vector.broadcast %broadcast_in_dim3A : i32 to vector<16xi32>
    %broadcast_in_dim3A_26 = arith.constant 1 : i32
    %broadcast_in_dim3A_27 = vector.broadcast %broadcast_in_dim3A_26 : i32 to vector<16xi32>
    %mul3A_28 = arith.constant 100 : i32
    %mul3A_29 = arith.muli %add3A, %mul3A_28 : i32
    %add3A_30 = arith.constant 0 : i32
    %add3A_31 = arith.addi %mul3A_29, %add3A_30 : i32
    %jit3A = arith.constant 16 : i32
    %div3A = arith.divsi %add3A_31, %jit3A : i32
    %sign3A = arith.constant 0 : i32
    %sign3A_32 = arith.cmpi sgt, %add3A_31, %sign3A : i32
    %sign3A_33 = arith.extui %sign3A_32 : i1 to i32
    %sign3A_34 = arith.constant 0 : i32
    %sign3A_35 = arith.cmpi slt, %add3A_31, %sign3A_34 : i32
    %sign3A_36 = arith.extui %sign3A_35 : i1 to i32
    %sign3A_37 = arith.subi %sign3A_33, %sign3A_36 : i32
    %sign3A_38 = arith.constant 0 : i32
    %sign3A_39 = arith.cmpi sgt, %jit3A, %sign3A_38 : i32
    %sign3A_40 = arith.extui %sign3A_39 : i1 to i32
    %sign3A_41 = arith.constant 0 : i32
    %sign3A_42 = arith.cmpi slt, %jit3A, %sign3A_41 : i32
    %sign3A_43 = arith.extui %sign3A_42 : i1 to i32
    %sign3A_44 = arith.subi %sign3A_40, %sign3A_43 : i32
    %ne3A = arith.cmpi ne, %sign3A_37, %sign3A_44 : i32
    %rem3A = arith.remsi %add3A_31, %jit3A : i32
    %ne3A_45 = arith.constant 0 : i32
    %ne3A_46 = arith.cmpi ne, %rem3A, %ne3A_45 : i32
    %and3A = arith.andi %ne3A, %ne3A_46 : i1
    %sub3A = arith.constant 1 : i32
    %sub3A_47 = arith.subi %div3A, %sub3A : i32
    %select_n3A = arith.select %and3A, %sub3A_47, %div3A : i32
    %jit3A_48 = arith.constant 16 : i32
    %eq3A = arith.constant 0 : i32
    %eq3A_49 = arith.cmpi eq, %jit3A_48, %eq3A : i32
    %jit3A_50 = arith.constant 1 : i32
    %select_n3A_51 = arith.select %eq3A_49, %jit3A_50, %jit3A_48 : i32
    %rem3A_52 = arith.remsi %add3A_31, %select_n3A_51 : i32
    %ne3A_53 = arith.constant 0 : i32
    %ne3A_54 = arith.cmpi ne, %rem3A_52, %ne3A_53 : i32
    %lt3A = arith.constant 0 : i32
    %lt3A_55 = arith.cmpi slt, %rem3A_52, %lt3A : i32
    %lt3A_56 = arith.constant 0 : i32
    %lt3A_57 = arith.cmpi slt, %select_n3A_51, %lt3A_56 : i32
    %ne3A_58 = arith.xori %lt3A_55, %lt3A_57 : i1
    %and3A_59 = arith.andi %ne3A_58, %ne3A_54 : i1
    %add3A_60 = arith.addi %rem3A_52, %select_n3A_51 : i32
    %select_n3A_61 = arith.select %and3A_59, %add3A_60, %rem3A_52 : i32
    %jit3A_62 = arith.constant 8 : i32
    %div3A_63 = arith.divsi %select_n3A, %jit3A_62 : i32
    %sign3A_64 = arith.constant 0 : i32
    %sign3A_65 = arith.cmpi sgt, %select_n3A, %sign3A_64 : i32
    %sign3A_66 = arith.extui %sign3A_65 : i1 to i32
    %sign3A_67 = arith.constant 0 : i32
    %sign3A_68 = arith.cmpi slt, %select_n3A, %sign3A_67 : i32
    %sign3A_69 = arith.extui %sign3A_68 : i1 to i32
    %sign3A_70 = arith.subi %sign3A_66, %sign3A_69 : i32
    %sign3A_71 = arith.constant 0 : i32
    %sign3A_72 = arith.cmpi sgt, %jit3A_62, %sign3A_71 : i32
    %sign3A_73 = arith.extui %sign3A_72 : i1 to i32
    %sign3A_74 = arith.constant 0 : i32
    %sign3A_75 = arith.cmpi slt, %jit3A_62, %sign3A_74 : i32
    %sign3A_76 = arith.extui %sign3A_75 : i1 to i32
    %sign3A_77 = arith.subi %sign3A_73, %sign3A_76 : i32
    %ne3A_78 = arith.cmpi ne, %sign3A_70, %sign3A_77 : i32
    %rem3A_79 = arith.remsi %select_n3A, %jit3A_62 : i32
    %ne3A_80 = arith.constant 0 : i32
    %ne3A_81 = arith.cmpi ne, %rem3A_79, %ne3A_80 : i32
    %and3A_82 = arith.andi %ne3A_78, %ne3A_81 : i1
    %sub3A_83 = arith.constant 1 : i32
    %sub3A_84 = arith.subi %div3A_63, %sub3A_83 : i32
    %select_n3A_85 = arith.select %and3A_82, %sub3A_84, %div3A_63 : i32
    %jit3A_86 = arith.constant 8 : i32
    %eq3A_87 = arith.constant 0 : i32
    %eq3A_88 = arith.cmpi eq, %jit3A_86, %eq3A_87 : i32
    %jit3A_89 = arith.constant 1 : i32
    %select_n3A_90 = arith.select %eq3A_88, %jit3A_89, %jit3A_86 : i32
    %rem3A_91 = arith.remsi %select_n3A, %select_n3A_90 : i32
    %ne3A_92 = arith.constant 0 : i32
    %ne3A_93 = arith.cmpi ne, %rem3A_91, %ne3A_92 : i32
    %lt3A_94 = arith.constant 0 : i32
    %lt3A_95 = arith.cmpi slt, %rem3A_91, %lt3A_94 : i32
    %lt3A_96 = arith.constant 0 : i32
    %lt3A_97 = arith.cmpi slt, %select_n3A_90, %lt3A_96 : i32
    %ne3A_98 = arith.xori %lt3A_95, %lt3A_97 : i1
    %and3A_99 = arith.andi %ne3A_98, %ne3A_93 : i1
    %add3A_100 = arith.addi %rem3A_91, %select_n3A_90 : i32
    %select_n3A_101 = arith.select %and3A_99, %add3A_100, %rem3A_91 : i32
    %mul3A_102 = arith.constant 2 : i32
    %mul3A_103 = arith.muli %mul3A_102, %select_n3A_61 : i32
    %run_scoped3A = arith.constant 0 : i32
    "tpu.region"() ({
      %run_scoped3A_407 = tpu.sem_alloc : memref<!tpu.dma_semaphore, #tpu.memory_space<semaphore_mem>>
      %dma_start3A_408 = arith.constant 0 : i32
      %dma_start3A_409 = arith.constant 0 : i32
      %dma_start3A_410 = tpu.memref_slice %arg5[%run_scoped3A, %dma_start3A_408, %dma_start3A_409] : memref<2x2x128xi32, #tpu.memory_space<vmem>> -> memref<1x2x128xi32, #tpu.memory_space<vmem>>
      %dma_start3A_411 = tpu.memref_squeeze %dma_start3A_410 : memref<1x2x128xi32, #tpu.memory_space<vmem>> -> memref<2x128xi32, #tpu.memory_space<vmem>>
      %dma_start3A_412 = arith.constant 0 : i32
      %dma_start3A_413 = tpu.memref_slice %arg2[%select_n3A_85, %mul3A_103, %select_n3A_101, %dma_start3A_412] : memref<25x32x8x128xi32, #tpu.memory_space<hbm>> -> memref<1x2x1x128xi32, #tpu.memory_space<hbm>>
      %dma_start3A_414 = tpu.memref_squeeze %dma_start3A_413 : memref<1x2x1x128xi32, #tpu.memory_space<hbm>> -> memref<2x128xi32, #tpu.memory_space<hbm>>
      %dma_start3A_415 = arith.constant 0 : i32
      %dma_start3A_416 = arith.constant 0 : i32
      %dma_start3A_417 = tpu.memref_slice %arg5[%run_scoped3A, %dma_start3A_415, %dma_start3A_416] : memref<2x2x128xi32, #tpu.memory_space<vmem>> -> memref<1x2x128xi32, #tpu.memory_space<vmem>>
      %dma_start3A_418 = tpu.memref_squeeze %dma_start3A_417 : memref<1x2x128xi32, #tpu.memory_space<vmem>> -> memref<2x128xi32, #tpu.memory_space<vmem>>
      %dma_start3A_419 = arith.constant 0 : i32
      %dma_start3A_420 = tpu.memref_slice %arg2[%select_n3A_85, %mul3A_103, %select_n3A_101, %dma_start3A_419] : memref<25x32x8x128xi32, #tpu.memory_space<hbm>> -> memref<1x2x1x128xi32, #tpu.memory_space<hbm>>
      %dma_start3A_421 = tpu.memref_squeeze %dma_start3A_420 : memref<1x2x1x128xi32, #tpu.memory_space<hbm>> -> memref<2x128xi32, #tpu.memory_space<hbm>>
      tpu.enqueue_dma source(%dma_start3A_421 : memref<2x128xi32, #tpu.memory_space<hbm>>) target(%dma_start3A_418 : memref<2x128xi32, #tpu.memory_space<vmem>>) target_semaphore(%run_scoped3A_407 : memref<!tpu.dma_semaphore, #tpu.memory_space<semaphore_mem>>)
      %dma_wait3A_422 = arith.constant 0 : i32
      %dma_wait3A_423 = arith.constant 0 : i32
      %dma_wait3A_424 = tpu.memref_slice %arg5[%run_scoped3A, %dma_wait3A_422, %dma_wait3A_423] : memref<2x2x128xi32, #tpu.memory_space<vmem>> -> memref<1x2x128xi32, #tpu.memory_space<vmem>>
      %dma_wait3A_425 = tpu.memref_squeeze %dma_wait3A_424 : memref<1x2x128xi32, #tpu.memory_space<vmem>> -> memref<2x128xi32, #tpu.memory_space<vmem>>
      %dma_wait3A_426 = arith.constant 0 : i32
      %dma_wait3A_427 = tpu.memref_slice %arg2[%select_n3A_85, %mul3A_103, %select_n3A_101, %dma_wait3A_426] : memref<25x32x8x128xi32, #tpu.memory_space<hbm>> -> memref<1x2x1x128xi32, #tpu.memory_space<hbm>>
      %dma_wait3A_428 = tpu.memref_squeeze %dma_wait3A_427 : memref<1x2x1x128xi32, #tpu.memory_space<hbm>> -> memref<2x128xi32, #tpu.memory_space<hbm>>
      %dma_wait3A_429 = arith.constant 0 : i32
      %dma_wait3A_430 = arith.constant 0 : i32
      %dma_wait3A_431 = tpu.memref_slice %arg5[%run_scoped3A, %dma_wait3A_429, %dma_wait3A_430] : memref<2x2x128xi32, #tpu.memory_space<vmem>> -> memref<1x2x128xi32, #tpu.memory_space<vmem>>
      %dma_wait3A_432 = tpu.memref_squeeze %dma_wait3A_431 : memref<1x2x128xi32, #tpu.memory_space<vmem>> -> memref<2x128xi32, #tpu.memory_space<vmem>>
      %dma_wait3A_433 = arith.constant 0 : i32
      %dma_wait3A_434 = tpu.memref_slice %arg2[%select_n3A_85, %mul3A_103, %select_n3A_101, %dma_wait3A_433] : memref<25x32x8x128xi32, #tpu.memory_space<hbm>> -> memref<1x2x1x128xi32, #tpu.memory_space<hbm>>
      %dma_wait3A_435 = tpu.memref_squeeze %dma_wait3A_434 : memref<1x2x1x128xi32, #tpu.memory_space<hbm>> -> memref<2x128xi32, #tpu.memory_space<hbm>>
      tpu.wait_dma2 semaphore(%run_scoped3A_407 : memref<!tpu.dma_semaphore, #tpu.memory_space<semaphore_mem>>) src(%dma_wait3A_435 : memref<2x128xi32, #tpu.memory_space<hbm>>) dst(%dma_wait3A_432 : memref<2x128xi32, #tpu.memory_space<vmem>>)
      tpu.yield
    }) : () -> ()
    %dma_start3A = arith.constant 0 : i32
    %dma_start3A_104 = arith.constant 0 : i32
    %dma_start3A_105 = arith.constant 0 : i32
    %dma_start3A_106 = arith.constant 0 : i32
    %dma_start3A_107 = arith.constant 0 : i32
    %dma_start3A_108 = arith.constant 0 : i32
    %dma_start3A_109 = tpu.memref_slice %arg6[%dma_start3A_105, %dma_start3A_106, %dma_start3A_107, %dma_start3A_108] : memref<2x2x128x128xf32, #tpu.memory_space<vmem>> -> memref<1x1x128x128xf32, #tpu.memory_space<vmem>>
    %dma_start3A_110 = tpu.memref_squeeze %dma_start3A_109 : memref<1x1x128x128xf32, #tpu.memory_space<vmem>> -> memref<128x128xf32, #tpu.memory_space<vmem>>
    %dma_start3A_111 = arith.constant 0 : i32
    %dma_start3A_112 = tpu.memref_slice %arg5[%dma_start3A, %dma_start3A_104, %dma_start3A_111] : memref<2x2x128xi32, #tpu.memory_space<vmem>> -> memref<1x1x128xi32, #tpu.memory_space<vmem>>
    %dma_start3A_113 = tpu.memref_squeeze %dma_start3A_112 : memref<1x1x128xi32, #tpu.memory_space<vmem>> -> memref<128xi32, #tpu.memory_space<vmem>>
    %dma_start3A_114 = arith.constant 0 : i32
    %dma_start3A_115 = arith.constant 0 : i32
    %dma_start3A_116 = tpu.memref_slice %arg3[%dma_start3A_114, %dma_start3A_115] : memref<1000000x128xf32, #tpu.memory_space<hbm>> -> memref<1000000x128xf32, #tpu.memory_space<hbm>>
    tpu.enqueue_indirect_dma source(%dma_start3A_116 : memref<1000000x128xf32, #tpu.memory_space<hbm>>) target(%dma_start3A_110 : memref<128x128xf32, #tpu.memory_space<vmem>>) offsets(%dma_start3A_113 : memref<128xi32, #tpu.memory_space<vmem>>) semaphore(%arg8 : memref<!tpu.dma_semaphore, #tpu.memory_space<semaphore_mem>>)
    %dma_start3A_117 = arith.constant 0 : i32
    %dma_start3A_118 = arith.constant 1 : i32
    %dma_start3A_119 = arith.constant 0 : i32
    %dma_start3A_120 = arith.constant 1 : i32
    %dma_start3A_121 = arith.constant 0 : i32
    %dma_start3A_122 = arith.constant 0 : i32
    %dma_start3A_123 = tpu.memref_slice %arg6[%dma_start3A_119, %dma_start3A_120, %dma_start3A_121, %dma_start3A_122] : memref<2x2x128x128xf32, #tpu.memory_space<vmem>> -> memref<1x1x128x128xf32, #tpu.memory_space<vmem>>
    %dma_start3A_124 = tpu.memref_squeeze %dma_start3A_123 : memref<1x1x128x128xf32, #tpu.memory_space<vmem>> -> memref<128x128xf32, #tpu.memory_space<vmem>>
    %dma_start3A_125 = arith.constant 0 : i32
    %dma_start3A_126 = tpu.memref_slice %arg5[%dma_start3A_117, %dma_start3A_118, %dma_start3A_125] : memref<2x2x128xi32, #tpu.memory_space<vmem>> -> memref<1x1x128xi32, #tpu.memory_space<vmem>>
    %dma_start3A_127 = tpu.memref_squeeze %dma_start3A_126 : memref<1x1x128xi32, #tpu.memory_space<vmem>> -> memref<128xi32, #tpu.memory_space<vmem>>
    %dma_start3A_128 = arith.constant 0 : i32
    %dma_start3A_129 = arith.constant 0 : i32
    %dma_start3A_130 = tpu.memref_slice %arg3[%dma_start3A_128, %dma_start3A_129] : memref<1000000x128xf32, #tpu.memory_space<hbm>> -> memref<1000000x128xf32, #tpu.memory_space<hbm>>
    tpu.enqueue_indirect_dma source(%dma_start3A_130 : memref<1000000x128xf32, #tpu.memory_space<hbm>>) target(%dma_start3A_124 : memref<128x128xf32, #tpu.memory_space<vmem>>) offsets(%dma_start3A_127 : memref<128xi32, #tpu.memory_space<vmem>>) semaphore(%arg8 : memref<!tpu.dma_semaphore, #tpu.memory_space<semaphore_mem>>)
    %scan3A = arith.constant 0 : i32
    %scan3A_131 = arith.constant 0 : i32
    %scan3A_132 = arith.constant 50 : i32
    %scan3A_133 = arith.addi %scan3A_131, %scan3A_132 : i32
    %scan3A_134 = arith.constant 1 : i32
    scf.for %scan3A_407 = %scan3A_131 to %scan3A_133 step %scan3A_134  : i32 {
      %mul3A_408 = arith.constant 2 : i32
      %mul3A_409 = arith.muli %mul3A_408, %scan3A_407 : i32
      %add3A_410 = arith.constant 1 : i32
      %add3A_411 = arith.addi %mul3A_409, %add3A_410 : i32
      %mul3A_412 = arith.constant 100 : i32
      %mul3A_413 = arith.muli %add3A, %mul3A_412 : i32
      %add3A_414 = arith.addi %mul3A_413, %add3A_411 : i32
      %jit3A_415 = arith.constant 16 : i32
      %div3A_416 = arith.divsi %add3A_414, %jit3A_415 : i32
      %sign3A_417 = arith.constant 0 : i32
      %sign3A_418 = arith.cmpi sgt, %add3A_414, %sign3A_417 : i32
      %sign3A_419 = arith.extui %sign3A_418 : i1 to i32
      %sign3A_420 = arith.constant 0 : i32
      %sign3A_421 = arith.cmpi slt, %add3A_414, %sign3A_420 : i32
      %sign3A_422 = arith.extui %sign3A_421 : i1 to i32
      %sign3A_423 = arith.subi %sign3A_419, %sign3A_422 : i32
      %sign3A_424 = arith.constant 0 : i32
      %sign3A_425 = arith.cmpi sgt, %jit3A_415, %sign3A_424 : i32
      %sign3A_426 = arith.extui %sign3A_425 : i1 to i32
      %sign3A_427 = arith.constant 0 : i32
      %sign3A_428 = arith.cmpi slt, %jit3A_415, %sign3A_427 : i32
      %sign3A_429 = arith.extui %sign3A_428 : i1 to i32
      %sign3A_430 = arith.subi %sign3A_426, %sign3A_429 : i32
      %ne3A_431 = arith.cmpi ne, %sign3A_423, %sign3A_430 : i32
      %rem3A_432 = arith.remsi %add3A_414, %jit3A_415 : i32
      %ne3A_433 = arith.constant 0 : i32
      %ne3A_434 = arith.cmpi ne, %rem3A_432, %ne3A_433 : i32
      %and3A_435 = arith.andi %ne3A_431, %ne3A_434 : i1
      %sub3A_436 = arith.constant 1 : i32
      %sub3A_437 = arith.subi %div3A_416, %sub3A_436 : i32
      %select_n3A_438 = arith.select %and3A_435, %sub3A_437, %div3A_416 : i32
      %jit3A_439 = arith.constant 16 : i32
      %eq3A_440 = arith.constant 0 : i32
      %eq3A_441 = arith.cmpi eq, %jit3A_439, %eq3A_440 : i32
      %jit3A_442 = arith.constant 1 : i32
      %select_n3A_443 = arith.select %eq3A_441, %jit3A_442, %jit3A_439 : i32
      %rem3A_444 = arith.remsi %add3A_414, %select_n3A_443 : i32
      %ne3A_445 = arith.constant 0 : i32
      %ne3A_446 = arith.cmpi ne, %rem3A_444, %ne3A_445 : i32
      %lt3A_447 = arith.constant 0 : i32
      %lt3A_448 = arith.cmpi slt, %rem3A_444, %lt3A_447 : i32
      %lt3A_449 = arith.constant 0 : i32
      %lt3A_450 = arith.cmpi slt, %select_n3A_443, %lt3A_449 : i32
      %ne3A_451 = arith.xori %lt3A_448, %lt3A_450 : i1
      %and3A_452 = arith.andi %ne3A_451, %ne3A_446 : i1
      %add3A_453 = arith.addi %rem3A_444, %select_n3A_443 : i32
      %select_n3A_454 = arith.select %and3A_452, %add3A_453, %rem3A_444 : i32
      %jit3A_455 = arith.constant 8 : i32
      %div3A_456 = arith.divsi %select_n3A_438, %jit3A_455 : i32
      %sign3A_457 = arith.constant 0 : i32
      %sign3A_458 = arith.cmpi sgt, %select_n3A_438, %sign3A_457 : i32
      %sign3A_459 = arith.extui %sign3A_458 : i1 to i32
      %sign3A_460 = arith.constant 0 : i32
      %sign3A_461 = arith.cmpi slt, %select_n3A_438, %sign3A_460 : i32
      %sign3A_462 = arith.extui %sign3A_461 : i1 to i32
      %sign3A_463 = arith.subi %sign3A_459, %sign3A_462 : i32
      %sign3A_464 = arith.constant 0 : i32
      %sign3A_465 = arith.cmpi sgt, %jit3A_455, %sign3A_464 : i32
      %sign3A_466 = arith.extui %sign3A_465 : i1 to i32
      %sign3A_467 = arith.constant 0 : i32
      %sign3A_468 = arith.cmpi slt, %jit3A_455, %sign3A_467 : i32
      %sign3A_469 = arith.extui %sign3A_468 : i1 to i32
      %sign3A_470 = arith.subi %sign3A_466, %sign3A_469 : i32
      %ne3A_471 = arith.cmpi ne, %sign3A_463, %sign3A_470 : i32
      %rem3A_472 = arith.remsi %select_n3A_438, %jit3A_455 : i32
      %ne3A_473 = arith.constant 0 : i32
      %ne3A_474 = arith.cmpi ne, %rem3A_472, %ne3A_473 : i32
      %and3A_475 = arith.andi %ne3A_471, %ne3A_474 : i1
      %sub3A_476 = arith.constant 1 : i32
      %sub3A_477 = arith.subi %div3A_456, %sub3A_476 : i32
      %select_n3A_478 = arith.select %and3A_475, %sub3A_477, %div3A_456 : i32
      %jit3A_479 = arith.constant 8 : i32
      %eq3A_480 = arith.constant 0 : i32
      %eq3A_481 = arith.cmpi eq, %jit3A_479, %eq3A_480 : i32
      %jit3A_482 = arith.constant 1 : i32
      %select_n3A_483 = arith.select %eq3A_481, %jit3A_482, %jit3A_479 : i32
      %rem3A_484 = arith.remsi %select_n3A_438, %select_n3A_483 : i32
      %ne3A_485 = arith.constant 0 : i32
      %ne3A_486 = arith.cmpi ne, %rem3A_484, %ne3A_485 : i32
      %lt3A_487 = arith.constant 0 : i32
      %lt3A_488 = arith.cmpi slt, %rem3A_484, %lt3A_487 : i32
      %lt3A_489 = arith.constant 0 : i32
      %lt3A_490 = arith.cmpi slt, %select_n3A_483, %lt3A_489 : i32
      %ne3A_491 = arith.xori %lt3A_488, %lt3A_490 : i1
      %and3A_492 = arith.andi %ne3A_491, %ne3A_486 : i1
      %add3A_493 = arith.addi %rem3A_484, %select_n3A_483 : i32
      %select_n3A_494 = arith.select %and3A_492, %add3A_493, %rem3A_484 : i32
      %mul3A_495 = arith.constant 2 : i32
      %mul3A_496 = arith.muli %mul3A_495, %select_n3A_454 : i32
      %run_scoped3A_497 = arith.constant 1 : i32
      "tpu.region"() ({
        %run_scoped3A_880 = tpu.sem_alloc : memref<!tpu.dma_semaphore, #tpu.memory_space<semaphore_mem>>
        %dma_start3A_881 = arith.constant 0 : i32
        %dma_start3A_882 = arith.constant 0 : i32
        %dma_start3A_883 = tpu.memref_slice %arg5[%run_scoped3A_497, %dma_start3A_881, %dma_start3A_882] : memref<2x2x128xi32, #tpu.memory_space<vmem>> -> memref<1x2x128xi32, #tpu.memory_space<vmem>>
        %dma_start3A_884 = tpu.memref_squeeze %dma_start3A_883 : memref<1x2x128xi32, #tpu.memory_space<vmem>> -> memref<2x128xi32, #tpu.memory_space<vmem>>
        %dma_start3A_885 = arith.constant 0 : i32
        %dma_start3A_886 = tpu.memref_slice %arg2[%select_n3A_478, %mul3A_496, %select_n3A_494, %dma_start3A_885] : memref<25x32x8x128xi32, #tpu.memory_space<hbm>> -> memref<1x2x1x128xi32, #tpu.memory_space<hbm>>
        %dma_start3A_887 = tpu.memref_squeeze %dma_start3A_886 : memref<1x2x1x128xi32, #tpu.memory_space<hbm>> -> memref<2x128xi32, #tpu.memory_space<hbm>>
        %dma_start3A_888 = arith.constant 0 : i32
        %dma_start3A_889 = arith.constant 0 : i32
        %dma_start3A_890 = tpu.memref_slice %arg5[%run_scoped3A_497, %dma_start3A_888, %dma_start3A_889] : memref<2x2x128xi32, #tpu.memory_space<vmem>> -> memref<1x2x128xi32, #tpu.memory_space<vmem>>
        %dma_start3A_891 = tpu.memref_squeeze %dma_start3A_890 : memref<1x2x128xi32, #tpu.memory_space<vmem>> -> memref<2x128xi32, #tpu.memory_space<vmem>>
        %dma_start3A_892 = arith.constant 0 : i32
        %dma_start3A_893 = tpu.memref_slice %arg2[%select_n3A_478, %mul3A_496, %select_n3A_494, %dma_start3A_892] : memref<25x32x8x128xi32, #tpu.memory_space<hbm>> -> memref<1x2x1x128xi32, #tpu.memory_space<hbm>>
        %dma_start3A_894 = tpu.memref_squeeze %dma_start3A_893 : memref<1x2x1x128xi32, #tpu.memory_space<hbm>> -> memref<2x128xi32, #tpu.memory_space<hbm>>
        tpu.enqueue_dma source(%dma_start3A_894 : memref<2x128xi32, #tpu.memory_space<hbm>>) target(%dma_start3A_891 : memref<2x128xi32, #tpu.memory_space<vmem>>) target_semaphore(%run_scoped3A_880 : memref<!tpu.dma_semaphore, #tpu.memory_space<semaphore_mem>>)
        %dma_wait3A_895 = arith.constant 0 : i32
        %dma_wait3A_896 = arith.constant 0 : i32
        %dma_wait3A_897 = tpu.memref_slice %arg5[%run_scoped3A_497, %dma_wait3A_895, %dma_wait3A_896] : memref<2x2x128xi32, #tpu.memory_space<vmem>> -> memref<1x2x128xi32, #tpu.memory_space<vmem>>
        %dma_wait3A_898 = tpu.memref_squeeze %dma_wait3A_897 : memref<1x2x128xi32, #tpu.memory_space<vmem>> -> memref<2x128xi32, #tpu.memory_space<vmem>>
        %dma_wait3A_899 = arith.constant 0 : i32
        %dma_wait3A_900 = tpu.memref_slice %arg2[%select_n3A_478, %mul3A_496, %select_n3A_494, %dma_wait3A_899] : memref<25x32x8x128xi32, #tpu.memory_space<hbm>> -> memref<1x2x1x128xi32, #tpu.memory_space<hbm>>
        %dma_wait3A_901 = tpu.memref_squeeze %dma_wait3A_900 : memref<1x2x1x128xi32, #tpu.memory_space<hbm>> -> memref<2x128xi32, #tpu.memory_space<hbm>>
        %dma_wait3A_902 = arith.constant 0 : i32
        %dma_wait3A_903 = arith.constant 0 : i32
        %dma_wait3A_904 = tpu.memref_slice %arg5[%run_scoped3A_497, %dma_wait3A_902, %dma_wait3A_903] : memref<2x2x128xi32, #tpu.memory_space<vmem>> -> memref<1x2x128xi32, #tpu.memory_space<vmem>>
        %dma_wait3A_905 = tpu.memref_squeeze %dma_wait3A_904 : memref<1x2x128xi32, #tpu.memory_space<vmem>> -> memref<2x128xi32, #tpu.memory_space<vmem>>
        %dma_wait3A_906 = arith.constant 0 : i32
        %dma_wait3A_907 = tpu.memref_slice %arg2[%select_n3A_478, %mul3A_496, %select_n3A_494, %dma_wait3A_906] : memref<25x32x8x128xi32, #tpu.memory_space<hbm>> -> memref<1x2x1x128xi32, #tpu.memory_space<hbm>>
        %dma_wait3A_908 = tpu.memref_squeeze %dma_wait3A_907 : memref<1x2x1x128xi32, #tpu.memory_space<hbm>> -> memref<2x128xi32, #tpu.memory_space<hbm>>
        tpu.wait_dma2 semaphore(%run_scoped3A_880 : memref<!tpu.dma_semaphore, #tpu.memory_space<semaphore_mem>>) src(%dma_wait3A_908 : memref<2x128xi32, #tpu.memory_space<hbm>>) dst(%dma_wait3A_905 : memref<2x128xi32, #tpu.memory_space<vmem>>)
        tpu.yield
      }) : () -> ()
      %dma_start3A_498 = arith.constant 1 : i32
      %dma_start3A_499 = arith.constant 0 : i32
      %dma_start3A_500 = arith.constant 1 : i32
      %dma_start3A_501 = arith.constant 0 : i32
      %dma_start3A_502 = arith.constant 0 : i32
      %dma_start3A_503 = arith.constant 0 : i32
      %dma_start3A_504 = tpu.memref_slice %arg6[%dma_start3A_500, %dma_start3A_501, %dma_start3A_502, %dma_start3A_503] : memref<2x2x128x128xf32, #tpu.memory_space<vmem>> -> memref<1x1x128x128xf32, #tpu.memory_space<vmem>>
      %dma_start3A_505 = tpu.memref_squeeze %dma_start3A_504 : memref<1x1x128x128xf32, #tpu.memory_space<vmem>> -> memref<128x128xf32, #tpu.memory_space<vmem>>
      %dma_start3A_506 = arith.constant 0 : i32
      %dma_start3A_507 = tpu.memref_slice %arg5[%dma_start3A_498, %dma_start3A_499, %dma_start3A_506] : memref<2x2x128xi32, #tpu.memory_space<vmem>> -> memref<1x1x128xi32, #tpu.memory_space<vmem>>
      %dma_start3A_508 = tpu.memref_squeeze %dma_start3A_507 : memref<1x1x128xi32, #tpu.memory_space<vmem>> -> memref<128xi32, #tpu.memory_space<vmem>>
      %dma_start3A_509 = arith.constant 0 : i32
      %dma_start3A_510 = arith.constant 0 : i32
      %dma_start3A_511 = tpu.memref_slice %arg3[%dma_start3A_509, %dma_start3A_510] : memref<1000000x128xf32, #tpu.memory_space<hbm>> -> memref<1000000x128xf32, #tpu.memory_space<hbm>>
      tpu.enqueue_indirect_dma source(%dma_start3A_511 : memref<1000000x128xf32, #tpu.memory_space<hbm>>) target(%dma_start3A_505 : memref<128x128xf32, #tpu.memory_space<vmem>>) offsets(%dma_start3A_508 : memref<128xi32, #tpu.memory_space<vmem>>) semaphore(%arg9 : memref<!tpu.dma_semaphore, #tpu.memory_space<semaphore_mem>>)
      %dma_start3A_512 = arith.constant 1 : i32
      %dma_start3A_513 = arith.constant 1 : i32
      %dma_start3A_514 = arith.constant 1 : i32
      %dma_start3A_515 = arith.constant 1 : i32
      %dma_start3A_516 = arith.constant 0 : i32
      %dma_start3A_517 = arith.constant 0 : i32
      %dma_start3A_518 = tpu.memref_slice %arg6[%dma_start3A_514, %dma_start3A_515, %dma_start3A_516, %dma_start3A_517] : memref<2x2x128x128xf32, #tpu.memory_space<vmem>> -> memref<1x1x128x128xf32, #tpu.memory_space<vmem>>
      %dma_start3A_519 = tpu.memref_squeeze %dma_start3A_518 : memref<1x1x128x128xf32, #tpu.memory_space<vmem>> -> memref<128x128xf32, #tpu.memory_space<vmem>>
      %dma_start3A_520 = arith.constant 0 : i32
      %dma_start3A_521 = tpu.memref_slice %arg5[%dma_start3A_512, %dma_start3A_513, %dma_start3A_520] : memref<2x2x128xi32, #tpu.memory_space<vmem>> -> memref<1x1x128xi32, #tpu.memory_space<vmem>>
      %dma_start3A_522 = tpu.memref_squeeze %dma_start3A_521 : memref<1x1x128xi32, #tpu.memory_space<vmem>> -> memref<128xi32, #tpu.memory_space<vmem>>
      %dma_start3A_523 = arith.constant 0 : i32
      %dma_start3A_524 = arith.constant 0 : i32
      %dma_start3A_525 = tpu.memref_slice %arg3[%dma_start3A_523, %dma_start3A_524] : memref<1000000x128xf32, #tpu.memory_space<hbm>> -> memref<1000000x128xf32, #tpu.memory_space<hbm>>
      tpu.enqueue_indirect_dma source(%dma_start3A_525 : memref<1000000x128xf32, #tpu.memory_space<hbm>>) target(%dma_start3A_519 : memref<128x128xf32, #tpu.memory_space<vmem>>) offsets(%dma_start3A_522 : memref<128xi32, #tpu.memory_space<vmem>>) semaphore(%arg9 : memref<!tpu.dma_semaphore, #tpu.memory_space<semaphore_mem>>)
      %mul3A_526 = arith.constant 100 : i32
      %mul3A_527 = arith.muli %add3A, %mul3A_526 : i32
      %add3A_528 = arith.addi %mul3A_527, %mul3A_409 : i32
      %jit3A_529 = arith.constant 16 : i32
      %div3A_530 = arith.divsi %add3A_528, %jit3A_529 : i32
      %sign3A_531 = arith.constant 0 : i32
      %sign3A_532 = arith.cmpi sgt, %add3A_528, %sign3A_531 : i32
      %sign3A_533 = arith.extui %sign3A_532 : i1 to i32
      %sign3A_534 = arith.constant 0 : i32
      %sign3A_535 = arith.cmpi slt, %add3A_528, %sign3A_534 : i32
      %sign3A_536 = arith.extui %sign3A_535 : i1 to i32
      %sign3A_537 = arith.subi %sign3A_533, %sign3A_536 : i32
      %sign3A_538 = arith.constant 0 : i32
      %sign3A_539 = arith.cmpi sgt, %jit3A_529, %sign3A_538 : i32
      %sign3A_540 = arith.extui %sign3A_539 : i1 to i32
      %sign3A_541 = arith.constant 0 : i32
      %sign3A_542 = arith.cmpi slt, %jit3A_529, %sign3A_541 : i32
      %sign3A_543 = arith.extui %sign3A_542 : i1 to i32
      %sign3A_544 = arith.subi %sign3A_540, %sign3A_543 : i32
      %ne3A_545 = arith.cmpi ne, %sign3A_537, %sign3A_544 : i32
      %rem3A_546 = arith.remsi %add3A_528, %jit3A_529 : i32
      %ne3A_547 = arith.constant 0 : i32
      %ne3A_548 = arith.cmpi ne, %rem3A_546, %ne3A_547 : i32
      %and3A_549 = arith.andi %ne3A_545, %ne3A_548 : i1
      %sub3A_550 = arith.constant 1 : i32
      %sub3A_551 = arith.subi %div3A_530, %sub3A_550 : i32
      %select_n3A_552 = arith.select %and3A_549, %sub3A_551, %div3A_530 : i32
      %jit3A_553 = arith.constant 16 : i32
      %eq3A_554 = arith.constant 0 : i32
      %eq3A_555 = arith.cmpi eq, %jit3A_553, %eq3A_554 : i32
      %jit3A_556 = arith.constant 1 : i32
      %select_n3A_557 = arith.select %eq3A_555, %jit3A_556, %jit3A_553 : i32
      %rem3A_558 = arith.remsi %add3A_528, %select_n3A_557 : i32
      %ne3A_559 = arith.constant 0 : i32
      %ne3A_560 = arith.cmpi ne, %rem3A_558, %ne3A_559 : i32
      %lt3A_561 = arith.constant 0 : i32
      %lt3A_562 = arith.cmpi slt, %rem3A_558, %lt3A_561 : i32
      %lt3A_563 = arith.constant 0 : i32
      %lt3A_564 = arith.cmpi slt, %select_n3A_557, %lt3A_563 : i32
      %ne3A_565 = arith.xori %lt3A_562, %lt3A_564 : i1
      %and3A_566 = arith.andi %ne3A_565, %ne3A_560 : i1
      %add3A_567 = arith.addi %rem3A_558, %select_n3A_557 : i32
      %select_n3A_568 = arith.select %and3A_566, %add3A_567, %rem3A_558 : i32
      %jit3A_569 = arith.constant 8 : i32
      %div3A_570 = arith.divsi %select_n3A_552, %jit3A_569 : i32
      %sign3A_571 = arith.constant 0 : i32
      %sign3A_572 = arith.cmpi sgt, %select_n3A_552, %sign3A_571 : i32
      %sign3A_573 = arith.extui %sign3A_572 : i1 to i32
      %sign3A_574 = arith.constant 0 : i32
      %sign3A_575 = arith.cmpi slt, %select_n3A_552, %sign3A_574 : i32
      %sign3A_576 = arith.extui %sign3A_575 : i1 to i32
      %sign3A_577 = arith.subi %sign3A_573, %sign3A_576 : i32
      %sign3A_578 = arith.constant 0 : i32
      %sign3A_579 = arith.cmpi sgt, %jit3A_569, %sign3A_578 : i32
      %sign3A_580 = arith.extui %sign3A_579 : i1 to i32
      %sign3A_581 = arith.constant 0 : i32
      %sign3A_582 = arith.cmpi slt, %jit3A_569, %sign3A_581 : i32
      %sign3A_583 = arith.extui %sign3A_582 : i1 to i32
      %sign3A_584 = arith.subi %sign3A_580, %sign3A_583 : i32
      %ne3A_585 = arith.cmpi ne, %sign3A_577, %sign3A_584 : i32
      %rem3A_586 = arith.remsi %select_n3A_552, %jit3A_569 : i32
      %ne3A_587 = arith.constant 0 : i32
      %ne3A_588 = arith.cmpi ne, %rem3A_586, %ne3A_587 : i32
      %and3A_589 = arith.andi %ne3A_585, %ne3A_588 : i1
      %sub3A_590 = arith.constant 1 : i32
      %sub3A_591 = arith.subi %div3A_570, %sub3A_590 : i32
      %select_n3A_592 = arith.select %and3A_589, %sub3A_591, %div3A_570 : i32
      %jit3A_593 = arith.constant 8 : i32
      %eq3A_594 = arith.constant 0 : i32
      %eq3A_595 = arith.cmpi eq, %jit3A_593, %eq3A_594 : i32
      %jit3A_596 = arith.constant 1 : i32
      %select_n3A_597 = arith.select %eq3A_595, %jit3A_596, %jit3A_593 : i32
      %rem3A_598 = arith.remsi %select_n3A_552, %select_n3A_597 : i32
      %ne3A_599 = arith.constant 0 : i32
      %ne3A_600 = arith.cmpi ne, %rem3A_598, %ne3A_599 : i32
      %lt3A_601 = arith.constant 0 : i32
      %lt3A_602 = arith.cmpi slt, %rem3A_598, %lt3A_601 : i32
      %lt3A_603 = arith.constant 0 : i32
      %lt3A_604 = arith.cmpi slt, %select_n3A_597, %lt3A_603 : i32
      %ne3A_605 = arith.xori %lt3A_602, %lt3A_604 : i1
      %and3A_606 = arith.andi %ne3A_605, %ne3A_600 : i1
      %add3A_607 = arith.addi %rem3A_598, %select_n3A_597 : i32
      %select_n3A_608 = arith.select %and3A_606, %add3A_607, %rem3A_598 : i32
      %dma_wait3A_609 = arith.constant 0 : i32
      %dma_wait3A_610 = arith.constant 0 : i32
      %dma_wait3A_611 = arith.constant 0 : i32
      %dma_wait3A_612 = arith.constant 0 : i32
      %dma_wait3A_613 = arith.constant 0 : i32
      %dma_wait3A_614 = arith.constant 0 : i32
      %dma_wait3A_615 = tpu.memref_slice %arg6[%dma_wait3A_611, %dma_wait3A_612, %dma_wait3A_613, %dma_wait3A_614] : memref<2x2x128x128xf32, #tpu.memory_space<vmem>> -> memref<1x1x128x128xf32, #tpu.memory_space<vmem>>
      %dma_wait3A_616 = tpu.memref_squeeze %dma_wait3A_615 : memref<1x1x128x128xf32, #tpu.memory_space<vmem>> -> memref<128x128xf32, #tpu.memory_space<vmem>>
      %dma_wait3A_617 = arith.constant 0 : i32
      %dma_wait3A_618 = tpu.memref_slice %arg5[%dma_wait3A_609, %dma_wait3A_610, %dma_wait3A_617] : memref<2x2x128xi32, #tpu.memory_space<vmem>> -> memref<1x1x128xi32, #tpu.memory_space<vmem>>
      %dma_wait3A_619 = tpu.memref_squeeze %dma_wait3A_618 : memref<1x1x128xi32, #tpu.memory_space<vmem>> -> memref<128xi32, #tpu.memory_space<vmem>>
      %dma_wait3A_620 = arith.constant 0 : i32
      %dma_wait3A_621 = arith.constant 0 : i32
      %dma_wait3A_622 = tpu.memref_slice %arg3[%dma_wait3A_620, %dma_wait3A_621] : memref<1000000x128xf32, #tpu.memory_space<hbm>> -> memref<1000000x128xf32, #tpu.memory_space<hbm>>
      tpu.wait_indirect_dma semaphore(%arg8 : memref<!tpu.dma_semaphore, #tpu.memory_space<semaphore_mem>>) src(%dma_wait3A_622 : memref<1000000x128xf32, #tpu.memory_space<hbm>>) dst(%dma_wait3A_616 : memref<128x128xf32, #tpu.memory_space<vmem>>)
      %dma_wait3A_623 = arith.constant 0 : i32
      %dma_wait3A_624 = arith.constant 1 : i32
      %dma_wait3A_625 = arith.constant 0 : i32
      %dma_wait3A_626 = arith.constant 1 : i32
      %dma_wait3A_627 = arith.constant 0 : i32
      %dma_wait3A_628 = arith.constant 0 : i32
      %dma_wait3A_629 = tpu.memref_slice %arg6[%dma_wait3A_625, %dma_wait3A_626, %dma_wait3A_627, %dma_wait3A_628] : memref<2x2x128x128xf32, #tpu.memory_space<vmem>> -> memref<1x1x128x128xf32, #tpu.memory_space<vmem>>
      %dma_wait3A_630 = tpu.memref_squeeze %dma_wait3A_629 : memref<1x1x128x128xf32, #tpu.memory_space<vmem>> -> memref<128x128xf32, #tpu.memory_space<vmem>>
      %dma_wait3A_631 = arith.constant 0 : i32
      %dma_wait3A_632 = tpu.memref_slice %arg5[%dma_wait3A_623, %dma_wait3A_624, %dma_wait3A_631] : memref<2x2x128xi32, #tpu.memory_space<vmem>> -> memref<1x1x128xi32, #tpu.memory_space<vmem>>
      %dma_wait3A_633 = tpu.memref_squeeze %dma_wait3A_632 : memref<1x1x128xi32, #tpu.memory_space<vmem>> -> memref<128xi32, #tpu.memory_space<vmem>>
      %dma_wait3A_634 = arith.constant 0 : i32
      %dma_wait3A_635 = arith.constant 0 : i32
      %dma_wait3A_636 = tpu.memref_slice %arg3[%dma_wait3A_634, %dma_wait3A_635] : memref<1000000x128xf32, #tpu.memory_space<hbm>> -> memref<1000000x128xf32, #tpu.memory_space<hbm>>
      tpu.wait_indirect_dma semaphore(%arg8 : memref<!tpu.dma_semaphore, #tpu.memory_space<semaphore_mem>>) src(%dma_wait3A_636 : memref<1000000x128xf32, #tpu.memory_space<hbm>>) dst(%dma_wait3A_630 : memref<128x128xf32, #tpu.memory_space<vmem>>)
      %ge3A = arith.constant 2 : i32
      %ge3A_637 = arith.cmpi sge, %mul3A_409, %ge3A : i32
      %convert_element_type3A = arith.extui %ge3A_637 : i1 to i32
      %cond3A = arith.constant 0 : i32
      %cond3A_638 = arith.cmpi ne, %convert_element_type3A, %cond3A : i32
      scf.if %cond3A_638 {
        %mul3A_880 = arith.constant 2 : i32
        %mul3A_881 = arith.muli %mul3A_880, %select_n3A_568 : i32
        %add3A_882 = arith.constant 0 : i32
        %add3A_883 = arith.addi %mul3A_881, %add3A_882 : i32
        %dma_wait3A_884 = arith.constant 0 : i32
        %dma_wait3A_885 = arith.constant 0 : i32
        %dma_wait3A_886 = arith.constant 0 : i32
        %dma_wait3A_887 = arith.constant 0 : i32
        %dma_wait3A_888 = arith.constant 0 : i32
        %dma_wait3A_889 = tpu.memref_slice %arg7[%dma_wait3A_884, %dma_wait3A_885, %dma_wait3A_886, %dma_wait3A_887, %dma_wait3A_888] : memref<2x2x8x8x128xf32, #tpu.memory_space<vmem>> -> memref<1x1x8x8x128xf32, #tpu.memory_space<vmem>>
        %dma_wait3A_890 = tpu.memref_squeeze %dma_wait3A_889 : memref<1x1x8x8x128xf32, #tpu.memory_space<vmem>> -> memref<8x8x128xf32, #tpu.memory_space<vmem>>
        %dma_wait3A_891 = arith.constant 0 : i32
        %dma_wait3A_892 = arith.constant 0 : i32
        %dma_wait3A_893 = arith.constant 0 : i32
        %dma_wait3A_894 = tpu.memref_slice %arg4[%select_n3A_552, %dma_wait3A_891, %add3A_883, %dma_wait3A_892, %dma_wait3A_893] : memref<200x8x32x8x128xf32, #tpu.memory_space<hbm>> -> memref<1x8x1x8x128xf32, #tpu.memory_space<hbm>>
        %dma_wait3A_895 = tpu.memref_squeeze %dma_wait3A_894 : memref<1x8x1x8x128xf32, #tpu.memory_space<hbm>> -> memref<8x8x128xf32, #tpu.memory_space<hbm>>
        %dma_wait3A_896 = arith.constant 0 : i32
        %dma_wait3A_897 = arith.constant 0 : i32
        %dma_wait3A_898 = arith.constant 0 : i32
        %dma_wait3A_899 = tpu.memref_slice %arg4[%select_n3A_552, %dma_wait3A_896, %add3A_883, %dma_wait3A_897, %dma_wait3A_898] : memref<200x8x32x8x128xf32, #tpu.memory_space<hbm>> -> memref<1x8x1x8x128xf32, #tpu.memory_space<hbm>>
        %dma_wait3A_900 = tpu.memref_squeeze %dma_wait3A_899 : memref<1x8x1x8x128xf32, #tpu.memory_space<hbm>> -> memref<8x8x128xf32, #tpu.memory_space<hbm>>
        %dma_wait3A_901 = arith.constant 0 : i32
        %dma_wait3A_902 = arith.constant 0 : i32
        %dma_wait3A_903 = arith.constant 0 : i32
        %dma_wait3A_904 = tpu.memref_slice %arg7[%dma_wait3A_884, %dma_wait3A_885, %dma_wait3A_901, %dma_wait3A_902, %dma_wait3A_903] : memref<2x2x8x8x128xf32, #tpu.memory_space<vmem>> -> memref<1x1x8x8x128xf32, #tpu.memory_space<vmem>>
        %dma_wait3A_905 = tpu.memref_squeeze %dma_wait3A_904 : memref<1x1x8x8x128xf32, #tpu.memory_space<vmem>> -> memref<8x8x128xf32, #tpu.memory_space<vmem>>
        tpu.wait_dma2 semaphore(%arg10 : memref<!tpu.dma_semaphore, #tpu.memory_space<semaphore_mem>>) src(%dma_wait3A_905 : memref<8x8x128xf32, #tpu.memory_space<vmem>>) dst(%dma_wait3A_900 : memref<8x8x128xf32, #tpu.memory_space<hbm>>)
        %mul3A_906 = arith.constant 2 : i32
        %mul3A_907 = arith.muli %mul3A_906, %select_n3A_568 : i32
        %add3A_908 = arith.constant 1 : i32
        %add3A_909 = arith.addi %mul3A_907, %add3A_908 : i32
        %dma_wait3A_910 = arith.constant 0 : i32
        %dma_wait3A_911 = arith.constant 1 : i32
        %dma_wait3A_912 = arith.constant 0 : i32
        %dma_wait3A_913 = arith.constant 0 : i32
        %dma_wait3A_914 = arith.constant 0 : i32
        %dma_wait3A_915 = tpu.memref_slice %arg7[%dma_wait3A_910, %dma_wait3A_911, %dma_wait3A_912, %dma_wait3A_913, %dma_wait3A_914] : memref<2x2x8x8x128xf32, #tpu.memory_space<vmem>> -> memref<1x1x8x8x128xf32, #tpu.memory_space<vmem>>
        %dma_wait3A_916 = tpu.memref_squeeze %dma_wait3A_915 : memref<1x1x8x8x128xf32, #tpu.memory_space<vmem>> -> memref<8x8x128xf32, #tpu.memory_space<vmem>>
        %dma_wait3A_917 = arith.constant 0 : i32
        %dma_wait3A_918 = arith.constant 0 : i32
        %dma_wait3A_919 = arith.constant 0 : i32
        %dma_wait3A_920 = tpu.memref_slice %arg4[%select_n3A_552, %dma_wait3A_917, %add3A_909, %dma_wait3A_918, %dma_wait3A_919] : memref<200x8x32x8x128xf32, #tpu.memory_space<hbm>> -> memref<1x8x1x8x128xf32, #tpu.memory_space<hbm>>
        %dma_wait3A_921 = tpu.memref_squeeze %dma_wait3A_920 : memref<1x8x1x8x128xf32, #tpu.memory_space<hbm>> -> memref<8x8x128xf32, #tpu.memory_space<hbm>>
        %dma_wait3A_922 = arith.constant 0 : i32
        %dma_wait3A_923 = arith.constant 0 : i32
        %dma_wait3A_924 = arith.constant 0 : i32
        %dma_wait3A_925 = tpu.memref_slice %arg4[%select_n3A_552, %dma_wait3A_922, %add3A_909, %dma_wait3A_923, %dma_wait3A_924] : memref<200x8x32x8x128xf32, #tpu.memory_space<hbm>> -> memref<1x8x1x8x128xf32, #tpu.memory_space<hbm>>
        %dma_wait3A_926 = tpu.memref_squeeze %dma_wait3A_925 : memref<1x8x1x8x128xf32, #tpu.memory_space<hbm>> -> memref<8x8x128xf32, #tpu.memory_space<hbm>>
        %dma_wait3A_927 = arith.constant 0 : i32
        %dma_wait3A_928 = arith.constant 0 : i32
        %dma_wait3A_929 = arith.constant 0 : i32
        %dma_wait3A_930 = tpu.memref_slice %arg7[%dma_wait3A_910, %dma_wait3A_911, %dma_wait3A_927, %dma_wait3A_928, %dma_wait3A_929] : memref<2x2x8x8x128xf32, #tpu.memory_space<vmem>> -> memref<1x1x8x8x128xf32, #tpu.memory_space<vmem>>
        %dma_wait3A_931 = tpu.memref_squeeze %dma_wait3A_930 : memref<1x1x8x8x128xf32, #tpu.memory_space<vmem>> -> memref<8x8x128xf32, #tpu.memory_space<vmem>>
        tpu.wait_dma2 semaphore(%arg10 : memref<!tpu.dma_semaphore, #tpu.memory_space<semaphore_mem>>) src(%dma_wait3A_931 : memref<8x8x128xf32, #tpu.memory_space<vmem>>) dst(%dma_wait3A_926 : memref<8x8x128xf32, #tpu.memory_space<hbm>>)
      } else {
      }
      %scan3A_639 = arith.constant 0 : i32
      %scan3A_640 = arith.constant 0 : i32
      %scan3A_641 = arith.constant 0 : i32
      %scan3A_642 = arith.constant 16 : i32
      %scan3A_643 = arith.addi %scan3A_641, %scan3A_642 : i32
      %scan3A_644 = arith.constant 1 : i32
      scf.for %scan3A_880 = %scan3A_641 to %scan3A_643 step %scan3A_644  : i32 {
        %mul3A_881 = arith.constant 4 : i32
        %mul3A_882 = arith.muli %scan3A_880, %mul3A_881 : i32
        %add3A_883 = arith.constant 0 : i32
        %add3A_884 = arith.addi %mul3A_882, %add3A_883 : i32
        %add3A_885 = vector.broadcast %add3A_884 : i32 to vector<16xi32>
        %add3A_886 = arith.addi %iota3A, %add3A_885 : vector<16xi32>
        %and3A_887 = arith.constant 63 : i32
        %and3A_888 = vector.broadcast %and3A_887 : i32 to vector<16xi32>
        %and3A_889 = arith.andi %add3A_886, %and3A_888 : vector<16xi32>
        %shift_right_logical3A = arith.constant 3 : i32
        %shift_right_logical3A_890 = vector.broadcast %shift_right_logical3A : i32 to vector<16xi32>
        %shift_right_logical3A_891 = arith.shrui %and3A_889, %shift_right_logical3A_890 : vector<16xi32>
        %and3A_892 = arith.constant 7 : i32
        %and3A_893 = vector.broadcast %and3A_892 : i32 to vector<16xi32>
        %and3A_894 = arith.andi %and3A_889, %and3A_893 : vector<16xi32>
        %gather3A = arith.constant 0 : i32
        %gather3A_895 = arith.constant 0 : i32
        %gather3A_896 = arith.constant 0 : i32
        %gather3A_897 = tpu.memref_slice %arg6[%scan3A_640, %gather3A, %gather3A_895, %gather3A_896] : memref<2x2x128x128xf32, #tpu.memory_space<vmem>> -> memref<1x2x128x128xf32, #tpu.memory_space<vmem>>
        %gather3A_898 = tpu.memref_squeeze %gather3A_897 : memref<1x2x128x128xf32, #tpu.memory_space<vmem>> -> memref<2x128x128xf32, #tpu.memory_space<vmem>>
        %gather3A_899 = tpu.vector_load_idx %gather3A_898[%broadcast_in_dim3A_25, %add3A_3, %and3A_889] : memref<2x128x128xf32, #tpu.memory_space<vmem>>[vector<16xi32>, vector<16xi32>, vector<16xi32>], vector<16xf32>,
        %gather3A_900 = arith.constant 0 : i32
        %gather3A_901 = arith.constant 0 : i32
        %gather3A_902 = arith.constant 0 : i32
        %gather3A_903 = tpu.memref_slice %arg6[%scan3A_640, %gather3A_900, %gather3A_901, %gather3A_902] : memref<2x2x128x128xf32, #tpu.memory_space<vmem>> -> memref<1x2x128x128xf32, #tpu.memory_space<vmem>>
        %gather3A_904 = tpu.memref_squeeze %gather3A_903 : memref<1x2x128x128xf32, #tpu.memory_space<vmem>> -> memref<2x128x128xf32, #tpu.memory_space<vmem>>
        %gather3A_905 = tpu.vector_load_idx %gather3A_904[%broadcast_in_dim3A_25, %add3A_6, %and3A_889] : memref<2x128x128xf32, #tpu.memory_space<vmem>>[vector<16xi32>, vector<16xi32>, vector<16xi32>], vector<16xf32>,
        %gather3A_906 = arith.constant 0 : i32
        %gather3A_907 = arith.constant 0 : i32
        %gather3A_908 = arith.constant 0 : i32
        %gather3A_909 = tpu.memref_slice %arg6[%scan3A_640, %gather3A_906, %gather3A_907, %gather3A_908] : memref<2x2x128x128xf32, #tpu.memory_space<vmem>> -> memref<1x2x128x128xf32, #tpu.memory_space<vmem>>
        %gather3A_910 = tpu.memref_squeeze %gather3A_909 : memref<1x2x128x128xf32, #tpu.memory_space<vmem>> -> memref<2x128x128xf32, #tpu.memory_space<vmem>>
        %gather3A_911 = tpu.vector_load_idx %gather3A_910[%broadcast_in_dim3A_25, %add3A_9, %and3A_889] : memref<2x128x128xf32, #tpu.memory_space<vmem>>[vector<16xi32>, vector<16xi32>, vector<16xi32>], vector<16xf32>,
        %gather3A_912 = arith.constant 0 : i32
        %gather3A_913 = arith.constant 0 : i32
        %gather3A_914 = arith.constant 0 : i32
        %gather3A_915 = tpu.memref_slice %arg6[%scan3A_640, %gather3A_912, %gather3A_913, %gather3A_914] : memref<2x2x128x128xf32, #tpu.memory_space<vmem>> -> memref<1x2x128x128xf32, #tpu.memory_space<vmem>>
        %gather3A_916 = tpu.memref_squeeze %gather3A_915 : memref<1x2x128x128xf32, #tpu.memory_space<vmem>> -> memref<2x128x128xf32, #tpu.memory_space<vmem>>
        %gather3A_917 = tpu.vector_load_idx %gather3A_916[%broadcast_in_dim3A_25, %add3A_12, %and3A_889] : memref<2x128x128xf32, #tpu.memory_space<vmem>>[vector<16xi32>, vector<16xi32>, vector<16xi32>], vector<16xf32>,
        %gather3A_918 = arith.constant 0 : i32
        %gather3A_919 = arith.constant 0 : i32
        %gather3A_920 = arith.constant 0 : i32
        %gather3A_921 = tpu.memref_slice %arg6[%scan3A_640, %gather3A_918, %gather3A_919, %gather3A_920] : memref<2x2x128x128xf32, #tpu.memory_space<vmem>> -> memref<1x2x128x128xf32, #tpu.memory_space<vmem>>
        %gather3A_922 = tpu.memref_squeeze %gather3A_921 : memref<1x2x128x128xf32, #tpu.memory_space<vmem>> -> memref<2x128x128xf32, #tpu.memory_space<vmem>>
        %gather3A_923 = tpu.vector_load_idx %gather3A_922[%broadcast_in_dim3A_25, %add3A_15, %and3A_889] : memref<2x128x128xf32, #tpu.memory_space<vmem>>[vector<16xi32>, vector<16xi32>, vector<16xi32>], vector<16xf32>,
        %gather3A_924 = arith.constant 0 : i32
        %gather3A_925 = arith.constant 0 : i32
        %gather3A_926 = arith.constant 0 : i32
        %gather3A_927 = tpu.memref_slice %arg6[%scan3A_640, %gather3A_924, %gather3A_925, %gather3A_926] : memref<2x2x128x128xf32, #tpu.memory_space<vmem>> -> memref<1x2x128x128xf32, #tpu.memory_space<vmem>>
        %gather3A_928 = tpu.memref_squeeze %gather3A_927 : memref<1x2x128x128xf32, #tpu.memory_space<vmem>> -> memref<2x128x128xf32, #tpu.memory_space<vmem>>
        %gather3A_929 = tpu.vector_load_idx %gather3A_928[%broadcast_in_dim3A_25, %add3A_18, %and3A_889] : memref<2x128x128xf32, #tpu.memory_space<vmem>>[vector<16xi32>, vector<16xi32>, vector<16xi32>], vector<16xf32>,
        %gather3A_930 = arith.constant 0 : i32
        %gather3A_931 = arith.constant 0 : i32
        %gather3A_932 = arith.constant 0 : i32
        %gather3A_933 = tpu.memref_slice %arg6[%scan3A_640, %gather3A_930, %gather3A_931, %gather3A_932] : memref<2x2x128x128xf32, #tpu.memory_space<vmem>> -> memref<1x2x128x128xf32, #tpu.memory_space<vmem>>
        %gather3A_934 = tpu.memref_squeeze %gather3A_933 : memref<1x2x128x128xf32, #tpu.memory_space<vmem>> -> memref<2x128x128xf32, #tpu.memory_space<vmem>>
        %gather3A_935 = tpu.vector_load_idx %gather3A_934[%broadcast_in_dim3A_25, %add3A_21, %and3A_889] : memref<2x128x128xf32, #tpu.memory_space<vmem>>[vector<16xi32>, vector<16xi32>, vector<16xi32>], vector<16xf32>,
        %gather3A_936 = arith.constant 0 : i32
        %gather3A_937 = arith.constant 0 : i32
        %gather3A_938 = arith.constant 0 : i32
        %gather3A_939 = tpu.memref_slice %arg6[%scan3A_640, %gather3A_936, %gather3A_937, %gather3A_938] : memref<2x2x128x128xf32, #tpu.memory_space<vmem>> -> memref<1x2x128x128xf32, #tpu.memory_space<vmem>>
        %gather3A_940 = tpu.memref_squeeze %gather3A_939 : memref<1x2x128x128xf32, #tpu.memory_space<vmem>> -> memref<2x128x128xf32, #tpu.memory_space<vmem>>
        %gather3A_941 = tpu.vector_load_idx %gather3A_940[%broadcast_in_dim3A_25, %add3A_24, %and3A_889] : memref<2x128x128xf32, #tpu.memory_space<vmem>>[vector<16xi32>, vector<16xi32>, vector<16xi32>], vector<16xf32>,
        %gather3A_942 = arith.constant 0 : i32
        %gather3A_943 = arith.constant 0 : i32
        %gather3A_944 = arith.constant 0 : i32
        %gather3A_945 = tpu.memref_slice %arg6[%scan3A_640, %gather3A_942, %gather3A_943, %gather3A_944] : memref<2x2x128x128xf32, #tpu.memory_space<vmem>> -> memref<1x2x128x128xf32, #tpu.memory_space<vmem>>
        %gather3A_946 = tpu.memref_squeeze %gather3A_945 : memref<1x2x128x128xf32, #tpu.memory_space<vmem>> -> memref<2x128x128xf32, #tpu.memory_space<vmem>>
        %gather3A_947 = tpu.vector_load_idx %gather3A_946[%broadcast_in_dim3A_27, %add3A_3, %and3A_889] : memref<2x128x128xf32, #tpu.memory_space<vmem>>[vector<16xi32>, vector<16xi32>, vector<16xi32>], vector<16xf32>,
        %gather3A_948 = arith.constant 0 : i32
        %gather3A_949 = arith.constant 0 : i32
        %gather3A_950 = arith.constant 0 : i32
        %gather3A_951 = tpu.memref_slice %arg6[%scan3A_640, %gather3A_948, %gather3A_949, %gather3A_950] : memref<2x2x128x128xf32, #tpu.memory_space<vmem>> -> memref<1x2x128x128xf32, #tpu.memory_space<vmem>>
        %gather3A_952 = tpu.memref_squeeze %gather3A_951 : memref<1x2x128x128xf32, #tpu.memory_space<vmem>> -> memref<2x128x128xf32, #tpu.memory_space<vmem>>
        %gather3A_953 = tpu.vector_load_idx %gather3A_952[%broadcast_in_dim3A_27, %add3A_6, %and3A_889] : memref<2x128x128xf32, #tpu.memory_space<vmem>>[vector<16xi32>, vector<16xi32>, vector<16xi32>], vector<16xf32>,
        %gather3A_954 = arith.constant 0 : i32
        %gather3A_955 = arith.constant 0 : i32
        %gather3A_956 = arith.constant 0 : i32
        %gather3A_957 = tpu.memref_slice %arg6[%scan3A_640, %gather3A_954, %gather3A_955, %gather3A_956] : memref<2x2x128x128xf32, #tpu.memory_space<vmem>> -> memref<1x2x128x128xf32, #tpu.memory_space<vmem>>
        %gather3A_958 = tpu.memref_squeeze %gather3A_957 : memref<1x2x128x128xf32, #tpu.memory_space<vmem>> -> memref<2x128x128xf32, #tpu.memory_space<vmem>>
        %gather3A_959 = tpu.vector_load_idx %gather3A_958[%broadcast_in_dim3A_27, %add3A_9, %and3A_889] : memref<2x128x128xf32, #tpu.memory_space<vmem>>[vector<16xi32>, vector<16xi32>, vector<16xi32>], vector<16xf32>,
        %gather3A_960 = arith.constant 0 : i32
        %gather3A_961 = arith.constant 0 : i32
        %gather3A_962 = arith.constant 0 : i32
        %gather3A_963 = tpu.memref_slice %arg6[%scan3A_640, %gather3A_960, %gather3A_961, %gather3A_962] : memref<2x2x128x128xf32, #tpu.memory_space<vmem>> -> memref<1x2x128x128xf32, #tpu.memory_space<vmem>>
        %gather3A_964 = tpu.memref_squeeze %gather3A_963 : memref<1x2x128x128xf32, #tpu.memory_space<vmem>> -> memref<2x128x128xf32, #tpu.memory_space<vmem>>
        %gather3A_965 = tpu.vector_load_idx %gather3A_964[%broadcast_in_dim3A_27, %add3A_12, %and3A_889] : memref<2x128x128xf32, #tpu.memory_space<vmem>>[vector<16xi32>, vector<16xi32>, vector<16xi32>], vector<16xf32>,
        %gather3A_966 = arith.constant 0 : i32
        %gather3A_967 = arith.constant 0 : i32
        %gather3A_968 = arith.constant 0 : i32
        %gather3A_969 = tpu.memref_slice %arg6[%scan3A_640, %gather3A_966, %gather3A_967, %gather3A_968] : memref<2x2x128x128xf32, #tpu.memory_space<vmem>> -> memref<1x2x128x128xf32, #tpu.memory_space<vmem>>
        %gather3A_970 = tpu.memref_squeeze %gather3A_969 : memref<1x2x128x128xf32, #tpu.memory_space<vmem>> -> memref<2x128x128xf32, #tpu.memory_space<vmem>>
        %gather3A_971 = tpu.vector_load_idx %gather3A_970[%broadcast_in_dim3A_27, %add3A_15, %and3A_889] : memref<2x128x128xf32, #tpu.memory_space<vmem>>[vector<16xi32>, vector<16xi32>, vector<16xi32>], vector<16xf32>,
        %gather3A_972 = arith.constant 0 : i32
        %gather3A_973 = arith.constant 0 : i32
        %gather3A_974 = arith.constant 0 : i32
        %gather3A_975 = tpu.memref_slice %arg6[%scan3A_640, %gather3A_972, %gather3A_973, %gather3A_974] : memref<2x2x128x128xf32, #tpu.memory_space<vmem>> -> memref<1x2x128x128xf32, #tpu.memory_space<vmem>>
        %gather3A_976 = tpu.memref_squeeze %gather3A_975 : memref<1x2x128x128xf32, #tpu.memory_space<vmem>> -> memref<2x128x128xf32, #tpu.memory_space<vmem>>
        %gather3A_977 = tpu.vector_load_idx %gather3A_976[%broadcast_in_dim3A_27, %add3A_18, %and3A_889] : memref<2x128x128xf32, #tpu.memory_space<vmem>>[vector<16xi32>, vector<16xi32>, vector<16xi32>], vector<16xf32>,
        %gather3A_978 = arith.constant 0 : i32
        %gather3A_979 = arith.constant 0 : i32
        %gather3A_980 = arith.constant 0 : i32
        %gather3A_981 = tpu.memref_slice %arg6[%scan3A_640, %gather3A_978, %gather3A_979, %gather3A_980] : memref<2x2x128x128xf32, #tpu.memory_space<vmem>> -> memref<1x2x128x128xf32, #tpu.memory_space<vmem>>
        %gather3A_982 = tpu.memref_squeeze %gather3A_981 : memref<1x2x128x128xf32, #tpu.memory_space<vmem>> -> memref<2x128x128xf32, #tpu.memory_space<vmem>>
        %gather3A_983 = tpu.vector_load_idx %gather3A_982[%broadcast_in_dim3A_27, %add3A_21, %and3A_889] : memref<2x128x128xf32, #tpu.memory_space<vmem>>[vector<16xi32>, vector<16xi32>, vector<16xi32>], vector<16xf32>,
        %gather3A_984 = arith.constant 0 : i32
        %gather3A_985 = arith.constant 0 : i32
        %gather3A_986 = arith.constant 0 : i32
        %gather3A_987 = tpu.memref_slice %arg6[%scan3A_640, %gather3A_984, %gather3A_985, %gather3A_986] : memref<2x2x128x128xf32, #tpu.memory_space<vmem>> -> memref<1x2x128x128xf32, #tpu.memory_space<vmem>>
        %gather3A_988 = tpu.memref_squeeze %gather3A_987 : memref<1x2x128x128xf32, #tpu.memory_space<vmem>> -> memref<2x128x128xf32, #tpu.memory_space<vmem>>
        %gather3A_989 = tpu.vector_load_idx %gather3A_988[%broadcast_in_dim3A_27, %add3A_24, %and3A_889] : memref<2x128x128xf32, #tpu.memory_space<vmem>>[vector<16xi32>, vector<16xi32>, vector<16xi32>], vector<16xf32>,
        %scatter3A = arith.constant 0 : i32
        %scatter3A_990 = arith.constant 0 : i32
        %scatter3A_991 = arith.constant 0 : i32
        %scatter3A_992 = arith.constant 0 : i32
        %scatter3A_993 = arith.constant 0 : i32
        %scatter3A_994 = tpu.memref_slice %arg7[%scatter3A, %scatter3A_990, %scatter3A_991, %scatter3A_992, %scatter3A_993] : memref<2x2x8x8x128xf32, #tpu.memory_space<vmem>> -> memref<1x1x8x8x128xf32, #tpu.memory_space<vmem>>
        %scatter3A_995 = tpu.memref_squeeze %scatter3A_994 : memref<1x1x8x8x128xf32, #tpu.memory_space<vmem>> -> memref<8x8x128xf32, #tpu.memory_space<vmem>>
        tpu.vector_store_idx %scatter3A_995[%shift_right_logical3A_891, %and3A_894, %add3A_3], %gather3A_899 : memref<8x8x128xf32, #tpu.memory_space<vmem>>[vector<16xi32>, vector<16xi32>, vector<16xi32>], vector<16xf32>,
        %scatter3A_996 = arith.constant 0 : i32
        %scatter3A_997 = arith.constant 0 : i32
        %scatter3A_998 = arith.constant 0 : i32
        %scatter3A_999 = arith.constant 0 : i32
        %scatter3A_1000 = arith.constant 0 : i32
        %scatter3A_1001 = tpu.memref_slice %arg7[%scatter3A_996, %scatter3A_997, %scatter3A_998, %scatter3A_999, %scatter3A_1000] : memref<2x2x8x8x128xf32, #tpu.memory_space<vmem>> -> memref<1x1x8x8x128xf32, #tpu.memory_space<vmem>>
        %scatter3A_1002 = tpu.memref_squeeze %scatter3A_1001 : memref<1x1x8x8x128xf32, #tpu.memory_space<vmem>> -> memref<8x8x128xf32, #tpu.memory_space<vmem>>
        tpu.vector_store_idx %scatter3A_1002[%shift_right_logical3A_891, %and3A_894, %add3A_6], %gather3A_905 : memref<8x8x128xf32, #tpu.memory_space<vmem>>[vector<16xi32>, vector<16xi32>, vector<16xi32>], vector<16xf32>,
        %scatter3A_1003 = arith.constant 0 : i32
        %scatter3A_1004 = arith.constant 0 : i32
        %scatter3A_1005 = arith.constant 0 : i32
        %scatter3A_1006 = arith.constant 0 : i32
        %scatter3A_1007 = arith.constant 0 : i32
        %scatter3A_1008 = tpu.memref_slice %arg7[%scatter3A_1003, %scatter3A_1004, %scatter3A_1005, %scatter3A_1006, %scatter3A_1007] : memref<2x2x8x8x128xf32, #tpu.memory_space<vmem>> -> memref<1x1x8x8x128xf32, #tpu.memory_space<vmem>>
        %scatter3A_1009 = tpu.memref_squeeze %scatter3A_1008 : memref<1x1x8x8x128xf32, #tpu.memory_space<vmem>> -> memref<8x8x128xf32, #tpu.memory_space<vmem>>
        tpu.vector_store_idx %scatter3A_1009[%shift_right_logical3A_891, %and3A_894, %add3A_9], %gather3A_911 : memref<8x8x128xf32, #tpu.memory_space<vmem>>[vector<16xi32>, vector<16xi32>, vector<16xi32>], vector<16xf32>,
        %scatter3A_1010 = arith.constant 0 : i32
        %scatter3A_1011 = arith.constant 0 : i32
        %scatter3A_1012 = arith.constant 0 : i32
        %scatter3A_1013 = arith.constant 0 : i32
        %scatter3A_1014 = arith.constant 0 : i32
        %scatter3A_1015 = tpu.memref_slice %arg7[%scatter3A_1010, %scatter3A_1011, %scatter3A_1012, %scatter3A_1013, %scatter3A_1014] : memref<2x2x8x8x128xf32, #tpu.memory_space<vmem>> -> memref<1x1x8x8x128xf32, #tpu.memory_space<vmem>>
        %scatter3A_1016 = tpu.memref_squeeze %scatter3A_1015 : memref<1x1x8x8x128xf32, #tpu.memory_space<vmem>> -> memref<8x8x128xf32, #tpu.memory_space<vmem>>
        tpu.vector_store_idx %scatter3A_1016[%shift_right_logical3A_891, %and3A_894, %add3A_12], %gather3A_917 : memref<8x8x128xf32, #tpu.memory_space<vmem>>[vector<16xi32>, vector<16xi32>, vector<16xi32>], vector<16xf32>,
        %scatter3A_1017 = arith.constant 0 : i32
        %scatter3A_1018 = arith.constant 0 : i32
        %scatter3A_1019 = arith.constant 0 : i32
        %scatter3A_1020 = arith.constant 0 : i32
        %scatter3A_1021 = arith.constant 0 : i32
        %scatter3A_1022 = tpu.memref_slice %arg7[%scatter3A_1017, %scatter3A_1018, %scatter3A_1019, %scatter3A_1020, %scatter3A_1021] : memref<2x2x8x8x128xf32, #tpu.memory_space<vmem>> -> memref<1x1x8x8x128xf32, #tpu.memory_space<vmem>>
        %scatter3A_1023 = tpu.memref_squeeze %scatter3A_1022 : memref<1x1x8x8x128xf32, #tpu.memory_space<vmem>> -> memref<8x8x128xf32, #tpu.memory_space<vmem>>
        tpu.vector_store_idx %scatter3A_1023[%shift_right_logical3A_891, %and3A_894, %add3A_15], %gather3A_923 : memref<8x8x128xf32, #tpu.memory_space<vmem>>[vector<16xi32>, vector<16xi32>, vector<16xi32>], vector<16xf32>,
        %scatter3A_1024 = arith.constant 0 : i32
        %scatter3A_1025 = arith.constant 0 : i32
        %scatter3A_1026 = arith.constant 0 : i32
        %scatter3A_1027 = arith.constant 0 : i32
        %scatter3A_1028 = arith.constant 0 : i32
        %scatter3A_1029 = tpu.memref_slice %arg7[%scatter3A_1024, %scatter3A_1025, %scatter3A_1026, %scatter3A_1027, %scatter3A_1028] : memref<2x2x8x8x128xf32, #tpu.memory_space<vmem>> -> memref<1x1x8x8x128xf32, #tpu.memory_space<vmem>>
        %scatter3A_1030 = tpu.memref_squeeze %scatter3A_1029 : memref<1x1x8x8x128xf32, #tpu.memory_space<vmem>> -> memref<8x8x128xf32, #tpu.memory_space<vmem>>
        tpu.vector_store_idx %scatter3A_1030[%shift_right_logical3A_891, %and3A_894, %add3A_18], %gather3A_929 : memref<8x8x128xf32, #tpu.memory_space<vmem>>[vector<16xi32>, vector<16xi32>, vector<16xi32>], vector<16xf32>,
        %scatter3A_1031 = arith.constant 0 : i32
        %scatter3A_1032 = arith.constant 0 : i32
        %scatter3A_1033 = arith.constant 0 : i32
        %scatter3A_1034 = arith.constant 0 : i32
        %scatter3A_1035 = arith.constant 0 : i32
        %scatter3A_1036 = tpu.memref_slice %arg7[%scatter3A_1031, %scatter3A_1032, %scatter3A_1033, %scatter3A_1034, %scatter3A_1035] : memref<2x2x8x8x128xf32, #tpu.memory_space<vmem>> -> memref<1x1x8x8x128xf32, #tpu.memory_space<vmem>>
        %scatter3A_1037 = tpu.memref_squeeze %scatter3A_1036 : memref<1x1x8x8x128xf32, #tpu.memory_space<vmem>> -> memref<8x8x128xf32, #tpu.memory_space<vmem>>
        tpu.vector_store_idx %scatter3A_1037[%shift_right_logical3A_891, %and3A_894, %add3A_21], %gather3A_935 : memref<8x8x128xf32, #tpu.memory_space<vmem>>[vector<16xi32>, vector<16xi32>, vector<16xi32>], vector<16xf32>,
        %scatter3A_1038 = arith.constant 0 : i32
        %scatter3A_1039 = arith.constant 0 : i32
        %scatter3A_1040 = arith.constant 0 : i32
        %scatter3A_1041 = arith.constant 0 : i32
        %scatter3A_1042 = arith.constant 0 : i32
        %scatter3A_1043 = tpu.memref_slice %arg7[%scatter3A_1038, %scatter3A_1039, %scatter3A_1040, %scatter3A_1041, %scatter3A_1042] : memref<2x2x8x8x128xf32, #tpu.memory_space<vmem>> -> memref<1x1x8x8x128xf32, #tpu.memory_space<vmem>>
        %scatter3A_1044 = tpu.memref_squeeze %scatter3A_1043 : memref<1x1x8x8x128xf32, #tpu.memory_space<vmem>> -> memref<8x8x128xf32, #tpu.memory_space<vmem>>
        tpu.vector_store_idx %scatter3A_1044[%shift_right_logical3A_891, %and3A_894, %add3A_24], %gather3A_941 : memref<8x8x128xf32, #tpu.memory_space<vmem>>[vector<16xi32>, vector<16xi32>, vector<16xi32>], vector<16xf32>,
        %scatter3A_1045 = arith.constant 0 : i32
        %scatter3A_1046 = arith.constant 1 : i32
        %scatter3A_1047 = arith.constant 0 : i32
        %scatter3A_1048 = arith.constant 0 : i32
        %scatter3A_1049 = arith.constant 0 : i32
        %scatter3A_1050 = tpu.memref_slice %arg7[%scatter3A_1045, %scatter3A_1046, %scatter3A_1047, %scatter3A_1048, %scatter3A_1049] : memref<2x2x8x8x128xf32, #tpu.memory_space<vmem>> -> memref<1x1x8x8x128xf32, #tpu.memory_space<vmem>>
        %scatter3A_1051 = tpu.memref_squeeze %scatter3A_1050 : memref<1x1x8x8x128xf32, #tpu.memory_space<vmem>> -> memref<8x8x128xf32, #tpu.memory_space<vmem>>
        tpu.vector_store_idx %scatter3A_1051[%shift_right_logical3A_891, %and3A_894, %add3A_3], %gather3A_947 : memref<8x8x128xf32, #tpu.memory_space<vmem>>[vector<16xi32>, vector<16xi32>, vector<16xi32>], vector<16xf32>,
        %scatter3A_1052 = arith.constant 0 : i32
        %scatter3A_1053 = arith.constant 1 : i32
        %scatter3A_1054 = arith.constant 0 : i32
        %scatter3A_1055 = arith.constant 0 : i32
        %scatter3A_1056 = arith.constant 0 : i32
        %scatter3A_1057 = tpu.memref_slice %arg7[%scatter3A_1052, %scatter3A_1053, %scatter3A_1054, %scatter3A_1055, %scatter3A_1056] : memref<2x2x8x8x128xf32, #tpu.memory_space<vmem>> -> memref<1x1x8x8x128xf32, #tpu.memory_space<vmem>>
        %scatter3A_1058 = tpu.memref_squeeze %scatter3A_1057 : memref<1x1x8x8x128xf32, #tpu.memory_space<vmem>> -> memref<8x8x128xf32, #tpu.memory_space<vmem>>
        tpu.vector_store_idx %scatter3A_1058[%shift_right_logical3A_891, %and3A_894, %add3A_6], %gather3A_953 : memref<8x8x128xf32, #tpu.memory_space<vmem>>[vector<16xi32>, vector<16xi32>, vector<16xi32>], vector<16xf32>,
        %scatter3A_1059 = arith.constant 0 : i32
        %scatter3A_1060 = arith.constant 1 : i32
        %scatter3A_1061 = arith.constant 0 : i32
        %scatter3A_1062 = arith.constant 0 : i32
        %scatter3A_1063 = arith.constant 0 : i32
        %scatter3A_1064 = tpu.memref_slice %arg7[%scatter3A_1059, %scatter3A_1060, %scatter3A_1061, %scatter3A_1062, %scatter3A_1063] : memref<2x2x8x8x128xf32, #tpu.memory_space<vmem>> -> memref<1x1x8x8x128xf32, #tpu.memory_space<vmem>>
        %scatter3A_1065 = tpu.memref_squeeze %scatter3A_1064 : memref<1x1x8x8x128xf32, #tpu.memory_space<vmem>> -> memref<8x8x128xf32, #tpu.memory_space<vmem>>
        tpu.vector_store_idx %scatter3A_1065[%shift_right_logical3A_891, %and3A_894, %add3A_9], %gather3A_959 : memref<8x8x128xf32, #tpu.memory_space<vmem>>[vector<16xi32>, vector<16xi32>, vector<16xi32>], vector<16xf32>,
        %scatter3A_1066 = arith.constant 0 : i32
        %scatter3A_1067 = arith.constant 1 : i32
        %scatter3A_1068 = arith.constant 0 : i32
        %scatter3A_1069 = arith.constant 0 : i32
        %scatter3A_1070 = arith.constant 0 : i32
        %scatter3A_1071 = tpu.memref_slice %arg7[%scatter3A_1066, %scatter3A_1067, %scatter3A_1068, %scatter3A_1069, %scatter3A_1070] : memref<2x2x8x8x128xf32, #tpu.memory_space<vmem>> -> memref<1x1x8x8x128xf32, #tpu.memory_space<vmem>>
        %scatter3A_1072 = tpu.memref_squeeze %scatter3A_1071 : memref<1x1x8x8x128xf32, #tpu.memory_space<vmem>> -> memref<8x8x128xf32, #tpu.memory_space<vmem>>
        tpu.vector_store_idx %scatter3A_1072[%shift_right_logical3A_891, %and3A_894, %add3A_12], %gather3A_965 : memref<8x8x128xf32, #tpu.memory_space<vmem>>[vector<16xi32>, vector<16xi32>, vector<16xi32>], vector<16xf32>,
        %scatter3A_1073 = arith.constant 0 : i32
        %scatter3A_1074 = arith.constant 1 : i32
        %scatter3A_1075 = arith.constant 0 : i32
        %scatter3A_1076 = arith.constant 0 : i32
        %scatter3A_1077 = arith.constant 0 : i32
        %scatter3A_1078 = tpu.memref_slice %arg7[%scatter3A_1073, %scatter3A_1074, %scatter3A_1075, %scatter3A_1076, %scatter3A_1077] : memref<2x2x8x8x128xf32, #tpu.memory_space<vmem>> -> memref<1x1x8x8x128xf32, #tpu.memory_space<vmem>>
        %scatter3A_1079 = tpu.memref_squeeze %scatter3A_1078 : memref<1x1x8x8x128xf32, #tpu.memory_space<vmem>> -> memref<8x8x128xf32, #tpu.memory_space<vmem>>
        tpu.vector_store_idx %scatter3A_1079[%shift_right_logical3A_891, %and3A_894, %add3A_15], %gather3A_971 : memref<8x8x128xf32, #tpu.memory_space<vmem>>[vector<16xi32>, vector<16xi32>, vector<16xi32>], vector<16xf32>,
        %scatter3A_1080 = arith.constant 0 : i32
        %scatter3A_1081 = arith.constant 1 : i32
        %scatter3A_1082 = arith.constant 0 : i32
        %scatter3A_1083 = arith.constant 0 : i32
        %scatter3A_1084 = arith.constant 0 : i32
        %scatter3A_1085 = tpu.memref_slice %arg7[%scatter3A_1080, %scatter3A_1081, %scatter3A_1082, %scatter3A_1083, %scatter3A_1084] : memref<2x2x8x8x128xf32, #tpu.memory_space<vmem>> -> memref<1x1x8x8x128xf32, #tpu.memory_space<vmem>>
        %scatter3A_1086 = tpu.memref_squeeze %scatter3A_1085 : memref<1x1x8x8x128xf32, #tpu.memory_space<vmem>> -> memref<8x8x128xf32, #tpu.memory_space<vmem>>
        tpu.vector_store_idx %scatter3A_1086[%shift_right_logical3A_891, %and3A_894, %add3A_18], %gather3A_977 : memref<8x8x128xf32, #tpu.memory_space<vmem>>[vector<16xi32>, vector<16xi32>, vector<16xi32>], vector<16xf32>,
        %scatter3A_1087 = arith.constant 0 : i32
        %scatter3A_1088 = arith.constant 1 : i32
        %scatter3A_1089 = arith.constant 0 : i32
        %scatter3A_1090 = arith.constant 0 : i32
        %scatter3A_1091 = arith.constant 0 : i32
        %scatter3A_1092 = tpu.memref_slice %arg7[%scatter3A_1087, %scatter3A_1088, %scatter3A_1089, %scatter3A_1090, %scatter3A_1091] : memref<2x2x8x8x128xf32, #tpu.memory_space<vmem>> -> memref<1x1x8x8x128xf32, #tpu.memory_space<vmem>>
        %scatter3A_1093 = tpu.memref_squeeze %scatter3A_1092 : memref<1x1x8x8x128xf32, #tpu.memory_space<vmem>> -> memref<8x8x128xf32, #tpu.memory_space<vmem>>
        tpu.vector_store_idx %scatter3A_1093[%shift_right_logical3A_891, %and3A_894, %add3A_21], %gather3A_983 : memref<8x8x128xf32, #tpu.memory_space<vmem>>[vector<16xi32>, vector<16xi32>, vector<16xi32>], vector<16xf32>,
        %scatter3A_1094 = arith.constant 0 : i32
        %scatter3A_1095 = arith.constant 1 : i32
        %scatter3A_1096 = arith.constant 0 : i32
        %scatter3A_1097 = arith.constant 0 : i32
        %scatter3A_1098 = arith.constant 0 : i32
        %scatter3A_1099 = tpu.memref_slice %arg7[%scatter3A_1094, %scatter3A_1095, %scatter3A_1096, %scatter3A_1097, %scatter3A_1098] : memref<2x2x8x8x128xf32, #tpu.memory_space<vmem>> -> memref<1x1x8x8x128xf32, #tpu.memory_space<vmem>>
        %scatter3A_1100 = tpu.memref_squeeze %scatter3A_1099 : memref<1x1x8x8x128xf32, #tpu.memory_space<vmem>> -> memref<8x8x128xf32, #tpu.memory_space<vmem>>
        tpu.vector_store_idx %scatter3A_1100[%shift_right_logical3A_891, %and3A_894, %add3A_24], %gather3A_989 : memref<8x8x128xf32, #tpu.memory_space<vmem>>[vector<16xi32>, vector<16xi32>, vector<16xi32>], vector<16xf32>,
        %mul3A_1101 = arith.constant 4 : i32
        %mul3A_1102 = arith.muli %scan3A_880, %mul3A_1101 : i32
        %add3A_1103 = arith.constant 1 : i32
        %add3A_1104 = arith.addi %mul3A_1102, %add3A_1103 : i32
        %add3A_1105 = vector.broadcast %add3A_1104 : i32 to vector<16xi32>
        %add3A_1106 = arith.addi %iota3A, %add3A_1105 : vector<16xi32>
        %and3A_1107 = arith.constant 63 : i32
        %and3A_1108 = vector.broadcast %and3A_1107 : i32 to vector<16xi32>
        %and3A_1109 = arith.andi %add3A_1106, %and3A_1108 : vector<16xi32>
        %shift_right_logical3A_1110 = arith.constant 3 : i32
        %shift_right_logical3A_1111 = vector.broadcast %shift_right_logical3A_1110 : i32 to vector<16xi32>
        %shift_right_logical3A_1112 = arith.shrui %and3A_1109, %shift_right_logical3A_1111 : vector<16xi32>
        %and3A_1113 = arith.constant 7 : i32
        %and3A_1114 = vector.broadcast %and3A_1113 : i32 to vector<16xi32>
        %and3A_1115 = arith.andi %and3A_1109, %and3A_1114 : vector<16xi32>
        %gather3A_1116 = arith.constant 0 : i32
        %gather3A_1117 = arith.constant 0 : i32
        %gather3A_1118 = arith.constant 0 : i32
        %gather3A_1119 = tpu.memref_slice %arg6[%scan3A_640, %gather3A_1116, %gather3A_1117, %gather3A_1118] : memref<2x2x128x128xf32, #tpu.memory_space<vmem>> -> memref<1x2x128x128xf32, #tpu.memory_space<vmem>>
        %gather3A_1120 = tpu.memref_squeeze %gather3A_1119 : memref<1x2x128x128xf32, #tpu.memory_space<vmem>> -> memref<2x128x128xf32, #tpu.memory_space<vmem>>
        %gather3A_1121 = tpu.vector_load_idx %gather3A_1120[%broadcast_in_dim3A_25, %add3A_3, %and3A_1109] : memref<2x128x128xf32, #tpu.memory_space<vmem>>[vector<16xi32>, vector<16xi32>, vector<16xi32>], vector<16xf32>,
        %gather3A_1122 = arith.constant 0 : i32
        %gather3A_1123 = arith.constant 0 : i32
        %gather3A_1124 = arith.constant 0 : i32
        %gather3A_1125 = tpu.memref_slice %arg6[%scan3A_640, %gather3A_1122, %gather3A_1123, %gather3A_1124] : memref<2x2x128x128xf32, #tpu.memory_space<vmem>> -> memref<1x2x128x128xf32, #tpu.memory_space<vmem>>
        %gather3A_1126 = tpu.memref_squeeze %gather3A_1125 : memref<1x2x128x128xf32, #tpu.memory_space<vmem>> -> memref<2x128x128xf32, #tpu.memory_space<vmem>>
        %gather3A_1127 = tpu.vector_load_idx %gather3A_1126[%broadcast_in_dim3A_25, %add3A_6, %and3A_1109] : memref<2x128x128xf32, #tpu.memory_space<vmem>>[vector<16xi32>, vector<16xi32>, vector<16xi32>], vector<16xf32>,
        %gather3A_1128 = arith.constant 0 : i32
        %gather3A_1129 = arith.constant 0 : i32
        %gather3A_1130 = arith.constant 0 : i32
        %gather3A_1131 = tpu.memref_slice %arg6[%scan3A_640, %gather3A_1128, %gather3A_1129, %gather3A_1130] : memref<2x2x128x128xf32, #tpu.memory_space<vmem>> -> memref<1x2x128x128xf32, #tpu.memory_space<vmem>>
        %gather3A_1132 = tpu.memref_squeeze %gather3A_1131 : memref<1x2x128x128xf32, #tpu.memory_space<vmem>> -> memref<2x128x128xf32, #tpu.memory_space<vmem>>
        %gather3A_1133 = tpu.vector_load_idx %gather3A_1132[%broadcast_in_dim3A_25, %add3A_9, %and3A_1109] : memref<2x128x128xf32, #tpu.memory_space<vmem>>[vector<16xi32>, vector<16xi32>, vector<16xi32>], vector<16xf32>,
        %gather3A_1134 = arith.constant 0 : i32
        %gather3A_1135 = arith.constant 0 : i32
        %gather3A_1136 = arith.constant 0 : i32
        %gather3A_1137 = tpu.memref_slice %arg6[%scan3A_640, %gather3A_1134, %gather3A_1135, %gather3A_1136] : memref<2x2x128x128xf32, #tpu.memory_space<vmem>> -> memref<1x2x128x128xf32, #tpu.memory_space<vmem>>
        %gather3A_1138 = tpu.memref_squeeze %gather3A_1137 : memref<1x2x128x128xf32, #tpu.memory_space<vmem>> -> memref<2x128x128xf32, #tpu.memory_space<vmem>>
        %gather3A_1139 = tpu.vector_load_idx %gather3A_1138[%broadcast_in_dim3A_25, %add3A_12, %and3A_1109] : memref<2x128x128xf32, #tpu.memory_space<vmem>>[vector<16xi32>, vector<16xi32>, vector<16xi32>], vector<16xf32>,
        %gather3A_1140 = arith.constant 0 : i32
        %gather3A_1141 = arith.constant 0 : i32
        %gather3A_1142 = arith.constant 0 : i32
        %gather3A_1143 = tpu.memref_slice %arg6[%scan3A_640, %gather3A_1140, %gather3A_1141, %gather3A_1142] : memref<2x2x128x128xf32, #tpu.memory_space<vmem>> -> memref<1x2x128x128xf32, #tpu.memory_space<vmem>>
        %gather3A_1144 = tpu.memref_squeeze %gather3A_1143 : memref<1x2x128x128xf32, #tpu.memory_space<vmem>> -> memref<2x128x128xf32, #tpu.memory_space<vmem>>
        %gather3A_1145 = tpu.vector_load_idx %gather3A_1144[%broadcast_in_dim3A_25, %add3A_15, %and3A_1109] : memref<2x128x128xf32, #tpu.memory_space<vmem>>[vector<16xi32>, vector<16xi32>, vector<16xi32>], vector<16xf32>,
        %gather3A_1146 = arith.constant 0 : i32
        %gather3A_1147 = arith.constant 0 : i32
        %gather3A_1148 = arith.constant 0 : i32
        %gather3A_1149 = tpu.memref_slice %arg6[%scan3A_640, %gather3A_1146, %gather3A_1147, %gather3A_1148] : memref<2x2x128x128xf32, #tpu.memory_space<vmem>> -> memref<1x2x128x128xf32, #tpu.memory_space<vmem>>
        %gather3A_1150 = tpu.memref_squeeze %gather3A_1149 : memref<1x2x128x128xf32, #tpu.memory_space<vmem>> -> memref<2x128x128xf32, #tpu.memory_space<vmem>>
        %gather3A_1151 = tpu.vector_load_idx %gather3A_1150[%broadcast_in_dim3A_25, %add3A_18, %and3A_1109] : memref<2x128x128xf32, #tpu.memory_space<vmem>>[vector<16xi32>, vector<16xi32>, vector<16xi32>], vector<16xf32>,
        %gather3A_1152 = arith.constant 0 : i32
        %gather3A_1153 = arith.constant 0 : i32
        %gather3A_1154 = arith.constant 0 : i32
        %gather3A_1155 = tpu.memref_slice %arg6[%scan3A_640, %gather3A_1152, %gather3A_1153, %gather3A_1154] : memref<2x2x128x128xf32, #tpu.memory_space<vmem>> -> memref<1x2x128x128xf32, #tpu.memory_space<vmem>>
        %gather3A_1156 = tpu.memref_squeeze %gather3A_1155 : memref<1x2x128x128xf32, #tpu.memory_space<vmem>> -> memref<2x128x128xf32, #tpu.memory_space<vmem>>
        %gather3A_1157 = tpu.vector_load_idx %gather3A_1156[%broadcast_in_dim3A_25, %add3A_21, %and3A_1109] : memref<2x128x128xf32, #tpu.memory_space<vmem>>[vector<16xi32>, vector<16xi32>, vector<16xi32>], vector<16xf32>,
        %gather3A_1158 = arith.constant 0 : i32
        %gather3A_1159 = arith.constant 0 : i32
        %gather3A_1160 = arith.constant 0 : i32
        %gather3A_1161 = tpu.memref_slice %arg6[%scan3A_640, %gather3A_1158, %gather3A_1159, %gather3A_1160] : memref<2x2x128x128xf32, #tpu.memory_space<vmem>> -> memref<1x2x128x128xf32, #tpu.memory_space<vmem>>
        %gather3A_1162 = tpu.memref_squeeze %gather3A_1161 : memref<1x2x128x128xf32, #tpu.memory_space<vmem>> -> memref<2x128x128xf32, #tpu.memory_space<vmem>>
        %gather3A_1163 = tpu.vector_load_idx %gather3A_1162[%broadcast_in_dim3A_25, %add3A_24, %and3A_1109] : memref<2x128x128xf32, #tpu.memory_space<vmem>>[vector<16xi32>, vector<16xi32>, vector<16xi32>], vector<16xf32>,
        %gather3A_1164 = arith.constant 0 : i32
        %gather3A_1165 = arith.constant 0 : i32
        %gather3A_1166 = arith.constant 0 : i32
        %gather3A_1167 = tpu.memref_slice %arg6[%scan3A_640, %gather3A_1164, %gather3A_1165, %gather3A_1166] : memref<2x2x128x128xf32, #tpu.memory_space<vmem>> -> memref<1x2x128x128xf32, #tpu.memory_space<vmem>>
        %gather3A_1168 = tpu.memref_squeeze %gather3A_1167 : memref<1x2x128x128xf32, #tpu.memory_space<vmem>> -> memref<2x128x128xf32, #tpu.memory_space<vmem>>
        %gather3A_1169 = tpu.vector_load_idx %gather3A_1168[%broadcast_in_dim3A_27, %add3A_3, %and3A_1109] : memref<2x128x128xf32, #tpu.memory_space<vmem>>[vector<16xi32>, vector<16xi32>, vector<16xi32>], vector<16xf32>,
        %gather3A_1170 = arith.constant 0 : i32
        %gather3A_1171 = arith.constant 0 : i32
        %gather3A_1172 = arith.constant 0 : i32
        %gather3A_1173 = tpu.memref_slice %arg6[%scan3A_640, %gather3A_1170, %gather3A_1171, %gather3A_1172] : memref<2x2x128x128xf32, #tpu.memory_space<vmem>> -> memref<1x2x128x128xf32, #tpu.memory_space<vmem>>
        %gather3A_1174 = tpu.memref_squeeze %gather3A_1173 : memref<1x2x128x128xf32, #tpu.memory_space<vmem>> -> memref<2x128x128xf32, #tpu.memory_space<vmem>>
        %gather3A_1175 = tpu.vector_load_idx %gather3A_1174[%broadcast_in_dim3A_27, %add3A_6, %and3A_1109] : memref<2x128x128xf32, #tpu.memory_space<vmem>>[vector<16xi32>, vector<16xi32>, vector<16xi32>], vector<16xf32>,
        %gather3A_1176 = arith.constant 0 : i32
        %gather3A_1177 = arith.constant 0 : i32
        %gather3A_1178 = arith.constant 0 : i32
        %gather3A_1179 = tpu.memref_slice %arg6[%scan3A_640, %gather3A_1176, %gather3A_1177, %gather3A_1178] : memref<2x2x128x128xf32, #tpu.memory_space<vmem>> -> memref<1x2x128x128xf32, #tpu.memory_space<vmem>>
        %gather3A_1180 = tpu.memref_squeeze %gather3A_1179 : memref<1x2x128x128xf32, #tpu.memory_space<vmem>> -> memref<2x128x128xf32, #tpu.memory_space<vmem>>
        %gather3A_1181 = tpu.vector_load_idx %gather3A_1180[%broadcast_in_dim3A_27, %add3A_9, %and3A_1109] : memref<2x128x128xf32, #tpu.memory_space<vmem>>[vector<16xi32>, vector<16xi32>, vector<16xi32>], vector<16xf32>,
        %gather3A_1182 = arith.constant 0 : i32
        %gather3A_1183 = arith.constant 0 : i32
        %gather3A_1184 = arith.constant 0 : i32
        %gather3A_1185 = tpu.memref_slice %arg6[%scan3A_640, %gather3A_1182, %gather3A_1183, %gather3A_1184] : memref<2x2x128x128xf32, #tpu.memory_space<vmem>> -> memref<1x2x128x128xf32, #tpu.memory_space<vmem>>
        %gather3A_1186 = tpu.memref_squeeze %gather3A_1185 : memref<1x2x128x128xf32, #tpu.memory_space<vmem>> -> memref<2x128x128xf32, #tpu.memory_space<vmem>>
        %gather3A_1187 = tpu.vector_load_idx %gather3A_1186[%broadcast_in_dim3A_27, %add3A_12, %and3A_1109] : memref<2x128x128xf32, #tpu.memory_space<vmem>>[vector<16xi32>, vector<16xi32>, vector<16xi32>], vector<16xf32>,
        %gather3A_1188 = arith.constant 0 : i32
        %gather3A_1189 = arith.constant 0 : i32
        %gather3A_1190 = arith.constant 0 : i32
        %gather3A_1191 = tpu.memref_slice %arg6[%scan3A_640, %gather3A_1188, %gather3A_1189, %gather3A_1190] : memref<2x2x128x128xf32, #tpu.memory_space<vmem>> -> memref<1x2x128x128xf32, #tpu.memory_space<vmem>>
        %gather3A_1192 = tpu.memref_squeeze %gather3A_1191 : memref<1x2x128x128xf32, #tpu.memory_space<vmem>> -> memref<2x128x128xf32, #tpu.memory_space<vmem>>
        %gather3A_1193 = tpu.vector_load_idx %gather3A_1192[%broadcast_in_dim3A_27, %add3A_15, %and3A_1109] : memref<2x128x128xf32, #tpu.memory_space<vmem>>[vector<16xi32>, vector<16xi32>, vector<16xi32>], vector<16xf32>,
        %gather3A_1194 = arith.constant 0 : i32
        %gather3A_1195 = arith.constant 0 : i32
        %gather3A_1196 = arith.constant 0 : i32
        %gather3A_1197 = tpu.memref_slice %arg6[%scan3A_640, %gather3A_1194, %gather3A_1195, %gather3A_1196] : memref<2x2x128x128xf32, #tpu.memory_space<vmem>> -> memref<1x2x128x128xf32, #tpu.memory_space<vmem>>
        %gather3A_1198 = tpu.memref_squeeze %gather3A_1197 : memref<1x2x128x128xf32, #tpu.memory_space<vmem>> -> memref<2x128x128xf32, #tpu.memory_space<vmem>>
        %gather3A_1199 = tpu.vector_load_idx %gather3A_1198[%broadcast_in_dim3A_27, %add3A_18, %and3A_1109] : memref<2x128x128xf32, #tpu.memory_space<vmem>>[vector<16xi32>, vector<16xi32>, vector<16xi32>], vector<16xf32>,
        %gather3A_1200 = arith.constant 0 : i32
        %gather3A_1201 = arith.constant 0 : i32
        %gather3A_1202 = arith.constant 0 : i32
        %gather3A_1203 = tpu.memref_slice %arg6[%scan3A_640, %gather3A_1200, %gather3A_1201, %gather3A_1202] : memref<2x2x128x128xf32, #tpu.memory_space<vmem>> -> memref<1x2x128x128xf32, #tpu.memory_space<vmem>>
        %gather3A_1204 = tpu.memref_squeeze %gather3A_1203 : memref<1x2x128x128xf32, #tpu.memory_space<vmem>> -> memref<2x128x128xf32, #tpu.memory_space<vmem>>
        %gather3A_1205 = tpu.vector_load_idx %gather3A_1204[%broadcast_in_dim3A_27, %add3A_21, %and3A_1109] : memref<2x128x128xf32, #tpu.memory_space<vmem>>[vector<16xi32>, vector<16xi32>, vector<16xi32>], vector<16xf32>,
        %gather3A_1206 = arith.constant 0 : i32
        %gather3A_1207 = arith.constant 0 : i32
        %gather3A_1208 = arith.constant 0 : i32
        %gather3A_1209 = tpu.memref_slice %arg6[%scan3A_640, %gather3A_1206, %gather3A_1207, %gather3A_1208] : memref<2x2x128x128xf32, #tpu.memory_space<vmem>> -> memref<1x2x128x128xf32, #tpu.memory_space<vmem>>
        %gather3A_1210 = tpu.memref_squeeze %gather3A_1209 : memref<1x2x128x128xf32, #tpu.memory_space<vmem>> -> memref<2x128x128xf32, #tpu.memory_space<vmem>>
        %gather3A_1211 = tpu.vector_load_idx %gather3A_1210[%broadcast_in_dim3A_27, %add3A_24, %and3A_1109] : memref<2x128x128xf32, #tpu.memory_space<vmem>>[vector<16xi32>, vector<16xi32>, vector<16xi32>], vector<16xf32>,
        %scatter3A_1212 = arith.constant 0 : i32
        %scatter3A_1213 = arith.constant 0 : i32
        %scatter3A_1214 = arith.constant 0 : i32
        %scatter3A_1215 = arith.constant 0 : i32
        %scatter3A_1216 = arith.constant 0 : i32
        %scatter3A_1217 = tpu.memref_slice %arg7[%scatter3A_1212, %scatter3A_1213, %scatter3A_1214, %scatter3A_1215, %scatter3A_1216] : memref<2x2x8x8x128xf32, #tpu.memory_space<vmem>> -> memref<1x1x8x8x128xf32, #tpu.memory_space<vmem>>
        %scatter3A_1218 = tpu.memref_squeeze %scatter3A_1217 : memref<1x1x8x8x128xf32, #tpu.memory_space<vmem>> -> memref<8x8x128xf32, #tpu.memory_space<vmem>>
        tpu.vector_store_idx %scatter3A_1218[%shift_right_logical3A_1112, %and3A_1115, %add3A_3], %gather3A_1121 : memref<8x8x128xf32, #tpu.memory_space<vmem>>[vector<16xi32>, vector<16xi32>, vector<16xi32>], vector<16xf32>,
        %scatter3A_1219 = arith.constant 0 : i32
        %scatter3A_1220 = arith.constant 0 : i32
        %scatter3A_1221 = arith.constant 0 : i32
        %scatter3A_1222 = arith.constant 0 : i32
        %scatter3A_1223 = arith.constant 0 : i32
        %scatter3A_1224 = tpu.memref_slice %arg7[%scatter3A_1219, %scatter3A_1220, %scatter3A_1221, %scatter3A_1222, %scatter3A_1223] : memref<2x2x8x8x128xf32, #tpu.memory_space<vmem>> -> memref<1x1x8x8x128xf32, #tpu.memory_space<vmem>>
        %scatter3A_1225 = tpu.memref_squeeze %scatter3A_1224 : memref<1x1x8x8x128xf32, #tpu.memory_space<vmem>> -> memref<8x8x128xf32, #tpu.memory_space<vmem>>
        tpu.vector_store_idx %scatter3A_1225[%shift_right_logical3A_1112, %and3A_1115, %add3A_6], %gather3A_1127 : memref<8x8x128xf32, #tpu.memory_space<vmem>>[vector<16xi32>, vector<16xi32>, vector<16xi32>], vector<16xf32>,
        %scatter3A_1226 = arith.constant 0 : i32
        %scatter3A_1227 = arith.constant 0 : i32
        %scatter3A_1228 = arith.constant 0 : i32
        %scatter3A_1229 = arith.constant 0 : i32
        %scatter3A_1230 = arith.constant 0 : i32
        %scatter3A_1231 = tpu.memref_slice %arg7[%scatter3A_1226, %scatter3A_1227, %scatter3A_1228, %scatter3A_1229, %scatter3A_1230] : memref<2x2x8x8x128xf32, #tpu.memory_space<vmem>> -> memref<1x1x8x8x128xf32, #tpu.memory_space<vmem>>
        %scatter3A_1232 = tpu.memref_squeeze %scatter3A_1231 : memref<1x1x8x8x128xf32, #tpu.memory_space<vmem>> -> memref<8x8x128xf32, #tpu.memory_space<vmem>>
        tpu.vector_store_idx %scatter3A_1232[%shift_right_logical3A_1112, %and3A_1115, %add3A_9], %gather3A_1133 : memref<8x8x128xf32, #tpu.memory_space<vmem>>[vector<16xi32>, vector<16xi32>, vector<16xi32>], vector<16xf32>,
        %scatter3A_1233 = arith.constant 0 : i32
        %scatter3A_1234 = arith.constant 0 : i32
        %scatter3A_1235 = arith.constant 0 : i32
        %scatter3A_1236 = arith.constant 0 : i32
        %scatter3A_1237 = arith.constant 0 : i32
        %scatter3A_1238 = tpu.memref_slice %arg7[%scatter3A_1233, %scatter3A_1234, %scatter3A_1235, %scatter3A_1236, %scatter3A_1237] : memref<2x2x8x8x128xf32, #tpu.memory_space<vmem>> -> memref<1x1x8x8x128xf32, #tpu.memory_space<vmem>>
        %scatter3A_1239 = tpu.memref_squeeze %scatter3A_1238 : memref<1x1x8x8x128xf32, #tpu.memory_space<vmem>> -> memref<8x8x128xf32, #tpu.memory_space<vmem>>
        tpu.vector_store_idx %scatter3A_1239[%shift_right_logical3A_1112, %and3A_1115, %add3A_12], %gather3A_1139 : memref<8x8x128xf32, #tpu.memory_space<vmem>>[vector<16xi32>, vector<16xi32>, vector<16xi32>], vector<16xf32>,
        %scatter3A_1240 = arith.constant 0 : i32
        %scatter3A_1241 = arith.constant 0 : i32
        %scatter3A_1242 = arith.constant 0 : i32
        %scatter3A_1243 = arith.constant 0 : i32
        %scatter3A_1244 = arith.constant 0 : i32
        %scatter3A_1245 = tpu.memref_slice %arg7[%scatter3A_1240, %scatter3A_1241, %scatter3A_1242, %scatter3A_1243, %scatter3A_1244] : memref<2x2x8x8x128xf32, #tpu.memory_space<vmem>> -> memref<1x1x8x8x128xf32, #tpu.memory_space<vmem>>
        %scatter3A_1246 = tpu.memref_squeeze %scatter3A_1245 : memref<1x1x8x8x128xf32, #tpu.memory_space<vmem>> -> memref<8x8x128xf32, #tpu.memory_space<vmem>>
        tpu.vector_store_idx %scatter3A_1246[%shift_right_logical3A_1112, %and3A_1115, %add3A_15], %gather3A_1145 : memref<8x8x128xf32, #tpu.memory_space<vmem>>[vector<16xi32>, vector<16xi32>, vector<16xi32>], vector<16xf32>,
        %scatter3A_1247 = arith.constant 0 : i32
        %scatter3A_1248 = arith.constant 0 : i32
        %scatter3A_1249 = arith.constant 0 : i32
        %scatter3A_1250 = arith.constant 0 : i32
        %scatter3A_1251 = arith.constant 0 : i32
        %scatter3A_1252 = tpu.memref_slice %arg7[%scatter3A_1247, %scatter3A_1248, %scatter3A_1249, %scatter3A_1250, %scatter3A_1251] : memref<2x2x8x8x128xf32, #tpu.memory_space<vmem>> -> memref<1x1x8x8x128xf32, #tpu.memory_space<vmem>>
        %scatter3A_1253 = tpu.memref_squeeze %scatter3A_1252 : memref<1x1x8x8x128xf32, #tpu.memory_space<vmem>> -> memref<8x8x128xf32, #tpu.memory_space<vmem>>
        tpu.vector_store_idx %scatter3A_1253[%shift_right_logical3A_1112, %and3A_1115, %add3A_18], %gather3A_1151 : memref<8x8x128xf32, #tpu.memory_space<vmem>>[vector<16xi32>, vector<16xi32>, vector<16xi32>], vector<16xf32>,
        %scatter3A_1254 = arith.constant 0 : i32
        %scatter3A_1255 = arith.constant 0 : i32
        %scatter3A_1256 = arith.constant 0 : i32
        %scatter3A_1257 = arith.constant 0 : i32
        %scatter3A_1258 = arith.constant 0 : i32
        %scatter3A_1259 = tpu.memref_slice %arg7[%scatter3A_1254, %scatter3A_1255, %scatter3A_1256, %scatter3A_1257, %scatter3A_1258] : memref<2x2x8x8x128xf32, #tpu.memory_space<vmem>> -> memref<1x1x8x8x128xf32, #tpu.memory_space<vmem>>
        %scatter3A_1260 = tpu.memref_squeeze %scatter3A_1259 : memref<1x1x8x8x128xf32, #tpu.memory_space<vmem>> -> memref<8x8x128xf32, #tpu.memory_space<vmem>>
        tpu.vector_store_idx %scatter3A_1260[%shift_right_logical3A_1112, %and3A_1115, %add3A_21], %gather3A_1157 : memref<8x8x128xf32, #tpu.memory_space<vmem>>[vector<16xi32>, vector<16xi32>, vector<16xi32>], vector<16xf32>,
        %scatter3A_1261 = arith.constant 0 : i32
        %scatter3A_1262 = arith.constant 0 : i32
        %scatter3A_1263 = arith.constant 0 : i32
        %scatter3A_1264 = arith.constant 0 : i32
        %scatter3A_1265 = arith.constant 0 : i32
        %scatter3A_1266 = tpu.memref_slice %arg7[%scatter3A_1261, %scatter3A_1262, %scatter3A_1263, %scatter3A_1264, %scatter3A_1265] : memref<2x2x8x8x128xf32, #tpu.memory_space<vmem>> -> memref<1x1x8x8x128xf32, #tpu.memory_space<vmem>>
        %scatter3A_1267 = tpu.memref_squeeze %scatter3A_1266 : memref<1x1x8x8x128xf32, #tpu.memory_space<vmem>> -> memref<8x8x128xf32, #tpu.memory_space<vmem>>
        tpu.vector_store_idx %scatter3A_1267[%shift_right_logical3A_1112, %and3A_1115, %add3A_24], %gather3A_1163 : memref<8x8x128xf32, #tpu.memory_space<vmem>>[vector<16xi32>, vector<16xi32>, vector<16xi32>], vector<16xf32>,
        %scatter3A_1268 = arith.constant 0 : i32
        %scatter3A_1269 = arith.constant 1 : i32
        %scatter3A_1270 = arith.constant 0 : i32
        %scatter3A_1271 = arith.constant 0 : i32
        %scatter3A_1272 = arith.constant 0 : i32
        %scatter3A_1273 = tpu.memref_slice %arg7[%scatter3A_1268, %scatter3A_1269, %scatter3A_1270, %scatter3A_1271, %scatter3A_1272] : memref<2x2x8x8x128xf32, #tpu.memory_space<vmem>> -> memref<1x1x8x8x128xf32, #tpu.memory_space<vmem>>
        %scatter3A_1274 = tpu.memref_squeeze %scatter3A_1273 : memref<1x1x8x8x128xf32, #tpu.memory_space<vmem>> -> memref<8x8x128xf32, #tpu.memory_space<vmem>>
        tpu.vector_store_idx %scatter3A_1274[%shift_right_logical3A_1112, %and3A_1115, %add3A_3], %gather3A_1169 : memref<8x8x128xf32, #tpu.memory_space<vmem>>[vector<16xi32>, vector<16xi32>, vector<16xi32>], vector<16xf32>,
        %scatter3A_1275 = arith.constant 0 : i32
        %scatter3A_1276 = arith.constant 1 : i32
        %scatter3A_1277 = arith.constant 0 : i32
        %scatter3A_1278 = arith.constant 0 : i32
        %scatter3A_1279 = arith.constant 0 : i32
        %scatter3A_1280 = tpu.memref_slice %arg7[%scatter3A_1275, %scatter3A_1276, %scatter3A_1277, %scatter3A_1278, %scatter3A_1279] : memref<2x2x8x8x128xf32, #tpu.memory_space<vmem>> -> memref<1x1x8x8x128xf32, #tpu.memory_space<vmem>>
        %scatter3A_1281 = tpu.memref_squeeze %scatter3A_1280 : memref<1x1x8x8x128xf32, #tpu.memory_space<vmem>> -> memref<8x8x128xf32, #tpu.memory_space<vmem>>
        tpu.vector_store_idx %scatter3A_1281[%shift_right_logical3A_1112, %and3A_1115, %add3A_6], %gather3A_1175 : memref<8x8x128xf32, #tpu.memory_space<vmem>>[vector<16xi32>, vector<16xi32>, vector<16xi32>], vector<16xf32>,
        %scatter3A_1282 = arith.constant 0 : i32
        %scatter3A_1283 = arith.constant 1 : i32
        %scatter3A_1284 = arith.constant 0 : i32
        %scatter3A_1285 = arith.constant 0 : i32
        %scatter3A_1286 = arith.constant 0 : i32
        %scatter3A_1287 = tpu.memref_slice %arg7[%scatter3A_1282, %scatter3A_1283, %scatter3A_1284, %scatter3A_1285, %scatter3A_1286] : memref<2x2x8x8x128xf32, #tpu.memory_space<vmem>> -> memref<1x1x8x8x128xf32, #tpu.memory_space<vmem>>
        %scatter3A_1288 = tpu.memref_squeeze %scatter3A_1287 : memref<1x1x8x8x128xf32, #tpu.memory_space<vmem>> -> memref<8x8x128xf32, #tpu.memory_space<vmem>>
        tpu.vector_store_idx %scatter3A_1288[%shift_right_logical3A_1112, %and3A_1115, %add3A_9], %gather3A_1181 : memref<8x8x128xf32, #tpu.memory_space<vmem>>[vector<16xi32>, vector<16xi32>, vector<16xi32>], vector<16xf32>,
        %scatter3A_1289 = arith.constant 0 : i32
        %scatter3A_1290 = arith.constant 1 : i32
        %scatter3A_1291 = arith.constant 0 : i32
        %scatter3A_1292 = arith.constant 0 : i32
        %scatter3A_1293 = arith.constant 0 : i32
        %scatter3A_1294 = tpu.memref_slice %arg7[%scatter3A_1289, %scatter3A_1290, %scatter3A_1291, %scatter3A_1292, %scatter3A_1293] : memref<2x2x8x8x128xf32, #tpu.memory_space<vmem>> -> memref<1x1x8x8x128xf32, #tpu.memory_space<vmem>>
        %scatter3A_1295 = tpu.memref_squeeze %scatter3A_1294 : memref<1x1x8x8x128xf32, #tpu.memory_space<vmem>> -> memref<8x8x128xf32, #tpu.memory_space<vmem>>
        tpu.vector_store_idx %scatter3A_1295[%shift_right_logical3A_1112, %and3A_1115, %add3A_12], %gather3A_1187 : memref<8x8x128xf32, #tpu.memory_space<vmem>>[vector<16xi32>, vector<16xi32>, vector<16xi32>], vector<16xf32>,
        %scatter3A_1296 = arith.constant 0 : i32
        %scatter3A_1297 = arith.constant 1 : i32
        %scatter3A_1298 = arith.constant 0 : i32
        %scatter3A_1299 = arith.constant 0 : i32
        %scatter3A_1300 = arith.constant 0 : i32
        %scatter3A_1301 = tpu.memref_slice %arg7[%scatter3A_1296, %scatter3A_1297, %scatter3A_1298, %scatter3A_1299, %scatter3A_1300] : memref<2x2x8x8x128xf32, #tpu.memory_space<vmem>> -> memref<1x1x8x8x128xf32, #tpu.memory_space<vmem>>
        %scatter3A_1302 = tpu.memref_squeeze %scatter3A_1301 : memref<1x1x8x8x128xf32, #tpu.memory_space<vmem>> -> memref<8x8x128xf32, #tpu.memory_space<vmem>>
        tpu.vector_store_idx %scatter3A_1302[%shift_right_logical3A_1112, %and3A_1115, %add3A_15], %gather3A_1193 : memref<8x8x128xf32, #tpu.memory_space<vmem>>[vector<16xi32>, vector<16xi32>, vector<16xi32>], vector<16xf32>,
        %scatter3A_1303 = arith.constant 0 : i32
        %scatter3A_1304 = arith.constant 1 : i32
        %scatter3A_1305 = arith.constant 0 : i32
        %scatter3A_1306 = arith.constant 0 : i32
        %scatter3A_1307 = arith.constant 0 : i32
        %scatter3A_1308 = tpu.memref_slice %arg7[%scatter3A_1303, %scatter3A_1304, %scatter3A_1305, %scatter3A_1306, %scatter3A_1307] : memref<2x2x8x8x128xf32, #tpu.memory_space<vmem>> -> memref<1x1x8x8x128xf32, #tpu.memory_space<vmem>>
        %scatter3A_1309 = tpu.memref_squeeze %scatter3A_1308 : memref<1x1x8x8x128xf32, #tpu.memory_space<vmem>> -> memref<8x8x128xf32, #tpu.memory_space<vmem>>
        tpu.vector_store_idx %scatter3A_1309[%shift_right_logical3A_1112, %and3A_1115, %add3A_18], %gather3A_1199 : memref<8x8x128xf32, #tpu.memory_space<vmem>>[vector<16xi32>, vector<16xi32>, vector<16xi32>], vector<16xf32>,
        %scatter3A_1310 = arith.constant 0 : i32
        %scatter3A_1311 = arith.constant 1 : i32
        %scatter3A_1312 = arith.constant 0 : i32
        %scatter3A_1313 = arith.constant 0 : i32
        %scatter3A_1314 = arith.constant 0 : i32
        %scatter3A_1315 = tpu.memref_slice %arg7[%scatter3A_1310, %scatter3A_1311, %scatter3A_1312, %scatter3A_1313, %scatter3A_1314] : memref<2x2x8x8x128xf32, #tpu.memory_space<vmem>> -> memref<1x1x8x8x128xf32, #tpu.memory_space<vmem>>
        %scatter3A_1316 = tpu.memref_squeeze %scatter3A_1315 : memref<1x1x8x8x128xf32, #tpu.memory_space<vmem>> -> memref<8x8x128xf32, #tpu.memory_space<vmem>>
        tpu.vector_store_idx %scatter3A_1316[%shift_right_logical3A_1112, %and3A_1115, %add3A_21], %gather3A_1205 : memref<8x8x128xf32, #tpu.memory_space<vmem>>[vector<16xi32>, vector<16xi32>, vector<16xi32>], vector<16xf32>,
        %scatter3A_1317 = arith.constant 0 : i32
        %scatter3A_1318 = arith.constant 1 : i32
        %scatter3A_1319 = arith.constant 0 : i32
        %scatter3A_1320 = arith.constant 0 : i32
        %scatter3A_1321 = arith.constant 0 : i32
        %scatter3A_1322 = tpu.memref_slice %arg7[%scatter3A_1317, %scatter3A_1318, %scatter3A_1319, %scatter3A_1320, %scatter3A_1321] : memref<2x2x8x8x128xf32, #tpu.memory_space<vmem>> -> memref<1x1x8x8x128xf32, #tpu.memory_space<vmem>>
        %scatter3A_1323 = tpu.memref_squeeze %scatter3A_1322 : memref<1x1x8x8x128xf32, #tpu.memory_space<vmem>> -> memref<8x8x128xf32, #tpu.memory_space<vmem>>
        tpu.vector_store_idx %scatter3A_1323[%shift_right_logical3A_1112, %and3A_1115, %add3A_24], %gather3A_1211 : memref<8x8x128xf32, #tpu.memory_space<vmem>>[vector<16xi32>, vector<16xi32>, vector<16xi32>], vector<16xf32>,
        %mul3A_1324 = arith.constant 4 : i32
        %mul3A_1325 = arith.muli %scan3A_880, %mul3A_1324 : i32
        %add3A_1326 = arith.constant 2 : i32
        %add3A_1327 = arith.addi %mul3A_1325, %add3A_1326 : i32
        %add3A_1328 = vector.broadcast %add3A_1327 : i32 to vector<16xi32>
        %add3A_1329 = arith.addi %iota3A, %add3A_1328 : vector<16xi32>
        %and3A_1330 = arith.constant 63 : i32
        %and3A_1331 = vector.broadcast %and3A_1330 : i32 to vector<16xi32>
        %and3A_1332 = arith.andi %add3A_1329, %and3A_1331 : vector<16xi32>
        %shift_right_logical3A_1333 = arith.constant 3 : i32
        %shift_right_logical3A_1334 = vector.broadcast %shift_right_logical3A_1333 : i32 to vector<16xi32>
        %shift_right_logical3A_1335 = arith.shrui %and3A_1332, %shift_right_logical3A_1334 : vector<16xi32>
        %and3A_1336 = arith.constant 7 : i32
        %and3A_1337 = vector.broadcast %and3A_1336 : i32 to vector<16xi32>
        %and3A_1338 = arith.andi %and3A_1332, %and3A_1337 : vector<16xi32>
        %gather3A_1339 = arith.constant 0 : i32
        %gather3A_1340 = arith.constant 0 : i32
        %gather3A_1341 = arith.constant 0 : i32
        %gather3A_1342 = tpu.memref_slice %arg6[%scan3A_640, %gather3A_1339, %gather3A_1340, %gather3A_1341] : memref<2x2x128x128xf32, #tpu.memory_space<vmem>> -> memref<1x2x128x128xf32, #tpu.memory_space<vmem>>
        %gather3A_1343 = tpu.memref_squeeze %gather3A_1342 : memref<1x2x128x128xf32, #tpu.memory_space<vmem>> -> memref<2x128x128xf32, #tpu.memory_space<vmem>>
        %gather3A_1344 = tpu.vector_load_idx %gather3A_1343[%broadcast_in_dim3A_25, %add3A_3, %and3A_1332] : memref<2x128x128xf32, #tpu.memory_space<vmem>>[vector<16xi32>, vector<16xi32>, vector<16xi32>], vector<16xf32>,
        %gather3A_1345 = arith.constant 0 : i32
        %gather3A_1346 = arith.constant 0 : i32
        %gather3A_1347 = arith.constant 0 : i32
        %gather3A_1348 = tpu.memref_slice %arg6[%scan3A_640, %gather3A_1345, %gather3A_1346, %gather3A_1347] : memref<2x2x128x128xf32, #tpu.memory_space<vmem>> -> memref<1x2x128x128xf32, #tpu.memory_space<vmem>>
        %gather3A_1349 = tpu.memref_squeeze %gather3A_1348 : memref<1x2x128x128xf32, #tpu.memory_space<vmem>> -> memref<2x128x128xf32, #tpu.memory_space<vmem>>
        %gather3A_1350 = tpu.vector_load_idx %gather3A_1349[%broadcast_in_dim3A_25, %add3A_6, %and3A_1332] : memref<2x128x128xf32, #tpu.memory_space<vmem>>[vector<16xi32>, vector<16xi32>, vector<16xi32>], vector<16xf32>,
        %gather3A_1351 = arith.constant 0 : i32
        %gather3A_1352 = arith.constant 0 : i32
        %gather3A_1353 = arith.constant 0 : i32
        %gather3A_1354 = tpu.memref_slice %arg6[%scan3A_640, %gather3A_1351, %gather3A_1352, %gather3A_1353] : memref<2x2x128x128xf32, #tpu.memory_space<vmem>> -> memref<1x2x128x128xf32, #tpu.memory_space<vmem>>
        %gather3A_1355 = tpu.memref_squeeze %gather3A_1354 : memref<1x2x128x128xf32, #tpu.memory_space<vmem>> -> memref<2x128x128xf32, #tpu.memory_space<vmem>>
        %gather3A_1356 = tpu.vector_load_idx %gather3A_1355[%broadcast_in_dim3A_25, %add3A_9, %and3A_1332] : memref<2x128x128xf32, #tpu.memory_space<vmem>>[vector<16xi32>, vector<16xi32>, vector<16xi32>], vector<16xf32>,
        %gather3A_1357 = arith.constant 0 : i32
        %gather3A_1358 = arith.constant 0 : i32
        %gather3A_1359 = arith.constant 0 : i32
        %gather3A_1360 = tpu.memref_slice %arg6[%scan3A_640, %gather3A_1357, %gather3A_1358, %gather3A_1359] : memref<2x2x128x128xf32, #tpu.memory_space<vmem>> -> memref<1x2x128x128xf32, #tpu.memory_space<vmem>>
        %gather3A_1361 = tpu.memref_squeeze %gather3A_1360 : memref<1x2x128x128xf32, #tpu.memory_space<vmem>> -> memref<2x128x128xf32, #tpu.memory_space<vmem>>
        %gather3A_1362 = tpu.vector_load_idx %gather3A_1361[%broadcast_in_dim3A_25, %add3A_12, %and3A_1332] : memref<2x128x128xf32, #tpu.memory_space<vmem>>[vector<16xi32>, vector<16xi32>, vector<16xi32>], vector<16xf32>,
        %gather3A_1363 = arith.constant 0 : i32
        %gather3A_1364 = arith.constant 0 : i32
        %gather3A_1365 = arith.constant 0 : i32
        %gather3A_1366 = tpu.memref_slice %arg6[%scan3A_640, %gather3A_1363, %gather3A_1364, %gather3A_1365] : memref<2x2x128x128xf32, #tpu.memory_space<vmem>> -> memref<1x2x128x128xf32, #tpu.memory_space<vmem>>
        %gather3A_1367 = tpu.memref_squeeze %gather3A_1366 : memref<1x2x128x128xf32, #tpu.memory_space<vmem>> -> memref<2x128x128xf32, #tpu.memory_space<vmem>>
        %gather3A_1368 = tpu.vector_load_idx %gather3A_1367[%broadcast_in_dim3A_25, %add3A_15, %and3A_1332] : memref<2x128x128xf32, #tpu.memory_space<vmem>>[vector<16xi32>, vector<16xi32>, vector<16xi32>], vector<16xf32>,
        %gather3A_1369 = arith.constant 0 : i32
        %gather3A_1370 = arith.constant 0 : i32
        %gather3A_1371 = arith.constant 0 : i32
        %gather3A_1372 = tpu.memref_slice %arg6[%scan3A_640, %gather3A_1369, %gather3A_1370, %gather3A_1371] : memref<2x2x128x128xf32, #tpu.memory_space<vmem>> -> memref<1x2x128x128xf32, #tpu.memory_space<vmem>>
        %gather3A_1373 = tpu.memref_squeeze %gather3A_1372 : memref<1x2x128x128xf32, #tpu.memory_space<vmem>> -> memref<2x128x128xf32, #tpu.memory_space<vmem>>
        %gather3A_1374 = tpu.vector_load_idx %gather3A_1373[%broadcast_in_dim3A_25, %add3A_18, %and3A_1332] : memref<2x128x128xf32, #tpu.memory_space<vmem>>[vector<16xi32>, vector<16xi32>, vector<16xi32>], vector<16xf32>,
        %gather3A_1375 = arith.constant 0 : i32
        %gather3A_1376 = arith.constant 0 : i32
        %gather3A_1377 = arith.constant 0 : i32
        %gather3A_1378 = tpu.memref_slice %arg6[%scan3A_640, %gather3A_1375, %gather3A_1376, %gather3A_1377] : memref<2x2x128x128xf32, #tpu.memory_space<vmem>> -> memref<1x2x128x128xf32, #tpu.memory_space<vmem>>
        %gather3A_1379 = tpu.memref_squeeze %gather3A_1378 : memref<1x2x128x128xf32, #tpu.memory_space<vmem>> -> memref<2x128x128xf32, #tpu.memory_space<vmem>>
        %gather3A_1380 = tpu.vector_load_idx %gather3A_1379[%broadcast_in_dim3A_25, %add3A_21, %and3A_1332] : memref<2x128x128xf32, #tpu.memory_space<vmem>>[vector<16xi32>, vector<16xi32>, vector<16xi32>], vector<16xf32>,
        %gather3A_1381 = arith.constant 0 : i32
        %gather3A_1382 = arith.constant 0 : i32
        %gather3A_1383 = arith.constant 0 : i32
        %gather3A_1384 = tpu.memref_slice %arg6[%scan3A_640, %gather3A_1381, %gather3A_1382, %gather3A_1383] : memref<2x2x128x128xf32, #tpu.memory_space<vmem>> -> memref<1x2x128x128xf32, #tpu.memory_space<vmem>>
        %gather3A_1385 = tpu.memref_squeeze %gather3A_1384 : memref<1x2x128x128xf32, #tpu.memory_space<vmem>> -> memref<2x128x128xf32, #tpu.memory_space<vmem>>
        %gather3A_1386 = tpu.vector_load_idx %gather3A_1385[%broadcast_in_dim3A_25, %add3A_24, %and3A_1332] : memref<2x128x128xf32, #tpu.memory_space<vmem>>[vector<16xi32>, vector<16xi32>, vector<16xi32>], vector<16xf32>,
        %gather3A_1387 = arith.constant 0 : i32
        %gather3A_1388 = arith.constant 0 : i32
        %gather3A_1389 = arith.constant 0 : i32
        %gather3A_1390 = tpu.memref_slice %arg6[%scan3A_640, %gather3A_1387, %gather3A_1388, %gather3A_1389] : memref<2x2x128x128xf32, #tpu.memory_space<vmem>> -> memref<1x2x128x128xf32, #tpu.memory_space<vmem>>
        %gather3A_1391 = tpu.memref_squeeze %gather3A_1390 : memref<1x2x128x128xf32, #tpu.memory_space<vmem>> -> memref<2x128x128xf32, #tpu.memory_space<vmem>>
        %gather3A_1392 = tpu.vector_load_idx %gather3A_1391[%broadcast_in_dim3A_27, %add3A_3, %and3A_1332] : memref<2x128x128xf32, #tpu.memory_space<vmem>>[vector<16xi32>, vector<16xi32>, vector<16xi32>], vector<16xf32>,
        %gather3A_1393 = arith.constant 0 : i32
        %gather3A_1394 = arith.constant 0 : i32
        %gather3A_1395 = arith.constant 0 : i32
        %gather3A_1396 = tpu.memref_slice %arg6[%scan3A_640, %gather3A_1393, %gather3A_1394, %gather3A_1395] : memref<2x2x128x128xf32, #tpu.memory_space<vmem>> -> memref<1x2x128x128xf32, #tpu.memory_space<vmem>>
        %gather3A_1397 = tpu.memref_squeeze %gather3A_1396 : memref<1x2x128x128xf32, #tpu.memory_space<vmem>> -> memref<2x128x128xf32, #tpu.memory_space<vmem>>
        %gather3A_1398 = tpu.vector_load_idx %gather3A_1397[%broadcast_in_dim3A_27, %add3A_6, %and3A_1332] : memref<2x128x128xf32, #tpu.memory_space<vmem>>[vector<16xi32>, vector<16xi32>, vector<16xi32>], vector<16xf32>,
        %gather3A_1399 = arith.constant 0 : i32
        %gather3A_1400 = arith.constant 0 : i32
        %gather3A_1401 = arith.constant 0 : i32
        %gather3A_1402 = tpu.memref_slice %arg6[%scan3A_640, %gather3A_1399, %gather3A_1400, %gather3A_1401] : memref<2x2x128x128xf32, #tpu.memory_space<vmem>> -> memref<1x2x128x128xf32, #tpu.memory_space<vmem>>
        %gather3A_1403 = tpu.memref_squeeze %gather3A_1402 : memref<1x2x128x128xf32, #tpu.memory_space<vmem>> -> memref<2x128x128xf32, #tpu.memory_space<vmem>>
        %gather3A_1404 = tpu.vector_load_idx %gather3A_1403[%broadcast_in_dim3A_27, %add3A_9, %and3A_1332] : memref<2x128x128xf32, #tpu.memory_space<vmem>>[vector<16xi32>, vector<16xi32>, vector<16xi32>], vector<16xf32>,
        %gather3A_1405 = arith.constant 0 : i32
        %gather3A_1406 = arith.constant 0 : i32
        %gather3A_1407 = arith.constant 0 : i32
        %gather3A_1408 = tpu.memref_slice %arg6[%scan3A_640, %gather3A_1405, %gather3A_1406, %gather3A_1407] : memref<2x2x128x128xf32, #tpu.memory_space<vmem>> -> memref<1x2x128x128xf32, #tpu.memory_space<vmem>>
        %gather3A_1409 = tpu.memref_squeeze %gather3A_1408 : memref<1x2x128x128xf32, #tpu.memory_space<vmem>> -> memref<2x128x128xf32, #tpu.memory_space<vmem>>
        %gather3A_1410 = tpu.vector_load_idx %gather3A_1409[%broadcast_in_dim3A_27, %add3A_12, %and3A_1332] : memref<2x128x128xf32, #tpu.memory_space<vmem>>[vector<16xi32>, vector<16xi32>, vector<16xi32>], vector<16xf32>,
        %gather3A_1411 = arith.constant 0 : i32
        %gather3A_1412 = arith.constant 0 : i32
        %gather3A_1413 = arith.constant 0 : i32
        %gather3A_1414 = tpu.memref_slice %arg6[%scan3A_640, %gather3A_1411, %gather3A_1412, %gather3A_1413] : memref<2x2x128x128xf32, #tpu.memory_space<vmem>> -> memref<1x2x128x128xf32, #tpu.memory_space<vmem>>
        %gather3A_1415 = tpu.memref_squeeze %gather3A_1414 : memref<1x2x128x128xf32, #tpu.memory_space<vmem>> -> memref<2x128x128xf32, #tpu.memory_space<vmem>>
        %gather3A_1416 = tpu.vector_load_idx %gather3A_1415[%broadcast_in_dim3A_27, %add3A_15, %and3A_1332] : memref<2x128x128xf32, #tpu.memory_space<vmem>>[vector<16xi32>, vector<16xi32>, vector<16xi32>], vector<16xf32>,
        %gather3A_1417 = arith.constant 0 : i32
        %gather3A_1418 = arith.constant 0 : i32
        %gather3A_1419 = arith.constant 0 : i32
        %gather3A_1420 = tpu.memref_slice %arg6[%scan3A_640, %gather3A_1417, %gather3A_1418, %gather3A_1419] : memref<2x2x128x128xf32, #tpu.memory_space<vmem>> -> memref<1x2x128x128xf32, #tpu.memory_space<vmem>>
        %gather3A_1421 = tpu.memref_squeeze %gather3A_1420 : memref<1x2x128x128xf32, #tpu.memory_space<vmem>> -> memref<2x128x128xf32, #tpu.memory_space<vmem>>
        %gather3A_1422 = tpu.vector_load_idx %gather3A_1421[%broadcast_in_dim3A_27, %add3A_18, %and3A_1332] : memref<2x128x128xf32, #tpu.memory_space<vmem>>[vector<16xi32>, vector<16xi32>, vector<16xi32>], vector<16xf32>,
        %gather3A_1423 = arith.constant 0 : i32
        %gather3A_1424 = arith.constant 0 : i32
        %gather3A_1425 = arith.constant 0 : i32
        %gather3A_1426 = tpu.memref_slice %arg6[%scan3A_640, %gather3A_1423, %gather3A_1424, %gather3A_1425] : memref<2x2x128x128xf32, #tpu.memory_space<vmem>> -> memref<1x2x128x128xf32, #tpu.memory_space<vmem>>
        %gather3A_1427 = tpu.memref_squeeze %gather3A_1426 : memref<1x2x128x128xf32, #tpu.memory_space<vmem>> -> memref<2x128x128xf32, #tpu.memory_space<vmem>>
        %gather3A_1428 = tpu.vector_load_idx %gather3A_1427[%broadcast_in_dim3A_27, %add3A_21, %and3A_1332] : memref<2x128x128xf32, #tpu.memory_space<vmem>>[vector<16xi32>, vector<16xi32>, vector<16xi32>], vector<16xf32>,
        %gather3A_1429 = arith.constant 0 : i32
        %gather3A_1430 = arith.constant 0 : i32
        %gather3A_1431 = arith.constant 0 : i32
        %gather3A_1432 = tpu.memref_slice %arg6[%scan3A_640, %gather3A_1429, %gather3A_1430, %gather3A_1431] : memref<2x2x128x128xf32, #tpu.memory_space<vmem>> -> memref<1x2x128x128xf32, #tpu.memory_space<vmem>>
        %gather3A_1433 = tpu.memref_squeeze %gather3A_1432 : memref<1x2x128x128xf32, #tpu.memory_space<vmem>> -> memref<2x128x128xf32, #tpu.memory_space<vmem>>
        %gather3A_1434 = tpu.vector_load_idx %gather3A_1433[%broadcast_in_dim3A_27, %add3A_24, %and3A_1332] : memref<2x128x128xf32, #tpu.memory_space<vmem>>[vector<16xi32>, vector<16xi32>, vector<16xi32>], vector<16xf32>,
        %scatter3A_1435 = arith.constant 0 : i32
        %scatter3A_1436 = arith.constant 0 : i32
        %scatter3A_1437 = arith.constant 0 : i32
        %scatter3A_1438 = arith.constant 0 : i32
        %scatter3A_1439 = arith.constant 0 : i32
        %scatter3A_1440 = tpu.memref_slice %arg7[%scatter3A_1435, %scatter3A_1436, %scatter3A_1437, %scatter3A_1438, %scatter3A_1439] : memref<2x2x8x8x128xf32, #tpu.memory_space<vmem>> -> memref<1x1x8x8x128xf32, #tpu.memory_space<vmem>>
        %scatter3A_1441 = tpu.memref_squeeze %scatter3A_1440 : memref<1x1x8x8x128xf32, #tpu.memory_space<vmem>> -> memref<8x8x128xf32, #tpu.memory_space<vmem>>
        tpu.vector_store_idx %scatter3A_1441[%shift_right_logical3A_1335, %and3A_1338, %add3A_3], %gather3A_1344 : memref<8x8x128xf32, #tpu.memory_space<vmem>>[vector<16xi32>, vector<16xi32>, vector<16xi32>], vector<16xf32>,
        %scatter3A_1442 = arith.constant 0 : i32
        %scatter3A_1443 = arith.constant 0 : i32
        %scatter3A_1444 = arith.constant 0 : i32
        %scatter3A_1445 = arith.constant 0 : i32
        %scatter3A_1446 = arith.constant 0 : i32
        %scatter3A_1447 = tpu.memref_slice %arg7[%scatter3A_1442, %scatter3A_1443, %scatter3A_1444, %scatter3A_1445, %scatter3A_1446] : memref<2x2x8x8x128xf32, #tpu.memory_space<vmem>> -> memref<1x1x8x8x128xf32, #tpu.memory_space<vmem>>
        %scatter3A_1448 = tpu.memref_squeeze %scatter3A_1447 : memref<1x1x8x8x128xf32, #tpu.memory_space<vmem>> -> memref<8x8x128xf32, #tpu.memory_space<vmem>>
        tpu.vector_store_idx %scatter3A_1448[%shift_right_logical3A_1335, %and3A_1338, %add3A_6], %gather3A_1350 : memref<8x8x128xf32, #tpu.memory_space<vmem>>[vector<16xi32>, vector<16xi32>, vector<16xi32>], vector<16xf32>,
        %scatter3A_1449 = arith.constant 0 : i32
        %scatter3A_1450 = arith.constant 0 : i32
        %scatter3A_1451 = arith.constant 0 : i32
        %scatter3A_1452 = arith.constant 0 : i32
        %scatter3A_1453 = arith.constant 0 : i32
        %scatter3A_1454 = tpu.memref_slice %arg7[%scatter3A_1449, %scatter3A_1450, %scatter3A_1451, %scatter3A_1452, %scatter3A_1453] : memref<2x2x8x8x128xf32, #tpu.memory_space<vmem>> -> memref<1x1x8x8x128xf32, #tpu.memory_space<vmem>>
        %scatter3A_1455 = tpu.memref_squeeze %scatter3A_1454 : memref<1x1x8x8x128xf32, #tpu.memory_space<vmem>> -> memref<8x8x128xf32, #tpu.memory_space<vmem>>
        tpu.vector_store_idx %scatter3A_1455[%shift_right_logical3A_1335, %and3A_1338, %add3A_9], %gather3A_1356 : memref<8x8x128xf32, #tpu.memory_space<vmem>>[vector<16xi32>, vector<16xi32>, vector<16xi32>], vector<16xf32>,
        %scatter3A_1456 = arith.constant 0 : i32
        %scatter3A_1457 = arith.constant 0 : i32
        %scatter3A_1458 = arith.constant 0 : i32
        %scatter3A_1459 = arith.constant 0 : i32
        %scatter3A_1460 = arith.constant 0 : i32
        %scatter3A_1461 = tpu.memref_slice %arg7[%scatter3A_1456, %scatter3A_1457, %scatter3A_1458, %scatter3A_1459, %scatter3A_1460] : memref<2x2x8x8x128xf32, #tpu.memory_space<vmem>> -> memref<1x1x8x8x128xf32, #tpu.memory_space<vmem>>
        %scatter3A_1462 = tpu.memref_squeeze %scatter3A_1461 : memref<1x1x8x8x128xf32, #tpu.memory_space<vmem>> -> memref<8x8x128xf32, #tpu.memory_space<vmem>>
        tpu.vector_store_idx %scatter3A_1462[%shift_right_logical3A_1335, %and3A_1338, %add3A_12], %gather3A_1362 : memref<8x8x128xf32, #tpu.memory_space<vmem>>[vector<16xi32>, vector<16xi32>, vector<16xi32>], vector<16xf32>,
        %scatter3A_1463 = arith.constant 0 : i32
        %scatter3A_1464 = arith.constant 0 : i32
        %scatter3A_1465 = arith.constant 0 : i32
        %scatter3A_1466 = arith.constant 0 : i32
        %scatter3A_1467 = arith.constant 0 : i32
        %scatter3A_1468 = tpu.memref_slice %arg7[%scatter3A_1463, %scatter3A_1464, %scatter3A_1465, %scatter3A_1466, %scatter3A_1467] : memref<2x2x8x8x128xf32, #tpu.memory_space<vmem>> -> memref<1x1x8x8x128xf32, #tpu.memory_space<vmem>>
        %scatter3A_1469 = tpu.memref_squeeze %scatter3A_1468 : memref<1x1x8x8x128xf32, #tpu.memory_space<vmem>> -> memref<8x8x128xf32, #tpu.memory_space<vmem>>
        tpu.vector_store_idx %scatter3A_1469[%shift_right_logical3A_1335, %and3A_1338, %add3A_15], %gather3A_1368 : memref<8x8x128xf32, #tpu.memory_space<vmem>>[vector<16xi32>, vector<16xi32>, vector<16xi32>], vector<16xf32>,
        %scatter3A_1470 = arith.constant 0 : i32
        %scatter3A_1471 = arith.constant 0 : i32
        %scatter3A_1472 = arith.constant 0 : i32
        %scatter3A_1473 = arith.constant 0 : i32
        %scatter3A_1474 = arith.constant 0 : i32
        %scatter3A_1475 = tpu.memref_slice %arg7[%scatter3A_1470, %scatter3A_1471, %scatter3A_1472, %scatter3A_1473, %scatter3A_1474] : memref<2x2x8x8x128xf32, #tpu.memory_space<vmem>> -> memref<1x1x8x8x128xf32, #tpu.memory_space<vmem>>
        %scatter3A_1476 = tpu.memref_squeeze %scatter3A_1475 : memref<1x1x8x8x128xf32, #tpu.memory_space<vmem>> -> memref<8x8x128xf32, #tpu.memory_space<vmem>>
        tpu.vector_store_idx %scatter3A_1476[%shift_right_logical3A_1335, %and3A_1338, %add3A_18], %gather3A_1374 : memref<8x8x128xf32, #tpu.memory_space<vmem>>[vector<16xi32>, vector<16xi32>, vector<16xi32>], vector<16xf32>,
        %scatter3A_1477 = arith.constant 0 : i32
        %scatter3A_1478 = arith.constant 0 : i32
        %scatter3A_1479 = arith.constant 0 : i32
        %scatter3A_1480 = arith.constant 0 : i32
        %scatter3A_1481 = arith.constant 0 : i32
        %scatter3A_1482 = tpu.memref_slice %arg7[%scatter3A_1477, %scatter3A_1478, %scatter3A_1479, %scatter3A_1480, %scatter3A_1481] : memref<2x2x8x8x128xf32, #tpu.memory_space<vmem>> -> memref<1x1x8x8x128xf32, #tpu.memory_space<vmem>>
        %scatter3A_1483 = tpu.memref_squeeze %scatter3A_1482 : memref<1x1x8x8x128xf32, #tpu.memory_space<vmem>> -> memref<8x8x128xf32, #tpu.memory_space<vmem>>
        tpu.vector_store_idx %scatter3A_1483[%shift_right_logical3A_1335, %and3A_1338, %add3A_21], %gather3A_1380 : memref<8x8x128xf32, #tpu.memory_space<vmem>>[vector<16xi32>, vector<16xi32>, vector<16xi32>], vector<16xf32>,
        %scatter3A_1484 = arith.constant 0 : i32
        %scatter3A_1485 = arith.constant 0 : i32
        %scatter3A_1486 = arith.constant 0 : i32
        %scatter3A_1487 = arith.constant 0 : i32
        %scatter3A_1488 = arith.constant 0 : i32
        %scatter3A_1489 = tpu.memref_slice %arg7[%scatter3A_1484, %scatter3A_1485, %scatter3A_1486, %scatter3A_1487, %scatter3A_1488] : memref<2x2x8x8x128xf32, #tpu.memory_space<vmem>> -> memref<1x1x8x8x128xf32, #tpu.memory_space<vmem>>
        %scatter3A_1490 = tpu.memref_squeeze %scatter3A_1489 : memref<1x1x8x8x128xf32, #tpu.memory_space<vmem>> -> memref<8x8x128xf32, #tpu.memory_space<vmem>>
        tpu.vector_store_idx %scatter3A_1490[%shift_right_logical3A_1335, %and3A_1338, %add3A_24], %gather3A_1386 : memref<8x8x128xf32, #tpu.memory_space<vmem>>[vector<16xi32>, vector<16xi32>, vector<16xi32>], vector<16xf32>,
        %scatter3A_1491 = arith.constant 0 : i32
        %scatter3A_1492 = arith.constant 1 : i32
        %scatter3A_1493 = arith.constant 0 : i32
        %scatter3A_1494 = arith.constant 0 : i32
        %scatter3A_1495 = arith.constant 0 : i32
        %scatter3A_1496 = tpu.memref_slice %arg7[%scatter3A_1491, %scatter3A_1492, %scatter3A_1493, %scatter3A_1494, %scatter3A_1495] : memref<2x2x8x8x128xf32, #tpu.memory_space<vmem>> -> memref<1x1x8x8x128xf32, #tpu.memory_space<vmem>>
        %scatter3A_1497 = tpu.memref_squeeze %scatter3A_1496 : memref<1x1x8x8x128xf32, #tpu.memory_space<vmem>> -> memref<8x8x128xf32, #tpu.memory_space<vmem>>
        tpu.vector_store_idx %scatter3A_1497[%shift_right_logical3A_1335, %and3A_1338, %add3A_3], %gather3A_1392 : memref<8x8x128xf32, #tpu.memory_space<vmem>>[vector<16xi32>, vector<16xi32>, vector<16xi32>], vector<16xf32>,
        %scatter3A_1498 = arith.constant 0 : i32
        %scatter3A_1499 = arith.constant 1 : i32
        %scatter3A_1500 = arith.constant 0 : i32
        %scatter3A_1501 = arith.constant 0 : i32
        %scatter3A_1502 = arith.constant 0 : i32
        %scatter3A_1503 = tpu.memref_slice %arg7[%scatter3A_1498, %scatter3A_1499, %scatter3A_1500, %scatter3A_1501, %scatter3A_1502] : memref<2x2x8x8x128xf32, #tpu.memory_space<vmem>> -> memref<1x1x8x8x128xf32, #tpu.memory_space<vmem>>
        %scatter3A_1504 = tpu.memref_squeeze %scatter3A_1503 : memref<1x1x8x8x128xf32, #tpu.memory_space<vmem>> -> memref<8x8x128xf32, #tpu.memory_space<vmem>>
        tpu.vector_store_idx %scatter3A_1504[%shift_right_logical3A_1335, %and3A_1338, %add3A_6], %gather3A_1398 : memref<8x8x128xf32, #tpu.memory_space<vmem>>[vector<16xi32>, vector<16xi32>, vector<16xi32>], vector<16xf32>,
        %scatter3A_1505 = arith.constant 0 : i32
        %scatter3A_1506 = arith.constant 1 : i32
        %scatter3A_1507 = arith.constant 0 : i32
        %scatter3A_1508 = arith.constant 0 : i32
        %scatter3A_1509 = arith.constant 0 : i32
        %scatter3A_1510 = tpu.memref_slice %arg7[%scatter3A_1505, %scatter3A_1506, %scatter3A_1507, %scatter3A_1508, %scatter3A_1509] : memref<2x2x8x8x128xf32, #tpu.memory_space<vmem>> -> memref<1x1x8x8x128xf32, #tpu.memory_space<vmem>>
        %scatter3A_1511 = tpu.memref_squeeze %scatter3A_1510 : memref<1x1x8x8x128xf32, #tpu.memory_space<vmem>> -> memref<8x8x128xf32, #tpu.memory_space<vmem>>
        tpu.vector_store_idx %scatter3A_1511[%shift_right_logical3A_1335, %and3A_1338, %add3A_9], %gather3A_1404 : memref<8x8x128xf32, #tpu.memory_space<vmem>>[vector<16xi32>, vector<16xi32>, vector<16xi32>], vector<16xf32>,
        %scatter3A_1512 = arith.constant 0 : i32
        %scatter3A_1513 = arith.constant 1 : i32
        %scatter3A_1514 = arith.constant 0 : i32
        %scatter3A_1515 = arith.constant 0 : i32
        %scatter3A_1516 = arith.constant 0 : i32
        %scatter3A_1517 = tpu.memref_slice %arg7[%scatter3A_1512, %scatter3A_1513, %scatter3A_1514, %scatter3A_1515, %scatter3A_1516] : memref<2x2x8x8x128xf32, #tpu.memory_space<vmem>> -> memref<1x1x8x8x128xf32, #tpu.memory_space<vmem>>
        %scatter3A_1518 = tpu.memref_squeeze %scatter3A_1517 : memref<1x1x8x8x128xf32, #tpu.memory_space<vmem>> -> memref<8x8x128xf32, #tpu.memory_space<vmem>>
        tpu.vector_store_idx %scatter3A_1518[%shift_right_logical3A_1335, %and3A_1338, %add3A_12], %gather3A_1410 : memref<8x8x128xf32, #tpu.memory_space<vmem>>[vector<16xi32>, vector<16xi32>, vector<16xi32>], vector<16xf32>,
        %scatter3A_1519 = arith.constant 0 : i32
        %scatter3A_1520 = arith.constant 1 : i32
        %scatter3A_1521 = arith.constant 0 : i32
        %scatter3A_1522 = arith.constant 0 : i32
        %scatter3A_1523 = arith.constant 0 : i32
        %scatter3A_1524 = tpu.memref_slice %arg7[%scatter3A_1519, %scatter3A_1520, %scatter3A_1521, %scatter3A_1522, %scatter3A_1523] : memref<2x2x8x8x128xf32, #tpu.memory_space<vmem>> -> memref<1x1x8x8x128xf32, #tpu.memory_space<vmem>>
        %scatter3A_1525 = tpu.memref_squeeze %scatter3A_1524 : memref<1x1x8x8x128xf32, #tpu.memory_space<vmem>> -> memref<8x8x128xf32, #tpu.memory_space<vmem>>
        tpu.vector_store_idx %scatter3A_1525[%shift_right_logical3A_1335, %and3A_1338, %add3A_15], %gather3A_1416 : memref<8x8x128xf32, #tpu.memory_space<vmem>>[vector<16xi32>, vector<16xi32>, vector<16xi32>], vector<16xf32>,
        %scatter3A_1526 = arith.constant 0 : i32
        %scatter3A_1527 = arith.constant 1 : i32
        %scatter3A_1528 = arith.constant 0 : i32
        %scatter3A_1529 = arith.constant 0 : i32
        %scatter3A_1530 = arith.constant 0 : i32
        %scatter3A_1531 = tpu.memref_slice %arg7[%scatter3A_1526, %scatter3A_1527, %scatter3A_1528, %scatter3A_1529, %scatter3A_1530] : memref<2x2x8x8x128xf32, #tpu.memory_space<vmem>> -> memref<1x1x8x8x128xf32, #tpu.memory_space<vmem>>
        %scatter3A_1532 = tpu.memref_squeeze %scatter3A_1531 : memref<1x1x8x8x128xf32, #tpu.memory_space<vmem>> -> memref<8x8x128xf32, #tpu.memory_space<vmem>>
        tpu.vector_store_idx %scatter3A_1532[%shift_right_logical3A_1335, %and3A_1338, %add3A_18], %gather3A_1422 : memref<8x8x128xf32, #tpu.memory_space<vmem>>[vector<16xi32>, vector<16xi32>, vector<16xi32>], vector<16xf32>,
        %scatter3A_1533 = arith.constant 0 : i32
        %scatter3A_1534 = arith.constant 1 : i32
        %scatter3A_1535 = arith.constant 0 : i32
        %scatter3A_1536 = arith.constant 0 : i32
        %scatter3A_1537 = arith.constant 0 : i32
        %scatter3A_1538 = tpu.memref_slice %arg7[%scatter3A_1533, %scatter3A_1534, %scatter3A_1535, %scatter3A_1536, %scatter3A_1537] : memref<2x2x8x8x128xf32, #tpu.memory_space<vmem>> -> memref<1x1x8x8x128xf32, #tpu.memory_space<vmem>>
        %scatter3A_1539 = tpu.memref_squeeze %scatter3A_1538 : memref<1x1x8x8x128xf32, #tpu.memory_space<vmem>> -> memref<8x8x128xf32, #tpu.memory_space<vmem>>
        tpu.vector_store_idx %scatter3A_1539[%shift_right_logical3A_1335, %and3A_1338, %add3A_21], %gather3A_1428 : memref<8x8x128xf32, #tpu.memory_space<vmem>>[vector<16xi32>, vector<16xi32>, vector<16xi32>], vector<16xf32>,
        %scatter3A_1540 = arith.constant 0 : i32
        %scatter3A_1541 = arith.constant 1 : i32
        %scatter3A_1542 = arith.constant 0 : i32
        %scatter3A_1543 = arith.constant 0 : i32
        %scatter3A_1544 = arith.constant 0 : i32
        %scatter3A_1545 = tpu.memref_slice %arg7[%scatter3A_1540, %scatter3A_1541, %scatter3A_1542, %scatter3A_1543, %scatter3A_1544] : memref<2x2x8x8x128xf32, #tpu.memory_space<vmem>> -> memref<1x1x8x8x128xf32, #tpu.memory_space<vmem>>
        %scatter3A_1546 = tpu.memref_squeeze %scatter3A_1545 : memref<1x1x8x8x128xf32, #tpu.memory_space<vmem>> -> memref<8x8x128xf32, #tpu.memory_space<vmem>>
        tpu.vector_store_idx %scatter3A_1546[%shift_right_logical3A_1335, %and3A_1338, %add3A_24], %gather3A_1434 : memref<8x8x128xf32, #tpu.memory_space<vmem>>[vector<16xi32>, vector<16xi32>, vector<16xi32>], vector<16xf32>,
        %mul3A_1547 = arith.constant 4 : i32
        %mul3A_1548 = arith.muli %scan3A_880, %mul3A_1547 : i32
        %add3A_1549 = arith.constant 3 : i32
        %add3A_1550 = arith.addi %mul3A_1548, %add3A_1549 : i32
        %add3A_1551 = vector.broadcast %add3A_1550 : i32 to vector<16xi32>
        %add3A_1552 = arith.addi %iota3A, %add3A_1551 : vector<16xi32>
        %and3A_1553 = arith.constant 63 : i32
        %and3A_1554 = vector.broadcast %and3A_1553 : i32 to vector<16xi32>
        %and3A_1555 = arith.andi %add3A_1552, %and3A_1554 : vector<16xi32>
        %shift_right_logical3A_1556 = arith.constant 3 : i32
        %shift_right_logical3A_1557 = vector.broadcast %shift_right_logical3A_1556 : i32 to vector<16xi32>
        %shift_right_logical3A_1558 = arith.shrui %and3A_1555, %shift_right_logical3A_1557 : vector<16xi32>
        %and3A_1559 = arith.constant 7 : i32
        %and3A_1560 = vector.broadcast %and3A_1559 : i32 to vector<16xi32>
        %and3A_1561 = arith.andi %and3A_1555, %and3A_1560 : vector<16xi32>
        %gather3A_1562 = arith.constant 0 : i32
        %gather3A_1563 = arith.constant 0 : i32
        %gather3A_1564 = arith.constant 0 : i32
        %gather3A_1565 = tpu.memref_slice %arg6[%scan3A_640, %gather3A_1562, %gather3A_1563, %gather3A_1564] : memref<2x2x128x128xf32, #tpu.memory_space<vmem>> -> memref<1x2x128x128xf32, #tpu.memory_space<vmem>>
        %gather3A_1566 = tpu.memref_squeeze %gather3A_1565 : memref<1x2x128x128xf32, #tpu.memory_space<vmem>> -> memref<2x128x128xf32, #tpu.memory_space<vmem>>
        %gather3A_1567 = tpu.vector_load_idx %gather3A_1566[%broadcast_in_dim3A_25, %add3A_3, %and3A_1555] : memref<2x128x128xf32, #tpu.memory_space<vmem>>[vector<16xi32>, vector<16xi32>, vector<16xi32>], vector<16xf32>,
        %gather3A_1568 = arith.constant 0 : i32
        %gather3A_1569 = arith.constant 0 : i32
        %gather3A_1570 = arith.constant 0 : i32
        %gather3A_1571 = tpu.memref_slice %arg6[%scan3A_640, %gather3A_1568, %gather3A_1569, %gather3A_1570] : memref<2x2x128x128xf32, #tpu.memory_space<vmem>> -> memref<1x2x128x128xf32, #tpu.memory_space<vmem>>
        %gather3A_1572 = tpu.memref_squeeze %gather3A_1571 : memref<1x2x128x128xf32, #tpu.memory_space<vmem>> -> memref<2x128x128xf32, #tpu.memory_space<vmem>>
        %gather3A_1573 = tpu.vector_load_idx %gather3A_1572[%broadcast_in_dim3A_25, %add3A_6, %and3A_1555] : memref<2x128x128xf32, #tpu.memory_space<vmem>>[vector<16xi32>, vector<16xi32>, vector<16xi32>], vector<16xf32>,
        %gather3A_1574 = arith.constant 0 : i32
        %gather3A_1575 = arith.constant 0 : i32
        %gather3A_1576 = arith.constant 0 : i32
        %gather3A_1577 = tpu.memref_slice %arg6[%scan3A_640, %gather3A_1574, %gather3A_1575, %gather3A_1576] : memref<2x2x128x128xf32, #tpu.memory_space<vmem>> -> memref<1x2x128x128xf32, #tpu.memory_space<vmem>>
        %gather3A_1578 = tpu.memref_squeeze %gather3A_1577 : memref<1x2x128x128xf32, #tpu.memory_space<vmem>> -> memref<2x128x128xf32, #tpu.memory_space<vmem>>
        %gather3A_1579 = tpu.vector_load_idx %gather3A_1578[%broadcast_in_dim3A_25, %add3A_9, %and3A_1555] : memref<2x128x128xf32, #tpu.memory_space<vmem>>[vector<16xi32>, vector<16xi32>, vector<16xi32>], vector<16xf32>,
        %gather3A_1580 = arith.constant 0 : i32
        %gather3A_1581 = arith.constant 0 : i32
        %gather3A_1582 = arith.constant 0 : i32
        %gather3A_1583 = tpu.memref_slice %arg6[%scan3A_640, %gather3A_1580, %gather3A_1581, %gather3A_1582] : memref<2x2x128x128xf32, #tpu.memory_space<vmem>> -> memref<1x2x128x128xf32, #tpu.memory_space<vmem>>
        %gather3A_1584 = tpu.memref_squeeze %gather3A_1583 : memref<1x2x128x128xf32, #tpu.memory_space<vmem>> -> memref<2x128x128xf32, #tpu.memory_space<vmem>>
        %gather3A_1585 = tpu.vector_load_idx %gather3A_1584[%broadcast_in_dim3A_25, %add3A_12, %and3A_1555] : memref<2x128x128xf32, #tpu.memory_space<vmem>>[vector<16xi32>, vector<16xi32>, vector<16xi32>], vector<16xf32>,
        %gather3A_1586 = arith.constant 0 : i32
        %gather3A_1587 = arith.constant 0 : i32
        %gather3A_1588 = arith.constant 0 : i32
        %gather3A_1589 = tpu.memref_slice %arg6[%scan3A_640, %gather3A_1586, %gather3A_1587, %gather3A_1588] : memref<2x2x128x128xf32, #tpu.memory_space<vmem>> -> memref<1x2x128x128xf32, #tpu.memory_space<vmem>>
        %gather3A_1590 = tpu.memref_squeeze %gather3A_1589 : memref<1x2x128x128xf32, #tpu.memory_space<vmem>> -> memref<2x128x128xf32, #tpu.memory_space<vmem>>
        %gather3A_1591 = tpu.vector_load_idx %gather3A_1590[%broadcast_in_dim3A_25, %add3A_15, %and3A_1555] : memref<2x128x128xf32, #tpu.memory_space<vmem>>[vector<16xi32>, vector<16xi32>, vector<16xi32>], vector<16xf32>,
        %gather3A_1592 = arith.constant 0 : i32
        %gather3A_1593 = arith.constant 0 : i32
        %gather3A_1594 = arith.constant 0 : i32
        %gather3A_1595 = tpu.memref_slice %arg6[%scan3A_640, %gather3A_1592, %gather3A_1593, %gather3A_1594] : memref<2x2x128x128xf32, #tpu.memory_space<vmem>> -> memref<1x2x128x128xf32, #tpu.memory_space<vmem>>
        %gather3A_1596 = tpu.memref_squeeze %gather3A_1595 : memref<1x2x128x128xf32, #tpu.memory_space<vmem>> -> memref<2x128x128xf32, #tpu.memory_space<vmem>>
        %gather3A_1597 = tpu.vector_load_idx %gather3A_1596[%broadcast_in_dim3A_25, %add3A_18, %and3A_1555] : memref<2x128x128xf32, #tpu.memory_space<vmem>>[vector<16xi32>, vector<16xi32>, vector<16xi32>], vector<16xf32>,
        %gather3A_1598 = arith.constant 0 : i32
        %gather3A_1599 = arith.constant 0 : i32
        %gather3A_1600 = arith.constant 0 : i32
        %gather3A_1601 = tpu.memref_slice %arg6[%scan3A_640, %gather3A_1598, %gather3A_1599, %gather3A_1600] : memref<2x2x128x128xf32, #tpu.memory_space<vmem>> -> memref<1x2x128x128xf32, #tpu.memory_space<vmem>>
        %gather3A_1602 = tpu.memref_squeeze %gather3A_1601 : memref<1x2x128x128xf32, #tpu.memory_space<vmem>> -> memref<2x128x128xf32, #tpu.memory_space<vmem>>
        %gather3A_1603 = tpu.vector_load_idx %gather3A_1602[%broadcast_in_dim3A_25, %add3A_21, %and3A_1555] : memref<2x128x128xf32, #tpu.memory_space<vmem>>[vector<16xi32>, vector<16xi32>, vector<16xi32>], vector<16xf32>,
        %gather3A_1604 = arith.constant 0 : i32
        %gather3A_1605 = arith.constant 0 : i32
        %gather3A_1606 = arith.constant 0 : i32
        %gather3A_1607 = tpu.memref_slice %arg6[%scan3A_640, %gather3A_1604, %gather3A_1605, %gather3A_1606] : memref<2x2x128x128xf32, #tpu.memory_space<vmem>> -> memref<1x2x128x128xf32, #tpu.memory_space<vmem>>
        %gather3A_1608 = tpu.memref_squeeze %gather3A_1607 : memref<1x2x128x128xf32, #tpu.memory_space<vmem>> -> memref<2x128x128xf32, #tpu.memory_space<vmem>>
        %gather3A_1609 = tpu.vector_load_idx %gather3A_1608[%broadcast_in_dim3A_25, %add3A_24, %and3A_1555] : memref<2x128x128xf32, #tpu.memory_space<vmem>>[vector<16xi32>, vector<16xi32>, vector<16xi32>], vector<16xf32>,
        %gather3A_1610 = arith.constant 0 : i32
        %gather3A_1611 = arith.constant 0 : i32
        %gather3A_1612 = arith.constant 0 : i32
        %gather3A_1613 = tpu.memref_slice %arg6[%scan3A_640, %gather3A_1610, %gather3A_1611, %gather3A_1612] : memref<2x2x128x128xf32, #tpu.memory_space<vmem>> -> memref<1x2x128x128xf32, #tpu.memory_space<vmem>>
        %gather3A_1614 = tpu.memref_squeeze %gather3A_1613 : memref<1x2x128x128xf32, #tpu.memory_space<vmem>> -> memref<2x128x128xf32, #tpu.memory_space<vmem>>
        %gather3A_1615 = tpu.vector_load_idx %gather3A_1614[%broadcast_in_dim3A_27, %add3A_3, %and3A_1555] : memref<2x128x128xf32, #tpu.memory_space<vmem>>[vector<16xi32>, vector<16xi32>, vector<16xi32>], vector<16xf32>,
        %gather3A_1616 = arith.constant 0 : i32
        %gather3A_1617 = arith.constant 0 : i32
        %gather3A_1618 = arith.constant 0 : i32
        %gather3A_1619 = tpu.memref_slice %arg6[%scan3A_640, %gather3A_1616, %gather3A_1617, %gather3A_1618] : memref<2x2x128x128xf32, #tpu.memory_space<vmem>> -> memref<1x2x128x128xf32, #tpu.memory_space<vmem>>
        %gather3A_1620 = tpu.memref_squeeze %gather3A_1619 : memref<1x2x128x128xf32, #tpu.memory_space<vmem>> -> memref<2x128x128xf32, #tpu.memory_space<vmem>>
        %gather3A_1621 = tpu.vector_load_idx %gather3A_1620[%broadcast_in_dim3A_27, %add3A_6, %and3A_1555] : memref<2x128x128xf32, #tpu.memory_space<vmem>>[vector<16xi32>, vector<16xi32>, vector<16xi32>], vector<16xf32>,
        %gather3A_1622 = arith.constant 0 : i32
        %gather3A_1623 = arith.constant 0 : i32
        %gather3A_1624 = arith.constant 0 : i32
        %gather3A_1625 = tpu.memref_slice %arg6[%scan3A_640, %gather3A_1622, %gather3A_1623, %gather3A_1624] : memref<2x2x128x128xf32, #tpu.memory_space<vmem>> -> memref<1x2x128x128xf32, #tpu.memory_space<vmem>>
        %gather3A_1626 = tpu.memref_squeeze %gather3A_1625 : memref<1x2x128x128xf32, #tpu.memory_space<vmem>> -> memref<2x128x128xf32, #tpu.memory_space<vmem>>
        %gather3A_1627 = tpu.vector_load_idx %gather3A_1626[%broadcast_in_dim3A_27, %add3A_9, %and3A_1555] : memref<2x128x128xf32, #tpu.memory_space<vmem>>[vector<16xi32>, vector<16xi32>, vector<16xi32>], vector<16xf32>,
        %gather3A_1628 = arith.constant 0 : i32
        %gather3A_1629 = arith.constant 0 : i32
        %gather3A_1630 = arith.constant 0 : i32
        %gather3A_1631 = tpu.memref_slice %arg6[%scan3A_640, %gather3A_1628, %gather3A_1629, %gather3A_1630] : memref<2x2x128x128xf32, #tpu.memory_space<vmem>> -> memref<1x2x128x128xf32, #tpu.memory_space<vmem>>
        %gather3A_1632 = tpu.memref_squeeze %gather3A_1631 : memref<1x2x128x128xf32, #tpu.memory_space<vmem>> -> memref<2x128x128xf32, #tpu.memory_space<vmem>>
        %gather3A_1633 = tpu.vector_load_idx %gather3A_1632[%broadcast_in_dim3A_27, %add3A_12, %and3A_1555] : memref<2x128x128xf32, #tpu.memory_space<vmem>>[vector<16xi32>, vector<16xi32>, vector<16xi32>], vector<16xf32>,
        %gather3A_1634 = arith.constant 0 : i32
        %gather3A_1635 = arith.constant 0 : i32
        %gather3A_1636 = arith.constant 0 : i32
        %gather3A_1637 = tpu.memref_slice %arg6[%scan3A_640, %gather3A_1634, %gather3A_1635, %gather3A_1636] : memref<2x2x128x128xf32, #tpu.memory_space<vmem>> -> memref<1x2x128x128xf32, #tpu.memory_space<vmem>>
        %gather3A_1638 = tpu.memref_squeeze %gather3A_1637 : memref<1x2x128x128xf32, #tpu.memory_space<vmem>> -> memref<2x128x128xf32, #tpu.memory_space<vmem>>
        %gather3A_1639 = tpu.vector_load_idx %gather3A_1638[%broadcast_in_dim3A_27, %add3A_15, %and3A_1555] : memref<2x128x128xf32, #tpu.memory_space<vmem>>[vector<16xi32>, vector<16xi32>, vector<16xi32>], vector<16xf32>,
        %gather3A_1640 = arith.constant 0 : i32
        %gather3A_1641 = arith.constant 0 : i32
        %gather3A_1642 = arith.constant 0 : i32
        %gather3A_1643 = tpu.memref_slice %arg6[%scan3A_640, %gather3A_1640, %gather3A_1641, %gather3A_1642] : memref<2x2x128x128xf32, #tpu.memory_space<vmem>> -> memref<1x2x128x128xf32, #tpu.memory_space<vmem>>
        %gather3A_1644 = tpu.memref_squeeze %gather3A_1643 : memref<1x2x128x128xf32, #tpu.memory_space<vmem>> -> memref<2x128x128xf32, #tpu.memory_space<vmem>>
        %gather3A_1645 = tpu.vector_load_idx %gather3A_1644[%broadcast_in_dim3A_27, %add3A_18, %and3A_1555] : memref<2x128x128xf32, #tpu.memory_space<vmem>>[vector<16xi32>, vector<16xi32>, vector<16xi32>], vector<16xf32>,
        %gather3A_1646 = arith.constant 0 : i32
        %gather3A_1647 = arith.constant 0 : i32
        %gather3A_1648 = arith.constant 0 : i32
        %gather3A_1649 = tpu.memref_slice %arg6[%scan3A_640, %gather3A_1646, %gather3A_1647, %gather3A_1648] : memref<2x2x128x128xf32, #tpu.memory_space<vmem>> -> memref<1x2x128x128xf32, #tpu.memory_space<vmem>>
        %gather3A_1650 = tpu.memref_squeeze %gather3A_1649 : memref<1x2x128x128xf32, #tpu.memory_space<vmem>> -> memref<2x128x128xf32, #tpu.memory_space<vmem>>
        %gather3A_1651 = tpu.vector_load_idx %gather3A_1650[%broadcast_in_dim3A_27, %add3A_21, %and3A_1555] : memref<2x128x128xf32, #tpu.memory_space<vmem>>[vector<16xi32>, vector<16xi32>, vector<16xi32>], vector<16xf32>,
        %gather3A_1652 = arith.constant 0 : i32
        %gather3A_1653 = arith.constant 0 : i32
        %gather3A_1654 = arith.constant 0 : i32
        %gather3A_1655 = tpu.memref_slice %arg6[%scan3A_640, %gather3A_1652, %gather3A_1653, %gather3A_1654] : memref<2x2x128x128xf32, #tpu.memory_space<vmem>> -> memref<1x2x128x128xf32, #tpu.memory_space<vmem>>
        %gather3A_1656 = tpu.memref_squeeze %gather3A_1655 : memref<1x2x128x128xf32, #tpu.memory_space<vmem>> -> memref<2x128x128xf32, #tpu.memory_space<vmem>>
        %gather3A_1657 = tpu.vector_load_idx %gather3A_1656[%broadcast_in_dim3A_27, %add3A_24, %and3A_1555] : memref<2x128x128xf32, #tpu.memory_space<vmem>>[vector<16xi32>, vector<16xi32>, vector<16xi32>], vector<16xf32>,
        %scatter3A_1658 = arith.constant 0 : i32
        %scatter3A_1659 = arith.constant 0 : i32
        %scatter3A_1660 = arith.constant 0 : i32
        %scatter3A_1661 = arith.constant 0 : i32
        %scatter3A_1662 = arith.constant 0 : i32
        %scatter3A_1663 = tpu.memref_slice %arg7[%scatter3A_1658, %scatter3A_1659, %scatter3A_1660, %scatter3A_1661, %scatter3A_1662] : memref<2x2x8x8x128xf32, #tpu.memory_space<vmem>> -> memref<1x1x8x8x128xf32, #tpu.memory_space<vmem>>
        %scatter3A_1664 = tpu.memref_squeeze %scatter3A_1663 : memref<1x1x8x8x128xf32, #tpu.memory_space<vmem>> -> memref<8x8x128xf32, #tpu.memory_space<vmem>>
        tpu.vector_store_idx %scatter3A_1664[%shift_right_logical3A_1558, %and3A_1561, %add3A_3], %gather3A_1567 : memref<8x8x128xf32, #tpu.memory_space<vmem>>[vector<16xi32>, vector<16xi32>, vector<16xi32>], vector<16xf32>,
        %scatter3A_1665 = arith.constant 0 : i32
        %scatter3A_1666 = arith.constant 0 : i32
        %scatter3A_1667 = arith.constant 0 : i32
        %scatter3A_1668 = arith.constant 0 : i32
        %scatter3A_1669 = arith.constant 0 : i32
        %scatter3A_1670 = tpu.memref_slice %arg7[%scatter3A_1665, %scatter3A_1666, %scatter3A_1667, %scatter3A_1668, %scatter3A_1669] : memref<2x2x8x8x128xf32, #tpu.memory_space<vmem>> -> memref<1x1x8x8x128xf32, #tpu.memory_space<vmem>>
        %scatter3A_1671 = tpu.memref_squeeze %scatter3A_1670 : memref<1x1x8x8x128xf32, #tpu.memory_space<vmem>> -> memref<8x8x128xf32, #tpu.memory_space<vmem>>
        tpu.vector_store_idx %scatter3A_1671[%shift_right_logical3A_1558, %and3A_1561, %add3A_6], %gather3A_1573 : memref<8x8x128xf32, #tpu.memory_space<vmem>>[vector<16xi32>, vector<16xi32>, vector<16xi32>], vector<16xf32>,
        %scatter3A_1672 = arith.constant 0 : i32
        %scatter3A_1673 = arith.constant 0 : i32
        %scatter3A_1674 = arith.constant 0 : i32
        %scatter3A_1675 = arith.constant 0 : i32
        %scatter3A_1676 = arith.constant 0 : i32
        %scatter3A_1677 = tpu.memref_slice %arg7[%scatter3A_1672, %scatter3A_1673, %scatter3A_1674, %scatter3A_1675, %scatter3A_1676] : memref<2x2x8x8x128xf32, #tpu.memory_space<vmem>> -> memref<1x1x8x8x128xf32, #tpu.memory_space<vmem>>
        %scatter3A_1678 = tpu.memref_squeeze %scatter3A_1677 : memref<1x1x8x8x128xf32, #tpu.memory_space<vmem>> -> memref<8x8x128xf32, #tpu.memory_space<vmem>>
        tpu.vector_store_idx %scatter3A_1678[%shift_right_logical3A_1558, %and3A_1561, %add3A_9], %gather3A_1579 : memref<8x8x128xf32, #tpu.memory_space<vmem>>[vector<16xi32>, vector<16xi32>, vector<16xi32>], vector<16xf32>,
        %scatter3A_1679 = arith.constant 0 : i32
        %scatter3A_1680 = arith.constant 0 : i32
        %scatter3A_1681 = arith.constant 0 : i32
        %scatter3A_1682 = arith.constant 0 : i32
        %scatter3A_1683 = arith.constant 0 : i32
        %scatter3A_1684 = tpu.memref_slice %arg7[%scatter3A_1679, %scatter3A_1680, %scatter3A_1681, %scatter3A_1682, %scatter3A_1683] : memref<2x2x8x8x128xf32, #tpu.memory_space<vmem>> -> memref<1x1x8x8x128xf32, #tpu.memory_space<vmem>>
        %scatter3A_1685 = tpu.memref_squeeze %scatter3A_1684 : memref<1x1x8x8x128xf32, #tpu.memory_space<vmem>> -> memref<8x8x128xf32, #tpu.memory_space<vmem>>
        tpu.vector_store_idx %scatter3A_1685[%shift_right_logical3A_1558, %and3A_1561, %add3A_12], %gather3A_1585 : memref<8x8x128xf32, #tpu.memory_space<vmem>>[vector<16xi32>, vector<16xi32>, vector<16xi32>], vector<16xf32>,
        %scatter3A_1686 = arith.constant 0 : i32
        %scatter3A_1687 = arith.constant 0 : i32
        %scatter3A_1688 = arith.constant 0 : i32
        %scatter3A_1689 = arith.constant 0 : i32
        %scatter3A_1690 = arith.constant 0 : i32
        %scatter3A_1691 = tpu.memref_slice %arg7[%scatter3A_1686, %scatter3A_1687, %scatter3A_1688, %scatter3A_1689, %scatter3A_1690] : memref<2x2x8x8x128xf32, #tpu.memory_space<vmem>> -> memref<1x1x8x8x128xf32, #tpu.memory_space<vmem>>
        %scatter3A_1692 = tpu.memref_squeeze %scatter3A_1691 : memref<1x1x8x8x128xf32, #tpu.memory_space<vmem>> -> memref<8x8x128xf32, #tpu.memory_space<vmem>>
        tpu.vector_store_idx %scatter3A_1692[%shift_right_logical3A_1558, %and3A_1561, %add3A_15], %gather3A_1591 : memref<8x8x128xf32, #tpu.memory_space<vmem>>[vector<16xi32>, vector<16xi32>, vector<16xi32>], vector<16xf32>,
        %scatter3A_1693 = arith.constant 0 : i32
        %scatter3A_1694 = arith.constant 0 : i32
        %scatter3A_1695 = arith.constant 0 : i32
        %scatter3A_1696 = arith.constant 0 : i32
        %scatter3A_1697 = arith.constant 0 : i32
        %scatter3A_1698 = tpu.memref_slice %arg7[%scatter3A_1693, %scatter3A_1694, %scatter3A_1695, %scatter3A_1696, %scatter3A_1697] : memref<2x2x8x8x128xf32, #tpu.memory_space<vmem>> -> memref<1x1x8x8x128xf32, #tpu.memory_space<vmem>>
        %scatter3A_1699 = tpu.memref_squeeze %scatter3A_1698 : memref<1x1x8x8x128xf32, #tpu.memory_space<vmem>> -> memref<8x8x128xf32, #tpu.memory_space<vmem>>
        tpu.vector_store_idx %scatter3A_1699[%shift_right_logical3A_1558, %and3A_1561, %add3A_18], %gather3A_1597 : memref<8x8x128xf32, #tpu.memory_space<vmem>>[vector<16xi32>, vector<16xi32>, vector<16xi32>], vector<16xf32>,
        %scatter3A_1700 = arith.constant 0 : i32
        %scatter3A_1701 = arith.constant 0 : i32
        %scatter3A_1702 = arith.constant 0 : i32
        %scatter3A_1703 = arith.constant 0 : i32
        %scatter3A_1704 = arith.constant 0 : i32
        %scatter3A_1705 = tpu.memref_slice %arg7[%scatter3A_1700, %scatter3A_1701, %scatter3A_1702, %scatter3A_1703, %scatter3A_1704] : memref<2x2x8x8x128xf32, #tpu.memory_space<vmem>> -> memref<1x1x8x8x128xf32, #tpu.memory_space<vmem>>
        %scatter3A_1706 = tpu.memref_squeeze %scatter3A_1705 : memref<1x1x8x8x128xf32, #tpu.memory_space<vmem>> -> memref<8x8x128xf32, #tpu.memory_space<vmem>>
        tpu.vector_store_idx %scatter3A_1706[%shift_right_logical3A_1558, %and3A_1561, %add3A_21], %gather3A_1603 : memref<8x8x128xf32, #tpu.memory_space<vmem>>[vector<16xi32>, vector<16xi32>, vector<16xi32>], vector<16xf32>,
        %scatter3A_1707 = arith.constant 0 : i32
        %scatter3A_1708 = arith.constant 0 : i32
        %scatter3A_1709 = arith.constant 0 : i32
        %scatter3A_1710 = arith.constant 0 : i32
        %scatter3A_1711 = arith.constant 0 : i32
        %scatter3A_1712 = tpu.memref_slice %arg7[%scatter3A_1707, %scatter3A_1708, %scatter3A_1709, %scatter3A_1710, %scatter3A_1711] : memref<2x2x8x8x128xf32, #tpu.memory_space<vmem>> -> memref<1x1x8x8x128xf32, #tpu.memory_space<vmem>>
        %scatter3A_1713 = tpu.memref_squeeze %scatter3A_1712 : memref<1x1x8x8x128xf32, #tpu.memory_space<vmem>> -> memref<8x8x128xf32, #tpu.memory_space<vmem>>
        tpu.vector_store_idx %scatter3A_1713[%shift_right_logical3A_1558, %and3A_1561, %add3A_24], %gather3A_1609 : memref<8x8x128xf32, #tpu.memory_space<vmem>>[vector<16xi32>, vector<16xi32>, vector<16xi32>], vector<16xf32>,
        %scatter3A_1714 = arith.constant 0 : i32
        %scatter3A_1715 = arith.constant 1 : i32
        %scatter3A_1716 = arith.constant 0 : i32
        %scatter3A_1717 = arith.constant 0 : i32
        %scatter3A_1718 = arith.constant 0 : i32
        %scatter3A_1719 = tpu.memref_slice %arg7[%scatter3A_1714, %scatter3A_1715, %scatter3A_1716, %scatter3A_1717, %scatter3A_1718] : memref<2x2x8x8x128xf32, #tpu.memory_space<vmem>> -> memref<1x1x8x8x128xf32, #tpu.memory_space<vmem>>
        %scatter3A_1720 = tpu.memref_squeeze %scatter3A_1719 : memref<1x1x8x8x128xf32, #tpu.memory_space<vmem>> -> memref<8x8x128xf32, #tpu.memory_space<vmem>>
        tpu.vector_store_idx %scatter3A_1720[%shift_right_logical3A_1558, %and3A_1561, %add3A_3], %gather3A_1615 : memref<8x8x128xf32, #tpu.memory_space<vmem>>[vector<16xi32>, vector<16xi32>, vector<16xi32>], vector<16xf32>,
        %scatter3A_1721 = arith.constant 0 : i32
        %scatter3A_1722 = arith.constant 1 : i32
        %scatter3A_1723 = arith.constant 0 : i32
        %scatter3A_1724 = arith.constant 0 : i32
        %scatter3A_1725 = arith.constant 0 : i32
        %scatter3A_1726 = tpu.memref_slice %arg7[%scatter3A_1721, %scatter3A_1722, %scatter3A_1723, %scatter3A_1724, %scatter3A_1725] : memref<2x2x8x8x128xf32, #tpu.memory_space<vmem>> -> memref<1x1x8x8x128xf32, #tpu.memory_space<vmem>>
        %scatter3A_1727 = tpu.memref_squeeze %scatter3A_1726 : memref<1x1x8x8x128xf32, #tpu.memory_space<vmem>> -> memref<8x8x128xf32, #tpu.memory_space<vmem>>
        tpu.vector_store_idx %scatter3A_1727[%shift_right_logical3A_1558, %and3A_1561, %add3A_6], %gather3A_1621 : memref<8x8x128xf32, #tpu.memory_space<vmem>>[vector<16xi32>, vector<16xi32>, vector<16xi32>], vector<16xf32>,
        %scatter3A_1728 = arith.constant 0 : i32
        %scatter3A_1729 = arith.constant 1 : i32
        %scatter3A_1730 = arith.constant 0 : i32
        %scatter3A_1731 = arith.constant 0 : i32
        %scatter3A_1732 = arith.constant 0 : i32
        %scatter3A_1733 = tpu.memref_slice %arg7[%scatter3A_1728, %scatter3A_1729, %scatter3A_1730, %scatter3A_1731, %scatter3A_1732] : memref<2x2x8x8x128xf32, #tpu.memory_space<vmem>> -> memref<1x1x8x8x128xf32, #tpu.memory_space<vmem>>
        %scatter3A_1734 = tpu.memref_squeeze %scatter3A_1733 : memref<1x1x8x8x128xf32, #tpu.memory_space<vmem>> -> memref<8x8x128xf32, #tpu.memory_space<vmem>>
        tpu.vector_store_idx %scatter3A_1734[%shift_right_logical3A_1558, %and3A_1561, %add3A_9], %gather3A_1627 : memref<8x8x128xf32, #tpu.memory_space<vmem>>[vector<16xi32>, vector<16xi32>, vector<16xi32>], vector<16xf32>,
        %scatter3A_1735 = arith.constant 0 : i32
        %scatter3A_1736 = arith.constant 1 : i32
        %scatter3A_1737 = arith.constant 0 : i32
        %scatter3A_1738 = arith.constant 0 : i32
        %scatter3A_1739 = arith.constant 0 : i32
        %scatter3A_1740 = tpu.memref_slice %arg7[%scatter3A_1735, %scatter3A_1736, %scatter3A_1737, %scatter3A_1738, %scatter3A_1739] : memref<2x2x8x8x128xf32, #tpu.memory_space<vmem>> -> memref<1x1x8x8x128xf32, #tpu.memory_space<vmem>>
        %scatter3A_1741 = tpu.memref_squeeze %scatter3A_1740 : memref<1x1x8x8x128xf32, #tpu.memory_space<vmem>> -> memref<8x8x128xf32, #tpu.memory_space<vmem>>
        tpu.vector_store_idx %scatter3A_1741[%shift_right_logical3A_1558, %and3A_1561, %add3A_12], %gather3A_1633 : memref<8x8x128xf32, #tpu.memory_space<vmem>>[vector<16xi32>, vector<16xi32>, vector<16xi32>], vector<16xf32>,
        %scatter3A_1742 = arith.constant 0 : i32
        %scatter3A_1743 = arith.constant 1 : i32
        %scatter3A_1744 = arith.constant 0 : i32
        %scatter3A_1745 = arith.constant 0 : i32
        %scatter3A_1746 = arith.constant 0 : i32
        %scatter3A_1747 = tpu.memref_slice %arg7[%scatter3A_1742, %scatter3A_1743, %scatter3A_1744, %scatter3A_1745, %scatter3A_1746] : memref<2x2x8x8x128xf32, #tpu.memory_space<vmem>> -> memref<1x1x8x8x128xf32, #tpu.memory_space<vmem>>
        %scatter3A_1748 = tpu.memref_squeeze %scatter3A_1747 : memref<1x1x8x8x128xf32, #tpu.memory_space<vmem>> -> memref<8x8x128xf32, #tpu.memory_space<vmem>>
        tpu.vector_store_idx %scatter3A_1748[%shift_right_logical3A_1558, %and3A_1561, %add3A_15], %gather3A_1639 : memref<8x8x128xf32, #tpu.memory_space<vmem>>[vector<16xi32>, vector<16xi32>, vector<16xi32>], vector<16xf32>,
        %scatter3A_1749 = arith.constant 0 : i32
        %scatter3A_1750 = arith.constant 1 : i32
        %scatter3A_1751 = arith.constant 0 : i32
        %scatter3A_1752 = arith.constant 0 : i32
        %scatter3A_1753 = arith.constant 0 : i32
        %scatter3A_1754 = tpu.memref_slice %arg7[%scatter3A_1749, %scatter3A_1750, %scatter3A_1751, %scatter3A_1752, %scatter3A_1753] : memref<2x2x8x8x128xf32, #tpu.memory_space<vmem>> -> memref<1x1x8x8x128xf32, #tpu.memory_space<vmem>>
        %scatter3A_1755 = tpu.memref_squeeze %scatter3A_1754 : memref<1x1x8x8x128xf32, #tpu.memory_space<vmem>> -> memref<8x8x128xf32, #tpu.memory_space<vmem>>
        tpu.vector_store_idx %scatter3A_1755[%shift_right_logical3A_1558, %and3A_1561, %add3A_18], %gather3A_1645 : memref<8x8x128xf32, #tpu.memory_space<vmem>>[vector<16xi32>, vector<16xi32>, vector<16xi32>], vector<16xf32>,
        %scatter3A_1756 = arith.constant 0 : i32
        %scatter3A_1757 = arith.constant 1 : i32
        %scatter3A_1758 = arith.constant 0 : i32
        %scatter3A_1759 = arith.constant 0 : i32
        %scatter3A_1760 = arith.constant 0 : i32
        %scatter3A_1761 = tpu.memref_slice %arg7[%scatter3A_1756, %scatter3A_1757, %scatter3A_1758, %scatter3A_1759, %scatter3A_1760] : memref<2x2x8x8x128xf32, #tpu.memory_space<vmem>> -> memref<1x1x8x8x128xf32, #tpu.memory_space<vmem>>
        %scatter3A_1762 = tpu.memref_squeeze %scatter3A_1761 : memref<1x1x8x8x128xf32, #tpu.memory_space<vmem>> -> memref<8x8x128xf32, #tpu.memory_space<vmem>>
        tpu.vector_store_idx %scatter3A_1762[%shift_right_logical3A_1558, %and3A_1561, %add3A_21], %gather3A_1651 : memref<8x8x128xf32, #tpu.memory_space<vmem>>[vector<16xi32>, vector<16xi32>, vector<16xi32>], vector<16xf32>,
        %scatter3A_1763 = arith.constant 0 : i32
        %scatter3A_1764 = arith.constant 1 : i32
        %scatter3A_1765 = arith.constant 0 : i32
        %scatter3A_1766 = arith.constant 0 : i32
        %scatter3A_1767 = arith.constant 0 : i32
        %scatter3A_1768 = tpu.memref_slice %arg7[%scatter3A_1763, %scatter3A_1764, %scatter3A_1765, %scatter3A_1766, %scatter3A_1767] : memref<2x2x8x8x128xf32, #tpu.memory_space<vmem>> -> memref<1x1x8x8x128xf32, #tpu.memory_space<vmem>>
        %scatter3A_1769 = tpu.memref_squeeze %scatter3A_1768 : memref<1x1x8x8x128xf32, #tpu.memory_space<vmem>> -> memref<8x8x128xf32, #tpu.memory_space<vmem>>
        tpu.vector_store_idx %scatter3A_1769[%shift_right_logical3A_1558, %and3A_1561, %add3A_24], %gather3A_1657 : memref<8x8x128xf32, #tpu.memory_space<vmem>>[vector<16xi32>, vector<16xi32>, vector<16xi32>], vector<16xf32>,
      }
      %scan3A_645 = arith.constant 16 : i32
      %mul3A_646 = arith.constant 2 : i32
      %mul3A_647 = arith.muli %mul3A_646, %select_n3A_568 : i32
      %add3A_648 = arith.constant 0 : i32
      %add3A_649 = arith.addi %mul3A_647, %add3A_648 : i32
      %dma_start3A_650 = arith.constant 0 : i32
      %dma_start3A_651 = arith.constant 0 : i32
      %dma_start3A_652 = arith.constant 0 : i32
      %dma_start3A_653 = arith.constant 0 : i32
      %dma_start3A_654 = arith.constant 0 : i32
      %dma_start3A_655 = tpu.memref_slice %arg7[%dma_start3A_650, %dma_start3A_651, %dma_start3A_652, %dma_start3A_653, %dma_start3A_654] : memref<2x2x8x8x128xf32, #tpu.memory_space<vmem>> -> memref<1x1x8x8x128xf32, #tpu.memory_space<vmem>>
      %dma_start3A_656 = tpu.memref_squeeze %dma_start3A_655 : memref<1x1x8x8x128xf32, #tpu.memory_space<vmem>> -> memref<8x8x128xf32, #tpu.memory_space<vmem>>
      %dma_start3A_657 = arith.constant 0 : i32
      %dma_start3A_658 = arith.constant 0 : i32
      %dma_start3A_659 = arith.constant 0 : i32
      %dma_start3A_660 = tpu.memref_slice %arg4[%select_n3A_552, %dma_start3A_657, %add3A_649, %dma_start3A_658, %dma_start3A_659] : memref<200x8x32x8x128xf32, #tpu.memory_space<hbm>> -> memref<1x8x1x8x128xf32, #tpu.memory_space<hbm>>
      %dma_start3A_661 = tpu.memref_squeeze %dma_start3A_660 : memref<1x8x1x8x128xf32, #tpu.memory_space<hbm>> -> memref<8x8x128xf32, #tpu.memory_space<hbm>>
      %dma_start3A_662 = arith.constant 0 : i32
      %dma_start3A_663 = arith.constant 0 : i32
      %dma_start3A_664 = arith.constant 0 : i32
      %dma_start3A_665 = tpu.memref_slice %arg4[%select_n3A_552, %dma_start3A_662, %add3A_649, %dma_start3A_663, %dma_start3A_664] : memref<200x8x32x8x128xf32, #tpu.memory_space<hbm>> -> memref<1x8x1x8x128xf32, #tpu.memory_space<hbm>>
      %dma_start3A_666 = tpu.memref_squeeze %dma_start3A_665 : memref<1x8x1x8x128xf32, #tpu.memory_space<hbm>> -> memref<8x8x128xf32, #tpu.memory_space<hbm>>
      %dma_start3A_667 = arith.constant 0 : i32
      %dma_start3A_668 = arith.constant 0 : i32
      %dma_start3A_669 = arith.constant 0 : i32
      %dma_start3A_670 = tpu.memref_slice %arg7[%dma_start3A_650, %dma_start3A_651, %dma_start3A_667, %dma_start3A_668, %dma_start3A_669] : memref<2x2x8x8x128xf32, #tpu.memory_space<vmem>> -> memref<1x1x8x8x128xf32, #tpu.memory_space<vmem>>
      %dma_start3A_671 = tpu.memref_squeeze %dma_start3A_670 : memref<1x1x8x8x128xf32, #tpu.memory_space<vmem>> -> memref<8x8x128xf32, #tpu.memory_space<vmem>>
      tpu.enqueue_dma source(%dma_start3A_671 : memref<8x8x128xf32, #tpu.memory_space<vmem>>) target(%dma_start3A_666 : memref<8x8x128xf32, #tpu.memory_space<hbm>>) target_semaphore(%arg10 : memref<!tpu.dma_semaphore, #tpu.memory_space<semaphore_mem>>)
      %mul3A_672 = arith.constant 2 : i32
      %mul3A_673 = arith.muli %mul3A_672, %select_n3A_568 : i32
      %add3A_674 = arith.constant 1 : i32
      %add3A_675 = arith.addi %mul3A_673, %add3A_674 : i32
      %dma_start3A_676 = arith.constant 0 : i32
      %dma_start3A_677 = arith.constant 1 : i32
      %dma_start3A_678 = arith.constant 0 : i32
      %dma_start3A_679 = arith.constant 0 : i32
      %dma_start3A_680 = arith.constant 0 : i32
      %dma_start3A_681 = tpu.memref_slice %arg7[%dma_start3A_676, %dma_start3A_677, %dma_start3A_678, %dma_start3A_679, %dma_start3A_680] : memref<2x2x8x8x128xf32, #tpu.memory_space<vmem>> -> memref<1x1x8x8x128xf32, #tpu.memory_space<vmem>>
      %dma_start3A_682 = tpu.memref_squeeze %dma_start3A_681 : memref<1x1x8x8x128xf32, #tpu.memory_space<vmem>> -> memref<8x8x128xf32, #tpu.memory_space<vmem>>
      %dma_start3A_683 = arith.constant 0 : i32
      %dma_start3A_684 = arith.constant 0 : i32
      %dma_start3A_685 = arith.constant 0 : i32
      %dma_start3A_686 = tpu.memref_slice %arg4[%select_n3A_552, %dma_start3A_683, %add3A_675, %dma_start3A_684, %dma_start3A_685] : memref<200x8x32x8x128xf32, #tpu.memory_space<hbm>> -> memref<1x8x1x8x128xf32, #tpu.memory_space<hbm>>
      %dma_start3A_687 = tpu.memref_squeeze %dma_start3A_686 : memref<1x8x1x8x128xf32, #tpu.memory_space<hbm>> -> memref<8x8x128xf32, #tpu.memory_space<hbm>>
      %dma_start3A_688 = arith.constant 0 : i32
      %dma_start3A_689 = arith.constant 0 : i32
      %dma_start3A_690 = arith.constant 0 : i32
      %dma_start3A_691 = tpu.memref_slice %arg4[%select_n3A_552, %dma_start3A_688, %add3A_675, %dma_start3A_689, %dma_start3A_690] : memref<200x8x32x8x128xf32, #tpu.memory_space<hbm>> -> memref<1x8x1x8x128xf32, #tpu.memory_space<hbm>>
      %dma_start3A_692 = tpu.memref_squeeze %dma_start3A_691 : memref<1x8x1x8x128xf32, #tpu.memory_space<hbm>> -> memref<8x8x128xf32, #tpu.memory_space<hbm>>
      %dma_start3A_693 = arith.constant 0 : i32
      %dma_start3A_694 = arith.constant 0 : i32
      %dma_start3A_695 = arith.constant 0 : i32
      %dma_start3A_696 = tpu.memref_slice %arg7[%dma_start3A_676, %dma_start3A_677, %dma_start3A_693, %dma_start3A_694, %dma_start3A_695] : memref<2x2x8x8x128xf32, #tpu.memory_space<vmem>> -> memref<1x1x8x8x128xf32, #tpu.memory_space<vmem>>
      %dma_start3A_697 = tpu.memref_squeeze %dma_start3A_696 : memref<1x1x8x8x128xf32, #tpu.memory_space<vmem>> -> memref<8x8x128xf32, #tpu.memory_space<vmem>>
      tpu.enqueue_dma source(%dma_start3A_697 : memref<8x8x128xf32, #tpu.memory_space<vmem>>) target(%dma_start3A_692 : memref<8x8x128xf32, #tpu.memory_space<hbm>>) target_semaphore(%arg10 : memref<!tpu.dma_semaphore, #tpu.memory_space<semaphore_mem>>)
      %lt3A_698 = arith.constant 49 : i32
      %lt3A_699 = arith.cmpi slt, %scan3A_407, %lt3A_698 : i32
      %convert_element_type3A_700 = arith.extui %lt3A_699 : i1 to i32
      %cond3A_701 = arith.constant 0 : i32
      %cond3A_702 = arith.cmpi ne, %convert_element_type3A_700, %cond3A_701 : i32
      scf.if %cond3A_702 {
        %add3A_880 = arith.constant 2 : i32
        %add3A_881 = arith.addi %mul3A_409, %add3A_880 : i32
        %mul3A_882 = arith.constant 100 : i32
        %mul3A_883 = arith.muli %add3A, %mul3A_882 : i32
        %add3A_884 = arith.addi %mul3A_883, %add3A_881 : i32
        %jit3A_885 = arith.constant 16 : i32
        %div3A_886 = arith.divsi %add3A_884, %jit3A_885 : i32
        %sign3A_887 = arith.constant 0 : i32
        %sign3A_888 = arith.cmpi sgt, %add3A_884, %sign3A_887 : i32
        %sign3A_889 = arith.extui %sign3A_888 : i1 to i32
        %sign3A_890 = arith.constant 0 : i32
        %sign3A_891 = arith.cmpi slt, %add3A_884, %sign3A_890 : i32
        %sign3A_892 = arith.extui %sign3A_891 : i1 to i32
        %sign3A_893 = arith.subi %sign3A_889, %sign3A_892 : i32
        %sign3A_894 = arith.constant 0 : i32
        %sign3A_895 = arith.cmpi sgt, %jit3A_885, %sign3A_894 : i32
        %sign3A_896 = arith.extui %sign3A_895 : i1 to i32
        %sign3A_897 = arith.constant 0 : i32
        %sign3A_898 = arith.cmpi slt, %jit3A_885, %sign3A_897 : i32
        %sign3A_899 = arith.extui %sign3A_898 : i1 to i32
        %sign3A_900 = arith.subi %sign3A_896, %sign3A_899 : i32
        %ne3A_901 = arith.cmpi ne, %sign3A_893, %sign3A_900 : i32
        %rem3A_902 = arith.remsi %add3A_884, %jit3A_885 : i32
        %ne3A_903 = arith.constant 0 : i32
        %ne3A_904 = arith.cmpi ne, %rem3A_902, %ne3A_903 : i32
        %and3A_905 = arith.andi %ne3A_901, %ne3A_904 : i1
        %sub3A_906 = arith.constant 1 : i32
        %sub3A_907 = arith.subi %div3A_886, %sub3A_906 : i32
        %select_n3A_908 = arith.select %and3A_905, %sub3A_907, %div3A_886 : i32
        %jit3A_909 = arith.constant 16 : i32
        %eq3A_910 = arith.constant 0 : i32
        %eq3A_911 = arith.cmpi eq, %jit3A_909, %eq3A_910 : i32
        %jit3A_912 = arith.constant 1 : i32
        %select_n3A_913 = arith.select %eq3A_911, %jit3A_912, %jit3A_909 : i32
        %rem3A_914 = arith.remsi %add3A_884, %select_n3A_913 : i32
        %ne3A_915 = arith.constant 0 : i32
        %ne3A_916 = arith.cmpi ne, %rem3A_914, %ne3A_915 : i32
        %lt3A_917 = arith.constant 0 : i32
        %lt3A_918 = arith.cmpi slt, %rem3A_914, %lt3A_917 : i32
        %lt3A_919 = arith.constant 0 : i32
        %lt3A_920 = arith.cmpi slt, %select_n3A_913, %lt3A_919 : i32
        %ne3A_921 = arith.xori %lt3A_918, %lt3A_920 : i1
        %and3A_922 = arith.andi %ne3A_921, %ne3A_916 : i1
        %add3A_923 = arith.addi %rem3A_914, %select_n3A_913 : i32
        %select_n3A_924 = arith.select %and3A_922, %add3A_923, %rem3A_914 : i32
        %jit3A_925 = arith.constant 8 : i32
        %div3A_926 = arith.divsi %select_n3A_908, %jit3A_925 : i32
        %sign3A_927 = arith.constant 0 : i32
        %sign3A_928 = arith.cmpi sgt, %select_n3A_908, %sign3A_927 : i32
        %sign3A_929 = arith.extui %sign3A_928 : i1 to i32
        %sign3A_930 = arith.constant 0 : i32
        %sign3A_931 = arith.cmpi slt, %select_n3A_908, %sign3A_930 : i32
        %sign3A_932 = arith.extui %sign3A_931 : i1 to i32
        %sign3A_933 = arith.subi %sign3A_929, %sign3A_932 : i32
        %sign3A_934 = arith.constant 0 : i32
        %sign3A_935 = arith.cmpi sgt, %jit3A_925, %sign3A_934 : i32
        %sign3A_936 = arith.extui %sign3A_935 : i1 to i32
        %sign3A_937 = arith.constant 0 : i32
        %sign3A_938 = arith.cmpi slt, %jit3A_925, %sign3A_937 : i32
        %sign3A_939 = arith.extui %sign3A_938 : i1 to i32
        %sign3A_940 = arith.subi %sign3A_936, %sign3A_939 : i32
        %ne3A_941 = arith.cmpi ne, %sign3A_933, %sign3A_940 : i32
        %rem3A_942 = arith.remsi %select_n3A_908, %jit3A_925 : i32
        %ne3A_943 = arith.constant 0 : i32
        %ne3A_944 = arith.cmpi ne, %rem3A_942, %ne3A_943 : i32
        %and3A_945 = arith.andi %ne3A_941, %ne3A_944 : i1
        %sub3A_946 = arith.constant 1 : i32
        %sub3A_947 = arith.subi %div3A_926, %sub3A_946 : i32
        %select_n3A_948 = arith.select %and3A_945, %sub3A_947, %div3A_926 : i32
        %jit3A_949 = arith.constant 8 : i32
        %eq3A_950 = arith.constant 0 : i32
        %eq3A_951 = arith.cmpi eq, %jit3A_949, %eq3A_950 : i32
        %jit3A_952 = arith.constant 1 : i32
        %select_n3A_953 = arith.select %eq3A_951, %jit3A_952, %jit3A_949 : i32
        %rem3A_954 = arith.remsi %select_n3A_908, %select_n3A_953 : i32
        %ne3A_955 = arith.constant 0 : i32
        %ne3A_956 = arith.cmpi ne, %rem3A_954, %ne3A_955 : i32
        %lt3A_957 = arith.constant 0 : i32
        %lt3A_958 = arith.cmpi slt, %rem3A_954, %lt3A_957 : i32
        %lt3A_959 = arith.constant 0 : i32
        %lt3A_960 = arith.cmpi slt, %select_n3A_953, %lt3A_959 : i32
        %ne3A_961 = arith.xori %lt3A_958, %lt3A_960 : i1
        %and3A_962 = arith.andi %ne3A_961, %ne3A_956 : i1
        %add3A_963 = arith.addi %rem3A_954, %select_n3A_953 : i32
        %select_n3A_964 = arith.select %and3A_962, %add3A_963, %rem3A_954 : i32
        %mul3A_965 = arith.constant 2 : i32
        %mul3A_966 = arith.muli %mul3A_965, %select_n3A_924 : i32
        %run_scoped3A_967 = arith.constant 0 : i32
        "tpu.region"() ({
          %run_scoped3A_996 = tpu.sem_alloc : memref<!tpu.dma_semaphore, #tpu.memory_space<semaphore_mem>>
          %dma_start3A_997 = arith.constant 0 : i32
          %dma_start3A_998 = arith.constant 0 : i32
          %dma_start3A_999 = tpu.memref_slice %arg5[%run_scoped3A_967, %dma_start3A_997, %dma_start3A_998] : memref<2x2x128xi32, #tpu.memory_space<vmem>> -> memref<1x2x128xi32, #tpu.memory_space<vmem>>
          %dma_start3A_1000 = tpu.memref_squeeze %dma_start3A_999 : memref<1x2x128xi32, #tpu.memory_space<vmem>> -> memref<2x128xi32, #tpu.memory_space<vmem>>
          %dma_start3A_1001 = arith.constant 0 : i32
          %dma_start3A_1002 = tpu.memref_slice %arg2[%select_n3A_948, %mul3A_966, %select_n3A_964, %dma_start3A_1001] : memref<25x32x8x128xi32, #tpu.memory_space<hbm>> -> memref<1x2x1x128xi32, #tpu.memory_space<hbm>>
          %dma_start3A_1003 = tpu.memref_squeeze %dma_start3A_1002 : memref<1x2x1x128xi32, #tpu.memory_space<hbm>> -> memref<2x128xi32, #tpu.memory_space<hbm>>
          %dma_start3A_1004 = arith.constant 0 : i32
          %dma_start3A_1005 = arith.constant 0 : i32
          %dma_start3A_1006 = tpu.memref_slice %arg5[%run_scoped3A_967, %dma_start3A_1004, %dma_start3A_1005] : memref<2x2x128xi32, #tpu.memory_space<vmem>> -> memref<1x2x128xi32, #tpu.memory_space<vmem>>
          %dma_start3A_1007 = tpu.memref_squeeze %dma_start3A_1006 : memref<1x2x128xi32, #tpu.memory_space<vmem>> -> memref<2x128xi32, #tpu.memory_space<vmem>>
          %dma_start3A_1008 = arith.constant 0 : i32
          %dma_start3A_1009 = tpu.memref_slice %arg2[%select_n3A_948, %mul3A_966, %select_n3A_964, %dma_start3A_1008] : memref<25x32x8x128xi32, #tpu.memory_space<hbm>> -> memref<1x2x1x128xi32, #tpu.memory_space<hbm>>
          %dma_start3A_1010 = tpu.memref_squeeze %dma_start3A_1009 : memref<1x2x1x128xi32, #tpu.memory_space<hbm>> -> memref<2x128xi32, #tpu.memory_space<hbm>>
          tpu.enqueue_dma source(%dma_start3A_1010 : memref<2x128xi32, #tpu.memory_space<hbm>>) target(%dma_start3A_1007 : memref<2x128xi32, #tpu.memory_space<vmem>>) target_semaphore(%run_scoped3A_996 : memref<!tpu.dma_semaphore, #tpu.memory_space<semaphore_mem>>)
          %dma_wait3A_1011 = arith.constant 0 : i32
          %dma_wait3A_1012 = arith.constant 0 : i32
          %dma_wait3A_1013 = tpu.memref_slice %arg5[%run_scoped3A_967, %dma_wait3A_1011, %dma_wait3A_1012] : memref<2x2x128xi32, #tpu.memory_space<vmem>> -> memref<1x2x128xi32, #tpu.memory_space<vmem>>
          %dma_wait3A_1014 = tpu.memref_squeeze %dma_wait3A_1013 : memref<1x2x128xi32, #tpu.memory_space<vmem>> -> memref<2x128xi32, #tpu.memory_space<vmem>>
          %dma_wait3A_1015 = arith.constant 0 : i32
          %dma_wait3A_1016 = tpu.memref_slice %arg2[%select_n3A_948, %mul3A_966, %select_n3A_964, %dma_wait3A_1015] : memref<25x32x8x128xi32, #tpu.memory_space<hbm>> -> memref<1x2x1x128xi32, #tpu.memory_space<hbm>>
          %dma_wait3A_1017 = tpu.memref_squeeze %dma_wait3A_1016 : memref<1x2x1x128xi32, #tpu.memory_space<hbm>> -> memref<2x128xi32, #tpu.memory_space<hbm>>
          %dma_wait3A_1018 = arith.constant 0 : i32
          %dma_wait3A_1019 = arith.constant 0 : i32
          %dma_wait3A_1020 = tpu.memref_slice %arg5[%run_scoped3A_967, %dma_wait3A_1018, %dma_wait3A_1019] : memref<2x2x128xi32, #tpu.memory_space<vmem>> -> memref<1x2x128xi32, #tpu.memory_space<vmem>>
          %dma_wait3A_1021 = tpu.memref_squeeze %dma_wait3A_1020 : memref<1x2x128xi32, #tpu.memory_space<vmem>> -> memref<2x128xi32, #tpu.memory_space<vmem>>
          %dma_wait3A_1022 = arith.constant 0 : i32
          %dma_wait3A_1023 = tpu.memref_slice %arg2[%select_n3A_948, %mul3A_966, %select_n3A_964, %dma_wait3A_1022] : memref<25x32x8x128xi32, #tpu.memory_space<hbm>> -> memref<1x2x1x128xi32, #tpu.memory_space<hbm>>
          %dma_wait3A_1024 = tpu.memref_squeeze %dma_wait3A_1023 : memref<1x2x1x128xi32, #tpu.memory_space<hbm>> -> memref<2x128xi32, #tpu.memory_space<hbm>>
          tpu.wait_dma2 semaphore(%run_scoped3A_996 : memref<!tpu.dma_semaphore, #tpu.memory_space<semaphore_mem>>) src(%dma_wait3A_1024 : memref<2x128xi32, #tpu.memory_space<hbm>>) dst(%dma_wait3A_1021 : memref<2x128xi32, #tpu.memory_space<vmem>>)
          tpu.yield
        }) : () -> ()
        %dma_start3A_968 = arith.constant 0 : i32
        %dma_start3A_969 = arith.constant 0 : i32
        %dma_start3A_970 = arith.constant 0 : i32
        %dma_start3A_971 = arith.constant 0 : i32
        %dma_start3A_972 = arith.constant 0 : i32
        %dma_start3A_973 = arith.constant 0 : i32
        %dma_start3A_974 = tpu.memref_slice %arg6[%dma_start3A_970, %dma_start3A_971, %dma_start3A_972, %dma_start3A_973] : memref<2x2x128x128xf32, #tpu.memory_space<vmem>> -> memref<1x1x128x128xf32, #tpu.memory_space<vmem>>
        %dma_start3A_975 = tpu.memref_squeeze %dma_start3A_974 : memref<1x1x128x128xf32, #tpu.memory_space<vmem>> -> memref<128x128xf32, #tpu.memory_space<vmem>>
        %dma_start3A_976 = arith.constant 0 : i32
        %dma_start3A_977 = tpu.memref_slice %arg5[%dma_start3A_968, %dma_start3A_969, %dma_start3A_976] : memref<2x2x128xi32, #tpu.memory_space<vmem>> -> memref<1x1x128xi32, #tpu.memory_space<vmem>>
        %dma_start3A_978 = tpu.memref_squeeze %dma_start3A_977 : memref<1x1x128xi32, #tpu.memory_space<vmem>> -> memref<128xi32, #tpu.memory_space<vmem>>
        %dma_start3A_979 = arith.constant 0 : i32
        %dma_start3A_980 = arith.constant 0 : i32
        %dma_start3A_981 = tpu.memref_slice %arg3[%dma_start3A_979, %dma_start3A_980] : memref<1000000x128xf32, #tpu.memory_space<hbm>> -> memref<1000000x128xf32, #tpu.memory_space<hbm>>
        tpu.enqueue_indirect_dma source(%dma_start3A_981 : memref<1000000x128xf32, #tpu.memory_space<hbm>>) target(%dma_start3A_975 : memref<128x128xf32, #tpu.memory_space<vmem>>) offsets(%dma_start3A_978 : memref<128xi32, #tpu.memory_space<vmem>>) semaphore(%arg8 : memref<!tpu.dma_semaphore, #tpu.memory_space<semaphore_mem>>)
        %dma_start3A_982 = arith.constant 0 : i32
        %dma_start3A_983 = arith.constant 1 : i32
        %dma_start3A_984 = arith.constant 0 : i32
        %dma_start3A_985 = arith.constant 1 : i32
        %dma_start3A_986 = arith.constant 0 : i32
        %dma_start3A_987 = arith.constant 0 : i32
        %dma_start3A_988 = tpu.memref_slice %arg6[%dma_start3A_984, %dma_start3A_985, %dma_start3A_986, %dma_start3A_987] : memref<2x2x128x128xf32, #tpu.memory_space<vmem>> -> memref<1x1x128x128xf32, #tpu.memory_space<vmem>>
        %dma_start3A_989 = tpu.memref_squeeze %dma_start3A_988 : memref<1x1x128x128xf32, #tpu.memory_space<vmem>> -> memref<128x128xf32, #tpu.memory_space<vmem>>
        %dma_start3A_990 = arith.constant 0 : i32
        %dma_start3A_991 = tpu.memref_slice %arg5[%dma_start3A_982, %dma_start3A_983, %dma_start3A_990] : memref<2x2x128xi32, #tpu.memory_space<vmem>> -> memref<1x1x128xi32, #tpu.memory_space<vmem>>
        %dma_start3A_992 = tpu.memref_squeeze %dma_start3A_991 : memref<1x1x128xi32, #tpu.memory_space<vmem>> -> memref<128xi32, #tpu.memory_space<vmem>>
        %dma_start3A_993 = arith.constant 0 : i32
        %dma_start3A_994 = arith.constant 0 : i32
        %dma_start3A_995 = tpu.memref_slice %arg3[%dma_start3A_993, %dma_start3A_994] : memref<1000000x128xf32, #tpu.memory_space<hbm>> -> memref<1000000x128xf32, #tpu.memory_space<hbm>>
        tpu.enqueue_indirect_dma source(%dma_start3A_995 : memref<1000000x128xf32, #tpu.memory_space<hbm>>) target(%dma_start3A_989 : memref<128x128xf32, #tpu.memory_space<vmem>>) offsets(%dma_start3A_992 : memref<128xi32, #tpu.memory_space<vmem>>) semaphore(%arg8 : memref<!tpu.dma_semaphore, #tpu.memory_space<semaphore_mem>>)
      } else {
      }
      %add3A_703 = arith.constant 1 : i32
      %add3A_704 = arith.addi %mul3A_409, %add3A_703 : i32
      %mul3A_705 = arith.constant 100 : i32
      %mul3A_706 = arith.muli %add3A, %mul3A_705 : i32
      %add3A_707 = arith.addi %mul3A_706, %add3A_704 : i32
      %jit3A_708 = arith.constant 16 : i32
      %div3A_709 = arith.divsi %add3A_707, %jit3A_708 : i32
      %sign3A_710 = arith.constant 0 : i32
      %sign3A_711 = arith.cmpi sgt, %add3A_707, %sign3A_710 : i32
      %sign3A_712 = arith.extui %sign3A_711 : i1 to i32
      %sign3A_713 = arith.constant 0 : i32
      %sign3A_714 = arith.cmpi slt, %add3A_707, %sign3A_713 : i32
      %sign3A_715 = arith.extui %sign3A_714 : i1 to i32
      %sign3A_716 = arith.subi %sign3A_712, %sign3A_715 : i32
      %sign3A_717 = arith.constant 0 : i32
      %sign3A_718 = arith.cmpi sgt, %jit3A_708, %sign3A_717 : i32
      %sign3A_719 = arith.extui %sign3A_718 : i1 to i32
      %sign3A_720 = arith.constant 0 : i32
      %sign3A_721 = arith.cmpi slt, %jit3A_708, %sign3A_720 : i32
      %sign3A_722 = arith.extui %sign3A_721 : i1 to i32
      %sign3A_723 = arith.subi %sign3A_719, %sign3A_722 : i32
      %ne3A_724 = arith.cmpi ne, %sign3A_716, %sign3A_723 : i32
      %rem3A_725 = arith.remsi %add3A_707, %jit3A_708 : i32
      %ne3A_726 = arith.constant 0 : i32
      %ne3A_727 = arith.cmpi ne, %rem3A_725, %ne3A_726 : i32
      %and3A_728 = arith.andi %ne3A_724, %ne3A_727 : i1
      %sub3A_729 = arith.constant 1 : i32
      %sub3A_730 = arith.subi %div3A_709, %sub3A_729 : i32
      %select_n3A_731 = arith.select %and3A_728, %sub3A_730, %div3A_709 : i32
      %jit3A_732 = arith.constant 16 : i32
      %eq3A_733 = arith.constant 0 : i32
      %eq3A_734 = arith.cmpi eq, %jit3A_732, %eq3A_733 : i32
      %jit3A_735 = arith.constant 1 : i32
      %select_n3A_736 = arith.select %eq3A_734, %jit3A_735, %jit3A_732 : i32
      %rem3A_737 = arith.remsi %add3A_707, %select_n3A_736 : i32
      %ne3A_738 = arith.constant 0 : i32
      %ne3A_739 = arith.cmpi ne, %rem3A_737, %ne3A_738 : i32
      %lt3A_740 = arith.constant 0 : i32
      %lt3A_741 = arith.cmpi slt, %rem3A_737, %lt3A_740 : i32
      %lt3A_742 = arith.constant 0 : i32
      %lt3A_743 = arith.cmpi slt, %select_n3A_736, %lt3A_742 : i32
      %ne3A_744 = arith.xori %lt3A_741, %lt3A_743 : i1
      %and3A_745 = arith.andi %ne3A_744, %ne3A_739 : i1
      %add3A_746 = arith.addi %rem3A_737, %select_n3A_736 : i32
      %select_n3A_747 = arith.select %and3A_745, %add3A_746, %rem3A_737 : i32
      %jit3A_748 = arith.constant 8 : i32
      %div3A_749 = arith.divsi %select_n3A_731, %jit3A_748 : i32
      %sign3A_750 = arith.constant 0 : i32
      %sign3A_751 = arith.cmpi sgt, %select_n3A_731, %sign3A_750 : i32
      %sign3A_752 = arith.extui %sign3A_751 : i1 to i32
      %sign3A_753 = arith.constant 0 : i32
      %sign3A_754 = arith.cmpi slt, %select_n3A_731, %sign3A_753 : i32
      %sign3A_755 = arith.extui %sign3A_754 : i1 to i32
      %sign3A_756 = arith.subi %sign3A_752, %sign3A_755 : i32
      %sign3A_757 = arith.constant 0 : i32
      %sign3A_758 = arith.cmpi sgt, %jit3A_748, %sign3A_757 : i32
      %sign3A_759 = arith.extui %sign3A_758 : i1 to i32
      %sign3A_760 = arith.constant 0 : i32
      %sign3A_761 = arith.cmpi slt, %jit3A_748, %sign3A_760 : i32
      %sign3A_762 = arith.extui %sign3A_761 : i1 to i32
      %sign3A_763 = arith.subi %sign3A_759, %sign3A_762 : i32
      %ne3A_764 = arith.cmpi ne, %sign3A_756, %sign3A_763 : i32
      %rem3A_765 = arith.remsi %select_n3A_731, %jit3A_748 : i32
      %ne3A_766 = arith.constant 0 : i32
      %ne3A_767 = arith.cmpi ne, %rem3A_765, %ne3A_766 : i32
      %and3A_768 = arith.andi %ne3A_764, %ne3A_767 : i1
      %sub3A_769 = arith.constant 1 : i32
      %sub3A_770 = arith.subi %div3A_749, %sub3A_769 : i32
      %select_n3A_771 = arith.select %and3A_768, %sub3A_770, %div3A_749 : i32
      %jit3A_772 = arith.constant 8 : i32
      %eq3A_773 = arith.constant 0 : i32
      %eq3A_774 = arith.cmpi eq, %jit3A_772, %eq3A_773 : i32
      %jit3A_775 = arith.constant 1 : i32
      %select_n3A_776 = arith.select %eq3A_774, %jit3A_775, %jit3A_772 : i32
      %rem3A_777 = arith.remsi %select_n3A_731, %select_n3A_776 : i32
      %ne3A_778 = arith.constant 0 : i32
      %ne3A_779 = arith.cmpi ne, %rem3A_777, %ne3A_778 : i32
      %lt3A_780 = arith.constant 0 : i32
      %lt3A_781 = arith.cmpi slt, %rem3A_777, %lt3A_780 : i32
      %lt3A_782 = arith.constant 0 : i32
      %lt3A_783 = arith.cmpi slt, %select_n3A_776, %lt3A_782 : i32
      %ne3A_784 = arith.xori %lt3A_781, %lt3A_783 : i1
      %and3A_785 = arith.andi %ne3A_784, %ne3A_779 : i1
      %add3A_786 = arith.addi %rem3A_777, %select_n3A_776 : i32
      %select_n3A_787 = arith.select %and3A_785, %add3A_786, %rem3A_777 : i32
      %dma_wait3A_788 = arith.constant 1 : i32
      %dma_wait3A_789 = arith.constant 0 : i32
      %dma_wait3A_790 = arith.constant 1 : i32
      %dma_wait3A_791 = arith.constant 0 : i32
      %dma_wait3A_792 = arith.constant 0 : i32
      %dma_wait3A_793 = arith.constant 0 : i32
      %dma_wait3A_794 = tpu.memref_slice %arg6[%dma_wait3A_790, %dma_wait3A_791, %dma_wait3A_792, %dma_wait3A_793] : memref<2x2x128x128xf32, #tpu.memory_space<vmem>> -> memref<1x1x128x128xf32, #tpu.memory_space<vmem>>
      %dma_wait3A_795 = tpu.memref_squeeze %dma_wait3A_794 : memref<1x1x128x128xf32, #tpu.memory_space<vmem>> -> memref<128x128xf32, #tpu.memory_space<vmem>>
      %dma_wait3A_796 = arith.constant 0 : i32
      %dma_wait3A_797 = tpu.memref_slice %arg5[%dma_wait3A_788, %dma_wait3A_789, %dma_wait3A_796] : memref<2x2x128xi32, #tpu.memory_space<vmem>> -> memref<1x1x128xi32, #tpu.memory_space<vmem>>
      %dma_wait3A_798 = tpu.memref_squeeze %dma_wait3A_797 : memref<1x1x128xi32, #tpu.memory_space<vmem>> -> memref<128xi32, #tpu.memory_space<vmem>>
      %dma_wait3A_799 = arith.constant 0 : i32
      %dma_wait3A_800 = arith.constant 0 : i32
      %dma_wait3A_801 = tpu.memref_slice %arg3[%dma_wait3A_799, %dma_wait3A_800] : memref<1000000x128xf32, #tpu.memory_space<hbm>> -> memref<1000000x128xf32, #tpu.memory_space<hbm>>
      tpu.wait_indirect_dma semaphore(%arg9 : memref<!tpu.dma_semaphore, #tpu.memory_space<semaphore_mem>>) src(%dma_wait3A_801 : memref<1000000x128xf32, #tpu.memory_space<hbm>>) dst(%dma_wait3A_795 : memref<128x128xf32, #tpu.memory_space<vmem>>)
      %dma_wait3A_802 = arith.constant 1 : i32
      %dma_wait3A_803 = arith.constant 1 : i32
      %dma_wait3A_804 = arith.constant 1 : i32
      %dma_wait3A_805 = arith.constant 1 : i32
      %dma_wait3A_806 = arith.constant 0 : i32
      %dma_wait3A_807 = arith.constant 0 : i32
      %dma_wait3A_808 = tpu.memref_slice %arg6[%dma_wait3A_804, %dma_wait3A_805, %dma_wait3A_806, %dma_wait3A_807] : memref<2x2x128x128xf32, #tpu.memory_space<vmem>> -> memref<1x1x128x128xf32, #tpu.memory_space<vmem>>
      %dma_wait3A_809 = tpu.memref_squeeze %dma_wait3A_808 : memref<1x1x128x128xf32, #tpu.memory_space<vmem>> -> memref<128x128xf32, #tpu.memory_space<vmem>>
      %dma_wait3A_810 = arith.constant 0 : i32
      %dma_wait3A_811 = tpu.memref_slice %arg5[%dma_wait3A_802, %dma_wait3A_803, %dma_wait3A_810] : memref<2x2x128xi32, #tpu.memory_space<vmem>> -> memref<1x1x128xi32, #tpu.memory_space<vmem>>
      %dma_wait3A_812 = tpu.memref_squeeze %dma_wait3A_811 : memref<1x1x128xi32, #tpu.memory_space<vmem>> -> memref<128xi32, #tpu.memory_space<vmem>>
      %dma_wait3A_813 = arith.constant 0 : i32
      %dma_wait3A_814 = arith.constant 0 : i32
      %dma_wait3A_815 = tpu.memref_slice %arg3[%dma_wait3A_813, %dma_wait3A_814] : memref<1000000x128xf32, #tpu.memory_space<hbm>> -> memref<1000000x128xf32, #tpu.memory_space<hbm>>
      tpu.wait_indirect_dma semaphore(%arg9 : memref<!tpu.dma_semaphore, #tpu.memory_space<semaphore_mem>>) src(%dma_wait3A_815 : memref<1000000x128xf32, #tpu.memory_space<hbm>>) dst(%dma_wait3A_809 : memref<128x128xf32, #tpu.memory_space<vmem>>)
      %ge3A_816 = arith.constant 2 : i32
      %ge3A_817 = arith.cmpi sge, %add3A_704, %ge3A_816 : i32
      %convert_element_type3A_818 = arith.extui %ge3A_817 : i1 to i32
      %cond3A_819 = arith.constant 0 : i32
      %cond3A_820 = arith.cmpi ne, %convert_element_type3A_818, %cond3A_819 : i32
      scf.if %cond3A_820 {
        %mul3A_880 = arith.constant 2 : i32
        %mul3A_881 = arith.muli %mul3A_880, %select_n3A_747 : i32
        %add3A_882 = arith.constant 0 : i32
        %add3A_883 = arith.addi %mul3A_881, %add3A_882 : i32
        %dma_wait3A_884 = arith.constant 1 : i32
        %dma_wait3A_885 = arith.constant 0 : i32
        %dma_wait3A_886 = arith.constant 0 : i32
        %dma_wait3A_887 = arith.constant 0 : i32
        %dma_wait3A_888 = arith.constant 0 : i32
        %dma_wait3A_889 = tpu.memref_slice %arg7[%dma_wait3A_884, %dma_wait3A_885, %dma_wait3A_886, %dma_wait3A_887, %dma_wait3A_888] : memref<2x2x8x8x128xf32, #tpu.memory_space<vmem>> -> memref<1x1x8x8x128xf32, #tpu.memory_space<vmem>>
        %dma_wait3A_890 = tpu.memref_squeeze %dma_wait3A_889 : memref<1x1x8x8x128xf32, #tpu.memory_space<vmem>> -> memref<8x8x128xf32, #tpu.memory_space<vmem>>
        %dma_wait3A_891 = arith.constant 0 : i32
        %dma_wait3A_892 = arith.constant 0 : i32
        %dma_wait3A_893 = arith.constant 0 : i32
        %dma_wait3A_894 = tpu.memref_slice %arg4[%select_n3A_731, %dma_wait3A_891, %add3A_883, %dma_wait3A_892, %dma_wait3A_893] : memref<200x8x32x8x128xf32, #tpu.memory_space<hbm>> -> memref<1x8x1x8x128xf32, #tpu.memory_space<hbm>>
        %dma_wait3A_895 = tpu.memref_squeeze %dma_wait3A_894 : memref<1x8x1x8x128xf32, #tpu.memory_space<hbm>> -> memref<8x8x128xf32, #tpu.memory_space<hbm>>
        %dma_wait3A_896 = arith.constant 0 : i32
        %dma_wait3A_897 = arith.constant 0 : i32
        %dma_wait3A_898 = arith.constant 0 : i32
        %dma_wait3A_899 = tpu.memref_slice %arg4[%select_n3A_731, %dma_wait3A_896, %add3A_883, %dma_wait3A_897, %dma_wait3A_898] : memref<200x8x32x8x128xf32, #tpu.memory_space<hbm>> -> memref<1x8x1x8x128xf32, #tpu.memory_space<hbm>>
        %dma_wait3A_900 = tpu.memref_squeeze %dma_wait3A_899 : memref<1x8x1x8x128xf32, #tpu.memory_space<hbm>> -> memref<8x8x128xf32, #tpu.memory_space<hbm>>
        %dma_wait3A_901 = arith.constant 0 : i32
        %dma_wait3A_902 = arith.constant 0 : i32
        %dma_wait3A_903 = arith.constant 0 : i32
        %dma_wait3A_904 = tpu.memref_slice %arg7[%dma_wait3A_884, %dma_wait3A_885, %dma_wait3A_901, %dma_wait3A_902, %dma_wait3A_903] : memref<2x2x8x8x128xf32, #tpu.memory_space<vmem>> -> memref<1x1x8x8x128xf32, #tpu.memory_space<vmem>>
        %dma_wait3A_905 = tpu.memref_squeeze %dma_wait3A_904 : memref<1x1x8x8x128xf32, #tpu.memory_space<vmem>> -> memref<8x8x128xf32, #tpu.memory_space<vmem>>
        tpu.wait_dma2 semaphore(%arg11 : memref<!tpu.dma_semaphore, #tpu.memory_space<semaphore_mem>>) src(%dma_wait3A_905 : memref<8x8x128xf32, #tpu.memory_space<vmem>>) dst(%dma_wait3A_900 : memref<8x8x128xf32, #tpu.memory_space<hbm>>)
        %mul3A_906 = arith.constant 2 : i32
        %mul3A_907 = arith.muli %mul3A_906, %select_n3A_747 : i32
        %add3A_908 = arith.constant 1 : i32
        %add3A_909 = arith.addi %mul3A_907, %add3A_908 : i32
        %dma_wait3A_910 = arith.constant 1 : i32
        %dma_wait3A_911 = arith.constant 1 : i32
        %dma_wait3A_912 = arith.constant 0 : i32
        %dma_wait3A_913 = arith.constant 0 : i32
        %dma_wait3A_914 = arith.constant 0 : i32
        %dma_wait3A_915 = tpu.memref_slice %arg7[%dma_wait3A_910, %dma_wait3A_911, %dma_wait3A_912, %dma_wait3A_913, %dma_wait3A_914] : memref<2x2x8x8x128xf32, #tpu.memory_space<vmem>> -> memref<1x1x8x8x128xf32, #tpu.memory_space<vmem>>
        %dma_wait3A_916 = tpu.memref_squeeze %dma_wait3A_915 : memref<1x1x8x8x128xf32, #tpu.memory_space<vmem>> -> memref<8x8x128xf32, #tpu.memory_space<vmem>>
        %dma_wait3A_917 = arith.constant 0 : i32
        %dma_wait3A_918 = arith.constant 0 : i32
        %dma_wait3A_919 = arith.constant 0 : i32
        %dma_wait3A_920 = tpu.memref_slice %arg4[%select_n3A_731, %dma_wait3A_917, %add3A_909, %dma_wait3A_918, %dma_wait3A_919] : memref<200x8x32x8x128xf32, #tpu.memory_space<hbm>> -> memref<1x8x1x8x128xf32, #tpu.memory_space<hbm>>
        %dma_wait3A_921 = tpu.memref_squeeze %dma_wait3A_920 : memref<1x8x1x8x128xf32, #tpu.memory_space<hbm>> -> memref<8x8x128xf32, #tpu.memory_space<hbm>>
        %dma_wait3A_922 = arith.constant 0 : i32
        %dma_wait3A_923 = arith.constant 0 : i32
        %dma_wait3A_924 = arith.constant 0 : i32
        %dma_wait3A_925 = tpu.memref_slice %arg4[%select_n3A_731, %dma_wait3A_922, %add3A_909, %dma_wait3A_923, %dma_wait3A_924] : memref<200x8x32x8x128xf32, #tpu.memory_space<hbm>> -> memref<1x8x1x8x128xf32, #tpu.memory_space<hbm>>
        %dma_wait3A_926 = tpu.memref_squeeze %dma_wait3A_925 : memref<1x8x1x8x128xf32, #tpu.memory_space<hbm>> -> memref<8x8x128xf32, #tpu.memory_space<hbm>>
        %dma_wait3A_927 = arith.constant 0 : i32
        %dma_wait3A_928 = arith.constant 0 : i32
        %dma_wait3A_929 = arith.constant 0 : i32
        %dma_wait3A_930 = tpu.memref_slice %arg7[%dma_wait3A_910, %dma_wait3A_911, %dma_wait3A_927, %dma_wait3A_928, %dma_wait3A_929] : memref<2x2x8x8x128xf32, #tpu.memory_space<vmem>> -> memref<1x1x8x8x128xf32, #tpu.memory_space<vmem>>
        %dma_wait3A_931 = tpu.memref_squeeze %dma_wait3A_930 : memref<1x1x8x8x128xf32, #tpu.memory_space<vmem>> -> memref<8x8x128xf32, #tpu.memory_space<vmem>>
        tpu.wait_dma2 semaphore(%arg11 : memref<!tpu.dma_semaphore, #tpu.memory_space<semaphore_mem>>) src(%dma_wait3A_931 : memref<8x8x128xf32, #tpu.memory_space<vmem>>) dst(%dma_wait3A_926 : memref<8x8x128xf32, #tpu.memory_space<hbm>>)
      } else {
      }
      %scan3A_821 = arith.constant 0 : i32
      %scan3A_822 = arith.constant 1 : i32
      %scan3A_823 = arith.constant 0 : i32
      %scan3A_824 = arith.constant 16 : i32
      %scan3A_825 = arith.addi %scan3A_823, %scan3A_824 : i32
      %scan3A_826 = arith.constant 1 : i32
      scf.for %scan3A_880 = %scan3A_823 to %scan3A_825 step %scan3A_826  : i32 {
        %mul3A_881 = arith.constant 4 : i32
        %mul3A_882 = arith.muli %scan3A_880, %mul3A_881 : i32
        %add3A_883 = arith.constant 0 : i32
        %add3A_884 = arith.addi %mul3A_882, %add3A_883 : i32
        %add3A_885 = vector.broadcast %add3A_884 : i32 to vector<16xi32>
        %add3A_886 = arith.addi %iota3A, %add3A_885 : vector<16xi32>
        %and3A_887 = arith.constant 63 : i32
        %and3A_888 = vector.broadcast %and3A_887 : i32 to vector<16xi32>
        %and3A_889 = arith.andi %add3A_886, %and3A_888 : vector<16xi32>
        %shift_right_logical3A = arith.constant 3 : i32
        %shift_right_logical3A_890 = vector.broadcast %shift_right_logical3A : i32 to vector<16xi32>
        %shift_right_logical3A_891 = arith.shrui %and3A_889, %shift_right_logical3A_890 : vector<16xi32>
        %and3A_892 = arith.constant 7 : i32
        %and3A_893 = vector.broadcast %and3A_892 : i32 to vector<16xi32>
        %and3A_894 = arith.andi %and3A_889, %and3A_893 : vector<16xi32>
        %gather3A = arith.constant 0 : i32
        %gather3A_895 = arith.constant 0 : i32
        %gather3A_896 = arith.constant 0 : i32
        %gather3A_897 = tpu.memref_slice %arg6[%scan3A_822, %gather3A, %gather3A_895, %gather3A_896] : memref<2x2x128x128xf32, #tpu.memory_space<vmem>> -> memref<1x2x128x128xf32, #tpu.memory_space<vmem>>
        %gather3A_898 = tpu.memref_squeeze %gather3A_897 : memref<1x2x128x128xf32, #tpu.memory_space<vmem>> -> memref<2x128x128xf32, #tpu.memory_space<vmem>>
        %gather3A_899 = tpu.vector_load_idx %gather3A_898[%broadcast_in_dim3A_25, %add3A_3, %and3A_889] : memref<2x128x128xf32, #tpu.memory_space<vmem>>[vector<16xi32>, vector<16xi32>, vector<16xi32>], vector<16xf32>,
        %gather3A_900 = arith.constant 0 : i32
        %gather3A_901 = arith.constant 0 : i32
        %gather3A_902 = arith.constant 0 : i32
        %gather3A_903 = tpu.memref_slice %arg6[%scan3A_822, %gather3A_900, %gather3A_901, %gather3A_902] : memref<2x2x128x128xf32, #tpu.memory_space<vmem>> -> memref<1x2x128x128xf32, #tpu.memory_space<vmem>>
        %gather3A_904 = tpu.memref_squeeze %gather3A_903 : memref<1x2x128x128xf32, #tpu.memory_space<vmem>> -> memref<2x128x128xf32, #tpu.memory_space<vmem>>
        %gather3A_905 = tpu.vector_load_idx %gather3A_904[%broadcast_in_dim3A_25, %add3A_6, %and3A_889] : memref<2x128x128xf32, #tpu.memory_space<vmem>>[vector<16xi32>, vector<16xi32>, vector<16xi32>], vector<16xf32>,
        %gather3A_906 = arith.constant 0 : i32
        %gather3A_907 = arith.constant 0 : i32
        %gather3A_908 = arith.constant 0 : i32
        %gather3A_909 = tpu.memref_slice %arg6[%scan3A_822, %gather3A_906, %gather3A_907, %gather3A_908] : memref<2x2x128x128xf32, #tpu.memory_space<vmem>> -> memref<1x2x128x128xf32, #tpu.memory_space<vmem>>
        %gather3A_910 = tpu.memref_squeeze %gather3A_909 : memref<1x2x128x128xf32, #tpu.memory_space<vmem>> -> memref<2x128x128xf32, #tpu.memory_space<vmem>>
        %gather3A_911 = tpu.vector_load_idx %gather3A_910[%broadcast_in_dim3A_25, %add3A_9, %and3A_889] : memref<2x128x128xf32, #tpu.memory_space<vmem>>[vector<16xi32>, vector<16xi32>, vector<16xi32>], vector<16xf32>,
        %gather3A_912 = arith.constant 0 : i32
        %gather3A_913 = arith.constant 0 : i32
        %gather3A_914 = arith.constant 0 : i32
        %gather3A_915 = tpu.memref_slice %arg6[%scan3A_822, %gather3A_912, %gather3A_913, %gather3A_914] : memref<2x2x128x128xf32, #tpu.memory_space<vmem>> -> memref<1x2x128x128xf32, #tpu.memory_space<vmem>>
        %gather3A_916 = tpu.memref_squeeze %gather3A_915 : memref<1x2x128x128xf32, #tpu.memory_space<vmem>> -> memref<2x128x128xf32, #tpu.memory_space<vmem>>
        %gather3A_917 = tpu.vector_load_idx %gather3A_916[%broadcast_in_dim3A_25, %add3A_12, %and3A_889] : memref<2x128x128xf32, #tpu.memory_space<vmem>>[vector<16xi32>, vector<16xi32>, vector<16xi32>], vector<16xf32>,
        %gather3A_918 = arith.constant 0 : i32
        %gather3A_919 = arith.constant 0 : i32
        %gather3A_920 = arith.constant 0 : i32
        %gather3A_921 = tpu.memref_slice %arg6[%scan3A_822, %gather3A_918, %gather3A_919, %gather3A_920] : memref<2x2x128x128xf32, #tpu.memory_space<vmem>> -> memref<1x2x128x128xf32, #tpu.memory_space<vmem>>
        %gather3A_922 = tpu.memref_squeeze %gather3A_921 : memref<1x2x128x128xf32, #tpu.memory_space<vmem>> -> memref<2x128x128xf32, #tpu.memory_space<vmem>>
        %gather3A_923 = tpu.vector_load_idx %gather3A_922[%broadcast_in_dim3A_25, %add3A_15, %and3A_889] : memref<2x128x128xf32, #tpu.memory_space<vmem>>[vector<16xi32>, vector<16xi32>, vector<16xi32>], vector<16xf32>,
        %gather3A_924 = arith.constant 0 : i32
        %gather3A_925 = arith.constant 0 : i32
        %gather3A_926 = arith.constant 0 : i32
        %gather3A_927 = tpu.memref_slice %arg6[%scan3A_822, %gather3A_924, %gather3A_925, %gather3A_926] : memref<2x2x128x128xf32, #tpu.memory_space<vmem>> -> memref<1x2x128x128xf32, #tpu.memory_space<vmem>>
        %gather3A_928 = tpu.memref_squeeze %gather3A_927 : memref<1x2x128x128xf32, #tpu.memory_space<vmem>> -> memref<2x128x128xf32, #tpu.memory_space<vmem>>
        %gather3A_929 = tpu.vector_load_idx %gather3A_928[%broadcast_in_dim3A_25, %add3A_18, %and3A_889] : memref<2x128x128xf32, #tpu.memory_space<vmem>>[vector<16xi32>, vector<16xi32>, vector<16xi32>], vector<16xf32>,
        %gather3A_930 = arith.constant 0 : i32
        %gather3A_931 = arith.constant 0 : i32
        %gather3A_932 = arith.constant 0 : i32
        %gather3A_933 = tpu.memref_slice %arg6[%scan3A_822, %gather3A_930, %gather3A_931, %gather3A_932] : memref<2x2x128x128xf32, #tpu.memory_space<vmem>> -> memref<1x2x128x128xf32, #tpu.memory_space<vmem>>
        %gather3A_934 = tpu.memref_squeeze %gather3A_933 : memref<1x2x128x128xf32, #tpu.memory_space<vmem>> -> memref<2x128x128xf32, #tpu.memory_space<vmem>>
        %gather3A_935 = tpu.vector_load_idx %gather3A_934[%broadcast_in_dim3A_25, %add3A_21, %and3A_889] : memref<2x128x128xf32, #tpu.memory_space<vmem>>[vector<16xi32>, vector<16xi32>, vector<16xi32>], vector<16xf32>,
        %gather3A_936 = arith.constant 0 : i32
        %gather3A_937 = arith.constant 0 : i32
        %gather3A_938 = arith.constant 0 : i32
        %gather3A_939 = tpu.memref_slice %arg6[%scan3A_822, %gather3A_936, %gather3A_937, %gather3A_938] : memref<2x2x128x128xf32, #tpu.memory_space<vmem>> -> memref<1x2x128x128xf32, #tpu.memory_space<vmem>>
        %gather3A_940 = tpu.memref_squeeze %gather3A_939 : memref<1x2x128x128xf32, #tpu.memory_space<vmem>> -> memref<2x128x128xf32, #tpu.memory_space<vmem>>
        %gather3A_941 = tpu.vector_load_idx %gather3A_940[%broadcast_in_dim3A_25, %add3A_24, %and3A_889] : memref<2x128x128xf32, #tpu.memory_space<vmem>>[vector<16xi32>, vector<16xi32>, vector<16xi32>], vector<16xf32>,
        %gather3A_942 = arith.constant 0 : i32
        %gather3A_943 = arith.constant 0 : i32
        %gather3A_944 = arith.constant 0 : i32
        %gather3A_945 = tpu.memref_slice %arg6[%scan3A_822, %gather3A_942, %gather3A_943, %gather3A_944] : memref<2x2x128x128xf32, #tpu.memory_space<vmem>> -> memref<1x2x128x128xf32, #tpu.memory_space<vmem>>
        %gather3A_946 = tpu.memref_squeeze %gather3A_945 : memref<1x2x128x128xf32, #tpu.memory_space<vmem>> -> memref<2x128x128xf32, #tpu.memory_space<vmem>>
        %gather3A_947 = tpu.vector_load_idx %gather3A_946[%broadcast_in_dim3A_27, %add3A_3, %and3A_889] : memref<2x128x128xf32, #tpu.memory_space<vmem>>[vector<16xi32>, vector<16xi32>, vector<16xi32>], vector<16xf32>,
        %gather3A_948 = arith.constant 0 : i32
        %gather3A_949 = arith.constant 0 : i32
        %gather3A_950 = arith.constant 0 : i32
        %gather3A_951 = tpu.memref_slice %arg6[%scan3A_822, %gather3A_948, %gather3A_949, %gather3A_950] : memref<2x2x128x128xf32, #tpu.memory_space<vmem>> -> memref<1x2x128x128xf32, #tpu.memory_space<vmem>>
        %gather3A_952 = tpu.memref_squeeze %gather3A_951 : memref<1x2x128x128xf32, #tpu.memory_space<vmem>> -> memref<2x128x128xf32, #tpu.memory_space<vmem>>
        %gather3A_953 = tpu.vector_load_idx %gather3A_952[%broadcast_in_dim3A_27, %add3A_6, %and3A_889] : memref<2x128x128xf32, #tpu.memory_space<vmem>>[vector<16xi32>, vector<16xi32>, vector<16xi32>], vector<16xf32>,
        %gather3A_954 = arith.constant 0 : i32
        %gather3A_955 = arith.constant 0 : i32
        %gather3A_956 = arith.constant 0 : i32
        %gather3A_957 = tpu.memref_slice %arg6[%scan3A_822, %gather3A_954, %gather3A_955, %gather3A_956] : memref<2x2x128x128xf32, #tpu.memory_space<vmem>> -> memref<1x2x128x128xf32, #tpu.memory_space<vmem>>
        %gather3A_958 = tpu.memref_squeeze %gather3A_957 : memref<1x2x128x128xf32, #tpu.memory_space<vmem>> -> memref<2x128x128xf32, #tpu.memory_space<vmem>>
        %gather3A_959 = tpu.vector_load_idx %gather3A_958[%broadcast_in_dim3A_27, %add3A_9, %and3A_889] : memref<2x128x128xf32, #tpu.memory_space<vmem>>[vector<16xi32>, vector<16xi32>, vector<16xi32>], vector<16xf32>,
        %gather3A_960 = arith.constant 0 : i32
        %gather3A_961 = arith.constant 0 : i32
        %gather3A_962 = arith.constant 0 : i32
        %gather3A_963 = tpu.memref_slice %arg6[%scan3A_822, %gather3A_960, %gather3A_961, %gather3A_962] : memref<2x2x128x128xf32, #tpu.memory_space<vmem>> -> memref<1x2x128x128xf32, #tpu.memory_space<vmem>>
        %gather3A_964 = tpu.memref_squeeze %gather3A_963 : memref<1x2x128x128xf32, #tpu.memory_space<vmem>> -> memref<2x128x128xf32, #tpu.memory_space<vmem>>
        %gather3A_965 = tpu.vector_load_idx %gather3A_964[%broadcast_in_dim3A_27, %add3A_12, %and3A_889] : memref<2x128x128xf32, #tpu.memory_space<vmem>>[vector<16xi32>, vector<16xi32>, vector<16xi32>], vector<16xf32>,
        %gather3A_966 = arith.constant 0 : i32
        %gather3A_967 = arith.constant 0 : i32
        %gather3A_968 = arith.constant 0 : i32
        %gather3A_969 = tpu.memref_slice %arg6[%scan3A_822, %gather3A_966, %gather3A_967, %gather3A_968] : memref<2x2x128x128xf32, #tpu.memory_space<vmem>> -> memref<1x2x128x128xf32, #tpu.memory_space<vmem>>
        %gather3A_970 = tpu.memref_squeeze %gather3A_969 : memref<1x2x128x128xf32, #tpu.memory_space<vmem>> -> memref<2x128x128xf32, #tpu.memory_space<vmem>>
        %gather3A_971 = tpu.vector_load_idx %gather3A_970[%broadcast_in_dim3A_27, %add3A_15, %and3A_889] : memref<2x128x128xf32, #tpu.memory_space<vmem>>[vector<16xi32>, vector<16xi32>, vector<16xi32>], vector<16xf32>,
        %gather3A_972 = arith.constant 0 : i32
        %gather3A_973 = arith.constant 0 : i32
        %gather3A_974 = arith.constant 0 : i32
        %gather3A_975 = tpu.memref_slice %arg6[%scan3A_822, %gather3A_972, %gather3A_973, %gather3A_974] : memref<2x2x128x128xf32, #tpu.memory_space<vmem>> -> memref<1x2x128x128xf32, #tpu.memory_space<vmem>>
        %gather3A_976 = tpu.memref_squeeze %gather3A_975 : memref<1x2x128x128xf32, #tpu.memory_space<vmem>> -> memref<2x128x128xf32, #tpu.memory_space<vmem>>
        %gather3A_977 = tpu.vector_load_idx %gather3A_976[%broadcast_in_dim3A_27, %add3A_18, %and3A_889] : memref<2x128x128xf32, #tpu.memory_space<vmem>>[vector<16xi32>, vector<16xi32>, vector<16xi32>], vector<16xf32>,
        %gather3A_978 = arith.constant 0 : i32
        %gather3A_979 = arith.constant 0 : i32
        %gather3A_980 = arith.constant 0 : i32
        %gather3A_981 = tpu.memref_slice %arg6[%scan3A_822, %gather3A_978, %gather3A_979, %gather3A_980] : memref<2x2x128x128xf32, #tpu.memory_space<vmem>> -> memref<1x2x128x128xf32, #tpu.memory_space<vmem>>
        %gather3A_982 = tpu.memref_squeeze %gather3A_981 : memref<1x2x128x128xf32, #tpu.memory_space<vmem>> -> memref<2x128x128xf32, #tpu.memory_space<vmem>>
        %gather3A_983 = tpu.vector_load_idx %gather3A_982[%broadcast_in_dim3A_27, %add3A_21, %and3A_889] : memref<2x128x128xf32, #tpu.memory_space<vmem>>[vector<16xi32>, vector<16xi32>, vector<16xi32>], vector<16xf32>,
        %gather3A_984 = arith.constant 0 : i32
        %gather3A_985 = arith.constant 0 : i32
        %gather3A_986 = arith.constant 0 : i32
        %gather3A_987 = tpu.memref_slice %arg6[%scan3A_822, %gather3A_984, %gather3A_985, %gather3A_986] : memref<2x2x128x128xf32, #tpu.memory_space<vmem>> -> memref<1x2x128x128xf32, #tpu.memory_space<vmem>>
        %gather3A_988 = tpu.memref_squeeze %gather3A_987 : memref<1x2x128x128xf32, #tpu.memory_space<vmem>> -> memref<2x128x128xf32, #tpu.memory_space<vmem>>
        %gather3A_989 = tpu.vector_load_idx %gather3A_988[%broadcast_in_dim3A_27, %add3A_24, %and3A_889] : memref<2x128x128xf32, #tpu.memory_space<vmem>>[vector<16xi32>, vector<16xi32>, vector<16xi32>], vector<16xf32>,
        %scatter3A = arith.constant 1 : i32
        %scatter3A_990 = arith.constant 0 : i32
        %scatter3A_991 = arith.constant 0 : i32
        %scatter3A_992 = arith.constant 0 : i32
        %scatter3A_993 = arith.constant 0 : i32
        %scatter3A_994 = tpu.memref_slice %arg7[%scatter3A, %scatter3A_990, %scatter3A_991, %scatter3A_992, %scatter3A_993] : memref<2x2x8x8x128xf32, #tpu.memory_space<vmem>> -> memref<1x1x8x8x128xf32, #tpu.memory_space<vmem>>
        %scatter3A_995 = tpu.memref_squeeze %scatter3A_994 : memref<1x1x8x8x128xf32, #tpu.memory_space<vmem>> -> memref<8x8x128xf32, #tpu.memory_space<vmem>>
        tpu.vector_store_idx %scatter3A_995[%shift_right_logical3A_891, %and3A_894, %add3A_3], %gather3A_899 : memref<8x8x128xf32, #tpu.memory_space<vmem>>[vector<16xi32>, vector<16xi32>, vector<16xi32>], vector<16xf32>,
        %scatter3A_996 = arith.constant 1 : i32
        %scatter3A_997 = arith.constant 0 : i32
        %scatter3A_998 = arith.constant 0 : i32
        %scatter3A_999 = arith.constant 0 : i32
        %scatter3A_1000 = arith.constant 0 : i32
        %scatter3A_1001 = tpu.memref_slice %arg7[%scatter3A_996, %scatter3A_997, %scatter3A_998, %scatter3A_999, %scatter3A_1000] : memref<2x2x8x8x128xf32, #tpu.memory_space<vmem>> -> memref<1x1x8x8x128xf32, #tpu.memory_space<vmem>>
        %scatter3A_1002 = tpu.memref_squeeze %scatter3A_1001 : memref<1x1x8x8x128xf32, #tpu.memory_space<vmem>> -> memref<8x8x128xf32, #tpu.memory_space<vmem>>
        tpu.vector_store_idx %scatter3A_1002[%shift_right_logical3A_891, %and3A_894, %add3A_6], %gather3A_905 : memref<8x8x128xf32, #tpu.memory_space<vmem>>[vector<16xi32>, vector<16xi32>, vector<16xi32>], vector<16xf32>,
        %scatter3A_1003 = arith.constant 1 : i32
        %scatter3A_1004 = arith.constant 0 : i32
        %scatter3A_1005 = arith.constant 0 : i32
        %scatter3A_1006 = arith.constant 0 : i32
        %scatter3A_1007 = arith.constant 0 : i32
        %scatter3A_1008 = tpu.memref_slice %arg7[%scatter3A_1003, %scatter3A_1004, %scatter3A_1005, %scatter3A_1006, %scatter3A_1007] : memref<2x2x8x8x128xf32, #tpu.memory_space<vmem>> -> memref<1x1x8x8x128xf32, #tpu.memory_space<vmem>>
        %scatter3A_1009 = tpu.memref_squeeze %scatter3A_1008 : memref<1x1x8x8x128xf32, #tpu.memory_space<vmem>> -> memref<8x8x128xf32, #tpu.memory_space<vmem>>
        tpu.vector_store_idx %scatter3A_1009[%shift_right_logical3A_891, %and3A_894, %add3A_9], %gather3A_911 : memref<8x8x128xf32, #tpu.memory_space<vmem>>[vector<16xi32>, vector<16xi32>, vector<16xi32>], vector<16xf32>,
        %scatter3A_1010 = arith.constant 1 : i32
        %scatter3A_1011 = arith.constant 0 : i32
        %scatter3A_1012 = arith.constant 0 : i32
        %scatter3A_1013 = arith.constant 0 : i32
        %scatter3A_1014 = arith.constant 0 : i32
        %scatter3A_1015 = tpu.memref_slice %arg7[%scatter3A_1010, %scatter3A_1011, %scatter3A_1012, %scatter3A_1013, %scatter3A_1014] : memref<2x2x8x8x128xf32, #tpu.memory_space<vmem>> -> memref<1x1x8x8x128xf32, #tpu.memory_space<vmem>>
        %scatter3A_1016 = tpu.memref_squeeze %scatter3A_1015 : memref<1x1x8x8x128xf32, #tpu.memory_space<vmem>> -> memref<8x8x128xf32, #tpu.memory_space<vmem>>
        tpu.vector_store_idx %scatter3A_1016[%shift_right_logical3A_891, %and3A_894, %add3A_12], %gather3A_917 : memref<8x8x128xf32, #tpu.memory_space<vmem>>[vector<16xi32>, vector<16xi32>, vector<16xi32>], vector<16xf32>,
        %scatter3A_1017 = arith.constant 1 : i32
        %scatter3A_1018 = arith.constant 0 : i32
        %scatter3A_1019 = arith.constant 0 : i32
        %scatter3A_1020 = arith.constant 0 : i32
        %scatter3A_1021 = arith.constant 0 : i32
        %scatter3A_1022 = tpu.memref_slice %arg7[%scatter3A_1017, %scatter3A_1018, %scatter3A_1019, %scatter3A_1020, %scatter3A_1021] : memref<2x2x8x8x128xf32, #tpu.memory_space<vmem>> -> memref<1x1x8x8x128xf32, #tpu.memory_space<vmem>>
        %scatter3A_1023 = tpu.memref_squeeze %scatter3A_1022 : memref<1x1x8x8x128xf32, #tpu.memory_space<vmem>> -> memref<8x8x128xf32, #tpu.memory_space<vmem>>
        tpu.vector_store_idx %scatter3A_1023[%shift_right_logical3A_891, %and3A_894, %add3A_15], %gather3A_923 : memref<8x8x128xf32, #tpu.memory_space<vmem>>[vector<16xi32>, vector<16xi32>, vector<16xi32>], vector<16xf32>,
        %scatter3A_1024 = arith.constant 1 : i32
        %scatter3A_1025 = arith.constant 0 : i32
        %scatter3A_1026 = arith.constant 0 : i32
        %scatter3A_1027 = arith.constant 0 : i32
        %scatter3A_1028 = arith.constant 0 : i32
        %scatter3A_1029 = tpu.memref_slice %arg7[%scatter3A_1024, %scatter3A_1025, %scatter3A_1026, %scatter3A_1027, %scatter3A_1028] : memref<2x2x8x8x128xf32, #tpu.memory_space<vmem>> -> memref<1x1x8x8x128xf32, #tpu.memory_space<vmem>>
        %scatter3A_1030 = tpu.memref_squeeze %scatter3A_1029 : memref<1x1x8x8x128xf32, #tpu.memory_space<vmem>> -> memref<8x8x128xf32, #tpu.memory_space<vmem>>
        tpu.vector_store_idx %scatter3A_1030[%shift_right_logical3A_891, %and3A_894, %add3A_18], %gather3A_929 : memref<8x8x128xf32, #tpu.memory_space<vmem>>[vector<16xi32>, vector<16xi32>, vector<16xi32>], vector<16xf32>,
        %scatter3A_1031 = arith.constant 1 : i32
        %scatter3A_1032 = arith.constant 0 : i32
        %scatter3A_1033 = arith.constant 0 : i32
        %scatter3A_1034 = arith.constant 0 : i32
        %scatter3A_1035 = arith.constant 0 : i32
        %scatter3A_1036 = tpu.memref_slice %arg7[%scatter3A_1031, %scatter3A_1032, %scatter3A_1033, %scatter3A_1034, %scatter3A_1035] : memref<2x2x8x8x128xf32, #tpu.memory_space<vmem>> -> memref<1x1x8x8x128xf32, #tpu.memory_space<vmem>>
        %scatter3A_1037 = tpu.memref_squeeze %scatter3A_1036 : memref<1x1x8x8x128xf32, #tpu.memory_space<vmem>> -> memref<8x8x128xf32, #tpu.memory_space<vmem>>
        tpu.vector_store_idx %scatter3A_1037[%shift_right_logical3A_891, %and3A_894, %add3A_21], %gather3A_935 : memref<8x8x128xf32, #tpu.memory_space<vmem>>[vector<16xi32>, vector<16xi32>, vector<16xi32>], vector<16xf32>,
        %scatter3A_1038 = arith.constant 1 : i32
        %scatter3A_1039 = arith.constant 0 : i32
        %scatter3A_1040 = arith.constant 0 : i32
        %scatter3A_1041 = arith.constant 0 : i32
        %scatter3A_1042 = arith.constant 0 : i32
        %scatter3A_1043 = tpu.memref_slice %arg7[%scatter3A_1038, %scatter3A_1039, %scatter3A_1040, %scatter3A_1041, %scatter3A_1042] : memref<2x2x8x8x128xf32, #tpu.memory_space<vmem>> -> memref<1x1x8x8x128xf32, #tpu.memory_space<vmem>>
        %scatter3A_1044 = tpu.memref_squeeze %scatter3A_1043 : memref<1x1x8x8x128xf32, #tpu.memory_space<vmem>> -> memref<8x8x128xf32, #tpu.memory_space<vmem>>
        tpu.vector_store_idx %scatter3A_1044[%shift_right_logical3A_891, %and3A_894, %add3A_24], %gather3A_941 : memref<8x8x128xf32, #tpu.memory_space<vmem>>[vector<16xi32>, vector<16xi32>, vector<16xi32>], vector<16xf32>,
        %scatter3A_1045 = arith.constant 1 : i32
        %scatter3A_1046 = arith.constant 1 : i32
        %scatter3A_1047 = arith.constant 0 : i32
        %scatter3A_1048 = arith.constant 0 : i32
        %scatter3A_1049 = arith.constant 0 : i32
        %scatter3A_1050 = tpu.memref_slice %arg7[%scatter3A_1045, %scatter3A_1046, %scatter3A_1047, %scatter3A_1048, %scatter3A_1049] : memref<2x2x8x8x128xf32, #tpu.memory_space<vmem>> -> memref<1x1x8x8x128xf32, #tpu.memory_space<vmem>>
        %scatter3A_1051 = tpu.memref_squeeze %scatter3A_1050 : memref<1x1x8x8x128xf32, #tpu.memory_space<vmem>> -> memref<8x8x128xf32, #tpu.memory_space<vmem>>
        tpu.vector_store_idx %scatter3A_1051[%shift_right_logical3A_891, %and3A_894, %add3A_3], %gather3A_947 : memref<8x8x128xf32, #tpu.memory_space<vmem>>[vector<16xi32>, vector<16xi32>, vector<16xi32>], vector<16xf32>,
        %scatter3A_1052 = arith.constant 1 : i32
        %scatter3A_1053 = arith.constant 1 : i32
        %scatter3A_1054 = arith.constant 0 : i32
        %scatter3A_1055 = arith.constant 0 : i32
        %scatter3A_1056 = arith.constant 0 : i32
        %scatter3A_1057 = tpu.memref_slice %arg7[%scatter3A_1052, %scatter3A_1053, %scatter3A_1054, %scatter3A_1055, %scatter3A_1056] : memref<2x2x8x8x128xf32, #tpu.memory_space<vmem>> -> memref<1x1x8x8x128xf32, #tpu.memory_space<vmem>>
        %scatter3A_1058 = tpu.memref_squeeze %scatter3A_1057 : memref<1x1x8x8x128xf32, #tpu.memory_space<vmem>> -> memref<8x8x128xf32, #tpu.memory_space<vmem>>
        tpu.vector_store_idx %scatter3A_1058[%shift_right_logical3A_891, %and3A_894, %add3A_6], %gather3A_953 : memref<8x8x128xf32, #tpu.memory_space<vmem>>[vector<16xi32>, vector<16xi32>, vector<16xi32>], vector<16xf32>,
        %scatter3A_1059 = arith.constant 1 : i32
        %scatter3A_1060 = arith.constant 1 : i32
        %scatter3A_1061 = arith.constant 0 : i32
        %scatter3A_1062 = arith.constant 0 : i32
        %scatter3A_1063 = arith.constant 0 : i32
        %scatter3A_1064 = tpu.memref_slice %arg7[%scatter3A_1059, %scatter3A_1060, %scatter3A_1061, %scatter3A_1062, %scatter3A_1063] : memref<2x2x8x8x128xf32, #tpu.memory_space<vmem>> -> memref<1x1x8x8x128xf32, #tpu.memory_space<vmem>>
        %scatter3A_1065 = tpu.memref_squeeze %scatter3A_1064 : memref<1x1x8x8x128xf32, #tpu.memory_space<vmem>> -> memref<8x8x128xf32, #tpu.memory_space<vmem>>
        tpu.vector_store_idx %scatter3A_1065[%shift_right_logical3A_891, %and3A_894, %add3A_9], %gather3A_959 : memref<8x8x128xf32, #tpu.memory_space<vmem>>[vector<16xi32>, vector<16xi32>, vector<16xi32>], vector<16xf32>,
        %scatter3A_1066 = arith.constant 1 : i32
        %scatter3A_1067 = arith.constant 1 : i32
        %scatter3A_1068 = arith.constant 0 : i32
        %scatter3A_1069 = arith.constant 0 : i32
        %scatter3A_1070 = arith.constant 0 : i32
        %scatter3A_1071 = tpu.memref_slice %arg7[%scatter3A_1066, %scatter3A_1067, %scatter3A_1068, %scatter3A_1069, %scatter3A_1070] : memref<2x2x8x8x128xf32, #tpu.memory_space<vmem>> -> memref<1x1x8x8x128xf32, #tpu.memory_space<vmem>>
        %scatter3A_1072 = tpu.memref_squeeze %scatter3A_1071 : memref<1x1x8x8x128xf32, #tpu.memory_space<vmem>> -> memref<8x8x128xf32, #tpu.memory_space<vmem>>
        tpu.vector_store_idx %scatter3A_1072[%shift_right_logical3A_891, %and3A_894, %add3A_12], %gather3A_965 : memref<8x8x128xf32, #tpu.memory_space<vmem>>[vector<16xi32>, vector<16xi32>, vector<16xi32>], vector<16xf32>,
        %scatter3A_1073 = arith.constant 1 : i32
        %scatter3A_1074 = arith.constant 1 : i32
        %scatter3A_1075 = arith.constant 0 : i32
        %scatter3A_1076 = arith.constant 0 : i32
        %scatter3A_1077 = arith.constant 0 : i32
        %scatter3A_1078 = tpu.memref_slice %arg7[%scatter3A_1073, %scatter3A_1074, %scatter3A_1075, %scatter3A_1076, %scatter3A_1077] : memref<2x2x8x8x128xf32, #tpu.memory_space<vmem>> -> memref<1x1x8x8x128xf32, #tpu.memory_space<vmem>>
        %scatter3A_1079 = tpu.memref_squeeze %scatter3A_1078 : memref<1x1x8x8x128xf32, #tpu.memory_space<vmem>> -> memref<8x8x128xf32, #tpu.memory_space<vmem>>
        tpu.vector_store_idx %scatter3A_1079[%shift_right_logical3A_891, %and3A_894, %add3A_15], %gather3A_971 : memref<8x8x128xf32, #tpu.memory_space<vmem>>[vector<16xi32>, vector<16xi32>, vector<16xi32>], vector<16xf32>,
        %scatter3A_1080 = arith.constant 1 : i32
        %scatter3A_1081 = arith.constant 1 : i32
        %scatter3A_1082 = arith.constant 0 : i32
        %scatter3A_1083 = arith.constant 0 : i32
        %scatter3A_1084 = arith.constant 0 : i32
        %scatter3A_1085 = tpu.memref_slice %arg7[%scatter3A_1080, %scatter3A_1081, %scatter3A_1082, %scatter3A_1083, %scatter3A_1084] : memref<2x2x8x8x128xf32, #tpu.memory_space<vmem>> -> memref<1x1x8x8x128xf32, #tpu.memory_space<vmem>>
        %scatter3A_1086 = tpu.memref_squeeze %scatter3A_1085 : memref<1x1x8x8x128xf32, #tpu.memory_space<vmem>> -> memref<8x8x128xf32, #tpu.memory_space<vmem>>
        tpu.vector_store_idx %scatter3A_1086[%shift_right_logical3A_891, %and3A_894, %add3A_18], %gather3A_977 : memref<8x8x128xf32, #tpu.memory_space<vmem>>[vector<16xi32>, vector<16xi32>, vector<16xi32>], vector<16xf32>,
        %scatter3A_1087 = arith.constant 1 : i32
        %scatter3A_1088 = arith.constant 1 : i32
        %scatter3A_1089 = arith.constant 0 : i32
        %scatter3A_1090 = arith.constant 0 : i32
        %scatter3A_1091 = arith.constant 0 : i32
        %scatter3A_1092 = tpu.memref_slice %arg7[%scatter3A_1087, %scatter3A_1088, %scatter3A_1089, %scatter3A_1090, %scatter3A_1091] : memref<2x2x8x8x128xf32, #tpu.memory_space<vmem>> -> memref<1x1x8x8x128xf32, #tpu.memory_space<vmem>>
        %scatter3A_1093 = tpu.memref_squeeze %scatter3A_1092 : memref<1x1x8x8x128xf32, #tpu.memory_space<vmem>> -> memref<8x8x128xf32, #tpu.memory_space<vmem>>
        tpu.vector_store_idx %scatter3A_1093[%shift_right_logical3A_891, %and3A_894, %add3A_21], %gather3A_983 : memref<8x8x128xf32, #tpu.memory_space<vmem>>[vector<16xi32>, vector<16xi32>, vector<16xi32>], vector<16xf32>,
        %scatter3A_1094 = arith.constant 1 : i32
        %scatter3A_1095 = arith.constant 1 : i32
        %scatter3A_1096 = arith.constant 0 : i32
        %scatter3A_1097 = arith.constant 0 : i32
        %scatter3A_1098 = arith.constant 0 : i32
        %scatter3A_1099 = tpu.memref_slice %arg7[%scatter3A_1094, %scatter3A_1095, %scatter3A_1096, %scatter3A_1097, %scatter3A_1098] : memref<2x2x8x8x128xf32, #tpu.memory_space<vmem>> -> memref<1x1x8x8x128xf32, #tpu.memory_space<vmem>>
        %scatter3A_1100 = tpu.memref_squeeze %scatter3A_1099 : memref<1x1x8x8x128xf32, #tpu.memory_space<vmem>> -> memref<8x8x128xf32, #tpu.memory_space<vmem>>
        tpu.vector_store_idx %scatter3A_1100[%shift_right_logical3A_891, %and3A_894, %add3A_24], %gather3A_989 : memref<8x8x128xf32, #tpu.memory_space<vmem>>[vector<16xi32>, vector<16xi32>, vector<16xi32>], vector<16xf32>,
        %mul3A_1101 = arith.constant 4 : i32
        %mul3A_1102 = arith.muli %scan3A_880, %mul3A_1101 : i32
        %add3A_1103 = arith.constant 1 : i32
        %add3A_1104 = arith.addi %mul3A_1102, %add3A_1103 : i32
        %add3A_1105 = vector.broadcast %add3A_1104 : i32 to vector<16xi32>
        %add3A_1106 = arith.addi %iota3A, %add3A_1105 : vector<16xi32>
        %and3A_1107 = arith.constant 63 : i32
        %and3A_1108 = vector.broadcast %and3A_1107 : i32 to vector<16xi32>
        %and3A_1109 = arith.andi %add3A_1106, %and3A_1108 : vector<16xi32>
        %shift_right_logical3A_1110 = arith.constant 3 : i32
        %shift_right_logical3A_1111 = vector.broadcast %shift_right_logical3A_1110 : i32 to vector<16xi32>
        %shift_right_logical3A_1112 = arith.shrui %and3A_1109, %shift_right_logical3A_1111 : vector<16xi32>
        %and3A_1113 = arith.constant 7 : i32
        %and3A_1114 = vector.broadcast %and3A_1113 : i32 to vector<16xi32>
        %and3A_1115 = arith.andi %and3A_1109, %and3A_1114 : vector<16xi32>
        %gather3A_1116 = arith.constant 0 : i32
        %gather3A_1117 = arith.constant 0 : i32
        %gather3A_1118 = arith.constant 0 : i32
        %gather3A_1119 = tpu.memref_slice %arg6[%scan3A_822, %gather3A_1116, %gather3A_1117, %gather3A_1118] : memref<2x2x128x128xf32, #tpu.memory_space<vmem>> -> memref<1x2x128x128xf32, #tpu.memory_space<vmem>>
        %gather3A_1120 = tpu.memref_squeeze %gather3A_1119 : memref<1x2x128x128xf32, #tpu.memory_space<vmem>> -> memref<2x128x128xf32, #tpu.memory_space<vmem>>
        %gather3A_1121 = tpu.vector_load_idx %gather3A_1120[%broadcast_in_dim3A_25, %add3A_3, %and3A_1109] : memref<2x128x128xf32, #tpu.memory_space<vmem>>[vector<16xi32>, vector<16xi32>, vector<16xi32>], vector<16xf32>,
        %gather3A_1122 = arith.constant 0 : i32
        %gather3A_1123 = arith.constant 0 : i32
        %gather3A_1124 = arith.constant 0 : i32
        %gather3A_1125 = tpu.memref_slice %arg6[%scan3A_822, %gather3A_1122, %gather3A_1123, %gather3A_1124] : memref<2x2x128x128xf32, #tpu.memory_space<vmem>> -> memref<1x2x128x128xf32, #tpu.memory_space<vmem>>
        %gather3A_1126 = tpu.memref_squeeze %gather3A_1125 : memref<1x2x128x128xf32, #tpu.memory_space<vmem>> -> memref<2x128x128xf32, #tpu.memory_space<vmem>>
        %gather3A_1127 = tpu.vector_load_idx %gather3A_1126[%broadcast_in_dim3A_25, %add3A_6, %and3A_1109] : memref<2x128x128xf32, #tpu.memory_space<vmem>>[vector<16xi32>, vector<16xi32>, vector<16xi32>], vector<16xf32>,
        %gather3A_1128 = arith.constant 0 : i32
        %gather3A_1129 = arith.constant 0 : i32
        %gather3A_1130 = arith.constant 0 : i32
        %gather3A_1131 = tpu.memref_slice %arg6[%scan3A_822, %gather3A_1128, %gather3A_1129, %gather3A_1130] : memref<2x2x128x128xf32, #tpu.memory_space<vmem>> -> memref<1x2x128x128xf32, #tpu.memory_space<vmem>>
        %gather3A_1132 = tpu.memref_squeeze %gather3A_1131 : memref<1x2x128x128xf32, #tpu.memory_space<vmem>> -> memref<2x128x128xf32, #tpu.memory_space<vmem>>
        %gather3A_1133 = tpu.vector_load_idx %gather3A_1132[%broadcast_in_dim3A_25, %add3A_9, %and3A_1109] : memref<2x128x128xf32, #tpu.memory_space<vmem>>[vector<16xi32>, vector<16xi32>, vector<16xi32>], vector<16xf32>,
        %gather3A_1134 = arith.constant 0 : i32
        %gather3A_1135 = arith.constant 0 : i32
        %gather3A_1136 = arith.constant 0 : i32
        %gather3A_1137 = tpu.memref_slice %arg6[%scan3A_822, %gather3A_1134, %gather3A_1135, %gather3A_1136] : memref<2x2x128x128xf32, #tpu.memory_space<vmem>> -> memref<1x2x128x128xf32, #tpu.memory_space<vmem>>
        %gather3A_1138 = tpu.memref_squeeze %gather3A_1137 : memref<1x2x128x128xf32, #tpu.memory_space<vmem>> -> memref<2x128x128xf32, #tpu.memory_space<vmem>>
        %gather3A_1139 = tpu.vector_load_idx %gather3A_1138[%broadcast_in_dim3A_25, %add3A_12, %and3A_1109] : memref<2x128x128xf32, #tpu.memory_space<vmem>>[vector<16xi32>, vector<16xi32>, vector<16xi32>], vector<16xf32>,
        %gather3A_1140 = arith.constant 0 : i32
        %gather3A_1141 = arith.constant 0 : i32
        %gather3A_1142 = arith.constant 0 : i32
        %gather3A_1143 = tpu.memref_slice %arg6[%scan3A_822, %gather3A_1140, %gather3A_1141, %gather3A_1142] : memref<2x2x128x128xf32, #tpu.memory_space<vmem>> -> memref<1x2x128x128xf32, #tpu.memory_space<vmem>>
        %gather3A_1144 = tpu.memref_squeeze %gather3A_1143 : memref<1x2x128x128xf32, #tpu.memory_space<vmem>> -> memref<2x128x128xf32, #tpu.memory_space<vmem>>
        %gather3A_1145 = tpu.vector_load_idx %gather3A_1144[%broadcast_in_dim3A_25, %add3A_15, %and3A_1109] : memref<2x128x128xf32, #tpu.memory_space<vmem>>[vector<16xi32>, vector<16xi32>, vector<16xi32>], vector<16xf32>,
        %gather3A_1146 = arith.constant 0 : i32
        %gather3A_1147 = arith.constant 0 : i32
        %gather3A_1148 = arith.constant 0 : i32
        %gather3A_1149 = tpu.memref_slice %arg6[%scan3A_822, %gather3A_1146, %gather3A_1147, %gather3A_1148] : memref<2x2x128x128xf32, #tpu.memory_space<vmem>> -> memref<1x2x128x128xf32, #tpu.memory_space<vmem>>
        %gather3A_1150 = tpu.memref_squeeze %gather3A_1149 : memref<1x2x128x128xf32, #tpu.memory_space<vmem>> -> memref<2x128x128xf32, #tpu.memory_space<vmem>>
        %gather3A_1151 = tpu.vector_load_idx %gather3A_1150[%broadcast_in_dim3A_25, %add3A_18, %and3A_1109] : memref<2x128x128xf32, #tpu.memory_space<vmem>>[vector<16xi32>, vector<16xi32>, vector<16xi32>], vector<16xf32>,
        %gather3A_1152 = arith.constant 0 : i32
        %gather3A_1153 = arith.constant 0 : i32
        %gather3A_1154 = arith.constant 0 : i32
        %gather3A_1155 = tpu.memref_slice %arg6[%scan3A_822, %gather3A_1152, %gather3A_1153, %gather3A_1154] : memref<2x2x128x128xf32, #tpu.memory_space<vmem>> -> memref<1x2x128x128xf32, #tpu.memory_space<vmem>>
        %gather3A_1156 = tpu.memref_squeeze %gather3A_1155 : memref<1x2x128x128xf32, #tpu.memory_space<vmem>> -> memref<2x128x128xf32, #tpu.memory_space<vmem>>
        %gather3A_1157 = tpu.vector_load_idx %gather3A_1156[%broadcast_in_dim3A_25, %add3A_21, %and3A_1109] : memref<2x128x128xf32, #tpu.memory_space<vmem>>[vector<16xi32>, vector<16xi32>, vector<16xi32>], vector<16xf32>,
        %gather3A_1158 = arith.constant 0 : i32
        %gather3A_1159 = arith.constant 0 : i32
        %gather3A_1160 = arith.constant 0 : i32
        %gather3A_1161 = tpu.memref_slice %arg6[%scan3A_822, %gather3A_1158, %gather3A_1159, %gather3A_1160] : memref<2x2x128x128xf32, #tpu.memory_space<vmem>> -> memref<1x2x128x128xf32, #tpu.memory_space<vmem>>
        %gather3A_1162 = tpu.memref_squeeze %gather3A_1161 : memref<1x2x128x128xf32, #tpu.memory_space<vmem>> -> memref<2x128x128xf32, #tpu.memory_space<vmem>>
        %gather3A_1163 = tpu.vector_load_idx %gather3A_1162[%broadcast_in_dim3A_25, %add3A_24, %and3A_1109] : memref<2x128x128xf32, #tpu.memory_space<vmem>>[vector<16xi32>, vector<16xi32>, vector<16xi32>], vector<16xf32>,
        %gather3A_1164 = arith.constant 0 : i32
        %gather3A_1165 = arith.constant 0 : i32
        %gather3A_1166 = arith.constant 0 : i32
        %gather3A_1167 = tpu.memref_slice %arg6[%scan3A_822, %gather3A_1164, %gather3A_1165, %gather3A_1166] : memref<2x2x128x128xf32, #tpu.memory_space<vmem>> -> memref<1x2x128x128xf32, #tpu.memory_space<vmem>>
        %gather3A_1168 = tpu.memref_squeeze %gather3A_1167 : memref<1x2x128x128xf32, #tpu.memory_space<vmem>> -> memref<2x128x128xf32, #tpu.memory_space<vmem>>
        %gather3A_1169 = tpu.vector_load_idx %gather3A_1168[%broadcast_in_dim3A_27, %add3A_3, %and3A_1109] : memref<2x128x128xf32, #tpu.memory_space<vmem>>[vector<16xi32>, vector<16xi32>, vector<16xi32>], vector<16xf32>,
        %gather3A_1170 = arith.constant 0 : i32
        %gather3A_1171 = arith.constant 0 : i32
        %gather3A_1172 = arith.constant 0 : i32
        %gather3A_1173 = tpu.memref_slice %arg6[%scan3A_822, %gather3A_1170, %gather3A_1171, %gather3A_1172] : memref<2x2x128x128xf32, #tpu.memory_space<vmem>> -> memref<1x2x128x128xf32, #tpu.memory_space<vmem>>
        %gather3A_1174 = tpu.memref_squeeze %gather3A_1173 : memref<1x2x128x128xf32, #tpu.memory_space<vmem>> -> memref<2x128x128xf32, #tpu.memory_space<vmem>>
        %gather3A_1175 = tpu.vector_load_idx %gather3A_1174[%broadcast_in_dim3A_27, %add3A_6, %and3A_1109] : memref<2x128x128xf32, #tpu.memory_space<vmem>>[vector<16xi32>, vector<16xi32>, vector<16xi32>], vector<16xf32>,
        %gather3A_1176 = arith.constant 0 : i32
        %gather3A_1177 = arith.constant 0 : i32
        %gather3A_1178 = arith.constant 0 : i32
        %gather3A_1179 = tpu.memref_slice %arg6[%scan3A_822, %gather3A_1176, %gather3A_1177, %gather3A_1178] : memref<2x2x128x128xf32, #tpu.memory_space<vmem>> -> memref<1x2x128x128xf32, #tpu.memory_space<vmem>>
        %gather3A_1180 = tpu.memref_squeeze %gather3A_1179 : memref<1x2x128x128xf32, #tpu.memory_space<vmem>> -> memref<2x128x128xf32, #tpu.memory_space<vmem>>
        %gather3A_1181 = tpu.vector_load_idx %gather3A_1180[%broadcast_in_dim3A_27, %add3A_9, %and3A_1109] : memref<2x128x128xf32, #tpu.memory_space<vmem>>[vector<16xi32>, vector<16xi32>, vector<16xi32>], vector<16xf32>,
        %gather3A_1182 = arith.constant 0 : i32
        %gather3A_1183 = arith.constant 0 : i32
        %gather3A_1184 = arith.constant 0 : i32
        %gather3A_1185 = tpu.memref_slice %arg6[%scan3A_822, %gather3A_1182, %gather3A_1183, %gather3A_1184] : memref<2x2x128x128xf32, #tpu.memory_space<vmem>> -> memref<1x2x128x128xf32, #tpu.memory_space<vmem>>
        %gather3A_1186 = tpu.memref_squeeze %gather3A_1185 : memref<1x2x128x128xf32, #tpu.memory_space<vmem>> -> memref<2x128x128xf32, #tpu.memory_space<vmem>>
        %gather3A_1187 = tpu.vector_load_idx %gather3A_1186[%broadcast_in_dim3A_27, %add3A_12, %and3A_1109] : memref<2x128x128xf32, #tpu.memory_space<vmem>>[vector<16xi32>, vector<16xi32>, vector<16xi32>], vector<16xf32>,
        %gather3A_1188 = arith.constant 0 : i32
        %gather3A_1189 = arith.constant 0 : i32
        %gather3A_1190 = arith.constant 0 : i32
        %gather3A_1191 = tpu.memref_slice %arg6[%scan3A_822, %gather3A_1188, %gather3A_1189, %gather3A_1190] : memref<2x2x128x128xf32, #tpu.memory_space<vmem>> -> memref<1x2x128x128xf32, #tpu.memory_space<vmem>>
        %gather3A_1192 = tpu.memref_squeeze %gather3A_1191 : memref<1x2x128x128xf32, #tpu.memory_space<vmem>> -> memref<2x128x128xf32, #tpu.memory_space<vmem>>
        %gather3A_1193 = tpu.vector_load_idx %gather3A_1192[%broadcast_in_dim3A_27, %add3A_15, %and3A_1109] : memref<2x128x128xf32, #tpu.memory_space<vmem>>[vector<16xi32>, vector<16xi32>, vector<16xi32>], vector<16xf32>,
        %gather3A_1194 = arith.constant 0 : i32
        %gather3A_1195 = arith.constant 0 : i32
        %gather3A_1196 = arith.constant 0 : i32
        %gather3A_1197 = tpu.memref_slice %arg6[%scan3A_822, %gather3A_1194, %gather3A_1195, %gather3A_1196] : memref<2x2x128x128xf32, #tpu.memory_space<vmem>> -> memref<1x2x128x128xf32, #tpu.memory_space<vmem>>
        %gather3A_1198 = tpu.memref_squeeze %gather3A_1197 : memref<1x2x128x128xf32, #tpu.memory_space<vmem>> -> memref<2x128x128xf32, #tpu.memory_space<vmem>>
        %gather3A_1199 = tpu.vector_load_idx %gather3A_1198[%broadcast_in_dim3A_27, %add3A_18, %and3A_1109] : memref<2x128x128xf32, #tpu.memory_space<vmem>>[vector<16xi32>, vector<16xi32>, vector<16xi32>], vector<16xf32>,
        %gather3A_1200 = arith.constant 0 : i32
        %gather3A_1201 = arith.constant 0 : i32
        %gather3A_1202 = arith.constant 0 : i32
        %gather3A_1203 = tpu.memref_slice %arg6[%scan3A_822, %gather3A_1200, %gather3A_1201, %gather3A_1202] : memref<2x2x128x128xf32, #tpu.memory_space<vmem>> -> memref<1x2x128x128xf32, #tpu.memory_space<vmem>>
        %gather3A_1204 = tpu.memref_squeeze %gather3A_1203 : memref<1x2x128x128xf32, #tpu.memory_space<vmem>> -> memref<2x128x128xf32, #tpu.memory_space<vmem>>
        %gather3A_1205 = tpu.vector_load_idx %gather3A_1204[%broadcast_in_dim3A_27, %add3A_21, %and3A_1109] : memref<2x128x128xf32, #tpu.memory_space<vmem>>[vector<16xi32>, vector<16xi32>, vector<16xi32>], vector<16xf32>,
        %gather3A_1206 = arith.constant 0 : i32
        %gather3A_1207 = arith.constant 0 : i32
        %gather3A_1208 = arith.constant 0 : i32
        %gather3A_1209 = tpu.memref_slice %arg6[%scan3A_822, %gather3A_1206, %gather3A_1207, %gather3A_1208] : memref<2x2x128x128xf32, #tpu.memory_space<vmem>> -> memref<1x2x128x128xf32, #tpu.memory_space<vmem>>
        %gather3A_1210 = tpu.memref_squeeze %gather3A_1209 : memref<1x2x128x128xf32, #tpu.memory_space<vmem>> -> memref<2x128x128xf32, #tpu.memory_space<vmem>>
        %gather3A_1211 = tpu.vector_load_idx %gather3A_1210[%broadcast_in_dim3A_27, %add3A_24, %and3A_1109] : memref<2x128x128xf32, #tpu.memory_space<vmem>>[vector<16xi32>, vector<16xi32>, vector<16xi32>], vector<16xf32>,
        %scatter3A_1212 = arith.constant 1 : i32
        %scatter3A_1213 = arith.constant 0 : i32
        %scatter3A_1214 = arith.constant 0 : i32
        %scatter3A_1215 = arith.constant 0 : i32
        %scatter3A_1216 = arith.constant 0 : i32
        %scatter3A_1217 = tpu.memref_slice %arg7[%scatter3A_1212, %scatter3A_1213, %scatter3A_1214, %scatter3A_1215, %scatter3A_1216] : memref<2x2x8x8x128xf32, #tpu.memory_space<vmem>> -> memref<1x1x8x8x128xf32, #tpu.memory_space<vmem>>
        %scatter3A_1218 = tpu.memref_squeeze %scatter3A_1217 : memref<1x1x8x8x128xf32, #tpu.memory_space<vmem>> -> memref<8x8x128xf32, #tpu.memory_space<vmem>>
        tpu.vector_store_idx %scatter3A_1218[%shift_right_logical3A_1112, %and3A_1115, %add3A_3], %gather3A_1121 : memref<8x8x128xf32, #tpu.memory_space<vmem>>[vector<16xi32>, vector<16xi32>, vector<16xi32>], vector<16xf32>,
        %scatter3A_1219 = arith.constant 1 : i32
        %scatter3A_1220 = arith.constant 0 : i32
        %scatter3A_1221 = arith.constant 0 : i32
        %scatter3A_1222 = arith.constant 0 : i32
        %scatter3A_1223 = arith.constant 0 : i32
        %scatter3A_1224 = tpu.memref_slice %arg7[%scatter3A_1219, %scatter3A_1220, %scatter3A_1221, %scatter3A_1222, %scatter3A_1223] : memref<2x2x8x8x128xf32, #tpu.memory_space<vmem>> -> memref<1x1x8x8x128xf32, #tpu.memory_space<vmem>>
        %scatter3A_1225 = tpu.memref_squeeze %scatter3A_1224 : memref<1x1x8x8x128xf32, #tpu.memory_space<vmem>> -> memref<8x8x128xf32, #tpu.memory_space<vmem>>
        tpu.vector_store_idx %scatter3A_1225[%shift_right_logical3A_1112, %and3A_1115, %add3A_6], %gather3A_1127 : memref<8x8x128xf32, #tpu.memory_space<vmem>>[vector<16xi32>, vector<16xi32>, vector<16xi32>], vector<16xf32>,
        %scatter3A_1226 = arith.constant 1 : i32
        %scatter3A_1227 = arith.constant 0 : i32
        %scatter3A_1228 = arith.constant 0 : i32
        %scatter3A_1229 = arith.constant 0 : i32
        %scatter3A_1230 = arith.constant 0 : i32
        %scatter3A_1231 = tpu.memref_slice %arg7[%scatter3A_1226, %scatter3A_1227, %scatter3A_1228, %scatter3A_1229, %scatter3A_1230] : memref<2x2x8x8x128xf32, #tpu.memory_space<vmem>> -> memref<1x1x8x8x128xf32, #tpu.memory_space<vmem>>
        %scatter3A_1232 = tpu.memref_squeeze %scatter3A_1231 : memref<1x1x8x8x128xf32, #tpu.memory_space<vmem>> -> memref<8x8x128xf32, #tpu.memory_space<vmem>>
        tpu.vector_store_idx %scatter3A_1232[%shift_right_logical3A_1112, %and3A_1115, %add3A_9], %gather3A_1133 : memref<8x8x128xf32, #tpu.memory_space<vmem>>[vector<16xi32>, vector<16xi32>, vector<16xi32>], vector<16xf32>,
        %scatter3A_1233 = arith.constant 1 : i32
        %scatter3A_1234 = arith.constant 0 : i32
        %scatter3A_1235 = arith.constant 0 : i32
        %scatter3A_1236 = arith.constant 0 : i32
        %scatter3A_1237 = arith.constant 0 : i32
        %scatter3A_1238 = tpu.memref_slice %arg7[%scatter3A_1233, %scatter3A_1234, %scatter3A_1235, %scatter3A_1236, %scatter3A_1237] : memref<2x2x8x8x128xf32, #tpu.memory_space<vmem>> -> memref<1x1x8x8x128xf32, #tpu.memory_space<vmem>>
        %scatter3A_1239 = tpu.memref_squeeze %scatter3A_1238 : memref<1x1x8x8x128xf32, #tpu.memory_space<vmem>> -> memref<8x8x128xf32, #tpu.memory_space<vmem>>
        tpu.vector_store_idx %scatter3A_1239[%shift_right_logical3A_1112, %and3A_1115, %add3A_12], %gather3A_1139 : memref<8x8x128xf32, #tpu.memory_space<vmem>>[vector<16xi32>, vector<16xi32>, vector<16xi32>], vector<16xf32>,
        %scatter3A_1240 = arith.constant 1 : i32
        %scatter3A_1241 = arith.constant 0 : i32
        %scatter3A_1242 = arith.constant 0 : i32
        %scatter3A_1243 = arith.constant 0 : i32
        %scatter3A_1244 = arith.constant 0 : i32
        %scatter3A_1245 = tpu.memref_slice %arg7[%scatter3A_1240, %scatter3A_1241, %scatter3A_1242, %scatter3A_1243, %scatter3A_1244] : memref<2x2x8x8x128xf32, #tpu.memory_space<vmem>> -> memref<1x1x8x8x128xf32, #tpu.memory_space<vmem>>
        %scatter3A_1246 = tpu.memref_squeeze %scatter3A_1245 : memref<1x1x8x8x128xf32, #tpu.memory_space<vmem>> -> memref<8x8x128xf32, #tpu.memory_space<vmem>>
        tpu.vector_store_idx %scatter3A_1246[%shift_right_logical3A_1112, %and3A_1115, %add3A_15], %gather3A_1145 : memref<8x8x128xf32, #tpu.memory_space<vmem>>[vector<16xi32>, vector<16xi32>, vector<16xi32>], vector<16xf32>,
        %scatter3A_1247 = arith.constant 1 : i32
        %scatter3A_1248 = arith.constant 0 : i32
        %scatter3A_1249 = arith.constant 0 : i32
        %scatter3A_1250 = arith.constant 0 : i32
        %scatter3A_1251 = arith.constant 0 : i32
        %scatter3A_1252 = tpu.memref_slice %arg7[%scatter3A_1247, %scatter3A_1248, %scatter3A_1249, %scatter3A_1250, %scatter3A_1251] : memref<2x2x8x8x128xf32, #tpu.memory_space<vmem>> -> memref<1x1x8x8x128xf32, #tpu.memory_space<vmem>>
        %scatter3A_1253 = tpu.memref_squeeze %scatter3A_1252 : memref<1x1x8x8x128xf32, #tpu.memory_space<vmem>> -> memref<8x8x128xf32, #tpu.memory_space<vmem>>
        tpu.vector_store_idx %scatter3A_1253[%shift_right_logical3A_1112, %and3A_1115, %add3A_18], %gather3A_1151 : memref<8x8x128xf32, #tpu.memory_space<vmem>>[vector<16xi32>, vector<16xi32>, vector<16xi32>], vector<16xf32>,
        %scatter3A_1254 = arith.constant 1 : i32
        %scatter3A_1255 = arith.constant 0 : i32
        %scatter3A_1256 = arith.constant 0 : i32
        %scatter3A_1257 = arith.constant 0 : i32
        %scatter3A_1258 = arith.constant 0 : i32
        %scatter3A_1259 = tpu.memref_slice %arg7[%scatter3A_1254, %scatter3A_1255, %scatter3A_1256, %scatter3A_1257, %scatter3A_1258] : memref<2x2x8x8x128xf32, #tpu.memory_space<vmem>> -> memref<1x1x8x8x128xf32, #tpu.memory_space<vmem>>
        %scatter3A_1260 = tpu.memref_squeeze %scatter3A_1259 : memref<1x1x8x8x128xf32, #tpu.memory_space<vmem>> -> memref<8x8x128xf32, #tpu.memory_space<vmem>>
        tpu.vector_store_idx %scatter3A_1260[%shift_right_logical3A_1112, %and3A_1115, %add3A_21], %gather3A_1157 : memref<8x8x128xf32, #tpu.memory_space<vmem>>[vector<16xi32>, vector<16xi32>, vector<16xi32>], vector<16xf32>,
        %scatter3A_1261 = arith.constant 1 : i32
        %scatter3A_1262 = arith.constant 0 : i32
        %scatter3A_1263 = arith.constant 0 : i32
        %scatter3A_1264 = arith.constant 0 : i32
        %scatter3A_1265 = arith.constant 0 : i32
        %scatter3A_1266 = tpu.memref_slice %arg7[%scatter3A_1261, %scatter3A_1262, %scatter3A_1263, %scatter3A_1264, %scatter3A_1265] : memref<2x2x8x8x128xf32, #tpu.memory_space<vmem>> -> memref<1x1x8x8x128xf32, #tpu.memory_space<vmem>>
        %scatter3A_1267 = tpu.memref_squeeze %scatter3A_1266 : memref<1x1x8x8x128xf32, #tpu.memory_space<vmem>> -> memref<8x8x128xf32, #tpu.memory_space<vmem>>
        tpu.vector_store_idx %scatter3A_1267[%shift_right_logical3A_1112, %and3A_1115, %add3A_24], %gather3A_1163 : memref<8x8x128xf32, #tpu.memory_space<vmem>>[vector<16xi32>, vector<16xi32>, vector<16xi32>], vector<16xf32>,
        %scatter3A_1268 = arith.constant 1 : i32
        %scatter3A_1269 = arith.constant 1 : i32
        %scatter3A_1270 = arith.constant 0 : i32
        %scatter3A_1271 = arith.constant 0 : i32
        %scatter3A_1272 = arith.constant 0 : i32
        %scatter3A_1273 = tpu.memref_slice %arg7[%scatter3A_1268, %scatter3A_1269, %scatter3A_1270, %scatter3A_1271, %scatter3A_1272] : memref<2x2x8x8x128xf32, #tpu.memory_space<vmem>> -> memref<1x1x8x8x128xf32, #tpu.memory_space<vmem>>
        %scatter3A_1274 = tpu.memref_squeeze %scatter3A_1273 : memref<1x1x8x8x128xf32, #tpu.memory_space<vmem>> -> memref<8x8x128xf32, #tpu.memory_space<vmem>>
        tpu.vector_store_idx %scatter3A_1274[%shift_right_logical3A_1112, %and3A_1115, %add3A_3], %gather3A_1169 : memref<8x8x128xf32, #tpu.memory_space<vmem>>[vector<16xi32>, vector<16xi32>, vector<16xi32>], vector<16xf32>,
        %scatter3A_1275 = arith.constant 1 : i32
        %scatter3A_1276 = arith.constant 1 : i32
        %scatter3A_1277 = arith.constant 0 : i32
        %scatter3A_1278 = arith.constant 0 : i32
        %scatter3A_1279 = arith.constant 0 : i32
        %scatter3A_1280 = tpu.memref_slice %arg7[%scatter3A_1275, %scatter3A_1276, %scatter3A_1277, %scatter3A_1278, %scatter3A_1279] : memref<2x2x8x8x128xf32, #tpu.memory_space<vmem>> -> memref<1x1x8x8x128xf32, #tpu.memory_space<vmem>>
        %scatter3A_1281 = tpu.memref_squeeze %scatter3A_1280 : memref<1x1x8x8x128xf32, #tpu.memory_space<vmem>> -> memref<8x8x128xf32, #tpu.memory_space<vmem>>
        tpu.vector_store_idx %scatter3A_1281[%shift_right_logical3A_1112, %and3A_1115, %add3A_6], %gather3A_1175 : memref<8x8x128xf32, #tpu.memory_space<vmem>>[vector<16xi32>, vector<16xi32>, vector<16xi32>], vector<16xf32>,
        %scatter3A_1282 = arith.constant 1 : i32
        %scatter3A_1283 = arith.constant 1 : i32
        %scatter3A_1284 = arith.constant 0 : i32
        %scatter3A_1285 = arith.constant 0 : i32
        %scatter3A_1286 = arith.constant 0 : i32
        %scatter3A_1287 = tpu.memref_slice %arg7[%scatter3A_1282, %scatter3A_1283, %scatter3A_1284, %scatter3A_1285, %scatter3A_1286] : memref<2x2x8x8x128xf32, #tpu.memory_space<vmem>> -> memref<1x1x8x8x128xf32, #tpu.memory_space<vmem>>
        %scatter3A_1288 = tpu.memref_squeeze %scatter3A_1287 : memref<1x1x8x8x128xf32, #tpu.memory_space<vmem>> -> memref<8x8x128xf32, #tpu.memory_space<vmem>>
        tpu.vector_store_idx %scatter3A_1288[%shift_right_logical3A_1112, %and3A_1115, %add3A_9], %gather3A_1181 : memref<8x8x128xf32, #tpu.memory_space<vmem>>[vector<16xi32>, vector<16xi32>, vector<16xi32>], vector<16xf32>,
        %scatter3A_1289 = arith.constant 1 : i32
        %scatter3A_1290 = arith.constant 1 : i32
        %scatter3A_1291 = arith.constant 0 : i32
        %scatter3A_1292 = arith.constant 0 : i32
        %scatter3A_1293 = arith.constant 0 : i32
        %scatter3A_1294 = tpu.memref_slice %arg7[%scatter3A_1289, %scatter3A_1290, %scatter3A_1291, %scatter3A_1292, %scatter3A_1293] : memref<2x2x8x8x128xf32, #tpu.memory_space<vmem>> -> memref<1x1x8x8x128xf32, #tpu.memory_space<vmem>>
        %scatter3A_1295 = tpu.memref_squeeze %scatter3A_1294 : memref<1x1x8x8x128xf32, #tpu.memory_space<vmem>> -> memref<8x8x128xf32, #tpu.memory_space<vmem>>
        tpu.vector_store_idx %scatter3A_1295[%shift_right_logical3A_1112, %and3A_1115, %add3A_12], %gather3A_1187 : memref<8x8x128xf32, #tpu.memory_space<vmem>>[vector<16xi32>, vector<16xi32>, vector<16xi32>], vector<16xf32>,
        %scatter3A_1296 = arith.constant 1 : i32
        %scatter3A_1297 = arith.constant 1 : i32
        %scatter3A_1298 = arith.constant 0 : i32
        %scatter3A_1299 = arith.constant 0 : i32
        %scatter3A_1300 = arith.constant 0 : i32
        %scatter3A_1301 = tpu.memref_slice %arg7[%scatter3A_1296, %scatter3A_1297, %scatter3A_1298, %scatter3A_1299, %scatter3A_1300] : memref<2x2x8x8x128xf32, #tpu.memory_space<vmem>> -> memref<1x1x8x8x128xf32, #tpu.memory_space<vmem>>
        %scatter3A_1302 = tpu.memref_squeeze %scatter3A_1301 : memref<1x1x8x8x128xf32, #tpu.memory_space<vmem>> -> memref<8x8x128xf32, #tpu.memory_space<vmem>>
        tpu.vector_store_idx %scatter3A_1302[%shift_right_logical3A_1112, %and3A_1115, %add3A_15], %gather3A_1193 : memref<8x8x128xf32, #tpu.memory_space<vmem>>[vector<16xi32>, vector<16xi32>, vector<16xi32>], vector<16xf32>,
        %scatter3A_1303 = arith.constant 1 : i32
        %scatter3A_1304 = arith.constant 1 : i32
        %scatter3A_1305 = arith.constant 0 : i32
        %scatter3A_1306 = arith.constant 0 : i32
        %scatter3A_1307 = arith.constant 0 : i32
        %scatter3A_1308 = tpu.memref_slice %arg7[%scatter3A_1303, %scatter3A_1304, %scatter3A_1305, %scatter3A_1306, %scatter3A_1307] : memref<2x2x8x8x128xf32, #tpu.memory_space<vmem>> -> memref<1x1x8x8x128xf32, #tpu.memory_space<vmem>>
        %scatter3A_1309 = tpu.memref_squeeze %scatter3A_1308 : memref<1x1x8x8x128xf32, #tpu.memory_space<vmem>> -> memref<8x8x128xf32, #tpu.memory_space<vmem>>
        tpu.vector_store_idx %scatter3A_1309[%shift_right_logical3A_1112, %and3A_1115, %add3A_18], %gather3A_1199 : memref<8x8x128xf32, #tpu.memory_space<vmem>>[vector<16xi32>, vector<16xi32>, vector<16xi32>], vector<16xf32>,
        %scatter3A_1310 = arith.constant 1 : i32
        %scatter3A_1311 = arith.constant 1 : i32
        %scatter3A_1312 = arith.constant 0 : i32
        %scatter3A_1313 = arith.constant 0 : i32
        %scatter3A_1314 = arith.constant 0 : i32
        %scatter3A_1315 = tpu.memref_slice %arg7[%scatter3A_1310, %scatter3A_1311, %scatter3A_1312, %scatter3A_1313, %scatter3A_1314] : memref<2x2x8x8x128xf32, #tpu.memory_space<vmem>> -> memref<1x1x8x8x128xf32, #tpu.memory_space<vmem>>
        %scatter3A_1316 = tpu.memref_squeeze %scatter3A_1315 : memref<1x1x8x8x128xf32, #tpu.memory_space<vmem>> -> memref<8x8x128xf32, #tpu.memory_space<vmem>>
        tpu.vector_store_idx %scatter3A_1316[%shift_right_logical3A_1112, %and3A_1115, %add3A_21], %gather3A_1205 : memref<8x8x128xf32, #tpu.memory_space<vmem>>[vector<16xi32>, vector<16xi32>, vector<16xi32>], vector<16xf32>,
        %scatter3A_1317 = arith.constant 1 : i32
        %scatter3A_1318 = arith.constant 1 : i32
        %scatter3A_1319 = arith.constant 0 : i32
        %scatter3A_1320 = arith.constant 0 : i32
        %scatter3A_1321 = arith.constant 0 : i32
        %scatter3A_1322 = tpu.memref_slice %arg7[%scatter3A_1317, %scatter3A_1318, %scatter3A_1319, %scatter3A_1320, %scatter3A_1321] : memref<2x2x8x8x128xf32, #tpu.memory_space<vmem>> -> memref<1x1x8x8x128xf32, #tpu.memory_space<vmem>>
        %scatter3A_1323 = tpu.memref_squeeze %scatter3A_1322 : memref<1x1x8x8x128xf32, #tpu.memory_space<vmem>> -> memref<8x8x128xf32, #tpu.memory_space<vmem>>
        tpu.vector_store_idx %scatter3A_1323[%shift_right_logical3A_1112, %and3A_1115, %add3A_24], %gather3A_1211 : memref<8x8x128xf32, #tpu.memory_space<vmem>>[vector<16xi32>, vector<16xi32>, vector<16xi32>], vector<16xf32>,
        %mul3A_1324 = arith.constant 4 : i32
        %mul3A_1325 = arith.muli %scan3A_880, %mul3A_1324 : i32
        %add3A_1326 = arith.constant 2 : i32
        %add3A_1327 = arith.addi %mul3A_1325, %add3A_1326 : i32
        %add3A_1328 = vector.broadcast %add3A_1327 : i32 to vector<16xi32>
        %add3A_1329 = arith.addi %iota3A, %add3A_1328 : vector<16xi32>
        %and3A_1330 = arith.constant 63 : i32
        %and3A_1331 = vector.broadcast %and3A_1330 : i32 to vector<16xi32>
        %and3A_1332 = arith.andi %add3A_1329, %and3A_1331 : vector<16xi32>
        %shift_right_logical3A_1333 = arith.constant 3 : i32
        %shift_right_logical3A_1334 = vector.broadcast %shift_right_logical3A_1333 : i32 to vector<16xi32>
        %shift_right_logical3A_1335 = arith.shrui %and3A_1332, %shift_right_logical3A_1334 : vector<16xi32>
        %and3A_1336 = arith.constant 7 : i32
        %and3A_1337 = vector.broadcast %and3A_1336 : i32 to vector<16xi32>
        %and3A_1338 = arith.andi %and3A_1332, %and3A_1337 : vector<16xi32>
        %gather3A_1339 = arith.constant 0 : i32
        %gather3A_1340 = arith.constant 0 : i32
        %gather3A_1341 = arith.constant 0 : i32
        %gather3A_1342 = tpu.memref_slice %arg6[%scan3A_822, %gather3A_1339, %gather3A_1340, %gather3A_1341] : memref<2x2x128x128xf32, #tpu.memory_space<vmem>> -> memref<1x2x128x128xf32, #tpu.memory_space<vmem>>
        %gather3A_1343 = tpu.memref_squeeze %gather3A_1342 : memref<1x2x128x128xf32, #tpu.memory_space<vmem>> -> memref<2x128x128xf32, #tpu.memory_space<vmem>>
        %gather3A_1344 = tpu.vector_load_idx %gather3A_1343[%broadcast_in_dim3A_25, %add3A_3, %and3A_1332] : memref<2x128x128xf32, #tpu.memory_space<vmem>>[vector<16xi32>, vector<16xi32>, vector<16xi32>], vector<16xf32>,
        %gather3A_1345 = arith.constant 0 : i32
        %gather3A_1346 = arith.constant 0 : i32
        %gather3A_1347 = arith.constant 0 : i32
        %gather3A_1348 = tpu.memref_slice %arg6[%scan3A_822, %gather3A_1345, %gather3A_1346, %gather3A_1347] : memref<2x2x128x128xf32, #tpu.memory_space<vmem>> -> memref<1x2x128x128xf32, #tpu.memory_space<vmem>>
        %gather3A_1349 = tpu.memref_squeeze %gather3A_1348 : memref<1x2x128x128xf32, #tpu.memory_space<vmem>> -> memref<2x128x128xf32, #tpu.memory_space<vmem>>
        %gather3A_1350 = tpu.vector_load_idx %gather3A_1349[%broadcast_in_dim3A_25, %add3A_6, %and3A_1332] : memref<2x128x128xf32, #tpu.memory_space<vmem>>[vector<16xi32>, vector<16xi32>, vector<16xi32>], vector<16xf32>,
        %gather3A_1351 = arith.constant 0 : i32
        %gather3A_1352 = arith.constant 0 : i32
        %gather3A_1353 = arith.constant 0 : i32
        %gather3A_1354 = tpu.memref_slice %arg6[%scan3A_822, %gather3A_1351, %gather3A_1352, %gather3A_1353] : memref<2x2x128x128xf32, #tpu.memory_space<vmem>> -> memref<1x2x128x128xf32, #tpu.memory_space<vmem>>
        %gather3A_1355 = tpu.memref_squeeze %gather3A_1354 : memref<1x2x128x128xf32, #tpu.memory_space<vmem>> -> memref<2x128x128xf32, #tpu.memory_space<vmem>>
        %gather3A_1356 = tpu.vector_load_idx %gather3A_1355[%broadcast_in_dim3A_25, %add3A_9, %and3A_1332] : memref<2x128x128xf32, #tpu.memory_space<vmem>>[vector<16xi32>, vector<16xi32>, vector<16xi32>], vector<16xf32>,
        %gather3A_1357 = arith.constant 0 : i32
        %gather3A_1358 = arith.constant 0 : i32
        %gather3A_1359 = arith.constant 0 : i32
        %gather3A_1360 = tpu.memref_slice %arg6[%scan3A_822, %gather3A_1357, %gather3A_1358, %gather3A_1359] : memref<2x2x128x128xf32, #tpu.memory_space<vmem>> -> memref<1x2x128x128xf32, #tpu.memory_space<vmem>>
        %gather3A_1361 = tpu.memref_squeeze %gather3A_1360 : memref<1x2x128x128xf32, #tpu.memory_space<vmem>> -> memref<2x128x128xf32, #tpu.memory_space<vmem>>
        %gather3A_1362 = tpu.vector_load_idx %gather3A_1361[%broadcast_in_dim3A_25, %add3A_12, %and3A_1332] : memref<2x128x128xf32, #tpu.memory_space<vmem>>[vector<16xi32>, vector<16xi32>, vector<16xi32>], vector<16xf32>,
        %gather3A_1363 = arith.constant 0 : i32
        %gather3A_1364 = arith.constant 0 : i32
        %gather3A_1365 = arith.constant 0 : i32
        %gather3A_1366 = tpu.memref_slice %arg6[%scan3A_822, %gather3A_1363, %gather3A_1364, %gather3A_1365] : memref<2x2x128x128xf32, #tpu.memory_space<vmem>> -> memref<1x2x128x128xf32, #tpu.memory_space<vmem>>
        %gather3A_1367 = tpu.memref_squeeze %gather3A_1366 : memref<1x2x128x128xf32, #tpu.memory_space<vmem>> -> memref<2x128x128xf32, #tpu.memory_space<vmem>>
        %gather3A_1368 = tpu.vector_load_idx %gather3A_1367[%broadcast_in_dim3A_25, %add3A_15, %and3A_1332] : memref<2x128x128xf32, #tpu.memory_space<vmem>>[vector<16xi32>, vector<16xi32>, vector<16xi32>], vector<16xf32>,
        %gather3A_1369 = arith.constant 0 : i32
        %gather3A_1370 = arith.constant 0 : i32
        %gather3A_1371 = arith.constant 0 : i32
        %gather3A_1372 = tpu.memref_slice %arg6[%scan3A_822, %gather3A_1369, %gather3A_1370, %gather3A_1371] : memref<2x2x128x128xf32, #tpu.memory_space<vmem>> -> memref<1x2x128x128xf32, #tpu.memory_space<vmem>>
        %gather3A_1373 = tpu.memref_squeeze %gather3A_1372 : memref<1x2x128x128xf32, #tpu.memory_space<vmem>> -> memref<2x128x128xf32, #tpu.memory_space<vmem>>
        %gather3A_1374 = tpu.vector_load_idx %gather3A_1373[%broadcast_in_dim3A_25, %add3A_18, %and3A_1332] : memref<2x128x128xf32, #tpu.memory_space<vmem>>[vector<16xi32>, vector<16xi32>, vector<16xi32>], vector<16xf32>,
        %gather3A_1375 = arith.constant 0 : i32
        %gather3A_1376 = arith.constant 0 : i32
        %gather3A_1377 = arith.constant 0 : i32
        %gather3A_1378 = tpu.memref_slice %arg6[%scan3A_822, %gather3A_1375, %gather3A_1376, %gather3A_1377] : memref<2x2x128x128xf32, #tpu.memory_space<vmem>> -> memref<1x2x128x128xf32, #tpu.memory_space<vmem>>
        %gather3A_1379 = tpu.memref_squeeze %gather3A_1378 : memref<1x2x128x128xf32, #tpu.memory_space<vmem>> -> memref<2x128x128xf32, #tpu.memory_space<vmem>>
        %gather3A_1380 = tpu.vector_load_idx %gather3A_1379[%broadcast_in_dim3A_25, %add3A_21, %and3A_1332] : memref<2x128x128xf32, #tpu.memory_space<vmem>>[vector<16xi32>, vector<16xi32>, vector<16xi32>], vector<16xf32>,
        %gather3A_1381 = arith.constant 0 : i32
        %gather3A_1382 = arith.constant 0 : i32
        %gather3A_1383 = arith.constant 0 : i32
        %gather3A_1384 = tpu.memref_slice %arg6[%scan3A_822, %gather3A_1381, %gather3A_1382, %gather3A_1383] : memref<2x2x128x128xf32, #tpu.memory_space<vmem>> -> memref<1x2x128x128xf32, #tpu.memory_space<vmem>>
        %gather3A_1385 = tpu.memref_squeeze %gather3A_1384 : memref<1x2x128x128xf32, #tpu.memory_space<vmem>> -> memref<2x128x128xf32, #tpu.memory_space<vmem>>
        %gather3A_1386 = tpu.vector_load_idx %gather3A_1385[%broadcast_in_dim3A_25, %add3A_24, %and3A_1332] : memref<2x128x128xf32, #tpu.memory_space<vmem>>[vector<16xi32>, vector<16xi32>, vector<16xi32>], vector<16xf32>,
        %gather3A_1387 = arith.constant 0 : i32
        %gather3A_1388 = arith.constant 0 : i32
        %gather3A_1389 = arith.constant 0 : i32
        %gather3A_1390 = tpu.memref_slice %arg6[%scan3A_822, %gather3A_1387, %gather3A_1388, %gather3A_1389] : memref<2x2x128x128xf32, #tpu.memory_space<vmem>> -> memref<1x2x128x128xf32, #tpu.memory_space<vmem>>
        %gather3A_1391 = tpu.memref_squeeze %gather3A_1390 : memref<1x2x128x128xf32, #tpu.memory_space<vmem>> -> memref<2x128x128xf32, #tpu.memory_space<vmem>>
        %gather3A_1392 = tpu.vector_load_idx %gather3A_1391[%broadcast_in_dim3A_27, %add3A_3, %and3A_1332] : memref<2x128x128xf32, #tpu.memory_space<vmem>>[vector<16xi32>, vector<16xi32>, vector<16xi32>], vector<16xf32>,
        %gather3A_1393 = arith.constant 0 : i32
        %gather3A_1394 = arith.constant 0 : i32
        %gather3A_1395 = arith.constant 0 : i32
        %gather3A_1396 = tpu.memref_slice %arg6[%scan3A_822, %gather3A_1393, %gather3A_1394, %gather3A_1395] : memref<2x2x128x128xf32, #tpu.memory_space<vmem>> -> memref<1x2x128x128xf32, #tpu.memory_space<vmem>>
        %gather3A_1397 = tpu.memref_squeeze %gather3A_1396 : memref<1x2x128x128xf32, #tpu.memory_space<vmem>> -> memref<2x128x128xf32, #tpu.memory_space<vmem>>
        %gather3A_1398 = tpu.vector_load_idx %gather3A_1397[%broadcast_in_dim3A_27, %add3A_6, %and3A_1332] : memref<2x128x128xf32, #tpu.memory_space<vmem>>[vector<16xi32>, vector<16xi32>, vector<16xi32>], vector<16xf32>,
        %gather3A_1399 = arith.constant 0 : i32
        %gather3A_1400 = arith.constant 0 : i32
        %gather3A_1401 = arith.constant 0 : i32
        %gather3A_1402 = tpu.memref_slice %arg6[%scan3A_822, %gather3A_1399, %gather3A_1400, %gather3A_1401] : memref<2x2x128x128xf32, #tpu.memory_space<vmem>> -> memref<1x2x128x128xf32, #tpu.memory_space<vmem>>
        %gather3A_1403 = tpu.memref_squeeze %gather3A_1402 : memref<1x2x128x128xf32, #tpu.memory_space<vmem>> -> memref<2x128x128xf32, #tpu.memory_space<vmem>>
        %gather3A_1404 = tpu.vector_load_idx %gather3A_1403[%broadcast_in_dim3A_27, %add3A_9, %and3A_1332] : memref<2x128x128xf32, #tpu.memory_space<vmem>>[vector<16xi32>, vector<16xi32>, vector<16xi32>], vector<16xf32>,
        %gather3A_1405 = arith.constant 0 : i32
        %gather3A_1406 = arith.constant 0 : i32
        %gather3A_1407 = arith.constant 0 : i32
        %gather3A_1408 = tpu.memref_slice %arg6[%scan3A_822, %gather3A_1405, %gather3A_1406, %gather3A_1407] : memref<2x2x128x128xf32, #tpu.memory_space<vmem>> -> memref<1x2x128x128xf32, #tpu.memory_space<vmem>>
        %gather3A_1409 = tpu.memref_squeeze %gather3A_1408 : memref<1x2x128x128xf32, #tpu.memory_space<vmem>> -> memref<2x128x128xf32, #tpu.memory_space<vmem>>
        %gather3A_1410 = tpu.vector_load_idx %gather3A_1409[%broadcast_in_dim3A_27, %add3A_12, %and3A_1332] : memref<2x128x128xf32, #tpu.memory_space<vmem>>[vector<16xi32>, vector<16xi32>, vector<16xi32>], vector<16xf32>,
        %gather3A_1411 = arith.constant 0 : i32
        %gather3A_1412 = arith.constant 0 : i32
        %gather3A_1413 = arith.constant 0 : i32
        %gather3A_1414 = tpu.memref_slice %arg6[%scan3A_822, %gather3A_1411, %gather3A_1412, %gather3A_1413] : memref<2x2x128x128xf32, #tpu.memory_space<vmem>> -> memref<1x2x128x128xf32, #tpu.memory_space<vmem>>
        %gather3A_1415 = tpu.memref_squeeze %gather3A_1414 : memref<1x2x128x128xf32, #tpu.memory_space<vmem>> -> memref<2x128x128xf32, #tpu.memory_space<vmem>>
        %gather3A_1416 = tpu.vector_load_idx %gather3A_1415[%broadcast_in_dim3A_27, %add3A_15, %and3A_1332] : memref<2x128x128xf32, #tpu.memory_space<vmem>>[vector<16xi32>, vector<16xi32>, vector<16xi32>], vector<16xf32>,
        %gather3A_1417 = arith.constant 0 : i32
        %gather3A_1418 = arith.constant 0 : i32
        %gather3A_1419 = arith.constant 0 : i32
        %gather3A_1420 = tpu.memref_slice %arg6[%scan3A_822, %gather3A_1417, %gather3A_1418, %gather3A_1419] : memref<2x2x128x128xf32, #tpu.memory_space<vmem>> -> memref<1x2x128x128xf32, #tpu.memory_space<vmem>>
        %gather3A_1421 = tpu.memref_squeeze %gather3A_1420 : memref<1x2x128x128xf32, #tpu.memory_space<vmem>> -> memref<2x128x128xf32, #tpu.memory_space<vmem>>
        %gather3A_1422 = tpu.vector_load_idx %gather3A_1421[%broadcast_in_dim3A_27, %add3A_18, %and3A_1332] : memref<2x128x128xf32, #tpu.memory_space<vmem>>[vector<16xi32>, vector<16xi32>, vector<16xi32>], vector<16xf32>,
        %gather3A_1423 = arith.constant 0 : i32
        %gather3A_1424 = arith.constant 0 : i32
        %gather3A_1425 = arith.constant 0 : i32
        %gather3A_1426 = tpu.memref_slice %arg6[%scan3A_822, %gather3A_1423, %gather3A_1424, %gather3A_1425] : memref<2x2x128x128xf32, #tpu.memory_space<vmem>> -> memref<1x2x128x128xf32, #tpu.memory_space<vmem>>
        %gather3A_1427 = tpu.memref_squeeze %gather3A_1426 : memref<1x2x128x128xf32, #tpu.memory_space<vmem>> -> memref<2x128x128xf32, #tpu.memory_space<vmem>>
        %gather3A_1428 = tpu.vector_load_idx %gather3A_1427[%broadcast_in_dim3A_27, %add3A_21, %and3A_1332] : memref<2x128x128xf32, #tpu.memory_space<vmem>>[vector<16xi32>, vector<16xi32>, vector<16xi32>], vector<16xf32>,
        %gather3A_1429 = arith.constant 0 : i32
        %gather3A_1430 = arith.constant 0 : i32
        %gather3A_1431 = arith.constant 0 : i32
        %gather3A_1432 = tpu.memref_slice %arg6[%scan3A_822, %gather3A_1429, %gather3A_1430, %gather3A_1431] : memref<2x2x128x128xf32, #tpu.memory_space<vmem>> -> memref<1x2x128x128xf32, #tpu.memory_space<vmem>>
        %gather3A_1433 = tpu.memref_squeeze %gather3A_1432 : memref<1x2x128x128xf32, #tpu.memory_space<vmem>> -> memref<2x128x128xf32, #tpu.memory_space<vmem>>
        %gather3A_1434 = tpu.vector_load_idx %gather3A_1433[%broadcast_in_dim3A_27, %add3A_24, %and3A_1332] : memref<2x128x128xf32, #tpu.memory_space<vmem>>[vector<16xi32>, vector<16xi32>, vector<16xi32>], vector<16xf32>,
        %scatter3A_1435 = arith.constant 1 : i32
        %scatter3A_1436 = arith.constant 0 : i32
        %scatter3A_1437 = arith.constant 0 : i32
        %scatter3A_1438 = arith.constant 0 : i32
        %scatter3A_1439 = arith.constant 0 : i32
        %scatter3A_1440 = tpu.memref_slice %arg7[%scatter3A_1435, %scatter3A_1436, %scatter3A_1437, %scatter3A_1438, %scatter3A_1439] : memref<2x2x8x8x128xf32, #tpu.memory_space<vmem>> -> memref<1x1x8x8x128xf32, #tpu.memory_space<vmem>>
        %scatter3A_1441 = tpu.memref_squeeze %scatter3A_1440 : memref<1x1x8x8x128xf32, #tpu.memory_space<vmem>> -> memref<8x8x128xf32, #tpu.memory_space<vmem>>
        tpu.vector_store_idx %scatter3A_1441[%shift_right_logical3A_1335, %and3A_1338, %add3A_3], %gather3A_1344 : memref<8x8x128xf32, #tpu.memory_space<vmem>>[vector<16xi32>, vector<16xi32>, vector<16xi32>], vector<16xf32>,
        %scatter3A_1442 = arith.constant 1 : i32
        %scatter3A_1443 = arith.constant 0 : i32
        %scatter3A_1444 = arith.constant 0 : i32
        %scatter3A_1445 = arith.constant 0 : i32
        %scatter3A_1446 = arith.constant 0 : i32
        %scatter3A_1447 = tpu.memref_slice %arg7[%scatter3A_1442, %scatter3A_1443, %scatter3A_1444, %scatter3A_1445, %scatter3A_1446] : memref<2x2x8x8x128xf32, #tpu.memory_space<vmem>> -> memref<1x1x8x8x128xf32, #tpu.memory_space<vmem>>
        %scatter3A_1448 = tpu.memref_squeeze %scatter3A_1447 : memref<1x1x8x8x128xf32, #tpu.memory_space<vmem>> -> memref<8x8x128xf32, #tpu.memory_space<vmem>>
        tpu.vector_store_idx %scatter3A_1448[%shift_right_logical3A_1335, %and3A_1338, %add3A_6], %gather3A_1350 : memref<8x8x128xf32, #tpu.memory_space<vmem>>[vector<16xi32>, vector<16xi32>, vector<16xi32>], vector<16xf32>,
        %scatter3A_1449 = arith.constant 1 : i32
        %scatter3A_1450 = arith.constant 0 : i32
        %scatter3A_1451 = arith.constant 0 : i32
        %scatter3A_1452 = arith.constant 0 : i32
        %scatter3A_1453 = arith.constant 0 : i32
        %scatter3A_1454 = tpu.memref_slice %arg7[%scatter3A_1449, %scatter3A_1450, %scatter3A_1451, %scatter3A_1452, %scatter3A_1453] : memref<2x2x8x8x128xf32, #tpu.memory_space<vmem>> -> memref<1x1x8x8x128xf32, #tpu.memory_space<vmem>>
        %scatter3A_1455 = tpu.memref_squeeze %scatter3A_1454 : memref<1x1x8x8x128xf32, #tpu.memory_space<vmem>> -> memref<8x8x128xf32, #tpu.memory_space<vmem>>
        tpu.vector_store_idx %scatter3A_1455[%shift_right_logical3A_1335, %and3A_1338, %add3A_9], %gather3A_1356 : memref<8x8x128xf32, #tpu.memory_space<vmem>>[vector<16xi32>, vector<16xi32>, vector<16xi32>], vector<16xf32>,
        %scatter3A_1456 = arith.constant 1 : i32
        %scatter3A_1457 = arith.constant 0 : i32
        %scatter3A_1458 = arith.constant 0 : i32
        %scatter3A_1459 = arith.constant 0 : i32
        %scatter3A_1460 = arith.constant 0 : i32
        %scatter3A_1461 = tpu.memref_slice %arg7[%scatter3A_1456, %scatter3A_1457, %scatter3A_1458, %scatter3A_1459, %scatter3A_1460] : memref<2x2x8x8x128xf32, #tpu.memory_space<vmem>> -> memref<1x1x8x8x128xf32, #tpu.memory_space<vmem>>
        %scatter3A_1462 = tpu.memref_squeeze %scatter3A_1461 : memref<1x1x8x8x128xf32, #tpu.memory_space<vmem>> -> memref<8x8x128xf32, #tpu.memory_space<vmem>>
        tpu.vector_store_idx %scatter3A_1462[%shift_right_logical3A_1335, %and3A_1338, %add3A_12], %gather3A_1362 : memref<8x8x128xf32, #tpu.memory_space<vmem>>[vector<16xi32>, vector<16xi32>, vector<16xi32>], vector<16xf32>,
        %scatter3A_1463 = arith.constant 1 : i32
        %scatter3A_1464 = arith.constant 0 : i32
        %scatter3A_1465 = arith.constant 0 : i32
        %scatter3A_1466 = arith.constant 0 : i32
        %scatter3A_1467 = arith.constant 0 : i32
        %scatter3A_1468 = tpu.memref_slice %arg7[%scatter3A_1463, %scatter3A_1464, %scatter3A_1465, %scatter3A_1466, %scatter3A_1467] : memref<2x2x8x8x128xf32, #tpu.memory_space<vmem>> -> memref<1x1x8x8x128xf32, #tpu.memory_space<vmem>>
        %scatter3A_1469 = tpu.memref_squeeze %scatter3A_1468 : memref<1x1x8x8x128xf32, #tpu.memory_space<vmem>> -> memref<8x8x128xf32, #tpu.memory_space<vmem>>
        tpu.vector_store_idx %scatter3A_1469[%shift_right_logical3A_1335, %and3A_1338, %add3A_15], %gather3A_1368 : memref<8x8x128xf32, #tpu.memory_space<vmem>>[vector<16xi32>, vector<16xi32>, vector<16xi32>], vector<16xf32>,
        %scatter3A_1470 = arith.constant 1 : i32
        %scatter3A_1471 = arith.constant 0 : i32
        %scatter3A_1472 = arith.constant 0 : i32
        %scatter3A_1473 = arith.constant 0 : i32
        %scatter3A_1474 = arith.constant 0 : i32
        %scatter3A_1475 = tpu.memref_slice %arg7[%scatter3A_1470, %scatter3A_1471, %scatter3A_1472, %scatter3A_1473, %scatter3A_1474] : memref<2x2x8x8x128xf32, #tpu.memory_space<vmem>> -> memref<1x1x8x8x128xf32, #tpu.memory_space<vmem>>
        %scatter3A_1476 = tpu.memref_squeeze %scatter3A_1475 : memref<1x1x8x8x128xf32, #tpu.memory_space<vmem>> -> memref<8x8x128xf32, #tpu.memory_space<vmem>>
        tpu.vector_store_idx %scatter3A_1476[%shift_right_logical3A_1335, %and3A_1338, %add3A_18], %gather3A_1374 : memref<8x8x128xf32, #tpu.memory_space<vmem>>[vector<16xi32>, vector<16xi32>, vector<16xi32>], vector<16xf32>,
        %scatter3A_1477 = arith.constant 1 : i32
        %scatter3A_1478 = arith.constant 0 : i32
        %scatter3A_1479 = arith.constant 0 : i32
        %scatter3A_1480 = arith.constant 0 : i32
        %scatter3A_1481 = arith.constant 0 : i32
        %scatter3A_1482 = tpu.memref_slice %arg7[%scatter3A_1477, %scatter3A_1478, %scatter3A_1479, %scatter3A_1480, %scatter3A_1481] : memref<2x2x8x8x128xf32, #tpu.memory_space<vmem>> -> memref<1x1x8x8x128xf32, #tpu.memory_space<vmem>>
        %scatter3A_1483 = tpu.memref_squeeze %scatter3A_1482 : memref<1x1x8x8x128xf32, #tpu.memory_space<vmem>> -> memref<8x8x128xf32, #tpu.memory_space<vmem>>
        tpu.vector_store_idx %scatter3A_1483[%shift_right_logical3A_1335, %and3A_1338, %add3A_21], %gather3A_1380 : memref<8x8x128xf32, #tpu.memory_space<vmem>>[vector<16xi32>, vector<16xi32>, vector<16xi32>], vector<16xf32>,
        %scatter3A_1484 = arith.constant 1 : i32
        %scatter3A_1485 = arith.constant 0 : i32
        %scatter3A_1486 = arith.constant 0 : i32
        %scatter3A_1487 = arith.constant 0 : i32
        %scatter3A_1488 = arith.constant 0 : i32
        %scatter3A_1489 = tpu.memref_slice %arg7[%scatter3A_1484, %scatter3A_1485, %scatter3A_1486, %scatter3A_1487, %scatter3A_1488] : memref<2x2x8x8x128xf32, #tpu.memory_space<vmem>> -> memref<1x1x8x8x128xf32, #tpu.memory_space<vmem>>
        %scatter3A_1490 = tpu.memref_squeeze %scatter3A_1489 : memref<1x1x8x8x128xf32, #tpu.memory_space<vmem>> -> memref<8x8x128xf32, #tpu.memory_space<vmem>>
        tpu.vector_store_idx %scatter3A_1490[%shift_right_logical3A_1335, %and3A_1338, %add3A_24], %gather3A_1386 : memref<8x8x128xf32, #tpu.memory_space<vmem>>[vector<16xi32>, vector<16xi32>, vector<16xi32>], vector<16xf32>,
        %scatter3A_1491 = arith.constant 1 : i32
        %scatter3A_1492 = arith.constant 1 : i32
        %scatter3A_1493 = arith.constant 0 : i32
        %scatter3A_1494 = arith.constant 0 : i32
        %scatter3A_1495 = arith.constant 0 : i32
        %scatter3A_1496 = tpu.memref_slice %arg7[%scatter3A_1491, %scatter3A_1492, %scatter3A_1493, %scatter3A_1494, %scatter3A_1495] : memref<2x2x8x8x128xf32, #tpu.memory_space<vmem>> -> memref<1x1x8x8x128xf32, #tpu.memory_space<vmem>>
        %scatter3A_1497 = tpu.memref_squeeze %scatter3A_1496 : memref<1x1x8x8x128xf32, #tpu.memory_space<vmem>> -> memref<8x8x128xf32, #tpu.memory_space<vmem>>
        tpu.vector_store_idx %scatter3A_1497[%shift_right_logical3A_1335, %and3A_1338, %add3A_3], %gather3A_1392 : memref<8x8x128xf32, #tpu.memory_space<vmem>>[vector<16xi32>, vector<16xi32>, vector<16xi32>], vector<16xf32>,
        %scatter3A_1498 = arith.constant 1 : i32
        %scatter3A_1499 = arith.constant 1 : i32
        %scatter3A_1500 = arith.constant 0 : i32
        %scatter3A_1501 = arith.constant 0 : i32
        %scatter3A_1502 = arith.constant 0 : i32
        %scatter3A_1503 = tpu.memref_slice %arg7[%scatter3A_1498, %scatter3A_1499, %scatter3A_1500, %scatter3A_1501, %scatter3A_1502] : memref<2x2x8x8x128xf32, #tpu.memory_space<vmem>> -> memref<1x1x8x8x128xf32, #tpu.memory_space<vmem>>
        %scatter3A_1504 = tpu.memref_squeeze %scatter3A_1503 : memref<1x1x8x8x128xf32, #tpu.memory_space<vmem>> -> memref<8x8x128xf32, #tpu.memory_space<vmem>>
        tpu.vector_store_idx %scatter3A_1504[%shift_right_logical3A_1335, %and3A_1338, %add3A_6], %gather3A_1398 : memref<8x8x128xf32, #tpu.memory_space<vmem>>[vector<16xi32>, vector<16xi32>, vector<16xi32>], vector<16xf32>,
        %scatter3A_1505 = arith.constant 1 : i32
        %scatter3A_1506 = arith.constant 1 : i32
        %scatter3A_1507 = arith.constant 0 : i32
        %scatter3A_1508 = arith.constant 0 : i32
        %scatter3A_1509 = arith.constant 0 : i32
        %scatter3A_1510 = tpu.memref_slice %arg7[%scatter3A_1505, %scatter3A_1506, %scatter3A_1507, %scatter3A_1508, %scatter3A_1509] : memref<2x2x8x8x128xf32, #tpu.memory_space<vmem>> -> memref<1x1x8x8x128xf32, #tpu.memory_space<vmem>>
        %scatter3A_1511 = tpu.memref_squeeze %scatter3A_1510 : memref<1x1x8x8x128xf32, #tpu.memory_space<vmem>> -> memref<8x8x128xf32, #tpu.memory_space<vmem>>
        tpu.vector_store_idx %scatter3A_1511[%shift_right_logical3A_1335, %and3A_1338, %add3A_9], %gather3A_1404 : memref<8x8x128xf32, #tpu.memory_space<vmem>>[vector<16xi32>, vector<16xi32>, vector<16xi32>], vector<16xf32>,
        %scatter3A_1512 = arith.constant 1 : i32
        %scatter3A_1513 = arith.constant 1 : i32
        %scatter3A_1514 = arith.constant 0 : i32
        %scatter3A_1515 = arith.constant 0 : i32
        %scatter3A_1516 = arith.constant 0 : i32
        %scatter3A_1517 = tpu.memref_slice %arg7[%scatter3A_1512, %scatter3A_1513, %scatter3A_1514, %scatter3A_1515, %scatter3A_1516] : memref<2x2x8x8x128xf32, #tpu.memory_space<vmem>> -> memref<1x1x8x8x128xf32, #tpu.memory_space<vmem>>
        %scatter3A_1518 = tpu.memref_squeeze %scatter3A_1517 : memref<1x1x8x8x128xf32, #tpu.memory_space<vmem>> -> memref<8x8x128xf32, #tpu.memory_space<vmem>>
        tpu.vector_store_idx %scatter3A_1518[%shift_right_logical3A_1335, %and3A_1338, %add3A_12], %gather3A_1410 : memref<8x8x128xf32, #tpu.memory_space<vmem>>[vector<16xi32>, vector<16xi32>, vector<16xi32>], vector<16xf32>,
        %scatter3A_1519 = arith.constant 1 : i32
        %scatter3A_1520 = arith.constant 1 : i32
        %scatter3A_1521 = arith.constant 0 : i32
        %scatter3A_1522 = arith.constant 0 : i32
        %scatter3A_1523 = arith.constant 0 : i32
        %scatter3A_1524 = tpu.memref_slice %arg7[%scatter3A_1519, %scatter3A_1520, %scatter3A_1521, %scatter3A_1522, %scatter3A_1523] : memref<2x2x8x8x128xf32, #tpu.memory_space<vmem>> -> memref<1x1x8x8x128xf32, #tpu.memory_space<vmem>>
        %scatter3A_1525 = tpu.memref_squeeze %scatter3A_1524 : memref<1x1x8x8x128xf32, #tpu.memory_space<vmem>> -> memref<8x8x128xf32, #tpu.memory_space<vmem>>
        tpu.vector_store_idx %scatter3A_1525[%shift_right_logical3A_1335, %and3A_1338, %add3A_15], %gather3A_1416 : memref<8x8x128xf32, #tpu.memory_space<vmem>>[vector<16xi32>, vector<16xi32>, vector<16xi32>], vector<16xf32>,
        %scatter3A_1526 = arith.constant 1 : i32
        %scatter3A_1527 = arith.constant 1 : i32
        %scatter3A_1528 = arith.constant 0 : i32
        %scatter3A_1529 = arith.constant 0 : i32
        %scatter3A_1530 = arith.constant 0 : i32
        %scatter3A_1531 = tpu.memref_slice %arg7[%scatter3A_1526, %scatter3A_1527, %scatter3A_1528, %scatter3A_1529, %scatter3A_1530] : memref<2x2x8x8x128xf32, #tpu.memory_space<vmem>> -> memref<1x1x8x8x128xf32, #tpu.memory_space<vmem>>
        %scatter3A_1532 = tpu.memref_squeeze %scatter3A_1531 : memref<1x1x8x8x128xf32, #tpu.memory_space<vmem>> -> memref<8x8x128xf32, #tpu.memory_space<vmem>>
        tpu.vector_store_idx %scatter3A_1532[%shift_right_logical3A_1335, %and3A_1338, %add3A_18], %gather3A_1422 : memref<8x8x128xf32, #tpu.memory_space<vmem>>[vector<16xi32>, vector<16xi32>, vector<16xi32>], vector<16xf32>,
        %scatter3A_1533 = arith.constant 1 : i32
        %scatter3A_1534 = arith.constant 1 : i32
        %scatter3A_1535 = arith.constant 0 : i32
        %scatter3A_1536 = arith.constant 0 : i32
        %scatter3A_1537 = arith.constant 0 : i32
        %scatter3A_1538 = tpu.memref_slice %arg7[%scatter3A_1533, %scatter3A_1534, %scatter3A_1535, %scatter3A_1536, %scatter3A_1537] : memref<2x2x8x8x128xf32, #tpu.memory_space<vmem>> -> memref<1x1x8x8x128xf32, #tpu.memory_space<vmem>>
        %scatter3A_1539 = tpu.memref_squeeze %scatter3A_1538 : memref<1x1x8x8x128xf32, #tpu.memory_space<vmem>> -> memref<8x8x128xf32, #tpu.memory_space<vmem>>
        tpu.vector_store_idx %scatter3A_1539[%shift_right_logical3A_1335, %and3A_1338, %add3A_21], %gather3A_1428 : memref<8x8x128xf32, #tpu.memory_space<vmem>>[vector<16xi32>, vector<16xi32>, vector<16xi32>], vector<16xf32>,
        %scatter3A_1540 = arith.constant 1 : i32
        %scatter3A_1541 = arith.constant 1 : i32
        %scatter3A_1542 = arith.constant 0 : i32
        %scatter3A_1543 = arith.constant 0 : i32
        %scatter3A_1544 = arith.constant 0 : i32
        %scatter3A_1545 = tpu.memref_slice %arg7[%scatter3A_1540, %scatter3A_1541, %scatter3A_1542, %scatter3A_1543, %scatter3A_1544] : memref<2x2x8x8x128xf32, #tpu.memory_space<vmem>> -> memref<1x1x8x8x128xf32, #tpu.memory_space<vmem>>
        %scatter3A_1546 = tpu.memref_squeeze %scatter3A_1545 : memref<1x1x8x8x128xf32, #tpu.memory_space<vmem>> -> memref<8x8x128xf32, #tpu.memory_space<vmem>>
        tpu.vector_store_idx %scatter3A_1546[%shift_right_logical3A_1335, %and3A_1338, %add3A_24], %gather3A_1434 : memref<8x8x128xf32, #tpu.memory_space<vmem>>[vector<16xi32>, vector<16xi32>, vector<16xi32>], vector<16xf32>,
        %mul3A_1547 = arith.constant 4 : i32
        %mul3A_1548 = arith.muli %scan3A_880, %mul3A_1547 : i32
        %add3A_1549 = arith.constant 3 : i32
        %add3A_1550 = arith.addi %mul3A_1548, %add3A_1549 : i32
        %add3A_1551 = vector.broadcast %add3A_1550 : i32 to vector<16xi32>
        %add3A_1552 = arith.addi %iota3A, %add3A_1551 : vector<16xi32>
        %and3A_1553 = arith.constant 63 : i32
        %and3A_1554 = vector.broadcast %and3A_1553 : i32 to vector<16xi32>
        %and3A_1555 = arith.andi %add3A_1552, %and3A_1554 : vector<16xi32>
        %shift_right_logical3A_1556 = arith.constant 3 : i32
        %shift_right_logical3A_1557 = vector.broadcast %shift_right_logical3A_1556 : i32 to vector<16xi32>
        %shift_right_logical3A_1558 = arith.shrui %and3A_1555, %shift_right_logical3A_1557 : vector<16xi32>
        %and3A_1559 = arith.constant 7 : i32
        %and3A_1560 = vector.broadcast %and3A_1559 : i32 to vector<16xi32>
        %and3A_1561 = arith.andi %and3A_1555, %and3A_1560 : vector<16xi32>
        %gather3A_1562 = arith.constant 0 : i32
        %gather3A_1563 = arith.constant 0 : i32
        %gather3A_1564 = arith.constant 0 : i32
        %gather3A_1565 = tpu.memref_slice %arg6[%scan3A_822, %gather3A_1562, %gather3A_1563, %gather3A_1564] : memref<2x2x128x128xf32, #tpu.memory_space<vmem>> -> memref<1x2x128x128xf32, #tpu.memory_space<vmem>>
        %gather3A_1566 = tpu.memref_squeeze %gather3A_1565 : memref<1x2x128x128xf32, #tpu.memory_space<vmem>> -> memref<2x128x128xf32, #tpu.memory_space<vmem>>
        %gather3A_1567 = tpu.vector_load_idx %gather3A_1566[%broadcast_in_dim3A_25, %add3A_3, %and3A_1555] : memref<2x128x128xf32, #tpu.memory_space<vmem>>[vector<16xi32>, vector<16xi32>, vector<16xi32>], vector<16xf32>,
        %gather3A_1568 = arith.constant 0 : i32
        %gather3A_1569 = arith.constant 0 : i32
        %gather3A_1570 = arith.constant 0 : i32
        %gather3A_1571 = tpu.memref_slice %arg6[%scan3A_822, %gather3A_1568, %gather3A_1569, %gather3A_1570] : memref<2x2x128x128xf32, #tpu.memory_space<vmem>> -> memref<1x2x128x128xf32, #tpu.memory_space<vmem>>
        %gather3A_1572 = tpu.memref_squeeze %gather3A_1571 : memref<1x2x128x128xf32, #tpu.memory_space<vmem>> -> memref<2x128x128xf32, #tpu.memory_space<vmem>>
        %gather3A_1573 = tpu.vector_load_idx %gather3A_1572[%broadcast_in_dim3A_25, %add3A_6, %and3A_1555] : memref<2x128x128xf32, #tpu.memory_space<vmem>>[vector<16xi32>, vector<16xi32>, vector<16xi32>], vector<16xf32>,
        %gather3A_1574 = arith.constant 0 : i32
        %gather3A_1575 = arith.constant 0 : i32
        %gather3A_1576 = arith.constant 0 : i32
        %gather3A_1577 = tpu.memref_slice %arg6[%scan3A_822, %gather3A_1574, %gather3A_1575, %gather3A_1576] : memref<2x2x128x128xf32, #tpu.memory_space<vmem>> -> memref<1x2x128x128xf32, #tpu.memory_space<vmem>>
        %gather3A_1578 = tpu.memref_squeeze %gather3A_1577 : memref<1x2x128x128xf32, #tpu.memory_space<vmem>> -> memref<2x128x128xf32, #tpu.memory_space<vmem>>
        %gather3A_1579 = tpu.vector_load_idx %gather3A_1578[%broadcast_in_dim3A_25, %add3A_9, %and3A_1555] : memref<2x128x128xf32, #tpu.memory_space<vmem>>[vector<16xi32>, vector<16xi32>, vector<16xi32>], vector<16xf32>,
        %gather3A_1580 = arith.constant 0 : i32
        %gather3A_1581 = arith.constant 0 : i32
        %gather3A_1582 = arith.constant 0 : i32
        %gather3A_1583 = tpu.memref_slice %arg6[%scan3A_822, %gather3A_1580, %gather3A_1581, %gather3A_1582] : memref<2x2x128x128xf32, #tpu.memory_space<vmem>> -> memref<1x2x128x128xf32, #tpu.memory_space<vmem>>
        %gather3A_1584 = tpu.memref_squeeze %gather3A_1583 : memref<1x2x128x128xf32, #tpu.memory_space<vmem>> -> memref<2x128x128xf32, #tpu.memory_space<vmem>>
        %gather3A_1585 = tpu.vector_load_idx %gather3A_1584[%broadcast_in_dim3A_25, %add3A_12, %and3A_1555] : memref<2x128x128xf32, #tpu.memory_space<vmem>>[vector<16xi32>, vector<16xi32>, vector<16xi32>], vector<16xf32>,
        %gather3A_1586 = arith.constant 0 : i32
        %gather3A_1587 = arith.constant 0 : i32
        %gather3A_1588 = arith.constant 0 : i32
        %gather3A_1589 = tpu.memref_slice %arg6[%scan3A_822, %gather3A_1586, %gather3A_1587, %gather3A_1588] : memref<2x2x128x128xf32, #tpu.memory_space<vmem>> -> memref<1x2x128x128xf32, #tpu.memory_space<vmem>>
        %gather3A_1590 = tpu.memref_squeeze %gather3A_1589 : memref<1x2x128x128xf32, #tpu.memory_space<vmem>> -> memref<2x128x128xf32, #tpu.memory_space<vmem>>
        %gather3A_1591 = tpu.vector_load_idx %gather3A_1590[%broadcast_in_dim3A_25, %add3A_15, %and3A_1555] : memref<2x128x128xf32, #tpu.memory_space<vmem>>[vector<16xi32>, vector<16xi32>, vector<16xi32>], vector<16xf32>,
        %gather3A_1592 = arith.constant 0 : i32
        %gather3A_1593 = arith.constant 0 : i32
        %gather3A_1594 = arith.constant 0 : i32
        %gather3A_1595 = tpu.memref_slice %arg6[%scan3A_822, %gather3A_1592, %gather3A_1593, %gather3A_1594] : memref<2x2x128x128xf32, #tpu.memory_space<vmem>> -> memref<1x2x128x128xf32, #tpu.memory_space<vmem>>
        %gather3A_1596 = tpu.memref_squeeze %gather3A_1595 : memref<1x2x128x128xf32, #tpu.memory_space<vmem>> -> memref<2x128x128xf32, #tpu.memory_space<vmem>>
        %gather3A_1597 = tpu.vector_load_idx %gather3A_1596[%broadcast_in_dim3A_25, %add3A_18, %and3A_1555] : memref<2x128x128xf32, #tpu.memory_space<vmem>>[vector<16xi32>, vector<16xi32>, vector<16xi32>], vector<16xf32>,
        %gather3A_1598 = arith.constant 0 : i32
        %gather3A_1599 = arith.constant 0 : i32
        %gather3A_1600 = arith.constant 0 : i32
        %gather3A_1601 = tpu.memref_slice %arg6[%scan3A_822, %gather3A_1598, %gather3A_1599, %gather3A_1600] : memref<2x2x128x128xf32, #tpu.memory_space<vmem>> -> memref<1x2x128x128xf32, #tpu.memory_space<vmem>>
        %gather3A_1602 = tpu.memref_squeeze %gather3A_1601 : memref<1x2x128x128xf32, #tpu.memory_space<vmem>> -> memref<2x128x128xf32, #tpu.memory_space<vmem>>
        %gather3A_1603 = tpu.vector_load_idx %gather3A_1602[%broadcast_in_dim3A_25, %add3A_21, %and3A_1555] : memref<2x128x128xf32, #tpu.memory_space<vmem>>[vector<16xi32>, vector<16xi32>, vector<16xi32>], vector<16xf32>,
        %gather3A_1604 = arith.constant 0 : i32
        %gather3A_1605 = arith.constant 0 : i32
        %gather3A_1606 = arith.constant 0 : i32
        %gather3A_1607 = tpu.memref_slice %arg6[%scan3A_822, %gather3A_1604, %gather3A_1605, %gather3A_1606] : memref<2x2x128x128xf32, #tpu.memory_space<vmem>> -> memref<1x2x128x128xf32, #tpu.memory_space<vmem>>
        %gather3A_1608 = tpu.memref_squeeze %gather3A_1607 : memref<1x2x128x128xf32, #tpu.memory_space<vmem>> -> memref<2x128x128xf32, #tpu.memory_space<vmem>>
        %gather3A_1609 = tpu.vector_load_idx %gather3A_1608[%broadcast_in_dim3A_25, %add3A_24, %and3A_1555] : memref<2x128x128xf32, #tpu.memory_space<vmem>>[vector<16xi32>, vector<16xi32>, vector<16xi32>], vector<16xf32>,
        %gather3A_1610 = arith.constant 0 : i32
        %gather3A_1611 = arith.constant 0 : i32
        %gather3A_1612 = arith.constant 0 : i32
        %gather3A_1613 = tpu.memref_slice %arg6[%scan3A_822, %gather3A_1610, %gather3A_1611, %gather3A_1612] : memref<2x2x128x128xf32, #tpu.memory_space<vmem>> -> memref<1x2x128x128xf32, #tpu.memory_space<vmem>>
        %gather3A_1614 = tpu.memref_squeeze %gather3A_1613 : memref<1x2x128x128xf32, #tpu.memory_space<vmem>> -> memref<2x128x128xf32, #tpu.memory_space<vmem>>
        %gather3A_1615 = tpu.vector_load_idx %gather3A_1614[%broadcast_in_dim3A_27, %add3A_3, %and3A_1555] : memref<2x128x128xf32, #tpu.memory_space<vmem>>[vector<16xi32>, vector<16xi32>, vector<16xi32>], vector<16xf32>,
        %gather3A_1616 = arith.constant 0 : i32
        %gather3A_1617 = arith.constant 0 : i32
        %gather3A_1618 = arith.constant 0 : i32
        %gather3A_1619 = tpu.memref_slice %arg6[%scan3A_822, %gather3A_1616, %gather3A_1617, %gather3A_1618] : memref<2x2x128x128xf32, #tpu.memory_space<vmem>> -> memref<1x2x128x128xf32, #tpu.memory_space<vmem>>
        %gather3A_1620 = tpu.memref_squeeze %gather3A_1619 : memref<1x2x128x128xf32, #tpu.memory_space<vmem>> -> memref<2x128x128xf32, #tpu.memory_space<vmem>>
        %gather3A_1621 = tpu.vector_load_idx %gather3A_1620[%broadcast_in_dim3A_27, %add3A_6, %and3A_1555] : memref<2x128x128xf32, #tpu.memory_space<vmem>>[vector<16xi32>, vector<16xi32>, vector<16xi32>], vector<16xf32>,
        %gather3A_1622 = arith.constant 0 : i32
        %gather3A_1623 = arith.constant 0 : i32
        %gather3A_1624 = arith.constant 0 : i32
        %gather3A_1625 = tpu.memref_slice %arg6[%scan3A_822, %gather3A_1622, %gather3A_1623, %gather3A_1624] : memref<2x2x128x128xf32, #tpu.memory_space<vmem>> -> memref<1x2x128x128xf32, #tpu.memory_space<vmem>>
        %gather3A_1626 = tpu.memref_squeeze %gather3A_1625 : memref<1x2x128x128xf32, #tpu.memory_space<vmem>> -> memref<2x128x128xf32, #tpu.memory_space<vmem>>
        %gather3A_1627 = tpu.vector_load_idx %gather3A_1626[%broadcast_in_dim3A_27, %add3A_9, %and3A_1555] : memref<2x128x128xf32, #tpu.memory_space<vmem>>[vector<16xi32>, vector<16xi32>, vector<16xi32>], vector<16xf32>,
        %gather3A_1628 = arith.constant 0 : i32
        %gather3A_1629 = arith.constant 0 : i32
        %gather3A_1630 = arith.constant 0 : i32
        %gather3A_1631 = tpu.memref_slice %arg6[%scan3A_822, %gather3A_1628, %gather3A_1629, %gather3A_1630] : memref<2x2x128x128xf32, #tpu.memory_space<vmem>> -> memref<1x2x128x128xf32, #tpu.memory_space<vmem>>
        %gather3A_1632 = tpu.memref_squeeze %gather3A_1631 : memref<1x2x128x128xf32, #tpu.memory_space<vmem>> -> memref<2x128x128xf32, #tpu.memory_space<vmem>>
        %gather3A_1633 = tpu.vector_load_idx %gather3A_1632[%broadcast_in_dim3A_27, %add3A_12, %and3A_1555] : memref<2x128x128xf32, #tpu.memory_space<vmem>>[vector<16xi32>, vector<16xi32>, vector<16xi32>], vector<16xf32>,
        %gather3A_1634 = arith.constant 0 : i32
        %gather3A_1635 = arith.constant 0 : i32
        %gather3A_1636 = arith.constant 0 : i32
        %gather3A_1637 = tpu.memref_slice %arg6[%scan3A_822, %gather3A_1634, %gather3A_1635, %gather3A_1636] : memref<2x2x128x128xf32, #tpu.memory_space<vmem>> -> memref<1x2x128x128xf32, #tpu.memory_space<vmem>>
        %gather3A_1638 = tpu.memref_squeeze %gather3A_1637 : memref<1x2x128x128xf32, #tpu.memory_space<vmem>> -> memref<2x128x128xf32, #tpu.memory_space<vmem>>
        %gather3A_1639 = tpu.vector_load_idx %gather3A_1638[%broadcast_in_dim3A_27, %add3A_15, %and3A_1555] : memref<2x128x128xf32, #tpu.memory_space<vmem>>[vector<16xi32>, vector<16xi32>, vector<16xi32>], vector<16xf32>,
        %gather3A_1640 = arith.constant 0 : i32
        %gather3A_1641 = arith.constant 0 : i32
        %gather3A_1642 = arith.constant 0 : i32
        %gather3A_1643 = tpu.memref_slice %arg6[%scan3A_822, %gather3A_1640, %gather3A_1641, %gather3A_1642] : memref<2x2x128x128xf32, #tpu.memory_space<vmem>> -> memref<1x2x128x128xf32, #tpu.memory_space<vmem>>
        %gather3A_1644 = tpu.memref_squeeze %gather3A_1643 : memref<1x2x128x128xf32, #tpu.memory_space<vmem>> -> memref<2x128x128xf32, #tpu.memory_space<vmem>>
        %gather3A_1645 = tpu.vector_load_idx %gather3A_1644[%broadcast_in_dim3A_27, %add3A_18, %and3A_1555] : memref<2x128x128xf32, #tpu.memory_space<vmem>>[vector<16xi32>, vector<16xi32>, vector<16xi32>], vector<16xf32>,
        %gather3A_1646 = arith.constant 0 : i32
        %gather3A_1647 = arith.constant 0 : i32
        %gather3A_1648 = arith.constant 0 : i32
        %gather3A_1649 = tpu.memref_slice %arg6[%scan3A_822, %gather3A_1646, %gather3A_1647, %gather3A_1648] : memref<2x2x128x128xf32, #tpu.memory_space<vmem>> -> memref<1x2x128x128xf32, #tpu.memory_space<vmem>>
        %gather3A_1650 = tpu.memref_squeeze %gather3A_1649 : memref<1x2x128x128xf32, #tpu.memory_space<vmem>> -> memref<2x128x128xf32, #tpu.memory_space<vmem>>
        %gather3A_1651 = tpu.vector_load_idx %gather3A_1650[%broadcast_in_dim3A_27, %add3A_21, %and3A_1555] : memref<2x128x128xf32, #tpu.memory_space<vmem>>[vector<16xi32>, vector<16xi32>, vector<16xi32>], vector<16xf32>,
        %gather3A_1652 = arith.constant 0 : i32
        %gather3A_1653 = arith.constant 0 : i32
        %gather3A_1654 = arith.constant 0 : i32
        %gather3A_1655 = tpu.memref_slice %arg6[%scan3A_822, %gather3A_1652, %gather3A_1653, %gather3A_1654] : memref<2x2x128x128xf32, #tpu.memory_space<vmem>> -> memref<1x2x128x128xf32, #tpu.memory_space<vmem>>
        %gather3A_1656 = tpu.memref_squeeze %gather3A_1655 : memref<1x2x128x128xf32, #tpu.memory_space<vmem>> -> memref<2x128x128xf32, #tpu.memory_space<vmem>>
        %gather3A_1657 = tpu.vector_load_idx %gather3A_1656[%broadcast_in_dim3A_27, %add3A_24, %and3A_1555] : memref<2x128x128xf32, #tpu.memory_space<vmem>>[vector<16xi32>, vector<16xi32>, vector<16xi32>], vector<16xf32>,
        %scatter3A_1658 = arith.constant 1 : i32
        %scatter3A_1659 = arith.constant 0 : i32
        %scatter3A_1660 = arith.constant 0 : i32
        %scatter3A_1661 = arith.constant 0 : i32
        %scatter3A_1662 = arith.constant 0 : i32
        %scatter3A_1663 = tpu.memref_slice %arg7[%scatter3A_1658, %scatter3A_1659, %scatter3A_1660, %scatter3A_1661, %scatter3A_1662] : memref<2x2x8x8x128xf32, #tpu.memory_space<vmem>> -> memref<1x1x8x8x128xf32, #tpu.memory_space<vmem>>
        %scatter3A_1664 = tpu.memref_squeeze %scatter3A_1663 : memref<1x1x8x8x128xf32, #tpu.memory_space<vmem>> -> memref<8x8x128xf32, #tpu.memory_space<vmem>>
        tpu.vector_store_idx %scatter3A_1664[%shift_right_logical3A_1558, %and3A_1561, %add3A_3], %gather3A_1567 : memref<8x8x128xf32, #tpu.memory_space<vmem>>[vector<16xi32>, vector<16xi32>, vector<16xi32>], vector<16xf32>,
        %scatter3A_1665 = arith.constant 1 : i32
        %scatter3A_1666 = arith.constant 0 : i32
        %scatter3A_1667 = arith.constant 0 : i32
        %scatter3A_1668 = arith.constant 0 : i32
        %scatter3A_1669 = arith.constant 0 : i32
        %scatter3A_1670 = tpu.memref_slice %arg7[%scatter3A_1665, %scatter3A_1666, %scatter3A_1667, %scatter3A_1668, %scatter3A_1669] : memref<2x2x8x8x128xf32, #tpu.memory_space<vmem>> -> memref<1x1x8x8x128xf32, #tpu.memory_space<vmem>>
        %scatter3A_1671 = tpu.memref_squeeze %scatter3A_1670 : memref<1x1x8x8x128xf32, #tpu.memory_space<vmem>> -> memref<8x8x128xf32, #tpu.memory_space<vmem>>
        tpu.vector_store_idx %scatter3A_1671[%shift_right_logical3A_1558, %and3A_1561, %add3A_6], %gather3A_1573 : memref<8x8x128xf32, #tpu.memory_space<vmem>>[vector<16xi32>, vector<16xi32>, vector<16xi32>], vector<16xf32>,
        %scatter3A_1672 = arith.constant 1 : i32
        %scatter3A_1673 = arith.constant 0 : i32
        %scatter3A_1674 = arith.constant 0 : i32
        %scatter3A_1675 = arith.constant 0 : i32
        %scatter3A_1676 = arith.constant 0 : i32
        %scatter3A_1677 = tpu.memref_slice %arg7[%scatter3A_1672, %scatter3A_1673, %scatter3A_1674, %scatter3A_1675, %scatter3A_1676] : memref<2x2x8x8x128xf32, #tpu.memory_space<vmem>> -> memref<1x1x8x8x128xf32, #tpu.memory_space<vmem>>
        %scatter3A_1678 = tpu.memref_squeeze %scatter3A_1677 : memref<1x1x8x8x128xf32, #tpu.memory_space<vmem>> -> memref<8x8x128xf32, #tpu.memory_space<vmem>>
        tpu.vector_store_idx %scatter3A_1678[%shift_right_logical3A_1558, %and3A_1561, %add3A_9], %gather3A_1579 : memref<8x8x128xf32, #tpu.memory_space<vmem>>[vector<16xi32>, vector<16xi32>, vector<16xi32>], vector<16xf32>,
        %scatter3A_1679 = arith.constant 1 : i32
        %scatter3A_1680 = arith.constant 0 : i32
        %scatter3A_1681 = arith.constant 0 : i32
        %scatter3A_1682 = arith.constant 0 : i32
        %scatter3A_1683 = arith.constant 0 : i32
        %scatter3A_1684 = tpu.memref_slice %arg7[%scatter3A_1679, %scatter3A_1680, %scatter3A_1681, %scatter3A_1682, %scatter3A_1683] : memref<2x2x8x8x128xf32, #tpu.memory_space<vmem>> -> memref<1x1x8x8x128xf32, #tpu.memory_space<vmem>>
        %scatter3A_1685 = tpu.memref_squeeze %scatter3A_1684 : memref<1x1x8x8x128xf32, #tpu.memory_space<vmem>> -> memref<8x8x128xf32, #tpu.memory_space<vmem>>
        tpu.vector_store_idx %scatter3A_1685[%shift_right_logical3A_1558, %and3A_1561, %add3A_12], %gather3A_1585 : memref<8x8x128xf32, #tpu.memory_space<vmem>>[vector<16xi32>, vector<16xi32>, vector<16xi32>], vector<16xf32>,
        %scatter3A_1686 = arith.constant 1 : i32
        %scatter3A_1687 = arith.constant 0 : i32
        %scatter3A_1688 = arith.constant 0 : i32
        %scatter3A_1689 = arith.constant 0 : i32
        %scatter3A_1690 = arith.constant 0 : i32
        %scatter3A_1691 = tpu.memref_slice %arg7[%scatter3A_1686, %scatter3A_1687, %scatter3A_1688, %scatter3A_1689, %scatter3A_1690] : memref<2x2x8x8x128xf32, #tpu.memory_space<vmem>> -> memref<1x1x8x8x128xf32, #tpu.memory_space<vmem>>
        %scatter3A_1692 = tpu.memref_squeeze %scatter3A_1691 : memref<1x1x8x8x128xf32, #tpu.memory_space<vmem>> -> memref<8x8x128xf32, #tpu.memory_space<vmem>>
        tpu.vector_store_idx %scatter3A_1692[%shift_right_logical3A_1558, %and3A_1561, %add3A_15], %gather3A_1591 : memref<8x8x128xf32, #tpu.memory_space<vmem>>[vector<16xi32>, vector<16xi32>, vector<16xi32>], vector<16xf32>,
        %scatter3A_1693 = arith.constant 1 : i32
        %scatter3A_1694 = arith.constant 0 : i32
        %scatter3A_1695 = arith.constant 0 : i32
        %scatter3A_1696 = arith.constant 0 : i32
        %scatter3A_1697 = arith.constant 0 : i32
        %scatter3A_1698 = tpu.memref_slice %arg7[%scatter3A_1693, %scatter3A_1694, %scatter3A_1695, %scatter3A_1696, %scatter3A_1697] : memref<2x2x8x8x128xf32, #tpu.memory_space<vmem>> -> memref<1x1x8x8x128xf32, #tpu.memory_space<vmem>>
        %scatter3A_1699 = tpu.memref_squeeze %scatter3A_1698 : memref<1x1x8x8x128xf32, #tpu.memory_space<vmem>> -> memref<8x8x128xf32, #tpu.memory_space<vmem>>
        tpu.vector_store_idx %scatter3A_1699[%shift_right_logical3A_1558, %and3A_1561, %add3A_18], %gather3A_1597 : memref<8x8x128xf32, #tpu.memory_space<vmem>>[vector<16xi32>, vector<16xi32>, vector<16xi32>], vector<16xf32>,
        %scatter3A_1700 = arith.constant 1 : i32
        %scatter3A_1701 = arith.constant 0 : i32
        %scatter3A_1702 = arith.constant 0 : i32
        %scatter3A_1703 = arith.constant 0 : i32
        %scatter3A_1704 = arith.constant 0 : i32
        %scatter3A_1705 = tpu.memref_slice %arg7[%scatter3A_1700, %scatter3A_1701, %scatter3A_1702, %scatter3A_1703, %scatter3A_1704] : memref<2x2x8x8x128xf32, #tpu.memory_space<vmem>> -> memref<1x1x8x8x128xf32, #tpu.memory_space<vmem>>
        %scatter3A_1706 = tpu.memref_squeeze %scatter3A_1705 : memref<1x1x8x8x128xf32, #tpu.memory_space<vmem>> -> memref<8x8x128xf32, #tpu.memory_space<vmem>>
        tpu.vector_store_idx %scatter3A_1706[%shift_right_logical3A_1558, %and3A_1561, %add3A_21], %gather3A_1603 : memref<8x8x128xf32, #tpu.memory_space<vmem>>[vector<16xi32>, vector<16xi32>, vector<16xi32>], vector<16xf32>,
        %scatter3A_1707 = arith.constant 1 : i32
        %scatter3A_1708 = arith.constant 0 : i32
        %scatter3A_1709 = arith.constant 0 : i32
        %scatter3A_1710 = arith.constant 0 : i32
        %scatter3A_1711 = arith.constant 0 : i32
        %scatter3A_1712 = tpu.memref_slice %arg7[%scatter3A_1707, %scatter3A_1708, %scatter3A_1709, %scatter3A_1710, %scatter3A_1711] : memref<2x2x8x8x128xf32, #tpu.memory_space<vmem>> -> memref<1x1x8x8x128xf32, #tpu.memory_space<vmem>>
        %scatter3A_1713 = tpu.memref_squeeze %scatter3A_1712 : memref<1x1x8x8x128xf32, #tpu.memory_space<vmem>> -> memref<8x8x128xf32, #tpu.memory_space<vmem>>
        tpu.vector_store_idx %scatter3A_1713[%shift_right_logical3A_1558, %and3A_1561, %add3A_24], %gather3A_1609 : memref<8x8x128xf32, #tpu.memory_space<vmem>>[vector<16xi32>, vector<16xi32>, vector<16xi32>], vector<16xf32>,
        %scatter3A_1714 = arith.constant 1 : i32
        %scatter3A_1715 = arith.constant 1 : i32
        %scatter3A_1716 = arith.constant 0 : i32
        %scatter3A_1717 = arith.constant 0 : i32
        %scatter3A_1718 = arith.constant 0 : i32
        %scatter3A_1719 = tpu.memref_slice %arg7[%scatter3A_1714, %scatter3A_1715, %scatter3A_1716, %scatter3A_1717, %scatter3A_1718] : memref<2x2x8x8x128xf32, #tpu.memory_space<vmem>> -> memref<1x1x8x8x128xf32, #tpu.memory_space<vmem>>
        %scatter3A_1720 = tpu.memref_squeeze %scatter3A_1719 : memref<1x1x8x8x128xf32, #tpu.memory_space<vmem>> -> memref<8x8x128xf32, #tpu.memory_space<vmem>>
        tpu.vector_store_idx %scatter3A_1720[%shift_right_logical3A_1558, %and3A_1561, %add3A_3], %gather3A_1615 : memref<8x8x128xf32, #tpu.memory_space<vmem>>[vector<16xi32>, vector<16xi32>, vector<16xi32>], vector<16xf32>,
        %scatter3A_1721 = arith.constant 1 : i32
        %scatter3A_1722 = arith.constant 1 : i32
        %scatter3A_1723 = arith.constant 0 : i32
        %scatter3A_1724 = arith.constant 0 : i32
        %scatter3A_1725 = arith.constant 0 : i32
        %scatter3A_1726 = tpu.memref_slice %arg7[%scatter3A_1721, %scatter3A_1722, %scatter3A_1723, %scatter3A_1724, %scatter3A_1725] : memref<2x2x8x8x128xf32, #tpu.memory_space<vmem>> -> memref<1x1x8x8x128xf32, #tpu.memory_space<vmem>>
        %scatter3A_1727 = tpu.memref_squeeze %scatter3A_1726 : memref<1x1x8x8x128xf32, #tpu.memory_space<vmem>> -> memref<8x8x128xf32, #tpu.memory_space<vmem>>
        tpu.vector_store_idx %scatter3A_1727[%shift_right_logical3A_1558, %and3A_1561, %add3A_6], %gather3A_1621 : memref<8x8x128xf32, #tpu.memory_space<vmem>>[vector<16xi32>, vector<16xi32>, vector<16xi32>], vector<16xf32>,
        %scatter3A_1728 = arith.constant 1 : i32
        %scatter3A_1729 = arith.constant 1 : i32
        %scatter3A_1730 = arith.constant 0 : i32
        %scatter3A_1731 = arith.constant 0 : i32
        %scatter3A_1732 = arith.constant 0 : i32
        %scatter3A_1733 = tpu.memref_slice %arg7[%scatter3A_1728, %scatter3A_1729, %scatter3A_1730, %scatter3A_1731, %scatter3A_1732] : memref<2x2x8x8x128xf32, #tpu.memory_space<vmem>> -> memref<1x1x8x8x128xf32, #tpu.memory_space<vmem>>
        %scatter3A_1734 = tpu.memref_squeeze %scatter3A_1733 : memref<1x1x8x8x128xf32, #tpu.memory_space<vmem>> -> memref<8x8x128xf32, #tpu.memory_space<vmem>>
        tpu.vector_store_idx %scatter3A_1734[%shift_right_logical3A_1558, %and3A_1561, %add3A_9], %gather3A_1627 : memref<8x8x128xf32, #tpu.memory_space<vmem>>[vector<16xi32>, vector<16xi32>, vector<16xi32>], vector<16xf32>,
        %scatter3A_1735 = arith.constant 1 : i32
        %scatter3A_1736 = arith.constant 1 : i32
        %scatter3A_1737 = arith.constant 0 : i32
        %scatter3A_1738 = arith.constant 0 : i32
        %scatter3A_1739 = arith.constant 0 : i32
        %scatter3A_1740 = tpu.memref_slice %arg7[%scatter3A_1735, %scatter3A_1736, %scatter3A_1737, %scatter3A_1738, %scatter3A_1739] : memref<2x2x8x8x128xf32, #tpu.memory_space<vmem>> -> memref<1x1x8x8x128xf32, #tpu.memory_space<vmem>>
        %scatter3A_1741 = tpu.memref_squeeze %scatter3A_1740 : memref<1x1x8x8x128xf32, #tpu.memory_space<vmem>> -> memref<8x8x128xf32, #tpu.memory_space<vmem>>
        tpu.vector_store_idx %scatter3A_1741[%shift_right_logical3A_1558, %and3A_1561, %add3A_12], %gather3A_1633 : memref<8x8x128xf32, #tpu.memory_space<vmem>>[vector<16xi32>, vector<16xi32>, vector<16xi32>], vector<16xf32>,
        %scatter3A_1742 = arith.constant 1 : i32
        %scatter3A_1743 = arith.constant 1 : i32
        %scatter3A_1744 = arith.constant 0 : i32
        %scatter3A_1745 = arith.constant 0 : i32
        %scatter3A_1746 = arith.constant 0 : i32
        %scatter3A_1747 = tpu.memref_slice %arg7[%scatter3A_1742, %scatter3A_1743, %scatter3A_1744, %scatter3A_1745, %scatter3A_1746] : memref<2x2x8x8x128xf32, #tpu.memory_space<vmem>> -> memref<1x1x8x8x128xf32, #tpu.memory_space<vmem>>
        %scatter3A_1748 = tpu.memref_squeeze %scatter3A_1747 : memref<1x1x8x8x128xf32, #tpu.memory_space<vmem>> -> memref<8x8x128xf32, #tpu.memory_space<vmem>>
        tpu.vector_store_idx %scatter3A_1748[%shift_right_logical3A_1558, %and3A_1561, %add3A_15], %gather3A_1639 : memref<8x8x128xf32, #tpu.memory_space<vmem>>[vector<16xi32>, vector<16xi32>, vector<16xi32>], vector<16xf32>,
        %scatter3A_1749 = arith.constant 1 : i32
        %scatter3A_1750 = arith.constant 1 : i32
        %scatter3A_1751 = arith.constant 0 : i32
        %scatter3A_1752 = arith.constant 0 : i32
        %scatter3A_1753 = arith.constant 0 : i32
        %scatter3A_1754 = tpu.memref_slice %arg7[%scatter3A_1749, %scatter3A_1750, %scatter3A_1751, %scatter3A_1752, %scatter3A_1753] : memref<2x2x8x8x128xf32, #tpu.memory_space<vmem>> -> memref<1x1x8x8x128xf32, #tpu.memory_space<vmem>>
        %scatter3A_1755 = tpu.memref_squeeze %scatter3A_1754 : memref<1x1x8x8x128xf32, #tpu.memory_space<vmem>> -> memref<8x8x128xf32, #tpu.memory_space<vmem>>
        tpu.vector_store_idx %scatter3A_1755[%shift_right_logical3A_1558, %and3A_1561, %add3A_18], %gather3A_1645 : memref<8x8x128xf32, #tpu.memory_space<vmem>>[vector<16xi32>, vector<16xi32>, vector<16xi32>], vector<16xf32>,
        %scatter3A_1756 = arith.constant 1 : i32
        %scatter3A_1757 = arith.constant 1 : i32
        %scatter3A_1758 = arith.constant 0 : i32
        %scatter3A_1759 = arith.constant 0 : i32
        %scatter3A_1760 = arith.constant 0 : i32
        %scatter3A_1761 = tpu.memref_slice %arg7[%scatter3A_1756, %scatter3A_1757, %scatter3A_1758, %scatter3A_1759, %scatter3A_1760] : memref<2x2x8x8x128xf32, #tpu.memory_space<vmem>> -> memref<1x1x8x8x128xf32, #tpu.memory_space<vmem>>
        %scatter3A_1762 = tpu.memref_squeeze %scatter3A_1761 : memref<1x1x8x8x128xf32, #tpu.memory_space<vmem>> -> memref<8x8x128xf32, #tpu.memory_space<vmem>>
        tpu.vector_store_idx %scatter3A_1762[%shift_right_logical3A_1558, %and3A_1561, %add3A_21], %gather3A_1651 : memref<8x8x128xf32, #tpu.memory_space<vmem>>[vector<16xi32>, vector<16xi32>, vector<16xi32>], vector<16xf32>,
        %scatter3A_1763 = arith.constant 1 : i32
        %scatter3A_1764 = arith.constant 1 : i32
        %scatter3A_1765 = arith.constant 0 : i32
        %scatter3A_1766 = arith.constant 0 : i32
        %scatter3A_1767 = arith.constant 0 : i32
        %scatter3A_1768 = tpu.memref_slice %arg7[%scatter3A_1763, %scatter3A_1764, %scatter3A_1765, %scatter3A_1766, %scatter3A_1767] : memref<2x2x8x8x128xf32, #tpu.memory_space<vmem>> -> memref<1x1x8x8x128xf32, #tpu.memory_space<vmem>>
        %scatter3A_1769 = tpu.memref_squeeze %scatter3A_1768 : memref<1x1x8x8x128xf32, #tpu.memory_space<vmem>> -> memref<8x8x128xf32, #tpu.memory_space<vmem>>
        tpu.vector_store_idx %scatter3A_1769[%shift_right_logical3A_1558, %and3A_1561, %add3A_24], %gather3A_1657 : memref<8x8x128xf32, #tpu.memory_space<vmem>>[vector<16xi32>, vector<16xi32>, vector<16xi32>], vector<16xf32>,
      }
      %scan3A_827 = arith.constant 16 : i32
      %mul3A_828 = arith.constant 2 : i32
      %mul3A_829 = arith.muli %mul3A_828, %select_n3A_747 : i32
      %add3A_830 = arith.constant 0 : i32
      %add3A_831 = arith.addi %mul3A_829, %add3A_830 : i32
      %dma_start3A_832 = arith.constant 1 : i32
      %dma_start3A_833 = arith.constant 0 : i32
      %dma_start3A_834 = arith.constant 0 : i32
      %dma_start3A_835 = arith.constant 0 : i32
      %dma_start3A_836 = arith.constant 0 : i32
      %dma_start3A_837 = tpu.memref_slice %arg7[%dma_start3A_832, %dma_start3A_833, %dma_start3A_834, %dma_start3A_835, %dma_start3A_836] : memref<2x2x8x8x128xf32, #tpu.memory_space<vmem>> -> memref<1x1x8x8x128xf32, #tpu.memory_space<vmem>>
      %dma_start3A_838 = tpu.memref_squeeze %dma_start3A_837 : memref<1x1x8x8x128xf32, #tpu.memory_space<vmem>> -> memref<8x8x128xf32, #tpu.memory_space<vmem>>
      %dma_start3A_839 = arith.constant 0 : i32
      %dma_start3A_840 = arith.constant 0 : i32
      %dma_start3A_841 = arith.constant 0 : i32
      %dma_start3A_842 = tpu.memref_slice %arg4[%select_n3A_731, %dma_start3A_839, %add3A_831, %dma_start3A_840, %dma_start3A_841] : memref<200x8x32x8x128xf32, #tpu.memory_space<hbm>> -> memref<1x8x1x8x128xf32, #tpu.memory_space<hbm>>
      %dma_start3A_843 = tpu.memref_squeeze %dma_start3A_842 : memref<1x8x1x8x128xf32, #tpu.memory_space<hbm>> -> memref<8x8x128xf32, #tpu.memory_space<hbm>>
      %dma_start3A_844 = arith.constant 0 : i32
      %dma_start3A_845 = arith.constant 0 : i32
      %dma_start3A_846 = arith.constant 0 : i32
      %dma_start3A_847 = tpu.memref_slice %arg4[%select_n3A_731, %dma_start3A_844, %add3A_831, %dma_start3A_845, %dma_start3A_846] : memref<200x8x32x8x128xf32, #tpu.memory_space<hbm>> -> memref<1x8x1x8x128xf32, #tpu.memory_space<hbm>>
      %dma_start3A_848 = tpu.memref_squeeze %dma_start3A_847 : memref<1x8x1x8x128xf32, #tpu.memory_space<hbm>> -> memref<8x8x128xf32, #tpu.memory_space<hbm>>
      %dma_start3A_849 = arith.constant 0 : i32
      %dma_start3A_850 = arith.constant 0 : i32
      %dma_start3A_851 = arith.constant 0 : i32
      %dma_start3A_852 = tpu.memref_slice %arg7[%dma_start3A_832, %dma_start3A_833, %dma_start3A_849, %dma_start3A_850, %dma_start3A_851] : memref<2x2x8x8x128xf32, #tpu.memory_space<vmem>> -> memref<1x1x8x8x128xf32, #tpu.memory_space<vmem>>
      %dma_start3A_853 = tpu.memref_squeeze %dma_start3A_852 : memref<1x1x8x8x128xf32, #tpu.memory_space<vmem>> -> memref<8x8x128xf32, #tpu.memory_space<vmem>>
      tpu.enqueue_dma source(%dma_start3A_853 : memref<8x8x128xf32, #tpu.memory_space<vmem>>) target(%dma_start3A_848 : memref<8x8x128xf32, #tpu.memory_space<hbm>>) target_semaphore(%arg11 : memref<!tpu.dma_semaphore, #tpu.memory_space<semaphore_mem>>)
      %mul3A_854 = arith.constant 2 : i32
      %mul3A_855 = arith.muli %mul3A_854, %select_n3A_747 : i32
      %add3A_856 = arith.constant 1 : i32
      %add3A_857 = arith.addi %mul3A_855, %add3A_856 : i32
      %dma_start3A_858 = arith.constant 1 : i32
      %dma_start3A_859 = arith.constant 1 : i32
      %dma_start3A_860 = arith.constant 0 : i32
      %dma_start3A_861 = arith.constant 0 : i32
      %dma_start3A_862 = arith.constant 0 : i32
      %dma_start3A_863 = tpu.memref_slice %arg7[%dma_start3A_858, %dma_start3A_859, %dma_start3A_860, %dma_start3A_861, %dma_start3A_862] : memref<2x2x8x8x128xf32, #tpu.memory_space<vmem>> -> memref<1x1x8x8x128xf32, #tpu.memory_space<vmem>>
      %dma_start3A_864 = tpu.memref_squeeze %dma_start3A_863 : memref<1x1x8x8x128xf32, #tpu.memory_space<vmem>> -> memref<8x8x128xf32, #tpu.memory_space<vmem>>
      %dma_start3A_865 = arith.constant 0 : i32
      %dma_start3A_866 = arith.constant 0 : i32
      %dma_start3A_867 = arith.constant 0 : i32
      %dma_start3A_868 = tpu.memref_slice %arg4[%select_n3A_731, %dma_start3A_865, %add3A_857, %dma_start3A_866, %dma_start3A_867] : memref<200x8x32x8x128xf32, #tpu.memory_space<hbm>> -> memref<1x8x1x8x128xf32, #tpu.memory_space<hbm>>
      %dma_start3A_869 = tpu.memref_squeeze %dma_start3A_868 : memref<1x8x1x8x128xf32, #tpu.memory_space<hbm>> -> memref<8x8x128xf32, #tpu.memory_space<hbm>>
      %dma_start3A_870 = arith.constant 0 : i32
      %dma_start3A_871 = arith.constant 0 : i32
      %dma_start3A_872 = arith.constant 0 : i32
      %dma_start3A_873 = tpu.memref_slice %arg4[%select_n3A_731, %dma_start3A_870, %add3A_857, %dma_start3A_871, %dma_start3A_872] : memref<200x8x32x8x128xf32, #tpu.memory_space<hbm>> -> memref<1x8x1x8x128xf32, #tpu.memory_space<hbm>>
      %dma_start3A_874 = tpu.memref_squeeze %dma_start3A_873 : memref<1x8x1x8x128xf32, #tpu.memory_space<hbm>> -> memref<8x8x128xf32, #tpu.memory_space<hbm>>
      %dma_start3A_875 = arith.constant 0 : i32
      %dma_start3A_876 = arith.constant 0 : i32
      %dma_start3A_877 = arith.constant 0 : i32
      %dma_start3A_878 = tpu.memref_slice %arg7[%dma_start3A_858, %dma_start3A_859, %dma_start3A_875, %dma_start3A_876, %dma_start3A_877] : memref<2x2x8x8x128xf32, #tpu.memory_space<vmem>> -> memref<1x1x8x8x128xf32, #tpu.memory_space<vmem>>
      %dma_start3A_879 = tpu.memref_squeeze %dma_start3A_878 : memref<1x1x8x8x128xf32, #tpu.memory_space<vmem>> -> memref<8x8x128xf32, #tpu.memory_space<vmem>>
      tpu.enqueue_dma source(%dma_start3A_879 : memref<8x8x128xf32, #tpu.memory_space<vmem>>) target(%dma_start3A_874 : memref<8x8x128xf32, #tpu.memory_space<hbm>>) target_semaphore(%arg11 : memref<!tpu.dma_semaphore, #tpu.memory_space<semaphore_mem>>)
    }
    %scan3A_135 = arith.constant 50 : i32
    %mul3A_136 = arith.constant 100 : i32
    %mul3A_137 = arith.muli %add3A, %mul3A_136 : i32
    %add3A_138 = arith.constant 98 : i32
    %add3A_139 = arith.addi %mul3A_137, %add3A_138 : i32
    %jit3A_140 = arith.constant 16 : i32
    %div3A_141 = arith.divsi %add3A_139, %jit3A_140 : i32
    %sign3A_142 = arith.constant 0 : i32
    %sign3A_143 = arith.cmpi sgt, %add3A_139, %sign3A_142 : i32
    %sign3A_144 = arith.extui %sign3A_143 : i1 to i32
    %sign3A_145 = arith.constant 0 : i32
    %sign3A_146 = arith.cmpi slt, %add3A_139, %sign3A_145 : i32
    %sign3A_147 = arith.extui %sign3A_146 : i1 to i32
    %sign3A_148 = arith.subi %sign3A_144, %sign3A_147 : i32
    %sign3A_149 = arith.constant 0 : i32
    %sign3A_150 = arith.cmpi sgt, %jit3A_140, %sign3A_149 : i32
    %sign3A_151 = arith.extui %sign3A_150 : i1 to i32
    %sign3A_152 = arith.constant 0 : i32
    %sign3A_153 = arith.cmpi slt, %jit3A_140, %sign3A_152 : i32
    %sign3A_154 = arith.extui %sign3A_153 : i1 to i32
    %sign3A_155 = arith.subi %sign3A_151, %sign3A_154 : i32
    %ne3A_156 = arith.cmpi ne, %sign3A_148, %sign3A_155 : i32
    %rem3A_157 = arith.remsi %add3A_139, %jit3A_140 : i32
    %ne3A_158 = arith.constant 0 : i32
    %ne3A_159 = arith.cmpi ne, %rem3A_157, %ne3A_158 : i32
    %and3A_160 = arith.andi %ne3A_156, %ne3A_159 : i1
    %sub3A_161 = arith.constant 1 : i32
    %sub3A_162 = arith.subi %div3A_141, %sub3A_161 : i32
    %select_n3A_163 = arith.select %and3A_160, %sub3A_162, %div3A_141 : i32
    %jit3A_164 = arith.constant 16 : i32
    %eq3A_165 = arith.constant 0 : i32
    %eq3A_166 = arith.cmpi eq, %jit3A_164, %eq3A_165 : i32
    %jit3A_167 = arith.constant 1 : i32
    %select_n3A_168 = arith.select %eq3A_166, %jit3A_167, %jit3A_164 : i32
    %rem3A_169 = arith.remsi %add3A_139, %select_n3A_168 : i32
    %ne3A_170 = arith.constant 0 : i32
    %ne3A_171 = arith.cmpi ne, %rem3A_169, %ne3A_170 : i32
    %lt3A_172 = arith.constant 0 : i32
    %lt3A_173 = arith.cmpi slt, %rem3A_169, %lt3A_172 : i32
    %lt3A_174 = arith.constant 0 : i32
    %lt3A_175 = arith.cmpi slt, %select_n3A_168, %lt3A_174 : i32
    %ne3A_176 = arith.xori %lt3A_173, %lt3A_175 : i1
    %and3A_177 = arith.andi %ne3A_176, %ne3A_171 : i1
    %add3A_178 = arith.addi %rem3A_169, %select_n3A_168 : i32
    %select_n3A_179 = arith.select %and3A_177, %add3A_178, %rem3A_169 : i32
    %jit3A_180 = arith.constant 8 : i32
    %div3A_181 = arith.divsi %select_n3A_163, %jit3A_180 : i32
    %sign3A_182 = arith.constant 0 : i32
    %sign3A_183 = arith.cmpi sgt, %select_n3A_163, %sign3A_182 : i32
    %sign3A_184 = arith.extui %sign3A_183 : i1 to i32
    %sign3A_185 = arith.constant 0 : i32
    %sign3A_186 = arith.cmpi slt, %select_n3A_163, %sign3A_185 : i32
    %sign3A_187 = arith.extui %sign3A_186 : i1 to i32
    %sign3A_188 = arith.subi %sign3A_184, %sign3A_187 : i32
    %sign3A_189 = arith.constant 0 : i32
    %sign3A_190 = arith.cmpi sgt, %jit3A_180, %sign3A_189 : i32
    %sign3A_191 = arith.extui %sign3A_190 : i1 to i32
    %sign3A_192 = arith.constant 0 : i32
    %sign3A_193 = arith.cmpi slt, %jit3A_180, %sign3A_192 : i32
    %sign3A_194 = arith.extui %sign3A_193 : i1 to i32
    %sign3A_195 = arith.subi %sign3A_191, %sign3A_194 : i32
    %ne3A_196 = arith.cmpi ne, %sign3A_188, %sign3A_195 : i32
    %rem3A_197 = arith.remsi %select_n3A_163, %jit3A_180 : i32
    %ne3A_198 = arith.constant 0 : i32
    %ne3A_199 = arith.cmpi ne, %rem3A_197, %ne3A_198 : i32
    %and3A_200 = arith.andi %ne3A_196, %ne3A_199 : i1
    %sub3A_201 = arith.constant 1 : i32
    %sub3A_202 = arith.subi %div3A_181, %sub3A_201 : i32
    %select_n3A_203 = arith.select %and3A_200, %sub3A_202, %div3A_181 : i32
    %jit3A_204 = arith.constant 8 : i32
    %eq3A_205 = arith.constant 0 : i32
    %eq3A_206 = arith.cmpi eq, %jit3A_204, %eq3A_205 : i32
    %jit3A_207 = arith.constant 1 : i32
    %select_n3A_208 = arith.select %eq3A_206, %jit3A_207, %jit3A_204 : i32
    %rem3A_209 = arith.remsi %select_n3A_163, %select_n3A_208 : i32
    %ne3A_210 = arith.constant 0 : i32
    %ne3A_211 = arith.cmpi ne, %rem3A_209, %ne3A_210 : i32
    %lt3A_212 = arith.constant 0 : i32
    %lt3A_213 = arith.cmpi slt, %rem3A_209, %lt3A_212 : i32
    %lt3A_214 = arith.constant 0 : i32
    %lt3A_215 = arith.cmpi slt, %select_n3A_208, %lt3A_214 : i32
    %ne3A_216 = arith.xori %lt3A_213, %lt3A_215 : i1
    %and3A_217 = arith.andi %ne3A_216, %ne3A_211 : i1
    %add3A_218 = arith.addi %rem3A_209, %select_n3A_208 : i32
    %select_n3A_219 = arith.select %and3A_217, %add3A_218, %rem3A_209 : i32
    %mul3A_220 = arith.constant 2 : i32
    %mul3A_221 = arith.muli %mul3A_220, %select_n3A_179 : i32
    %add3A_222 = arith.constant 0 : i32
    %add3A_223 = arith.addi %mul3A_221, %add3A_222 : i32
    %dma_wait3A = arith.constant 0 : i32
    %dma_wait3A_224 = arith.constant 0 : i32
    %dma_wait3A_225 = arith.constant 0 : i32
    %dma_wait3A_226 = arith.constant 0 : i32
    %dma_wait3A_227 = arith.constant 0 : i32
    %dma_wait3A_228 = tpu.memref_slice %arg7[%dma_wait3A, %dma_wait3A_224, %dma_wait3A_225, %dma_wait3A_226, %dma_wait3A_227] : memref<2x2x8x8x128xf32, #tpu.memory_space<vmem>> -> memref<1x1x8x8x128xf32, #tpu.memory_space<vmem>>
    %dma_wait3A_229 = tpu.memref_squeeze %dma_wait3A_228 : memref<1x1x8x8x128xf32, #tpu.memory_space<vmem>> -> memref<8x8x128xf32, #tpu.memory_space<vmem>>
    %dma_wait3A_230 = arith.constant 0 : i32
    %dma_wait3A_231 = arith.constant 0 : i32
    %dma_wait3A_232 = arith.constant 0 : i32
    %dma_wait3A_233 = tpu.memref_slice %arg4[%select_n3A_163, %dma_wait3A_230, %add3A_223, %dma_wait3A_231, %dma_wait3A_232] : memref<200x8x32x8x128xf32, #tpu.memory_space<hbm>> -> memref<1x8x1x8x128xf32, #tpu.memory_space<hbm>>
    %dma_wait3A_234 = tpu.memref_squeeze %dma_wait3A_233 : memref<1x8x1x8x128xf32, #tpu.memory_space<hbm>> -> memref<8x8x128xf32, #tpu.memory_space<hbm>>
    %dma_wait3A_235 = arith.constant 0 : i32
    %dma_wait3A_236 = arith.constant 0 : i32
    %dma_wait3A_237 = arith.constant 0 : i32
    %dma_wait3A_238 = tpu.memref_slice %arg4[%select_n3A_163, %dma_wait3A_235, %add3A_223, %dma_wait3A_236, %dma_wait3A_237] : memref<200x8x32x8x128xf32, #tpu.memory_space<hbm>> -> memref<1x8x1x8x128xf32, #tpu.memory_space<hbm>>
    %dma_wait3A_239 = tpu.memref_squeeze %dma_wait3A_238 : memref<1x8x1x8x128xf32, #tpu.memory_space<hbm>> -> memref<8x8x128xf32, #tpu.memory_space<hbm>>
    %dma_wait3A_240 = arith.constant 0 : i32
    %dma_wait3A_241 = arith.constant 0 : i32
    %dma_wait3A_242 = arith.constant 0 : i32
    %dma_wait3A_243 = tpu.memref_slice %arg7[%dma_wait3A, %dma_wait3A_224, %dma_wait3A_240, %dma_wait3A_241, %dma_wait3A_242] : memref<2x2x8x8x128xf32, #tpu.memory_space<vmem>> -> memref<1x1x8x8x128xf32, #tpu.memory_space<vmem>>
    %dma_wait3A_244 = tpu.memref_squeeze %dma_wait3A_243 : memref<1x1x8x8x128xf32, #tpu.memory_space<vmem>> -> memref<8x8x128xf32, #tpu.memory_space<vmem>>
    tpu.wait_dma2 semaphore(%arg10 : memref<!tpu.dma_semaphore, #tpu.memory_space<semaphore_mem>>) src(%dma_wait3A_244 : memref<8x8x128xf32, #tpu.memory_space<vmem>>) dst(%dma_wait3A_239 : memref<8x8x128xf32, #tpu.memory_space<hbm>>)
    %mul3A_245 = arith.constant 2 : i32
    %mul3A_246 = arith.muli %mul3A_245, %select_n3A_179 : i32
    %add3A_247 = arith.constant 1 : i32
    %add3A_248 = arith.addi %mul3A_246, %add3A_247 : i32
    %dma_wait3A_249 = arith.constant 0 : i32
    %dma_wait3A_250 = arith.constant 1 : i32
    %dma_wait3A_251 = arith.constant 0 : i32
    %dma_wait3A_252 = arith.constant 0 : i32
    %dma_wait3A_253 = arith.constant 0 : i32
    %dma_wait3A_254 = tpu.memref_slice %arg7[%dma_wait3A_249, %dma_wait3A_250, %dma_wait3A_251, %dma_wait3A_252, %dma_wait3A_253] : memref<2x2x8x8x128xf32, #tpu.memory_space<vmem>> -> memref<1x1x8x8x128xf32, #tpu.memory_space<vmem>>
    %dma_wait3A_255 = tpu.memref_squeeze %dma_wait3A_254 : memref<1x1x8x8x128xf32, #tpu.memory_space<vmem>> -> memref<8x8x128xf32, #tpu.memory_space<vmem>>
    %dma_wait3A_256 = arith.constant 0 : i32
    %dma_wait3A_257 = arith.constant 0 : i32
    %dma_wait3A_258 = arith.constant 0 : i32
    %dma_wait3A_259 = tpu.memref_slice %arg4[%select_n3A_163, %dma_wait3A_256, %add3A_248, %dma_wait3A_257, %dma_wait3A_258] : memref<200x8x32x8x128xf32, #tpu.memory_space<hbm>> -> memref<1x8x1x8x128xf32, #tpu.memory_space<hbm>>
    %dma_wait3A_260 = tpu.memref_squeeze %dma_wait3A_259 : memref<1x8x1x8x128xf32, #tpu.memory_space<hbm>> -> memref<8x8x128xf32, #tpu.memory_space<hbm>>
    %dma_wait3A_261 = arith.constant 0 : i32
    %dma_wait3A_262 = arith.constant 0 : i32
    %dma_wait3A_263 = arith.constant 0 : i32
    %dma_wait3A_264 = tpu.memref_slice %arg4[%select_n3A_163, %dma_wait3A_261, %add3A_248, %dma_wait3A_262, %dma_wait3A_263] : memref<200x8x32x8x128xf32, #tpu.memory_space<hbm>> -> memref<1x8x1x8x128xf32, #tpu.memory_space<hbm>>
    %dma_wait3A_265 = tpu.memref_squeeze %dma_wait3A_264 : memref<1x8x1x8x128xf32, #tpu.memory_space<hbm>> -> memref<8x8x128xf32, #tpu.memory_space<hbm>>
    %dma_wait3A_266 = arith.constant 0 : i32
    %dma_wait3A_267 = arith.constant 0 : i32
    %dma_wait3A_268 = arith.constant 0 : i32
    %dma_wait3A_269 = tpu.memref_slice %arg7[%dma_wait3A_249, %dma_wait3A_250, %dma_wait3A_266, %dma_wait3A_267, %dma_wait3A_268] : memref<2x2x8x8x128xf32, #tpu.memory_space<vmem>> -> memref<1x1x8x8x128xf32, #tpu.memory_space<vmem>>
    %dma_wait3A_270 = tpu.memref_squeeze %dma_wait3A_269 : memref<1x1x8x8x128xf32, #tpu.memory_space<vmem>> -> memref<8x8x128xf32, #tpu.memory_space<vmem>>
    tpu.wait_dma2 semaphore(%arg10 : memref<!tpu.dma_semaphore, #tpu.memory_space<semaphore_mem>>) src(%dma_wait3A_270 : memref<8x8x128xf32, #tpu.memory_space<vmem>>) dst(%dma_wait3A_265 : memref<8x8x128xf32, #tpu.memory_space<hbm>>)
    %mul3A_271 = arith.constant 100 : i32
    %mul3A_272 = arith.muli %add3A, %mul3A_271 : i32
    %add3A_273 = arith.constant 99 : i32
    %add3A_274 = arith.addi %mul3A_272, %add3A_273 : i32
    %jit3A_275 = arith.constant 16 : i32
    %div3A_276 = arith.divsi %add3A_274, %jit3A_275 : i32
    %sign3A_277 = arith.constant 0 : i32
    %sign3A_278 = arith.cmpi sgt, %add3A_274, %sign3A_277 : i32
    %sign3A_279 = arith.extui %sign3A_278 : i1 to i32
    %sign3A_280 = arith.constant 0 : i32
    %sign3A_281 = arith.cmpi slt, %add3A_274, %sign3A_280 : i32
    %sign3A_282 = arith.extui %sign3A_281 : i1 to i32
    %sign3A_283 = arith.subi %sign3A_279, %sign3A_282 : i32
    %sign3A_284 = arith.constant 0 : i32
    %sign3A_285 = arith.cmpi sgt, %jit3A_275, %sign3A_284 : i32
    %sign3A_286 = arith.extui %sign3A_285 : i1 to i32
    %sign3A_287 = arith.constant 0 : i32
    %sign3A_288 = arith.cmpi slt, %jit3A_275, %sign3A_287 : i32
    %sign3A_289 = arith.extui %sign3A_288 : i1 to i32
    %sign3A_290 = arith.subi %sign3A_286, %sign3A_289 : i32
    %ne3A_291 = arith.cmpi ne, %sign3A_283, %sign3A_290 : i32
    %rem3A_292 = arith.remsi %add3A_274, %jit3A_275 : i32
    %ne3A_293 = arith.constant 0 : i32
    %ne3A_294 = arith.cmpi ne, %rem3A_292, %ne3A_293 : i32
    %and3A_295 = arith.andi %ne3A_291, %ne3A_294 : i1
    %sub3A_296 = arith.constant 1 : i32
    %sub3A_297 = arith.subi %div3A_276, %sub3A_296 : i32
    %select_n3A_298 = arith.select %and3A_295, %sub3A_297, %div3A_276 : i32
    %jit3A_299 = arith.constant 16 : i32
    %eq3A_300 = arith.constant 0 : i32
    %eq3A_301 = arith.cmpi eq, %jit3A_299, %eq3A_300 : i32
    %jit3A_302 = arith.constant 1 : i32
    %select_n3A_303 = arith.select %eq3A_301, %jit3A_302, %jit3A_299 : i32
    %rem3A_304 = arith.remsi %add3A_274, %select_n3A_303 : i32
    %ne3A_305 = arith.constant 0 : i32
    %ne3A_306 = arith.cmpi ne, %rem3A_304, %ne3A_305 : i32
    %lt3A_307 = arith.constant 0 : i32
    %lt3A_308 = arith.cmpi slt, %rem3A_304, %lt3A_307 : i32
    %lt3A_309 = arith.constant 0 : i32
    %lt3A_310 = arith.cmpi slt, %select_n3A_303, %lt3A_309 : i32
    %ne3A_311 = arith.xori %lt3A_308, %lt3A_310 : i1
    %and3A_312 = arith.andi %ne3A_311, %ne3A_306 : i1
    %add3A_313 = arith.addi %rem3A_304, %select_n3A_303 : i32
    %select_n3A_314 = arith.select %and3A_312, %add3A_313, %rem3A_304 : i32
    %jit3A_315 = arith.constant 8 : i32
    %div3A_316 = arith.divsi %select_n3A_298, %jit3A_315 : i32
    %sign3A_317 = arith.constant 0 : i32
    %sign3A_318 = arith.cmpi sgt, %select_n3A_298, %sign3A_317 : i32
    %sign3A_319 = arith.extui %sign3A_318 : i1 to i32
    %sign3A_320 = arith.constant 0 : i32
    %sign3A_321 = arith.cmpi slt, %select_n3A_298, %sign3A_320 : i32
    %sign3A_322 = arith.extui %sign3A_321 : i1 to i32
    %sign3A_323 = arith.subi %sign3A_319, %sign3A_322 : i32
    %sign3A_324 = arith.constant 0 : i32
    %sign3A_325 = arith.cmpi sgt, %jit3A_315, %sign3A_324 : i32
    %sign3A_326 = arith.extui %sign3A_325 : i1 to i32
    %sign3A_327 = arith.constant 0 : i32
    %sign3A_328 = arith.cmpi slt, %jit3A_315, %sign3A_327 : i32
    %sign3A_329 = arith.extui %sign3A_328 : i1 to i32
    %sign3A_330 = arith.subi %sign3A_326, %sign3A_329 : i32
    %ne3A_331 = arith.cmpi ne, %sign3A_323, %sign3A_330 : i32
    %rem3A_332 = arith.remsi %select_n3A_298, %jit3A_315 : i32
    %ne3A_333 = arith.constant 0 : i32
    %ne3A_334 = arith.cmpi ne, %rem3A_332, %ne3A_333 : i32
    %and3A_335 = arith.andi %ne3A_331, %ne3A_334 : i1
    %sub3A_336 = arith.constant 1 : i32
    %sub3A_337 = arith.subi %div3A_316, %sub3A_336 : i32
    %select_n3A_338 = arith.select %and3A_335, %sub3A_337, %div3A_316 : i32
    %jit3A_339 = arith.constant 8 : i32
    %eq3A_340 = arith.constant 0 : i32
    %eq3A_341 = arith.cmpi eq, %jit3A_339, %eq3A_340 : i32
    %jit3A_342 = arith.constant 1 : i32
    %select_n3A_343 = arith.select %eq3A_341, %jit3A_342, %jit3A_339 : i32
    %rem3A_344 = arith.remsi %select_n3A_298, %select_n3A_343 : i32
    %ne3A_345 = arith.constant 0 : i32
    %ne3A_346 = arith.cmpi ne, %rem3A_344, %ne3A_345 : i32
    %lt3A_347 = arith.constant 0 : i32
    %lt3A_348 = arith.cmpi slt, %rem3A_344, %lt3A_347 : i32
    %lt3A_349 = arith.constant 0 : i32
    %lt3A_350 = arith.cmpi slt, %select_n3A_343, %lt3A_349 : i32
    %ne3A_351 = arith.xori %lt3A_348, %lt3A_350 : i1
    %and3A_352 = arith.andi %ne3A_351, %ne3A_346 : i1
    %add3A_353 = arith.addi %rem3A_344, %select_n3A_343 : i32
    %select_n3A_354 = arith.select %and3A_352, %add3A_353, %rem3A_344 : i32
    %mul3A_355 = arith.constant 2 : i32
    %mul3A_356 = arith.muli %mul3A_355, %select_n3A_314 : i32
    %add3A_357 = arith.constant 0 : i32
    %add3A_358 = arith.addi %mul3A_356, %add3A_357 : i32
    %dma_wait3A_359 = arith.constant 1 : i32
    %dma_wait3A_360 = arith.constant 0 : i32
    %dma_wait3A_361 = arith.constant 0 : i32
    %dma_wait3A_362 = arith.constant 0 : i32
    %dma_wait3A_363 = arith.constant 0 : i32
    %dma_wait3A_364 = tpu.memref_slice %arg7[%dma_wait3A_359, %dma_wait3A_360, %dma_wait3A_361, %dma_wait3A_362, %dma_wait3A_363] : memref<2x2x8x8x128xf32, #tpu.memory_space<vmem>> -> memref<1x1x8x8x128xf32, #tpu.memory_space<vmem>>
    %dma_wait3A_365 = tpu.memref_squeeze %dma_wait3A_364 : memref<1x1x8x8x128xf32, #tpu.memory_space<vmem>> -> memref<8x8x128xf32, #tpu.memory_space<vmem>>
    %dma_wait3A_366 = arith.constant 0 : i32
    %dma_wait3A_367 = arith.constant 0 : i32
    %dma_wait3A_368 = arith.constant 0 : i32
    %dma_wait3A_369 = tpu.memref_slice %arg4[%select_n3A_298, %dma_wait3A_366, %add3A_358, %dma_wait3A_367, %dma_wait3A_368] : memref<200x8x32x8x128xf32, #tpu.memory_space<hbm>> -> memref<1x8x1x8x128xf32, #tpu.memory_space<hbm>>
    %dma_wait3A_370 = tpu.memref_squeeze %dma_wait3A_369 : memref<1x8x1x8x128xf32, #tpu.memory_space<hbm>> -> memref<8x8x128xf32, #tpu.memory_space<hbm>>
    %dma_wait3A_371 = arith.constant 0 : i32
    %dma_wait3A_372 = arith.constant 0 : i32
    %dma_wait3A_373 = arith.constant 0 : i32
    %dma_wait3A_374 = tpu.memref_slice %arg4[%select_n3A_298, %dma_wait3A_371, %add3A_358, %dma_wait3A_372, %dma_wait3A_373] : memref<200x8x32x8x128xf32, #tpu.memory_space<hbm>> -> memref<1x8x1x8x128xf32, #tpu.memory_space<hbm>>
    %dma_wait3A_375 = tpu.memref_squeeze %dma_wait3A_374 : memref<1x8x1x8x128xf32, #tpu.memory_space<hbm>> -> memref<8x8x128xf32, #tpu.memory_space<hbm>>
    %dma_wait3A_376 = arith.constant 0 : i32
    %dma_wait3A_377 = arith.constant 0 : i32
    %dma_wait3A_378 = arith.constant 0 : i32
    %dma_wait3A_379 = tpu.memref_slice %arg7[%dma_wait3A_359, %dma_wait3A_360, %dma_wait3A_376, %dma_wait3A_377, %dma_wait3A_378] : memref<2x2x8x8x128xf32, #tpu.memory_space<vmem>> -> memref<1x1x8x8x128xf32, #tpu.memory_space<vmem>>
    %dma_wait3A_380 = tpu.memref_squeeze %dma_wait3A_379 : memref<1x1x8x8x128xf32, #tpu.memory_space<vmem>> -> memref<8x8x128xf32, #tpu.memory_space<vmem>>
    tpu.wait_dma2 semaphore(%arg11 : memref<!tpu.dma_semaphore, #tpu.memory_space<semaphore_mem>>) src(%dma_wait3A_380 : memref<8x8x128xf32, #tpu.memory_space<vmem>>) dst(%dma_wait3A_375 : memref<8x8x128xf32, #tpu.memory_space<hbm>>)
    %mul3A_381 = arith.constant 2 : i32
    %mul3A_382 = arith.muli %mul3A_381, %select_n3A_314 : i32
    %add3A_383 = arith.constant 1 : i32
    %add3A_384 = arith.addi %mul3A_382, %add3A_383 : i32
    %dma_wait3A_385 = arith.constant 1 : i32
    %dma_wait3A_386 = arith.constant 1 : i32
    %dma_wait3A_387 = arith.constant 0 : i32
    %dma_wait3A_388 = arith.constant 0 : i32
    %dma_wait3A_389 = arith.constant 0 : i32
    %dma_wait3A_390 = tpu.memref_slice %arg7[%dma_wait3A_385, %dma_wait3A_386, %dma_wait3A_387, %dma_wait3A_388, %dma_wait3A_389] : memref<2x2x8x8x128xf32, #tpu.memory_space<vmem>> -> memref<1x1x8x8x128xf32, #tpu.memory_space<vmem>>
    %dma_wait3A_391 = tpu.memref_squeeze %dma_wait3A_390 : memref<1x1x8x8x128xf32, #tpu.memory_space<vmem>> -> memref<8x8x128xf32, #tpu.memory_space<vmem>>
    %dma_wait3A_392 = arith.constant 0 : i32
    %dma_wait3A_393 = arith.constant 0 : i32
    %dma_wait3A_394 = arith.constant 0 : i32
    %dma_wait3A_395 = tpu.memref_slice %arg4[%select_n3A_298, %dma_wait3A_392, %add3A_384, %dma_wait3A_393, %dma_wait3A_394] : memref<200x8x32x8x128xf32, #tpu.memory_space<hbm>> -> memref<1x8x1x8x128xf32, #tpu.memory_space<hbm>>
    %dma_wait3A_396 = tpu.memref_squeeze %dma_wait3A_395 : memref<1x8x1x8x128xf32, #tpu.memory_space<hbm>> -> memref<8x8x128xf32, #tpu.memory_space<hbm>>
    %dma_wait3A_397 = arith.constant 0 : i32
    %dma_wait3A_398 = arith.constant 0 : i32
    %dma_wait3A_399 = arith.constant 0 : i32
    %dma_wait3A_400 = tpu.memref_slice %arg4[%select_n3A_298, %dma_wait3A_397, %add3A_384, %dma_wait3A_398, %dma_wait3A_399] : memref<200x8x32x8x128xf32, #tpu.memory_space<hbm>> -> memref<1x8x1x8x128xf32, #tpu.memory_space<hbm>>
    %dma_wait3A_401 = tpu.memref_squeeze %dma_wait3A_400 : memref<1x8x1x8x128xf32, #tpu.memory_space<hbm>> -> memref<8x8x128xf32, #tpu.memory_space<hbm>>
    %dma_wait3A_402 = arith.constant 0 : i32
    %dma_wait3A_403 = arith.constant 0 : i32
    %dma_wait3A_404 = arith.constant 0 : i32
    %dma_wait3A_405 = tpu.memref_slice %arg7[%dma_wait3A_385, %dma_wait3A_386, %dma_wait3A_402, %dma_wait3A_403, %dma_wait3A_404] : memref<2x2x8x8x128xf32, #tpu.memory_space<vmem>> -> memref<1x1x8x8x128xf32, #tpu.memory_space<vmem>>
    %dma_wait3A_406 = tpu.memref_squeeze %dma_wait3A_405 : memref<1x1x8x8x128xf32, #tpu.memory_space<vmem>> -> memref<8x8x128xf32, #tpu.memory_space<vmem>>
    tpu.wait_dma2 semaphore(%arg11 : memref<!tpu.dma_semaphore, #tpu.memory_space<semaphore_mem>>) src(%dma_wait3A_406 : memref<8x8x128xf32, #tpu.memory_space<vmem>>) dst(%dma_wait3A_401 : memref<8x8x128xf32, #tpu.memory_space<hbm>>)
    return
  }
}

</mosaic_0001>

<sc_bundles>
// kernel: _embedding_lookup.3.cloned.1.call-start
scs
__scs_entry_jumppad:
0x0: {  	(pc) =	sbr.rel $0x88, $3  }
0x1: {  	(tag) =	ssettag $0x0;
	lr =	simm.s32 $0x1  }
0x2: {  	[smem:$0x3F9F] =	sst lr;
	_ =	strace $0xD0000000  }
0x3: {  	_ = 	snop  }
0x4: {  	_ = 	snop  }
0x5: {  	_ = 	snop  }
0x6: {  	_ = 	snop  }
0x7: {  	_ = 	snop  }
__scs_overlays_trampoline_lowered:
0x8: {  	[smem:$0x3FAE] =	sst s0  }
0x9: {  	[smem:$0x3FAF] =	sst s1  }
0xa: {  	[smem:$0x3FB0] =	sst s2  }
0xb: {  	[smem:$0x3FB1] =	sst s3  }
0xc: {  	[smem:$0x3FB2] =	sst s4  }
0xd: {  	[smem:$0x3FB3] =	sst s5  }
0xe: {  	[smem:$0x3FB4] =	sst s6  }
0xf: {  	[smem:$0x3FB5] =	sst s7  }
0x10: {  	[smem:$0x3FB6] =	sst s8  }
0x11: {  	[smem:$0x3FB7] =	sst s9;
	s0 =	simm.s32 @!p0 $0x0  }
0x12: {  	s1 =	sld [smem:$0x3F9D];
	s0 =	simm.s32 @p0 $0x1  }
0x13: {  	[smem:$0x3FB8] =	sst s0;
	s0 =	simm.s32 @!p1 $0x0  }
0x14: {  	s2 =	sld [smem:$0x3F9C];
	s0 =	simm.s32 @p1 $0x1  }
0x15: {  	[smem:$0x3FB9] =	sst s0;
	s0 =	simm.s32 @!p2 $0x0  }
0x16: {  	s3 =	sld [smem:$0x3FDB];
	s0 =	simm.s32 @p2 $0x1  }
0x17: {  	s4 =	simm.s32 $0x1BF5;
	[smem:$0x3FBB] =	sst s0  }
0x18: {  	s0 =	sld [smem:$0x3F9E];
	_ =	swait.ge [sflag:s4], $0x0  }
0x19: {  	s7 =	sld [smem:$0x3F9F]  }
0x1a: {  	s8 =	sadd.s32 $0xFFFFE003, lr  }
0x1b: {  	s9 =	sadd.s32 $0xFFFFFEF7, lr;
	s5 =	simm.s32 $0xFFFFFFFF;
	p2 =	slt.u32 s8, $0xFFFFF086  }
0x1c: {  	p1 =	slt.u32 s9, $0xF7A;
	s5 =	simm.s32 @!p2 $0x0  }
0x1d: {  	s5 =	simm.s32 @p1 $0x1;
	p0 =	seq.s32 s7, s2  }
0x1e: {  	s7 =	smul.u32 @!p0 $0xF7A, s2;
	p2 =	seq.s32 @!p0 s5, $0x0  }
0x1f: {  	s9 =	smul.u32 $0xF7A, s1;
	s8 =	simm.s32 @!p0 $0x1BF5;
	p2 =	por !p2, p0  }
0x20: {  	[sflag:s8] =	ssyncset.s32 @!p0 $0xFFFFF086;
	s6 =	sadd.s32 @!p0 s3, s7;
	s7 =	simm.s32 @!p0 $0x108  }
0x21: {  	s3 =	sadd.s32 s3, s9;
	s6 =	sadd.s32 @!p0 $0x88, s6;
	s7 =	simm.s32 @p2 $0x1082  }
0x22: {  	[simem:s7], [sflag:s8] =	dma.local @!p0 [hbm:s6], $0xF7A  }
0x23: {  	s9 =	sor.u32 $0xD0000000, s2;
	s6 =	simm.s32 $0x108;
	_ =	swait.ge @!p0 [sflag:s8], $0x0  }
0x24: {  	s3 =	sadd.s32 $0x88, s3;
	s6 =	simm.s32 @!p1 $0x1082;
	[sflag:s4] =	ssyncset.s32 $0xFFFFF086  }
0x25: {  	[simem:s6], [sflag:s4] =	dma.local [hbm:s3], $0xF7A  }
0x26: {  	[smem:$0x3F9F] =	sst s1;
	(tag) =	ssettag s2;
	_ =	strace s9  }
0x27: {  	s1 =	sld [smem:$0x3FAF]  }
0x28: {  	s2 =	sld [smem:$0x3FB0]  }
0x29: {  	s4 =	sld [smem:$0x3FB2]  }
0x2a: {  	p0 =	seq.s32 s5, $0x0;
	s5 =	sld [smem:$0x3FB3]  }
0x2b: {  	s6 =	sld [smem:$0x3FB4]  }
0x2c: {  	s7 =	sld [smem:$0x3FB5]  }
0x2d: {  	s3 =	simm.s32 $0x108;
	s8 =	sld [smem:$0x3FB6]  }
0x2e: {  	s3 =	simm.s32 @!p0 $0x1082;
	s9 =	sld [smem:$0x3FB7]  }
0x2f: {  	lr =	sadd.s32 s0, s3;
	s0 =	sld [smem:$0x3FAE]  }
0x30: {  	s3 =	sld [smem:$0x3FB1]  }
0x31: {  	[smem:$0x3FBA] =	sst s10  }
0x32: {  	s10 =	sld [smem:$0x3FB8];
	_ =	sdelay $0x3  }
0x33: {  	p0 =	seq.s32 s10, $0x1;
	s10 =	sld [smem:$0x3FBA];
	_ =	sdelay $0x3  }
0x34: {  	[smem:$0x3FBA] =	sst s10  }
0x35: {  	s10 =	sld [smem:$0x3FB9];
	_ =	sdelay $0x3  }
0x36: {  	p1 =	seq.s32 s10, $0x1;
	s10 =	sld [smem:$0x3FBA];
	_ =	sdelay $0x3  }
0x37: {  	[smem:$0x3FBA] =	sst s10  }
0x38: {  	s10 =	sld [smem:$0x3FBB]  }
0x39: {  	_ = 	snop;
	(pc) =	sbr.ind lr, $3  }
0x3a: {  	_ = 	snop  }
0x3b: {  	_ = 	snop  }
0x3c: {  	p2 =	seq.s32 s10, $0x1;
	s10 =	sld [smem:$0x3FBA]  }
0x3d: {  	_ =	shalt  }
0x3e: {  	_ =	shalt  }
0x3f: {  	_ =	shalt  }
0x40: {  	_ =	shalt  }
0x41: {  	_ =	shalt  }
0x42: {  	_ =	shalt  }
0x43: {  	_ =	shalt  }
0x44: {  	_ =	shalt  }
0x45: {  	_ =	shalt  }
0x46: {  	_ =	shalt  }
0x47: {  	_ =	shalt  }
0x48: {  	_ =	shalt  }
0x49: {  	_ =	shalt  }
0x4a: {  	_ =	shalt  }
0x4b: {  	_ =	shalt  }
0x4c: {  	_ =	shalt  }
0x4d: {  	_ =	shalt  }
0x4e: {  	_ =	shalt  }
0x4f: {  	_ =	shalt  }
0x50: {  	_ =	shalt  }
0x51: {  	_ =	shalt  }
0x52: {  	_ =	shalt  }
0x53: {  	_ =	shalt  }
0x54: {  	_ =	shalt  }
0x55: {  	_ =	shalt  }
0x56: {  	_ =	shalt  }
0x57: {  	_ =	shalt  }
0x58: {  	_ =	shalt  }
0x59: {  	_ =	shalt  }
0x5a: {  	_ =	shalt  }
0x5b: {  	_ =	shalt  }
0x5c: {  	_ =	shalt  }
0x5d: {  	_ =	shalt  }
0x5e: {  	_ =	shalt  }
0x5f: {  	_ =	shalt  }
0x60: {  	_ =	shalt  }
0x61: {  	_ =	shalt  }
0x62: {  	_ =	shalt  }
0x63: {  	_ =	shalt  }
0x64: {  	_ =	shalt  }
0x65: {  	_ =	shalt  }
0x66: {  	_ =	shalt  }
0x67: {  	_ =	shalt  }
0x68: {  	_ =	shalt  }
0x69: {  	_ =	shalt  }
0x6a: {  	_ =	shalt  }
0x6b: {  	_ =	shalt  }
0x6c: {  	_ =	shalt  }
0x6d: {  	_ =	shalt  }
0x6e: {  	_ =	shalt  }
0x6f: {  	_ =	shalt  }
0x70: {  	_ =	shalt  }
0x71: {  	_ =	shalt  }
0x72: {  	_ =	shalt  }
0x73: {  	_ =	shalt  }
0x74: {  	_ =	shalt  }
0x75: {  	_ =	shalt  }
0x76: {  	_ =	shalt  }
0x77: {  	_ =	shalt  }
0x78: {  	_ =	shalt  }
0x79: {  	_ =	shalt  }
0x7a: {  	_ =	shalt  }
0x7b: {  	_ =	shalt  }
0x7c: {  	_ =	shalt  }
0x7d: {  	_ =	shalt  }
0x7e: {  	_ =	shalt  }
0x7f: {  	_ =	shalt  }
0x80: {  	_ =	shalt  }
0x81: {  	_ =	shalt  }
0x82: {  	_ =	shalt  }
0x83: {  	_ =	shalt  }
0x84: {  	_ =	shalt  }
0x85: {  	_ =	shalt  }
0x86: {  	_ =	shalt  }
0x87: {  	_ =	shalt  }
.Lfunc_end0:
.L_simem_size_0:
called_computation_lowered:
.L_overlay_start_0:
0x88: {  	s2 =	sld [smem:$0x3FD9]  }
0x89: {  	s3 =	sld [smem:$0x3FFE];
	_ =	sdelay $0x1  }
0x8a: {  	s1 =	srdreg.scid  }
0x8b: {  	s0 =	sand.u32 $0x1, s1  }
0x8c: {  	s18 =	sshll.u32 s0, $0xA;
	s2 =	sadd.s32 s3, s2  }
0x8d: {  	s2 =	sadd.s32 s2, s18  }
0x8e: {  	[smem:$0x3FC6] =	sst s2  }
0x8f: {  	_ = 	snop  }
0x90: {  	s2 =	sld [smem:$0x3FC9]  }
0x91: {  	s19 =	sld [smem:$0x3FC8]  }
0x92: {  	s4 =	sld [smem:$0x3FD0];
	(tm) =	ssettm $0x1  }
0x93: {  	s5 =	sld [smem:$0x3FFB];
	_ =	sdelay $0x3  }
0x94: {  	_ =	strace s5  }
0x95: {  	s5 =	sld [smem:$0x3FFC];
	_ =	sdelay $0x3  }
0x96: {  	_ =	strace s5  }
0x97: {  	s5 =	sld [smem:$0x3FFD];
	_ =	sdelay $0x3  }
0x98: {  	_ =	strace s5  }
0x99: {  	_ =	strace $0x8FFFFFFF  }
0x9a: {  	s20 =	sld [smem:$0x3FDB];
	_ =	sdelay $0x1  }
0x9b: {  	s6 =	simm.s32 $_scs_section_size  }
0x9c: {  	s7 =	simm.s32 $_size__tile_overlayer_lowered;
	s8 =	simm.s32 $_tile_overlayer_lowered  }
0x9d: {  	s23 =	simm.s32 $0x1BFF;
	s22 =	sshll.u32 s8, $0x1;
	s5 =	sadd.s32 s6, s20  }
0x9e: {  	s9 =	simm.s32 $0x0;
	s21 =	sshll.u32 s7, $0x1;
	s7 =	sadd.s32 s22, s5  }
0x9f: {  	[timem:s9], [sflag:s23] =	dma.local [hbm:s7], s21  }
0xa0: {  	_ =	swait.ge [sflag:s23], s21  }
0xa1: {  	s6 =	ssub.s32 $0x0, s21;
	[sflag:s23] =	ssyncset.done $0x0  }
0xa2: {  	[sflag:s23] =	ssyncadd.s32 s6;
	_ =	sdelay $0x1  }
0xa3: {  	s24 =	simm.s32 $0x1B8B  }
0xa4: {  	_ =	swait.ge [sflag:s24], $0x1  }
0xa5: {  	[sflag:s24] =	ssyncset.done $0x0  }
0xa6: {  	s25 =	simm.s32 $0x1B8E;
	[sflag:s24] =	ssyncadd.s32 $0xFFFFFFFF  }
0xa7: {  	s26 =	simm.s32 $execute0_lowered;
	[smem:$0x3FD2] =	sst s25  }
0xa8: {  	s6 =	sshll.u32 s26, $0x1;
	_ =	strace $0x80000046;
	[dreg:$0x1] =	wrdreg $0xFFFFFFFF  }
0xa9: {  	s28 =	simm.s32 $_size_execute0_lowered;
	s5 =	sadd.s32 s5, s6;
	[dreg:$0x0] =	wrdreg $0x0  }
0xaa: {  	s6 =	sshll.u32 s28, $0x1;
	[dreg:$0x2] =	wrdreg s5  }
0xab: {  	[dreg:$0x3] =	wrdreg s6  }
0xac: {  	[dreg:$0x4] =	wrdreg $0xC0  }
0xad: {  	_ =	task [dreg:s9], $0x5FFFF  }
0xae: {  	[dreg:$0x1] =	wrdreg $0xFFFFFFFF  }
0xaf: {  	[dreg:$0x0] =	wrdreg $0x60  }
0xb0: {  	[dreg:$0x2] =	wrdreg s2  }
0xb1: {  	[dreg:$0x3] =	wrdreg s19  }
0xb2: {  	[dreg:$0x4] =	wrdreg s4  }
0xb3: {  	[dreg:$0x5] =	wrdreg $0x9  }
0xb4: {  	_ =	task.clear_ibuf [dreg:s9], $0x6FFFF;
	_ =	strace $0x90000046  }
0xb5: {  	s29 =	simm.s32 $0x9;
	_ =	strace $0x80000048  }
0xb6: {  	_ =	swait.ge [sflag:s29], $0x1  }
0xb7: {  	[sflag:s29] =	ssyncadd.s32 $0xFFFFFFFF  }
0xb8: {  	_ =	strace $0x90000048  }
0xb9: {  	_ =	sfence  }
0xba: {  	s30 =	sld [smem:$0x0];
	_ =	sdelay $0x2  }
0xbb: {  	s31 =	sshll.u32 s1, $0xD;
	s1 =	sshrl.u32 s1, $0x2  }
0xbc: {  	s3 =	sand.u32 $0x4000, s31;
	s1 =	sadd.s32 s1, s30  }
0xbd: {  	s0 =	sor.u32 s3, s0;
	s1 =	sshll.u32 s1, $0x11  }
0xbe: {  	s0 =	sor.u32 s1, s0  }
0xbf: {  	s0 =	sadd.s32 $0x8F2B, s0  }
0xc0: {  	[sflag:s0] =	ssyncadd.remote.s32 $0x1  }
0xc1: {  	_ =	sfence.sel $0xFFFF  }
0xc2: {  	[dreg:$0x0] =	wrdreg $0xFFFFFFFF;
	(pc) =	sbr.abs _section_cstart, $3  }
0xc3: {  	[dreg:$0x1] =	wrdreg $0xFFFFFFFF  }
0xc4: {  	_ =	task.clear_ibuf [dreg:s9], $0x2FFFF;
	_ =	strace $0x9FFFFFFF  }
0xc5: {  	(tm) =	ssettm $0x7FFFFFFF  }
tec
execute0_lowered:
.L_overlay_start_1:
0x0: {  	(tag) =	ssettag $0x1  }
0x1: {  	s0 =	srdreg.scid;
	s3 =	rddreg [dreg:$0x1]  }
0x2: {  	s1 =	stileid.u32;
	s4 =	rddreg [dreg:$0x2]  }
0x3: {  	s8 =	simm.s32 $0x0;
	s10 =	simm.s32 $0x80;
	s11 =	simm.s32 $0x400  }
0x4: {  	s12 =	simm.s32 $0x5;
	s13 =	simm.s32 $0x200;
	s15 =	simm.s32 $0x100  }
0x5: {  	s16 =	simm.s32 $0x8200;
	s17 =	simm.s32 $0x180;
	s18 =	simm.s32 $0xC200  }
0x6: {  	s19 =	simm.s32 $0x1;
	s20 =	simm.s32 $0x10200;
	s21 =	simm.s32 $0x12200  }
0x7: {  	s22 =	simm.s32 $0x8000;
	s0 =	sand.u32 $0x1, s0;
	s2 =	sshll.u32 s1, $0x1  }
0x8: {  	v0 =	vlaneseq.u32;
	s23 =	simm.s32 $0x2;
	s24 =	simm.s32 $0x14200;
	s2 =	sor.u32 s0, s2  }
0x9: {  	s25 =	simm.s32 $0x16200;
	s28 =	simm.s32 $0x4;
	v1 =	vmul.u32 $0x80, v0;
	v17 =	vor.u32 $0x10, v0;
	s5 =	smul.u32 $0x6400, s2  }
0xa: {  	s1 =	rddreg [dreg:$0x0];
	v18 =	vor.u32 $0x20, v0;
	v19 =	vor.u32 $0x30, v0;
	v20 =	vor.u32 $0x40, v0;
	s6 =	sshll.u32 s2, $0xD;
	s7 =	smul.u32 $0x320, s2  }
0xb: {  	v21 =	vor.u32 $0x50, v0;
	v22 =	vor.u32 $0x60, v0;
	v23 =	vor.u32 $0x70, v0;
	s0 =	ssub.s32 $0x2, s0;
	s6 =	sand.u32 $0x6000, s6;
	s5 =	sand.u32 $0xF8000, s5  }
0xc: {  	s30 =	sshrl.u32 s0, $0x1;
	v2 =	vor.u32 $0x800, v1;
	v3 =	vor.u32 $0x1000, v1;
	v4 =	vor.u32 $0x1800, v1;
	s26 =	sand.u32 $0x380, s7;
	s5 =	sor.u32 s6, s5  }
0xd: {  	[smem:$0x7FF] =	sst s8;
	v5 =	vor.u32 $0x2000, v1;
	v6 =	vor.u32 $0x2800, v1;
	v7 =	vor.u32 $0x3000, v1;
	s0 =	ssub.s32 s0, s30;
	s5 =	sor.u32 s26, s5  }
0xe: {  	v8 =	vor.u32 $0x3800, v1;
	v9 =	vor.u32 $0x4000, v1;
	v10 =	vor.u32 $0x4800, v1;
	s0 =	smax.u32 s0, $0x1;
	s6 =	smul.u32 $0x64, s2;
	s31 =	sshrl.u32 s5, $0x3  }
0xf: {  	_ =	strace $0x80000047;
	v11 =	vor.u32 $0x5000, v1;
	v12 =	vor.u32 $0x5800, v1;
	v13 =	vor.u32 $0x6000, v1;
	[dreg:$0x5] =	wrdreg s0;
	s2 =	sadd.s32 s1, s31  }
0x10: {  	s29 =	simm.s32 $0x0;
	v14 =	vor.u32 $0x6800, v1;
	v15 =	vor.u32 $0x7000, v1;
	v16 =	vor.u32 $0x7800, v1;
	s8 =	sor.u32 $0x2, s6;
	[dreg:$0x4] =	wrdreg s2  }
.LBB2_1:
0x11: {  	s0 =	simm.s32 $0x0;
	s2 =	rddreg [dreg:$0x4]  }
0x12: {  	[tilespmem:s0], [sflag:$0x5] =	stream.strided.gather [hbm4b:s2+s10], $0x100, s11, s10, $0x38;
	[tilespmem:$0x18200] =	vst v63  }
0x13: {  	_ =	swait.ge [sflag:s12], $0x100  }
0x14: {  	[sflag:s12] =	ssyncset.done $0x0  }
0x15: {  	[sflag:s12] =	ssyncadd.s32 $0xFFFFFF00  }
0x16: {  	[tilespmem:s13], [sflag:$0x1] =	stream.indirect.gather [hbm4b:s3+s10], $0x80, s0, s10, $0xb8;
	[tilespmem:$0x18200] =	vst v63  }
0x17: {  	s31 =	simm.s32 $0x4200;
	s30 =	simm.s32 $0x0  }
0x18: {  	[tilespmem:s31], [sflag:$0x1] =	stream.indirect.gather [hbm4b:s3+s10], $0x80, s10, s10, $0xb8;
	[tilespmem:$0x18200] =	vst v63  }
.LBB2_2:
0x19: {  	s0 =	sshll.u32 s30, $0x1  }
0x1a: {  	s14 =	sadd.s32 s6, s0  }
0x1b: {  	s2 =	sadd.s32 $0x1, s14  }
0x1c: {  	s5 =	sshll.u32 s2, $0x8;
	s7 =	sshll.u32 s2, $0x3  }
0x1d: {  	s31 =	sshll.u32 s2, $0xB;
	s5 =	sand.u32 $0x7FFF8000, s5;
	s7 =	sand.u32 $0x380, s7  }
0x1e: {  	s31 =	sand.u32 $0x7800, s31;
	s5 =	sor.u32 s7, s5  }
0x1f: {  	s5 =	sor.u32 s31, s5  }
0x20: {  	s5 =	sshrl.u32 s5, $0x3  }
0x21: {  	s5 =	sadd.s32 s1, s5  }
0x22: {  	[tilespmem:s15], [sflag:$0x5] =	stream.strided.gather [hbm4b:s5+s10], $0x100, s11, s10, $0x38;
	[tilespmem:$0x18200] =	vst v63  }
0x23: {  	_ =	swait.ge [sflag:s12], $0x100  }
0x24: {  	[sflag:s12] =	ssyncset.done $0x0  }
0x25: {  	[sflag:s12] =	ssyncadd.s32 $0xFFFFFF00  }
0x26: {  	[tilespmem:s16], [sflag:$0x2] =	stream.indirect.gather [hbm4b:s3+s10], $0x80, s15, s10, $0xb8;
	[tilespmem:$0x18200] =	vst v63  }
0x27: {  	_ = 	snop  }
0x28: {  	[tilespmem:s18], [sflag:$0x2] =	stream.indirect.gather [hbm4b:s3+s10], $0x80, s17, s10, $0xb8;
	[tilespmem:$0x18200] =	vst v63  }
0x29: {  	_ =	swait.ge [sflag:s19], $0x4000  }
0x2a: {  	[sflag:s19] =	ssyncset.done $0x0  }
0x2b: {  	[sflag:s19] =	ssyncadd.s32 $0xFFFFC000  }
0x2c: {  	_ =	swait.ge [sflag:s19], $0x4000  }
0x2d: {  	p0 =	seq.s32 s30, $0x0;
	s5 =	simm.s32 $0x0;
	[sflag:s19] =	ssyncset.done $0x0  }
0x2e: {  	s7 =	simm.s32 @!p0 $0x3;
	v24 =	vadd.s32 s5, v0;
	[sflag:s19] =	ssyncadd.s32 $0xFFFFC000  }
0x2f: {  	v25 =	vand.u32 $0x3F, v24;
	_ =	swait.ge @!p0 [sflag:s7], $0x2000  }
0x30: {  	v26 =	vor.u32 v11, v25;
	[sflag:s7] =	ssyncset.done @!p0 $0x0  }
0x31: {  	v27 =	vor.u32 v10, v25;
	[sflag:s7] =	ssyncadd.s32 @!p0 $0xFFFFE000  }
0x32: {  	v28 =	vor.u32 v14, v25;
	_ =	swait.ge @!p0 [sflag:s7], $0x2000  }
0x33: {  	v29 =	vor.u32 v13, v25;
	[sflag:s7] =	ssyncset.done @!p0 $0x0  }
0x34: {  	v30 =	vor.u32 v16, v25;
	[sflag:s7] =	ssyncadd.s32 @!p0 $0xFFFFE000  }
0x35: {  	v31 =	vor.u32 v12, v25;
	v26 =	vld.idx.msk [tilespmem:v26+s13+$0x0], $0xffff  }
0x36: {  	v32 =	vor.u32 v7, v25;
	v27 =	vld.idx.msk [tilespmem:v27+s13+$0x0], $0xffff  }
0x37: {  	v33 =	vor.u32 v5, v25;
	v28 =	vld.idx.msk [tilespmem:v28+s13+$0x0], $0xffff  }
0x38: {  	v34 =	vor.u32 v3, v25;
	v29 =	vld.idx.msk [tilespmem:v29+s13+$0x0], $0xffff  }
0x39: {  	v35 =	vor.u32 v1, v25;
	v30 =	vld.idx.msk [tilespmem:v30+s13+$0x0], $0xffff  }
0x3a: {  	v36 =	vor.u32 v4, v25;
	v31 =	vld.idx.msk [tilespmem:v31+s13+$0x0], $0xffff  }
0x3b: {  	v37 =	vor.u32 v2, v25;
	v32 =	vld.idx.msk [tilespmem:v32+s13+$0x0], $0xffff  }
0x3c: {  	v38 =	vor.u32 v8, v25;
	v33 =	vld.idx.msk [tilespmem:v33+s13+$0x0], $0xffff  }
0x3d: {  	v24 =	vshll.u32 v24, $0x7;
	v39 =	vor.u32 v15, v25;
	v34 =	vld.idx.msk [tilespmem:v34+s13+$0x0], $0xffff  }
0x3e: {  	v40 =	vor.u32 v6, v25;
	v24 =	vand.u32 $0x1F80, v24;
	v35 =	vld.idx.msk [tilespmem:v35+s13+$0x0], $0xffff  }
0x3f: {  	v25 =	vor.u32 v9, v25;
	v41 =	vor.u32 v0, v24;
	v36 =	vld.idx.msk [tilespmem:v36+s13+$0x0], $0xffff  }
0x40: {  	v42 =	vor.u32 v17, v24;
	v37 =	vld.idx.msk [tilespmem:v37+s13+$0x0], $0xffff  }
0x41: {  	v43 =	vor.u32 v18, v24;
	v38 =	vld.idx.msk [tilespmem:v38+s13+$0x0], $0xffff  }
0x42: {  	v44 =	vor.u32 v19, v24;
	v39 =	vld.idx.msk [tilespmem:v39+s13+$0x0], $0xffff  }
0x43: {  	v45 =	vor.u32 v20, v24;
	v40 =	vld.idx.msk [tilespmem:v40+s13+$0x0], $0xffff  }
0x44: {  	v46 =	vor.u32 v21, v24;
	v25 =	vld.idx.msk [tilespmem:v25+s13+$0x0], $0xffff;
	[tilespmem:v41+s20+$0x0] =	vst.idx.msk $0xffff, v35  }
0x45: {  	v53 =	vor.u32 v22, v24;
	[tilespmem:v42+s20+$0x0] =	vst.idx.msk $0xffff, v37  }
0x46: {  	v24 =	vor.u32 v23, v24;
	[tilespmem:v43+s20+$0x0] =	vst.idx.msk $0xffff, v34  }
0x47: {  	[tilespmem:v44+s20+$0x0] =	vst.idx.msk $0xffff, v36  }
0x48: {  	[tilespmem:v45+s20+$0x0] =	vst.idx.msk $0xffff, v33  }
0x49: {  	[tilespmem:v46+s20+$0x0] =	vst.idx.msk $0xffff, v40  }
0x4a: {  	[tilespmem:v53+s20+$0x0] =	vst.idx.msk $0xffff, v32  }
0x4b: {  	[tilespmem:v24+s20+$0x0] =	vst.idx.msk $0xffff, v38  }
0x4c: {  	s9 =	simm.s32 $0x1;
	[tilespmem:v41+s21+$0x0] =	vst.idx.msk $0xffff, v25  }
0x4d: {  	v25 =	vadd.s32 s9, v0;
	[tilespmem:v42+s21+$0x0] =	vst.idx.msk $0xffff, v27  }
0x4e: {  	[tilespmem:v43+s21+$0x0] =	vst.idx.msk $0xffff, v26;
	v26 =	vand.u32 $0x3F, v25  }
0x4f: {  	[tilespmem:v44+s21+$0x0] =	vst.idx.msk $0xffff, v31;
	v27 =	vor.u32 v6, v26  }
0x50: {  	v31 =	vor.u32 v16, v26;
	[tilespmem:v45+s21+$0x0] =	vst.idx.msk $0xffff, v29  }
0x51: {  	v54 =	vor.u32 v13, v26;
	[tilespmem:v46+s21+$0x0] =	vst.idx.msk $0xffff, v28  }
0x52: {  	v55 =	vor.u32 v5, v26;
	[tilespmem:v53+s21+$0x0] =	vst.idx.msk $0xffff, v39  }
0x53: {  	v56 =	vor.u32 v4, v26;
	[tilespmem:v24+s21+$0x0] =	vst.idx.msk $0xffff, v30  }
0x54: {  	v57 =	vor.u32 v12, v26;
	v27 =	vld.idx.msk [tilespmem:v27+s13+$0x0], $0xffff  }
0x55: {  	v58 =	vor.u32 v1, v26;
	v31 =	vld.idx.msk [tilespmem:v31+s13+$0x0], $0xffff  }
0x56: {  	v59 =	vor.u32 v15, v26;
	v32 =	vld.idx.msk [tilespmem:v54+s13+$0x0], $0xffff  }
0x57: {  	v60 =	vor.u32 v11, v26;
	v33 =	vld.idx.msk [tilespmem:v55+s13+$0x0], $0xffff  }
0x58: {  	v61 =	vor.u32 v10, v26;
	v34 =	vld.idx.msk [tilespmem:v56+s13+$0x0], $0xffff  }
0x59: {  	v62 =	vor.u32 v9, v26;
	v35 =	vld.idx.msk [tilespmem:v57+s13+$0x0], $0xffff  }
0x5a: {  	v29 =	vor.u32 v2, v26;
	v36 =	vld.idx.msk [tilespmem:v58+s13+$0x0], $0xffff  }
0x5b: {  	v28 =	vor.u32 v3, v26;
	v37 =	vld.idx.msk [tilespmem:v59+s13+$0x0], $0xffff  }
0x5c: {  	v25 =	vshll.u32 v25, $0x7;
	v24 =	vor.u32 v8, v26;
	v38 =	vld.idx.msk [tilespmem:v60+s13+$0x0], $0xffff  }
0x5d: {  	v25 =	vand.u32 $0x1F80, v25;
	v30 =	vor.u32 v14, v26;
	v39 =	vld.idx.msk [tilespmem:v61+s13+$0x0], $0xffff  }
0x5e: {  	v63 =	vor.u32 v0, v25;
	v26 =	vor.u32 v7, v26;
	v40 =	vld.idx.msk [tilespmem:v62+s13+$0x0], $0xffff  }
0x5f: {  	v48 =	vor.u32 v17, v25;
	v29 =	vld.idx.msk [tilespmem:v29+s13+$0x0], $0xffff  }
0x60: {  	v49 =	vor.u32 v18, v25;
	v28 =	vld.idx.msk [tilespmem:v28+s13+$0x0], $0xffff  }
0x61: {  	v50 =	vor.u32 v19, v25;
	v24 =	vld.idx.msk [tilespmem:v24+s13+$0x0], $0xffff  }
0x62: {  	v51 =	vor.u32 v20, v25;
	v30 =	vld.idx.msk [tilespmem:v30+s13+$0x0], $0xffff  }
0x63: {  	v52 =	vor.u32 v21, v25;
	v26 =	vld.idx.msk [tilespmem:v26+s13+$0x0], $0xffff;
	[tilespmem:v63+s20+$0x0] =	vst.idx.msk $0xffff, v36  }
0x64: {  	[tilespmem:v48+s20+$0x0] =	vst.idx.msk $0xffff, v29;
	v29 =	vor.u32 v22, v25  }
0x65: {  	v25 =	vor.u32 v23, v25;
	[tilespmem:v49+s20+$0x0] =	vst.idx.msk $0xffff, v28  }
0x66: {  	[tilespmem:v50+s20+$0x0] =	vst.idx.msk $0xffff, v34  }
0x67: {  	[tilespmem:v51+s20+$0x0] =	vst.idx.msk $0xffff, v33  }
0x68: {  	[tilespmem:v52+s20+$0x0] =	vst.idx.msk $0xffff, v27  }
0x69: {  	[tilespmem:v29+s20+$0x0] =	vst.idx.msk $0xffff, v26  }
0x6a: {  	[tilespmem:v25+s20+$0x0] =	vst.idx.msk $0xffff, v24  }
0x6b: {  	s26 =	simm.s32 $0x2;
	[tilespmem:v63+s21+$0x0] =	vst.idx.msk $0xffff, v40  }
0x6c: {  	v28 =	vadd.s32 s26, v0;
	[tilespmem:v48+s21+$0x0] =	vst.idx.msk $0xffff, v39  }
0x6d: {  	v53 =	vand.u32 $0x3F, v28;
	[tilespmem:v49+s21+$0x0] =	vst.idx.msk $0xffff, v38  }
0x6e: {  	v24 =	vor.u32 v14, v53;
	[tilespmem:v50+s21+$0x0] =	vst.idx.msk $0xffff, v35  }
0x6f: {  	v26 =	vor.u32 v9, v53;
	[tilespmem:v51+s21+$0x0] =	vst.idx.msk $0xffff, v32  }
0x70: {  	v27 =	vor.u32 v13, v53;
	[tilespmem:v52+s21+$0x0] =	vst.idx.msk $0xffff, v30  }
0x71: {  	v54 =	vor.u32 v16, v53;
	[tilespmem:v29+s21+$0x0] =	vst.idx.msk $0xffff, v37  }
0x72: {  	v55 =	vor.u32 v6, v53;
	[tilespmem:v25+s21+$0x0] =	vst.idx.msk $0xffff, v31  }
0x73: {  	v56 =	vor.u32 v5, v53;
	v24 =	vld.idx.msk [tilespmem:v24+s13+$0x0], $0xffff  }
0x74: {  	v57 =	vor.u32 v10, v53;
	v30 =	vld.idx.msk [tilespmem:v26+s13+$0x0], $0xffff  }
0x75: {  	v58 =	vor.u32 v7, v53;
	v26 =	vld.idx.msk [tilespmem:v27+s13+$0x0], $0xffff  }
0x76: {  	v29 =	vor.u32 v15, v53;
	v27 =	vld.idx.msk [tilespmem:v54+s13+$0x0], $0xffff  }
0x77: {  	v31 =	vor.u32 v12, v53;
	v33 =	vld.idx.msk [tilespmem:v55+s13+$0x0], $0xffff  }
0x78: {  	v59 =	vor.u32 v1, v53;
	v34 =	vld.idx.msk [tilespmem:v56+s13+$0x0], $0xffff  }
0x79: {  	v60 =	vor.u32 v8, v53;
	v32 =	vld.idx.msk [tilespmem:v57+s13+$0x0], $0xffff  }
0x7a: {  	v61 =	vor.u32 v3, v53;
	v35 =	vld.idx.msk [tilespmem:v58+s13+$0x0], $0xffff  }
0x7b: {  	v28 =	vshll.u32 v28, $0x7;
	v62 =	vor.u32 v2, v53;
	v25 =	vld.idx.msk [tilespmem:v29+s13+$0x0], $0xffff  }
0x7c: {  	v63 =	vor.u32 v4, v53;
	v29 =	vld.idx.msk [tilespmem:v31+s13+$0x0], $0xffff;
	v31 =	vand.u32 $0x1F80, v28  }
0x7d: {  	v38 =	vor.u32 v11, v53;
	v45 =	vld.idx.msk [tilespmem:v59+s13+$0x0], $0xffff;
	v36 =	vor.u32 v0, v31  }
0x7e: {  	v37 =	vld.idx.msk [tilespmem:v60+s13+$0x0], $0xffff  }
0x7f: {  	v42 =	vld.idx.msk [tilespmem:v61+s13+$0x0], $0xffff  }
0x80: {  	v44 =	vld.idx.msk [tilespmem:v62+s13+$0x0], $0xffff;
	v39 =	vor.u32 v17, v31  }
0x81: {  	v43 =	vld.idx.msk [tilespmem:v63+s13+$0x0], $0xffff;
	v41 =	vor.u32 v18, v31  }
0x82: {  	s2 =	sshrl.u32 s2, $0x4;
	s7 =	simm.s32 $0x4;
	v38 =	vld.idx.msk [tilespmem:v38+s13+$0x0], $0xffff;
	v28 =	vor.u32 v20, v31;
	v40 =	vor.u32 v19, v31;
	[tilespmem:v36+s20+$0x0] =	vst.idx.msk $0xffff, v45  }
.LBB2_3:
0x83: {  	p1 =	sne.s32 s7, $0x3C;
	s9 =	smov.u32 s7;
	s7 =	sadd.s32 $0x4, s7  }
0x84: {  	v45 =	vor.u32 v21, v31  }
0x85: {  	[tilespmem:v39+s20+$0x0] =	vst.idx.msk $0xffff, v44;
	v44 =	vor.u32 v22, v31  }
0x86: {  	v31 =	vor.u32 v23, v31;
	[tilespmem:v41+s20+$0x0] =	vst.idx.msk $0xffff, v42  }
0x87: {  	[tilespmem:v40+s20+$0x0] =	vst.idx.msk $0xffff, v43  }
0x88: {  	[tilespmem:v28+s20+$0x0] =	vst.idx.msk $0xffff, v34  }
0x89: {  	[tilespmem:v45+s20+$0x0] =	vst.idx.msk $0xffff, v33  }
0x8a: {  	[tilespmem:v44+s20+$0x0] =	vst.idx.msk $0xffff, v35  }
0x8b: {  	[tilespmem:v31+s20+$0x0] =	vst.idx.msk $0xffff, v37  }
0x8c: {  	s26 =	sadd.s32 $0x3, s5;
	s5 =	smov.u32 s9;
	[tilespmem:v36+s21+$0x0] =	vst.idx.msk $0xffff, v30  }
0x8d: {  	v30 =	vadd.s32 s26, v0;
	[tilespmem:v39+s21+$0x0] =	vst.idx.msk $0xffff, v32  }
0x8e: {  	v32 =	vand.u32 $0x3F, v30;
	v30 =	vshll.u32 v30, $0x7;
	[tilespmem:v41+s21+$0x0] =	vst.idx.msk $0xffff, v38  }
0x8f: {  	v30 =	vand.u32 $0x1F80, v30;
	[tilespmem:v40+s21+$0x0] =	vst.idx.msk $0xffff, v29;
	v29 =	vor.u32 v1, v32  }
0x90: {  	[tilespmem:v28+s21+$0x0] =	vst.idx.msk $0xffff, v26;
	v26 =	vor.u32 v8, v32  }
0x91: {  	[tilespmem:v45+s21+$0x0] =	vst.idx.msk $0xffff, v24;
	v24 =	vor.u32 v9, v32  }
0x92: {  	[tilespmem:v44+s21+$0x0] =	vst.idx.msk $0xffff, v25;
	v25 =	vor.u32 v10, v32  }
0x93: {  	[tilespmem:v31+s21+$0x0] =	vst.idx.msk $0xffff, v27;
	v27 =	vor.u32 v11, v32  }
0x94: {  	v28 =	vld.idx.msk [tilespmem:v29+s13+$0x0], $0xffff;
	v29 =	vor.u32 v12, v32  }
0x95: {  	v31 =	vor.u32 v2, v32;
	v26 =	vld.idx.msk [tilespmem:v26+s13+$0x0], $0xffff  }
0x96: {  	v33 =	vor.u32 v3, v32;
	v24 =	vld.idx.msk [tilespmem:v24+s13+$0x0], $0xffff  }
0x97: {  	v34 =	vor.u32 v4, v32;
	v25 =	vld.idx.msk [tilespmem:v25+s13+$0x0], $0xffff  }
0x98: {  	v35 =	vor.u32 v5, v32;
	v27 =	vld.idx.msk [tilespmem:v27+s13+$0x0], $0xffff  }
0x99: {  	v36 =	vor.u32 v6, v32;
	v29 =	vld.idx.msk [tilespmem:v29+s13+$0x0], $0xffff  }
0x9a: {  	v37 =	vor.u32 v7, v32;
	v31 =	vld.idx.msk [tilespmem:v31+s13+$0x0], $0xffff  }
0x9b: {  	v38 =	vor.u32 v14, v32;
	v33 =	vld.idx.msk [tilespmem:v33+s13+$0x0], $0xffff  }
0x9c: {  	v39 =	vor.u32 v15, v32;
	v34 =	vld.idx.msk [tilespmem:v34+s13+$0x0], $0xffff  }
0x9d: {  	v40 =	vor.u32 v16, v32;
	v35 =	vld.idx.msk [tilespmem:v35+s13+$0x0], $0xffff  }
0x9e: {  	v32 =	vor.u32 v13, v32;
	v36 =	vld.idx.msk [tilespmem:v36+s13+$0x0], $0xffff  }
0x9f: {  	v41 =	vor.u32 v0, v30;
	v37 =	vld.idx.msk [tilespmem:v37+s13+$0x0], $0xffff  }
0xa0: {  	v42 =	vor.u32 v17, v30;
	v38 =	vld.idx.msk [tilespmem:v38+s13+$0x0], $0xffff  }
0xa1: {  	v43 =	vor.u32 v18, v30;
	v39 =	vld.idx.msk [tilespmem:v39+s13+$0x0], $0xffff  }
0xa2: {  	v44 =	vor.u32 v19, v30;
	v40 =	vld.idx.msk [tilespmem:v40+s13+$0x0], $0xffff  }
0xa3: {  	v45 =	vor.u32 v20, v30;
	v32 =	vld.idx.msk [tilespmem:v32+s13+$0x0], $0xffff  }
0xa4: {  	[tilespmem:v41+s20+$0x0] =	vst.idx.msk $0xffff, v28;
	v28 =	vor.u32 v21, v30  }
0xa5: {  	[tilespmem:v42+s20+$0x0] =	vst.idx.msk $0xffff, v31;
	v31 =	vor.u32 v22, v30  }
0xa6: {  	v30 =	vor.u32 v23, v30;
	[tilespmem:v43+s20+$0x0] =	vst.idx.msk $0xffff, v33  }
0xa7: {  	[tilespmem:v44+s20+$0x0] =	vst.idx.msk $0xffff, v34  }
0xa8: {  	[tilespmem:v45+s20+$0x0] =	vst.idx.msk $0xffff, v35  }
0xa9: {  	v33 =	vadd.s32 s5, v0;
	[tilespmem:v28+s20+$0x0] =	vst.idx.msk $0xffff, v36  }
0xaa: {  	v34 =	vand.u32 $0x3F, v33;
	v33 =	vshll.u32 v33, $0x7;
	[tilespmem:v31+s20+$0x0] =	vst.idx.msk $0xffff, v37  }
0xab: {  	v35 =	vor.u32 v1, v34;
	v36 =	vor.u32 v2, v34;
	[tilespmem:v30+s20+$0x0] =	vst.idx.msk $0xffff, v26  }
0xac: {  	v37 =	vor.u32 v5, v34;
	v26 =	vor.u32 v4, v34;
	[tilespmem:v41+s21+$0x0] =	vst.idx.msk $0xffff, v24  }
0xad: {  	v24 =	vor.u32 v7, v34;
	v41 =	vor.u32 v8, v34;
	[tilespmem:v42+s21+$0x0] =	vst.idx.msk $0xffff, v25  }
0xae: {  	v25 =	vor.u32 v10, v34;
	v42 =	vor.u32 v11, v34;
	[tilespmem:v43+s21+$0x0] =	vst.idx.msk $0xffff, v27  }
0xaf: {  	v27 =	vor.u32 v13, v34;
	v43 =	vor.u32 v14, v34;
	[tilespmem:v44+s21+$0x0] =	vst.idx.msk $0xffff, v29  }
0xb0: {  	v29 =	vor.u32 v9, v34;
	v44 =	vor.u32 v16, v34;
	[tilespmem:v45+s21+$0x0] =	vst.idx.msk $0xffff, v32  }
0xb1: {  	v32 =	vor.u32 v12, v34;
	[tilespmem:v28+s21+$0x0] =	vst.idx.msk $0xffff, v38  }
0xb2: {  	[tilespmem:v31+s21+$0x0] =	vst.idx.msk $0xffff, v39  }
0xb3: {  	v28 =	vor.u32 v3, v34;
	[tilespmem:v30+s21+$0x0] =	vst.idx.msk $0xffff, v40;
	_ =	sdelay $0x2  }
0xb4: {  	v31 =	vand.u32 $0x1F80, v33;
	v30 =	vld.idx.msk [tilespmem:v42+s13+$0x0], $0xffff  }
0xb5: {  	v33 =	vor.u32 v0, v31;
	v25 =	vld.idx.msk [tilespmem:v25+s13+$0x0], $0xffff  }
0xb6: {  	v39 =	vor.u32 v17, v31;
	v38 =	vld.idx.msk [tilespmem:v43+s13+$0x0], $0xffff  }
0xb7: {  	v40 =	vor.u32 v18, v31;
	v27 =	vld.idx.msk [tilespmem:v27+s13+$0x0], $0xffff  }
0xb8: {  	v42 =	vor.u32 v15, v34;
	v43 =	vld.idx.msk [tilespmem:v44+s13+$0x0], $0xffff;
	v44 =	vor.u32 v19, v31  }
0xb9: {  	v45 =	vor.u32 v20, v31;
	v34 =	vor.u32 v6, v34;
	v32 =	vld.idx.msk [tilespmem:v32+s13+$0x0], $0xffff  }
0xba: {  	v46 =	vor.u32 v21, v31;
	v24 =	vld.idx.msk [tilespmem:v24+s13+$0x0], $0xffff  }
0xbb: {  	v47 =	vor.u32 v22, v31;
	v37 =	vld.idx.msk [tilespmem:v37+s13+$0x0], $0xffff  }
0xbc: {  	v28 =	vld.idx.msk [tilespmem:v28+s13+$0x0], $0xffff  }
0xbd: {  	v31 =	vor.u32 v23, v31;
	v35 =	vld.idx.msk [tilespmem:v35+s13+$0x0], $0xffff  }
0xbe: {  	v26 =	vld.idx.msk [tilespmem:v26+s13+$0x0], $0xffff  }
0xbf: {  	v36 =	vld.idx.msk [tilespmem:v36+s13+$0x0], $0xffff  }
0xc0: {  	v41 =	vld.idx.msk [tilespmem:v41+s13+$0x0], $0xffff  }
0xc1: {  	v42 =	vld.idx.msk [tilespmem:v42+s13+$0x0], $0xffff  }
0xc2: {  	v34 =	vld.idx.msk [tilespmem:v34+s13+$0x0], $0xffff  }
0xc3: {  	v29 =	vld.idx.msk [tilespmem:v29+s13+$0x0], $0xffff  }
0xc4: {  	[tilespmem:v33+s20+$0x0] =	vst.idx.msk $0xffff, v35  }
0xc5: {  	[tilespmem:v39+s20+$0x0] =	vst.idx.msk $0xffff, v36  }
0xc6: {  	[tilespmem:v40+s20+$0x0] =	vst.idx.msk $0xffff, v28  }
0xc7: {  	[tilespmem:v44+s20+$0x0] =	vst.idx.msk $0xffff, v26  }
0xc8: {  	[tilespmem:v45+s20+$0x0] =	vst.idx.msk $0xffff, v37  }
0xc9: {  	[tilespmem:v46+s20+$0x0] =	vst.idx.msk $0xffff, v34  }
0xca: {  	[tilespmem:v47+s20+$0x0] =	vst.idx.msk $0xffff, v24  }
0xcb: {  	[tilespmem:v31+s20+$0x0] =	vst.idx.msk $0xffff, v41  }
0xcc: {  	s9 =	sadd.s32 $0x1, s5;
	[tilespmem:v33+s21+$0x0] =	vst.idx.msk $0xffff, v29  }
0xcd: {  	v24 =	vadd.s32 s9, v0;
	[tilespmem:v39+s21+$0x0] =	vst.idx.msk $0xffff, v25  }
0xce: {  	v25 =	vand.u32 $0x3F, v24;
	v24 =	vshll.u32 v24, $0x7;
	[tilespmem:v40+s21+$0x0] =	vst.idx.msk $0xffff, v30  }
0xcf: {  	v26 =	vor.u32 v6, v25;
	v24 =	vand.u32 $0x1F80, v24;
	[tilespmem:v44+s21+$0x0] =	vst.idx.msk $0xffff, v32  }
0xd0: {  	[tilespmem:v45+s21+$0x0] =	vst.idx.msk $0xffff, v27;
	v27 =	vor.u32 v2, v25  }
0xd1: {  	v28 =	vor.u32 v3, v25;
	[tilespmem:v46+s21+$0x0] =	vst.idx.msk $0xffff, v38  }
0xd2: {  	v29 =	vor.u32 v16, v25;
	[tilespmem:v47+s21+$0x0] =	vst.idx.msk $0xffff, v42  }
0xd3: {  	v30 =	vor.u32 v8, v25;
	[tilespmem:v31+s21+$0x0] =	vst.idx.msk $0xffff, v43  }
0xd4: {  	v31 =	vor.u32 v14, v25;
	v26 =	vld.idx.msk [tilespmem:v26+s13+$0x0], $0xffff  }
0xd5: {  	v32 =	vor.u32 v13, v25;
	v27 =	vld.idx.msk [tilespmem:v27+s13+$0x0], $0xffff  }
0xd6: {  	v33 =	vor.u32 v5, v25;
	v28 =	vld.idx.msk [tilespmem:v28+s13+$0x0], $0xffff  }
0xd7: {  	v34 =	vor.u32 v4, v25;
	v29 =	vld.idx.msk [tilespmem:v29+s13+$0x0], $0xffff  }
0xd8: {  	v35 =	vor.u32 v12, v25;
	v30 =	vld.idx.msk [tilespmem:v30+s13+$0x0], $0xffff  }
0xd9: {  	v36 =	vor.u32 v1, v25;
	v37 =	vld.idx.msk [tilespmem:v31+s13+$0x0], $0xffff  }
0xda: {  	v31 =	vor.u32 v15, v25;
	v32 =	vld.idx.msk [tilespmem:v32+s13+$0x0], $0xffff  }
0xdb: {  	v38 =	vor.u32 v11, v25;
	v33 =	vld.idx.msk [tilespmem:v33+s13+$0x0], $0xffff  }
0xdc: {  	v39 =	vor.u32 v10, v25;
	v34 =	vld.idx.msk [tilespmem:v34+s13+$0x0], $0xffff  }
0xdd: {  	v40 =	vor.u32 v9, v25;
	v35 =	vld.idx.msk [tilespmem:v35+s13+$0x0], $0xffff  }
0xde: {  	v25 =	vor.u32 v7, v25;
	v36 =	vld.idx.msk [tilespmem:v36+s13+$0x0], $0xffff  }
0xdf: {  	v41 =	vld.idx.msk [tilespmem:v31+s13+$0x0], $0xffff;
	v31 =	vor.u32 v0, v24  }
0xe0: {  	v42 =	vor.u32 v17, v24;
	v38 =	vld.idx.msk [tilespmem:v38+s13+$0x0], $0xffff  }
0xe1: {  	v43 =	vor.u32 v18, v24;
	v39 =	vld.idx.msk [tilespmem:v39+s13+$0x0], $0xffff  }
0xe2: {  	v44 =	vor.u32 v19, v24;
	v40 =	vld.idx.msk [tilespmem:v40+s13+$0x0], $0xffff  }
0xe3: {  	v45 =	vor.u32 v20, v24;
	v25 =	vld.idx.msk [tilespmem:v25+s13+$0x0], $0xffff  }
0xe4: {  	[tilespmem:v31+s20+$0x0] =	vst.idx.msk $0xffff, v36;
	v36 =	vor.u32 v21, v24  }
0xe5: {  	[tilespmem:v42+s20+$0x0] =	vst.idx.msk $0xffff, v27;
	v27 =	vor.u32 v22, v24  }
0xe6: {  	v24 =	vor.u32 v23, v24;
	[tilespmem:v43+s20+$0x0] =	vst.idx.msk $0xffff, v28  }
0xe7: {  	[tilespmem:v44+s20+$0x0] =	vst.idx.msk $0xffff, v34  }
0xe8: {  	[tilespmem:v45+s20+$0x0] =	vst.idx.msk $0xffff, v33  }
0xe9: {  	[tilespmem:v36+s20+$0x0] =	vst.idx.msk $0xffff, v26  }
0xea: {  	[tilespmem:v27+s20+$0x0] =	vst.idx.msk $0xffff, v25  }
0xeb: {  	[tilespmem:v24+s20+$0x0] =	vst.idx.msk $0xffff, v30  }
0xec: {  	s9 =	sadd.s32 $0x2, s5;
	[tilespmem:v31+s21+$0x0] =	vst.idx.msk $0xffff, v40  }
0xed: {  	v25 =	vadd.s32 s9, v0;
	[tilespmem:v42+s21+$0x0] =	vst.idx.msk $0xffff, v39  }
0xee: {  	[tilespmem:v43+s21+$0x0] =	vst.idx.msk $0xffff, v38;
	v38 =	vand.u32 $0x3F, v25;
	v25 =	vshll.u32 v25, $0x7  }
0xef: {  	[tilespmem:v44+s21+$0x0] =	vst.idx.msk $0xffff, v35;
	v26 =	vor.u32 v14, v38;
	v31 =	vand.u32 $0x1F80, v25  }
0xf0: {  	v25 =	vor.u32 v9, v38;
	[tilespmem:v45+s21+$0x0] =	vst.idx.msk $0xffff, v32;
	v28 =	vor.u32 v20, v31  }
0xf1: {  	v32 =	vor.u32 v13, v38;
	[tilespmem:v36+s21+$0x0] =	vst.idx.msk $0xffff, v37  }
0xf2: {  	[tilespmem:v27+s21+$0x0] =	vst.idx.msk $0xffff, v41;
	v27 =	vor.u32 v15, v38  }
0xf3: {  	[tilespmem:v24+s21+$0x0] =	vst.idx.msk $0xffff, v29;
	v29 =	vor.u32 v12, v38  }
0xf4: {  	v33 =	vor.u32 v16, v38;
	v24 =	vld.idx.msk [tilespmem:v26+s13+$0x0], $0xffff  }
0xf5: {  	v34 =	vor.u32 v6, v38;
	v30 =	vld.idx.msk [tilespmem:v25+s13+$0x0], $0xffff  }
0xf6: {  	v35 =	vor.u32 v5, v38;
	v26 =	vld.idx.msk [tilespmem:v32+s13+$0x0], $0xffff  }
0xf7: {  	v32 =	vor.u32 v10, v38;
	v25 =	vld.idx.msk [tilespmem:v27+s13+$0x0], $0xffff  }
0xf8: {  	v36 =	vor.u32 v7, v38;
	v29 =	vld.idx.msk [tilespmem:v29+s13+$0x0], $0xffff  }
0xf9: {  	v37 =	vor.u32 v1, v38;
	v27 =	vld.idx.msk [tilespmem:v33+s13+$0x0], $0xffff  }
0xfa: {  	v39 =	vor.u32 v8, v38;
	v33 =	vld.idx.msk [tilespmem:v34+s13+$0x0], $0xffff  }
0xfb: {  	v40 =	vor.u32 v3, v38;
	v34 =	vld.idx.msk [tilespmem:v35+s13+$0x0], $0xffff  }
0xfc: {  	v41 =	vor.u32 v2, v38;
	v32 =	vld.idx.msk [tilespmem:v32+s13+$0x0], $0xffff  }
0xfd: {  	v43 =	vor.u32 v4, v38;
	v35 =	vld.idx.msk [tilespmem:v36+s13+$0x0], $0xffff  }
0xfe: {  	v38 =	vor.u32 v11, v38;
	v45 =	vld.idx.msk [tilespmem:v37+s13+$0x0], $0xffff  }
0xff: {  	v36 =	vor.u32 v0, v31;
	v37 =	vld.idx.msk [tilespmem:v39+s13+$0x0], $0xffff  }
.Ltmp0:
0x100: {  	v42 =	vld.idx.msk [tilespmem:v40+s13+$0x0], $0xffff;
	(pc) =	sbr.rel @p1 .LBB2_3-.Ltmp0, $4  }
0x101: {  	v44 =	vld.idx.msk [tilespmem:v41+s13+$0x0], $0xffff  }
0x102: {  	v39 =	vor.u32 v17, v31;
	v43 =	vld.idx.msk [tilespmem:v43+s13+$0x0], $0xffff  }
0x103: {  	v41 =	vor.u32 v18, v31;
	v38 =	vld.idx.msk [tilespmem:v38+s13+$0x0], $0xffff  }
0x104: {  	v40 =	vor.u32 v19, v31;
	[tilespmem:v36+s20+$0x0] =	vst.idx.msk $0xffff, v45  }
0x105: {  	_ =	sdelay $0x2  }
0x106: {  	v45 =	vor.u32 v21, v31  }
0x107: {  	v62 =	vor.u32 v22, v31;
	[tilespmem:v39+s20+$0x0] =	vst.idx.msk $0xffff, v44  }
0x108: {  	v31 =	vor.u32 v23, v31;
	[tilespmem:v41+s20+$0x0] =	vst.idx.msk $0xffff, v42  }
0x109: {  	[tilespmem:v40+s20+$0x0] =	vst.idx.msk $0xffff, v43  }
0x10a: {  	[tilespmem:v28+s20+$0x0] =	vst.idx.msk $0xffff, v34  }
0x10b: {  	[tilespmem:v45+s20+$0x0] =	vst.idx.msk $0xffff, v33  }
0x10c: {  	[tilespmem:v62+s20+$0x0] =	vst.idx.msk $0xffff, v35  }
0x10d: {  	[tilespmem:v31+s20+$0x0] =	vst.idx.msk $0xffff, v37  }
0x10e: {  	s5 =	sadd.s32 $0x3, s5;
	[tilespmem:v36+s21+$0x0] =	vst.idx.msk $0xffff, v30  }
0x10f: {  	v30 =	vadd.s32 s5, v0;
	[tilespmem:v39+s21+$0x0] =	vst.idx.msk $0xffff, v32  }
0x110: {  	v63 =	vand.u32 $0x3F, v30;
	[tilespmem:v41+s21+$0x0] =	vst.idx.msk $0xffff, v38  }
0x111: {  	[tilespmem:v40+s21+$0x0] =	vst.idx.msk $0xffff, v29;
	v29 =	vor.u32 v1, v63  }
0x112: {  	v42 =	vor.u32 v3, v63;
	[tilespmem:v28+s21+$0x0] =	vst.idx.msk $0xffff, v26  }
0x113: {  	v43 =	vor.u32 v4, v63;
	[tilespmem:v45+s21+$0x0] =	vst.idx.msk $0xffff, v24  }
0x114: {  	v44 =	vor.u32 v5, v63;
	[tilespmem:v62+s21+$0x0] =	vst.idx.msk $0xffff, v25  }
0x115: {  	v46 =	vor.u32 v7, v63;
	[tilespmem:v31+s21+$0x0] =	vst.idx.msk $0xffff, v27  }
0x116: {  	v47 =	vor.u32 v14, v63;
	v28 =	vld.idx.msk [tilespmem:v29+s13+$0x0], $0xffff  }
0x117: {  	v48 =	vor.u32 v15, v63;
	v33 =	vld.idx.msk [tilespmem:v42+s13+$0x0], $0xffff  }
0x118: {  	v49 =	vor.u32 v16, v63;
	v34 =	vld.idx.msk [tilespmem:v43+s13+$0x0], $0xffff  }
0x119: {  	v32 =	vor.u32 v13, v63;
	v35 =	vld.idx.msk [tilespmem:v44+s13+$0x0], $0xffff  }
0x11a: {  	v26 =	vor.u32 v8, v63;
	v37 =	vld.idx.msk [tilespmem:v46+s13+$0x0], $0xffff  }
0x11b: {  	v24 =	vor.u32 v9, v63;
	v38 =	vld.idx.msk [tilespmem:v47+s13+$0x0], $0xffff  }
0x11c: {  	v31 =	vor.u32 v2, v63;
	v39 =	vld.idx.msk [tilespmem:v48+s13+$0x0], $0xffff  }
0x11d: {  	v45 =	vor.u32 v6, v63;
	v40 =	vld.idx.msk [tilespmem:v49+s13+$0x0], $0xffff  }
0x11e: {  	v30 =	vshll.u32 v30, $0x7;
	v25 =	vor.u32 v10, v63;
	v32 =	vld.idx.msk [tilespmem:v32+s13+$0x0], $0xffff  }
0x11f: {  	v30 =	vand.u32 $0x1F80, v30;
	v27 =	vor.u32 v11, v63;
	v26 =	vld.idx.msk [tilespmem:v26+s13+$0x0], $0xffff  }
0x120: {  	v50 =	vor.u32 v0, v30;
	v29 =	vor.u32 v12, v63;
	v24 =	vld.idx.msk [tilespmem:v24+s13+$0x0], $0xffff  }
0x121: {  	v51 =	vor.u32 v17, v30;
	v31 =	vld.idx.msk [tilespmem:v31+s13+$0x0], $0xffff  }
0x122: {  	v52 =	vor.u32 v18, v30;
	v36 =	vld.idx.msk [tilespmem:v45+s13+$0x0], $0xffff  }
0x123: {  	v53 =	vor.u32 v19, v30;
	v25 =	vld.idx.msk [tilespmem:v25+s13+$0x0], $0xffff  }
0x124: {  	v54 =	vor.u32 v20, v30;
	v27 =	vld.idx.msk [tilespmem:v27+s13+$0x0], $0xffff  }
0x125: {  	v29 =	vld.idx.msk [tilespmem:v29+s13+$0x0], $0xffff;
	[tilespmem:v50+s20+$0x0] =	vst.idx.msk $0xffff, v28;
	v28 =	vor.u32 v21, v30  }
0x126: {  	[tilespmem:v51+s20+$0x0] =	vst.idx.msk $0xffff, v31;
	v31 =	vor.u32 v22, v30  }
0x127: {  	v30 =	vor.u32 v23, v30;
	[tilespmem:v52+s20+$0x0] =	vst.idx.msk $0xffff, v33  }
0x128: {  	[tilespmem:v53+s20+$0x0] =	vst.idx.msk $0xffff, v34  }
0x129: {  	[tilespmem:v54+s20+$0x0] =	vst.idx.msk $0xffff, v35  }
0x12a: {  	[tilespmem:v28+s20+$0x0] =	vst.idx.msk $0xffff, v36  }
0x12b: {  	[tilespmem:v31+s20+$0x0] =	vst.idx.msk $0xffff, v37  }
0x12c: {  	[tilespmem:v30+s20+$0x0] =	vst.idx.msk $0xffff, v26  }
0x12d: {  	[tilespmem:v50+s21+$0x0] =	vst.idx.msk $0xffff, v24  }
0x12e: {  	[tilespmem:v51+s21+$0x0] =	vst.idx.msk $0xffff, v25  }
0x12f: {  	[tilespmem:v52+s21+$0x0] =	vst.idx.msk $0xffff, v27  }
0x130: {  	s9 =	sshll.u32 s14, $0xE;
	s7 =	sshll.u32 s14, $0xB;
	[tilespmem:v53+s21+$0x0] =	vst.idx.msk $0xffff, v29  }
0x131: {  	s7 =	sand.u32 $0x7000, s7;
	s5 =	sand.u32 $0x7FFC0000, s9;
	[tilespmem:v54+s21+$0x0] =	vst.idx.msk $0xffff, v32  }
0x132: {  	s5 =	sor.u32 s7, s5;
	[tilespmem:v28+s21+$0x0] =	vst.idx.msk $0xffff, v38  }
0x133: {  	s5 =	sshrl.u32 s5, $0x3;
	[tilespmem:v31+s21+$0x0] =	vst.idx.msk $0xffff, v39  }
0x134: {  	p1 =	seq.s32 s30, $0x31;
	s5 =	sadd.s32 s4, s5;
	[tilespmem:v30+s21+$0x0] =	vst.idx.msk $0xffff, v40  }
0x135: {  	[hbm4b:s5+s11] =	stream.strided.scatter [tilespmem:s20], [sflag:$0x3], $0x2000, s22, s11, $0x38;
	[tilespmem:$0x18200] =	vst v63  }
0x136: {  	s0 =	sadd.s32 @!p1 s0, s8;
	s5 =	sadd.s32 $0x80, s5  }
0x137: {  	[hbm4b:s5+s11] =	stream.strided.scatter [tilespmem:s21], [sflag:$0x3], $0x2000, s22, s11, $0x38;
	[tilespmem:$0x18200] =	vst v63  }
0x138: {  	s7 =	sshll.u32 @!p1 s0, $0x8;
	s5 =	sshll.u32 @!p1 s0, $0x5  }
0x139: {  	s7 =	sand.u32 @!p1 $0xE00, s7;
	s0 =	sand.u32 @!p1 $0x70, s0;
	s5 =	sand.u32 @!p1 $0xFFFF000, s5  }
0x13a: {  	s9 =	simm.s32 @!p1 $0x0;
	s0 =	sadd.s32 @!p1 s1, s0;
	s5 =	sor.u32 @!p1 s7, s5  }
0x13b: {  	s7 =	simm.s32 @!p1 $0x400;
	s0 =	sadd.s32 @!p1 s5, s0;
	s5 =	simm.s32 @!p1 $0x80  }
0x13c: {  	[tilespmem:s9], [sflag:$0x5] =	stream.strided.gather @!p1 [hbm4b:s0+s5], $0x100, s7, s5, $0x38;
	[tilespmem:$0x18200] =	vst v63  }
0x13d: {  	s0 =	simm.s32 @!p1 $0x5  }
0x13e: {  	_ =	swait.ge @!p1 [sflag:s0], $0x100  }
0x13f: {  	[sflag:s0] =	ssyncset.done @!p1 $0x0  }
0x140: {  	[sflag:s0] =	ssyncadd.s32 @!p1 $0xFFFFFF00;
	s0 =	simm.s32 @!p1 $0x200  }
0x141: {  	[tilespmem:s0], [sflag:$0x1] =	stream.indirect.gather @!p1 [hbm4b:s3+s5], $0x80, s9, s5, $0xb8;
	[tilespmem:$0x18200] =	vst v63  }
0x142: {  	s0 =	simm.s32 @!p1 $0x4200  }
0x143: {  	[tilespmem:s0], [sflag:$0x1] =	stream.indirect.gather @!p1 [hbm4b:s3+s5], $0x80, s5, s5, $0xb8;
	[tilespmem:$0x18200] =	vst v63  }
0x144: {  	_ =	swait.ge [sflag:s23], $0x4000  }
0x145: {  	[sflag:s23] =	ssyncset.done $0x0  }
0x146: {  	[sflag:s23] =	ssyncadd.s32 $0xFFFFC000  }
0x147: {  	_ =	swait.ge [sflag:s23], $0x4000  }
0x148: {  	s0 =	simm.s32 $0x0;
	[sflag:s23] =	ssyncset.done $0x0  }
0x149: {  	s5 =	simm.s32 @!p0 $0x4;
	v24 =	vadd.s32 s0, v0;
	[sflag:s23] =	ssyncadd.s32 $0xFFFFC000  }
0x14a: {  	v25 =	vand.u32 $0x3F, v24;
	_ =	swait.ge @!p0 [sflag:s5], $0x2000  }
0x14b: {  	v26 =	vor.u32 v11, v25;
	[sflag:s5] =	ssyncset.done @!p0 $0x0  }
0x14c: {  	v27 =	vor.u32 v10, v25;
	[sflag:s5] =	ssyncadd.s32 @!p0 $0xFFFFE000  }
0x14d: {  	v28 =	vor.u32 v14, v25;
	_ =	swait.ge @!p0 [sflag:s5], $0x2000  }
0x14e: {  	v29 =	vor.u32 v13, v25;
	[sflag:s5] =	ssyncset.done @!p0 $0x0  }
0x14f: {  	v30 =	vor.u32 v16, v25;
	[sflag:s5] =	ssyncadd.s32 @!p0 $0xFFFFE000  }
0x150: {  	v31 =	vor.u32 v12, v25;
	v26 =	vld.idx.msk [tilespmem:v26+s16+$0x0], $0xffff  }
0x151: {  	v55 =	vor.u32 v7, v25;
	v27 =	vld.idx.msk [tilespmem:v27+s16+$0x0], $0xffff  }
0x152: {  	v56 =	vor.u32 v5, v25;
	v28 =	vld.idx.msk [tilespmem:v28+s16+$0x0], $0xffff  }
0x153: {  	v57 =	vor.u32 v3, v25;
	v29 =	vld.idx.msk [tilespmem:v29+s16+$0x0], $0xffff  }
0x154: {  	v58 =	vor.u32 v1, v25;
	v30 =	vld.idx.msk [tilespmem:v30+s16+$0x0], $0xffff  }
0x155: {  	v59 =	vor.u32 v4, v25;
	v31 =	vld.idx.msk [tilespmem:v31+s16+$0x0], $0xffff  }
0x156: {  	v60 =	vor.u32 v2, v25;
	v32 =	vld.idx.msk [tilespmem:v55+s16+$0x0], $0xffff  }
0x157: {  	v61 =	vor.u32 v8, v25;
	v33 =	vld.idx.msk [tilespmem:v56+s16+$0x0], $0xffff  }
0x158: {  	v24 =	vshll.u32 v24, $0x7;
	v62 =	vor.u32 v15, v25;
	v34 =	vld.idx.msk [tilespmem:v57+s16+$0x0], $0xffff  }
0x159: {  	v63 =	vor.u32 v6, v25;
	v24 =	vand.u32 $0x1F80, v24;
	v35 =	vld.idx.msk [tilespmem:v58+s16+$0x0], $0xffff  }
0x15a: {  	v25 =	vor.u32 v9, v25;
	v48 =	vor.u32 v0, v24;
	v36 =	vld.idx.msk [tilespmem:v59+s16+$0x0], $0xffff  }
0x15b: {  	v49 =	vor.u32 v17, v24;
	v37 =	vld.idx.msk [tilespmem:v60+s16+$0x0], $0xffff  }
0x15c: {  	v50 =	vor.u32 v18, v24;
	v38 =	vld.idx.msk [tilespmem:v61+s16+$0x0], $0xffff  }
0x15d: {  	v51 =	vor.u32 v19, v24;
	v39 =	vld.idx.msk [tilespmem:v62+s16+$0x0], $0xffff  }
0x15e: {  	v52 =	vor.u32 v20, v24;
	v40 =	vld.idx.msk [tilespmem:v63+s16+$0x0], $0xffff  }
0x15f: {  	v46 =	vor.u32 v21, v24;
	v25 =	vld.idx.msk [tilespmem:v25+s16+$0x0], $0xffff;
	[tilespmem:v48+s24+$0x0] =	vst.idx.msk $0xffff, v35  }
0x160: {  	v53 =	vor.u32 v22, v24;
	[tilespmem:v49+s24+$0x0] =	vst.idx.msk $0xffff, v37  }
0x161: {  	v24 =	vor.u32 v23, v24;
	[tilespmem:v50+s24+$0x0] =	vst.idx.msk $0xffff, v34  }
0x162: {  	[tilespmem:v51+s24+$0x0] =	vst.idx.msk $0xffff, v36  }
0x163: {  	[tilespmem:v52+s24+$0x0] =	vst.idx.msk $0xffff, v33  }
0x164: {  	[tilespmem:v46+s24+$0x0] =	vst.idx.msk $0xffff, v40  }
0x165: {  	[tilespmem:v53+s24+$0x0] =	vst.idx.msk $0xffff, v32  }
0x166: {  	[tilespmem:v24+s24+$0x0] =	vst.idx.msk $0xffff, v38  }
0x167: {  	s14 =	simm.s32 $0x1;
	[tilespmem:v48+s25+$0x0] =	vst.idx.msk $0xffff, v25  }
0x168: {  	v25 =	vadd.s32 s14, v0;
	[tilespmem:v49+s25+$0x0] =	vst.idx.msk $0xffff, v27  }
0x169: {  	[tilespmem:v50+s25+$0x0] =	vst.idx.msk $0xffff, v26;
	v26 =	vand.u32 $0x3F, v25  }
0x16a: {  	[tilespmem:v51+s25+$0x0] =	vst.idx.msk $0xffff, v31;
	v27 =	vor.u32 v6, v26  }
0x16b: {  	v31 =	vor.u32 v16, v26;
	[tilespmem:v52+s25+$0x0] =	vst.idx.msk $0xffff, v29  }
0x16c: {  	v54 =	vor.u32 v13, v26;
	[tilespmem:v46+s25+$0x0] =	vst.idx.msk $0xffff, v28  }
0x16d: {  	v55 =	vor.u32 v5, v26;
	[tilespmem:v53+s25+$0x0] =	vst.idx.msk $0xffff, v39  }
0x16e: {  	v56 =	vor.u32 v4, v26;
	[tilespmem:v24+s25+$0x0] =	vst.idx.msk $0xffff, v30  }
0x16f: {  	v57 =	vor.u32 v12, v26;
	v27 =	vld.idx.msk [tilespmem:v27+s16+$0x0], $0xffff  }
0x170: {  	v58 =	vor.u32 v1, v26;
	v31 =	vld.idx.msk [tilespmem:v31+s16+$0x0], $0xffff  }
0x171: {  	v59 =	vor.u32 v15, v26;
	v32 =	vld.idx.msk [tilespmem:v54+s16+$0x0], $0xffff  }
0x172: {  	v60 =	vor.u32 v11, v26;
	v33 =	vld.idx.msk [tilespmem:v55+s16+$0x0], $0xffff  }
0x173: {  	v61 =	vor.u32 v10, v26;
	v34 =	vld.idx.msk [tilespmem:v56+s16+$0x0], $0xffff  }
0x174: {  	v62 =	vor.u32 v9, v26;
	v35 =	vld.idx.msk [tilespmem:v57+s16+$0x0], $0xffff  }
0x175: {  	v29 =	vor.u32 v2, v26;
	v36 =	vld.idx.msk [tilespmem:v58+s16+$0x0], $0xffff  }
0x176: {  	v28 =	vor.u32 v3, v26;
	v37 =	vld.idx.msk [tilespmem:v59+s16+$0x0], $0xffff  }
0x177: {  	v25 =	vshll.u32 v25, $0x7;
	v24 =	vor.u32 v8, v26;
	v38 =	vld.idx.msk [tilespmem:v60+s16+$0x0], $0xffff  }
0x178: {  	v25 =	vand.u32 $0x1F80, v25;
	v30 =	vor.u32 v14, v26;
	v39 =	vld.idx.msk [tilespmem:v61+s16+$0x0], $0xffff  }
0x179: {  	v63 =	vor.u32 v0, v25;
	v26 =	vor.u32 v7, v26;
	v40 =	vld.idx.msk [tilespmem:v62+s16+$0x0], $0xffff  }
0x17a: {  	v48 =	vor.u32 v17, v25;
	v29 =	vld.idx.msk [tilespmem:v29+s16+$0x0], $0xffff  }
0x17b: {  	v49 =	vor.u32 v18, v25;
	v28 =	vld.idx.msk [tilespmem:v28+s16+$0x0], $0xffff  }
0x17c: {  	v50 =	vor.u32 v19, v25;
	v24 =	vld.idx.msk [tilespmem:v24+s16+$0x0], $0xffff  }
0x17d: {  	v51 =	vor.u32 v20, v25;
	v30 =	vld.idx.msk [tilespmem:v30+s16+$0x0], $0xffff  }
0x17e: {  	v52 =	vor.u32 v21, v25;
	v26 =	vld.idx.msk [tilespmem:v26+s16+$0x0], $0xffff;
	[tilespmem:v63+s24+$0x0] =	vst.idx.msk $0xffff, v36  }
0x17f: {  	[tilespmem:v48+s24+$0x0] =	vst.idx.msk $0xffff, v29;
	v29 =	vor.u32 v22, v25  }
0x180: {  	v25 =	vor.u32 v23, v25;
	[tilespmem:v49+s24+$0x0] =	vst.idx.msk $0xffff, v28  }
0x181: {  	[tilespmem:v50+s24+$0x0] =	vst.idx.msk $0xffff, v34  }
0x182: {  	[tilespmem:v51+s24+$0x0] =	vst.idx.msk $0xffff, v33  }
0x183: {  	[tilespmem:v52+s24+$0x0] =	vst.idx.msk $0xffff, v27  }
0x184: {  	[tilespmem:v29+s24+$0x0] =	vst.idx.msk $0xffff, v26  }
0x185: {  	[tilespmem:v25+s24+$0x0] =	vst.idx.msk $0xffff, v24  }
0x186: {  	s26 =	simm.s32 $0x2;
	[tilespmem:v63+s25+$0x0] =	vst.idx.msk $0xffff, v40  }
0x187: {  	v28 =	vadd.s32 s26, v0;
	[tilespmem:v48+s25+$0x0] =	vst.idx.msk $0xffff, v39  }
0x188: {  	v53 =	vand.u32 $0x3F, v28;
	[tilespmem:v49+s25+$0x0] =	vst.idx.msk $0xffff, v38  }
0x189: {  	v24 =	vor.u32 v14, v53;
	[tilespmem:v50+s25+$0x0] =	vst.idx.msk $0xffff, v35  }
0x18a: {  	v26 =	vor.u32 v9, v53;
	[tilespmem:v51+s25+$0x0] =	vst.idx.msk $0xffff, v32  }
0x18b: {  	v27 =	vor.u32 v13, v53;
	[tilespmem:v52+s25+$0x0] =	vst.idx.msk $0xffff, v30  }
0x18c: {  	v54 =	vor.u32 v16, v53;
	[tilespmem:v29+s25+$0x0] =	vst.idx.msk $0xffff, v37  }
0x18d: {  	v55 =	vor.u32 v6, v53;
	[tilespmem:v25+s25+$0x0] =	vst.idx.msk $0xffff, v31  }
0x18e: {  	v56 =	vor.u32 v5, v53;
	v24 =	vld.idx.msk [tilespmem:v24+s16+$0x0], $0xffff  }
0x18f: {  	v57 =	vor.u32 v10, v53;
	v30 =	vld.idx.msk [tilespmem:v26+s16+$0x0], $0xffff  }
0x190: {  	v58 =	vor.u32 v7, v53;
	v26 =	vld.idx.msk [tilespmem:v27+s16+$0x0], $0xffff  }
0x191: {  	v29 =	vor.u32 v15, v53;
	v27 =	vld.idx.msk [tilespmem:v54+s16+$0x0], $0xffff  }
0x192: {  	v31 =	vor.u32 v12, v53;
	v33 =	vld.idx.msk [tilespmem:v55+s16+$0x0], $0xffff  }
0x193: {  	v59 =	vor.u32 v1, v53;
	v34 =	vld.idx.msk [tilespmem:v56+s16+$0x0], $0xffff  }
0x194: {  	v60 =	vor.u32 v8, v53;
	v32 =	vld.idx.msk [tilespmem:v57+s16+$0x0], $0xffff  }
0x195: {  	v61 =	vor.u32 v3, v53;
	v35 =	vld.idx.msk [tilespmem:v58+s16+$0x0], $0xffff  }
0x196: {  	v28 =	vshll.u32 v28, $0x7;
	v62 =	vor.u32 v2, v53;
	v25 =	vld.idx.msk [tilespmem:v29+s16+$0x0], $0xffff  }
0x197: {  	v63 =	vor.u32 v4, v53;
	v29 =	vld.idx.msk [tilespmem:v31+s16+$0x0], $0xffff;
	v31 =	vand.u32 $0x1F80, v28  }
0x198: {  	v38 =	vor.u32 v11, v53;
	v45 =	vld.idx.msk [tilespmem:v59+s16+$0x0], $0xffff;
	v36 =	vor.u32 v0, v31  }
0x199: {  	v37 =	vld.idx.msk [tilespmem:v60+s16+$0x0], $0xffff  }
0x19a: {  	v42 =	vld.idx.msk [tilespmem:v61+s16+$0x0], $0xffff  }
0x19b: {  	v44 =	vld.idx.msk [tilespmem:v62+s16+$0x0], $0xffff;
	v39 =	vor.u32 v17, v31  }
0x19c: {  	v43 =	vld.idx.msk [tilespmem:v63+s16+$0x0], $0xffff;
	v41 =	vor.u32 v18, v31  }
0x19d: {  	s5 =	simm.s32 $0x4;
	v38 =	vld.idx.msk [tilespmem:v38+s16+$0x0], $0xffff;
	v28 =	vor.u32 v20, v31;
	v40 =	vor.u32 v19, v31;
	[tilespmem:v36+s24+$0x0] =	vst.idx.msk $0xffff, v45  }
.LBB2_5:
0x19e: {  	p0 =	sne.s32 s5, $0x3C;
	s7 =	smov.u32 s5;
	s5 =	sadd.s32 $0x4, s5  }
0x19f: {  	v45 =	vor.u32 v21, v31  }
0x1a0: {  	[tilespmem:v39+s24+$0x0] =	vst.idx.msk $0xffff, v44;
	v44 =	vor.u32 v22, v31  }
0x1a1: {  	v31 =	vor.u32 v23, v31;
	[tilespmem:v41+s24+$0x0] =	vst.idx.msk $0xffff, v42  }
0x1a2: {  	[tilespmem:v40+s24+$0x0] =	vst.idx.msk $0xffff, v43  }
0x1a3: {  	[tilespmem:v28+s24+$0x0] =	vst.idx.msk $0xffff, v34  }
0x1a4: {  	[tilespmem:v45+s24+$0x0] =	vst.idx.msk $0xffff, v33  }
0x1a5: {  	[tilespmem:v44+s24+$0x0] =	vst.idx.msk $0xffff, v35  }
0x1a6: {  	[tilespmem:v31+s24+$0x0] =	vst.idx.msk $0xffff, v37  }
0x1a7: {  	s9 =	sadd.s32 $0x3, s0;
	s0 =	smov.u32 s7;
	[tilespmem:v36+s25+$0x0] =	vst.idx.msk $0xffff, v30  }
0x1a8: {  	v30 =	vadd.s32 s9, v0;
	[tilespmem:v39+s25+$0x0] =	vst.idx.msk $0xffff, v32  }
0x1a9: {  	v32 =	vand.u32 $0x3F, v30;
	v30 =	vshll.u32 v30, $0x7;
	[tilespmem:v41+s25+$0x0] =	vst.idx.msk $0xffff, v38  }
0x1aa: {  	v30 =	vand.u32 $0x1F80, v30;
	[tilespmem:v40+s25+$0x0] =	vst.idx.msk $0xffff, v29;
	v29 =	vor.u32 v1, v32  }
0x1ab: {  	[tilespmem:v28+s25+$0x0] =	vst.idx.msk $0xffff, v26;
	v26 =	vor.u32 v8, v32  }
0x1ac: {  	[tilespmem:v45+s25+$0x0] =	vst.idx.msk $0xffff, v24;
	v24 =	vor.u32 v9, v32  }
0x1ad: {  	[tilespmem:v44+s25+$0x0] =	vst.idx.msk $0xffff, v25;
	v25 =	vor.u32 v10, v32  }
0x1ae: {  	[tilespmem:v31+s25+$0x0] =	vst.idx.msk $0xffff, v27;
	v27 =	vor.u32 v11, v32  }
0x1af: {  	v28 =	vld.idx.msk [tilespmem:v29+s16+$0x0], $0xffff;
	v29 =	vor.u32 v12, v32  }
0x1b0: {  	v31 =	vor.u32 v2, v32;
	v26 =	vld.idx.msk [tilespmem:v26+s16+$0x0], $0xffff  }
0x1b1: {  	v33 =	vor.u32 v3, v32;
	v24 =	vld.idx.msk [tilespmem:v24+s16+$0x0], $0xffff  }
0x1b2: {  	v34 =	vor.u32 v4, v32;
	v25 =	vld.idx.msk [tilespmem:v25+s16+$0x0], $0xffff  }
0x1b3: {  	v35 =	vor.u32 v5, v32;
	v27 =	vld.idx.msk [tilespmem:v27+s16+$0x0], $0xffff  }
0x1b4: {  	v36 =	vor.u32 v6, v32;
	v29 =	vld.idx.msk [tilespmem:v29+s16+$0x0], $0xffff  }
0x1b5: {  	v37 =	vor.u32 v7, v32;
	v31 =	vld.idx.msk [tilespmem:v31+s16+$0x0], $0xffff  }
0x1b6: {  	v38 =	vor.u32 v14, v32;
	v33 =	vld.idx.msk [tilespmem:v33+s16+$0x0], $0xffff  }
0x1b7: {  	v39 =	vor.u32 v15, v32;
	v34 =	vld.idx.msk [tilespmem:v34+s16+$0x0], $0xffff  }
0x1b8: {  	v40 =	vor.u32 v16, v32;
	v35 =	vld.idx.msk [tilespmem:v35+s16+$0x0], $0xffff  }
0x1b9: {  	v32 =	vor.u32 v13, v32;
	v36 =	vld.idx.msk [tilespmem:v36+s16+$0x0], $0xffff  }
0x1ba: {  	v41 =	vor.u32 v0, v30;
	v37 =	vld.idx.msk [tilespmem:v37+s16+$0x0], $0xffff  }
0x1bb: {  	v42 =	vor.u32 v17, v30;
	v38 =	vld.idx.msk [tilespmem:v38+s16+$0x0], $0xffff  }
0x1bc: {  	v43 =	vor.u32 v18, v30;
	v39 =	vld.idx.msk [tilespmem:v39+s16+$0x0], $0xffff  }
0x1bd: {  	v44 =	vor.u32 v19, v30;
	v40 =	vld.idx.msk [tilespmem:v40+s16+$0x0], $0xffff  }
0x1be: {  	v45 =	vor.u32 v20, v30;
	v32 =	vld.idx.msk [tilespmem:v32+s16+$0x0], $0xffff  }
0x1bf: {  	[tilespmem:v41+s24+$0x0] =	vst.idx.msk $0xffff, v28;
	v28 =	vor.u32 v21, v30  }
0x1c0: {  	[tilespmem:v42+s24+$0x0] =	vst.idx.msk $0xffff, v31;
	v31 =	vor.u32 v22, v30  }
0x1c1: {  	v30 =	vor.u32 v23, v30;
	[tilespmem:v43+s24+$0x0] =	vst.idx.msk $0xffff, v33  }
0x1c2: {  	[tilespmem:v44+s24+$0x0] =	vst.idx.msk $0xffff, v34  }
0x1c3: {  	[tilespmem:v45+s24+$0x0] =	vst.idx.msk $0xffff, v35  }
0x1c4: {  	v33 =	vadd.s32 s0, v0;
	[tilespmem:v28+s24+$0x0] =	vst.idx.msk $0xffff, v36  }
0x1c5: {  	v34 =	vand.u32 $0x3F, v33;
	v33 =	vshll.u32 v33, $0x7;
	[tilespmem:v31+s24+$0x0] =	vst.idx.msk $0xffff, v37  }
0x1c6: {  	v35 =	vor.u32 v1, v34;
	v36 =	vor.u32 v2, v34;
	[tilespmem:v30+s24+$0x0] =	vst.idx.msk $0xffff, v26  }
0x1c7: {  	v37 =	vor.u32 v5, v34;
	v26 =	vor.u32 v4, v34;
	[tilespmem:v41+s25+$0x0] =	vst.idx.msk $0xffff, v24  }
0x1c8: {  	v24 =	vor.u32 v7, v34;
	v41 =	vor.u32 v8, v34;
	[tilespmem:v42+s25+$0x0] =	vst.idx.msk $0xffff, v25  }
0x1c9: {  	v25 =	vor.u32 v10, v34;
	v42 =	vor.u32 v11, v34;
	[tilespmem:v43+s25+$0x0] =	vst.idx.msk $0xffff, v27  }
0x1ca: {  	v27 =	vor.u32 v13, v34;
	v43 =	vor.u32 v14, v34;
	[tilespmem:v44+s25+$0x0] =	vst.idx.msk $0xffff, v29  }
0x1cb: {  	v29 =	vor.u32 v9, v34;
	v44 =	vor.u32 v16, v34;
	[tilespmem:v45+s25+$0x0] =	vst.idx.msk $0xffff, v32  }
0x1cc: {  	v32 =	vor.u32 v12, v34;
	[tilespmem:v28+s25+$0x0] =	vst.idx.msk $0xffff, v38  }
0x1cd: {  	[tilespmem:v31+s25+$0x0] =	vst.idx.msk $0xffff, v39  }
0x1ce: {  	v28 =	vor.u32 v3, v34;
	[tilespmem:v30+s25+$0x0] =	vst.idx.msk $0xffff, v40;
	_ =	sdelay $0x2  }
0x1cf: {  	v31 =	vand.u32 $0x1F80, v33;
	v30 =	vld.idx.msk [tilespmem:v42+s16+$0x0], $0xffff  }
0x1d0: {  	v33 =	vor.u32 v0, v31;
	v25 =	vld.idx.msk [tilespmem:v25+s16+$0x0], $0xffff  }
0x1d1: {  	v39 =	vor.u32 v17, v31;
	v38 =	vld.idx.msk [tilespmem:v43+s16+$0x0], $0xffff  }
0x1d2: {  	v40 =	vor.u32 v18, v31;
	v27 =	vld.idx.msk [tilespmem:v27+s16+$0x0], $0xffff  }
0x1d3: {  	v42 =	vor.u32 v15, v34;
	v43 =	vld.idx.msk [tilespmem:v44+s16+$0x0], $0xffff;
	v44 =	vor.u32 v19, v31  }
0x1d4: {  	v45 =	vor.u32 v20, v31;
	v34 =	vor.u32 v6, v34;
	v32 =	vld.idx.msk [tilespmem:v32+s16+$0x0], $0xffff  }
0x1d5: {  	v46 =	vor.u32 v21, v31;
	v24 =	vld.idx.msk [tilespmem:v24+s16+$0x0], $0xffff  }
0x1d6: {  	v47 =	vor.u32 v22, v31;
	v37 =	vld.idx.msk [tilespmem:v37+s16+$0x0], $0xffff  }
0x1d7: {  	v28 =	vld.idx.msk [tilespmem:v28+s16+$0x0], $0xffff  }
0x1d8: {  	v31 =	vor.u32 v23, v31;
	v35 =	vld.idx.msk [tilespmem:v35+s16+$0x0], $0xffff  }
0x1d9: {  	v26 =	vld.idx.msk [tilespmem:v26+s16+$0x0], $0xffff  }
0x1da: {  	v36 =	vld.idx.msk [tilespmem:v36+s16+$0x0], $0xffff  }
0x1db: {  	v41 =	vld.idx.msk [tilespmem:v41+s16+$0x0], $0xffff  }
0x1dc: {  	v42 =	vld.idx.msk [tilespmem:v42+s16+$0x0], $0xffff  }
0x1dd: {  	v34 =	vld.idx.msk [tilespmem:v34+s16+$0x0], $0xffff  }
0x1de: {  	v29 =	vld.idx.msk [tilespmem:v29+s16+$0x0], $0xffff  }
0x1df: {  	[tilespmem:v33+s24+$0x0] =	vst.idx.msk $0xffff, v35  }
0x1e0: {  	[tilespmem:v39+s24+$0x0] =	vst.idx.msk $0xffff, v36  }
0x1e1: {  	[tilespmem:v40+s24+$0x0] =	vst.idx.msk $0xffff, v28  }
0x1e2: {  	[tilespmem:v44+s24+$0x0] =	vst.idx.msk $0xffff, v26  }
0x1e3: {  	[tilespmem:v45+s24+$0x0] =	vst.idx.msk $0xffff, v37  }
0x1e4: {  	[tilespmem:v46+s24+$0x0] =	vst.idx.msk $0xffff, v34  }
0x1e5: {  	[tilespmem:v47+s24+$0x0] =	vst.idx.msk $0xffff, v24  }
0x1e6: {  	[tilespmem:v31+s24+$0x0] =	vst.idx.msk $0xffff, v41  }
0x1e7: {  	s7 =	sadd.s32 $0x1, s0;
	[tilespmem:v33+s25+$0x0] =	vst.idx.msk $0xffff, v29  }
0x1e8: {  	v24 =	vadd.s32 s7, v0;
	[tilespmem:v39+s25+$0x0] =	vst.idx.msk $0xffff, v25  }
0x1e9: {  	v25 =	vand.u32 $0x3F, v24;
	v24 =	vshll.u32 v24, $0x7;
	[tilespmem:v40+s25+$0x0] =	vst.idx.msk $0xffff, v30  }
0x1ea: {  	v26 =	vor.u32 v6, v25;
	v24 =	vand.u32 $0x1F80, v24;
	[tilespmem:v44+s25+$0x0] =	vst.idx.msk $0xffff, v32  }
0x1eb: {  	[tilespmem:v45+s25+$0x0] =	vst.idx.msk $0xffff, v27;
	v27 =	vor.u32 v2, v25  }
0x1ec: {  	v28 =	vor.u32 v3, v25;
	[tilespmem:v46+s25+$0x0] =	vst.idx.msk $0xffff, v38  }
0x1ed: {  	v29 =	vor.u32 v16, v25;
	[tilespmem:v47+s25+$0x0] =	vst.idx.msk $0xffff, v42  }
0x1ee: {  	v30 =	vor.u32 v8, v25;
	[tilespmem:v31+s25+$0x0] =	vst.idx.msk $0xffff, v43  }
0x1ef: {  	v31 =	vor.u32 v14, v25;
	v26 =	vld.idx.msk [tilespmem:v26+s16+$0x0], $0xffff  }
0x1f0: {  	v32 =	vor.u32 v13, v25;
	v27 =	vld.idx.msk [tilespmem:v27+s16+$0x0], $0xffff  }
0x1f1: {  	v33 =	vor.u32 v5, v25;
	v28 =	vld.idx.msk [tilespmem:v28+s16+$0x0], $0xffff  }
0x1f2: {  	v34 =	vor.u32 v4, v25;
	v29 =	vld.idx.msk [tilespmem:v29+s16+$0x0], $0xffff  }
0x1f3: {  	v35 =	vor.u32 v12, v25;
	v30 =	vld.idx.msk [tilespmem:v30+s16+$0x0], $0xffff  }
0x1f4: {  	v36 =	vor.u32 v1, v25;
	v37 =	vld.idx.msk [tilespmem:v31+s16+$0x0], $0xffff  }
0x1f5: {  	v31 =	vor.u32 v15, v25;
	v32 =	vld.idx.msk [tilespmem:v32+s16+$0x0], $0xffff  }
0x1f6: {  	v38 =	vor.u32 v11, v25;
	v33 =	vld.idx.msk [tilespmem:v33+s16+$0x0], $0xffff  }
0x1f7: {  	v39 =	vor.u32 v10, v25;
	v34 =	vld.idx.msk [tilespmem:v34+s16+$0x0], $0xffff  }
0x1f8: {  	v40 =	vor.u32 v9, v25;
	v35 =	vld.idx.msk [tilespmem:v35+s16+$0x0], $0xffff  }
0x1f9: {  	v25 =	vor.u32 v7, v25;
	v36 =	vld.idx.msk [tilespmem:v36+s16+$0x0], $0xffff  }
0x1fa: {  	v41 =	vld.idx.msk [tilespmem:v31+s16+$0x0], $0xffff;
	v31 =	vor.u32 v0, v24  }
0x1fb: {  	v42 =	vor.u32 v17, v24;
	v38 =	vld.idx.msk [tilespmem:v38+s16+$0x0], $0xffff  }
0x1fc: {  	v43 =	vor.u32 v18, v24;
	v39 =	vld.idx.msk [tilespmem:v39+s16+$0x0], $0xffff  }
0x1fd: {  	v44 =	vor.u32 v19, v24;
	v40 =	vld.idx.msk [tilespmem:v40+s16+$0x0], $0xffff  }
0x1fe: {  	v45 =	vor.u32 v20, v24;
	v25 =	vld.idx.msk [tilespmem:v25+s16+$0x0], $0xffff  }
0x1ff: {  	[tilespmem:v31+s24+$0x0] =	vst.idx.msk $0xffff, v36;
	v36 =	vor.u32 v21, v24  }
0x200: {  	[tilespmem:v42+s24+$0x0] =	vst.idx.msk $0xffff, v27;
	v27 =	vor.u32 v22, v24  }
0x201: {  	v24 =	vor.u32 v23, v24;
	[tilespmem:v43+s24+$0x0] =	vst.idx.msk $0xffff, v28  }
0x202: {  	[tilespmem:v44+s24+$0x0] =	vst.idx.msk $0xffff, v34  }
0x203: {  	[tilespmem:v45+s24+$0x0] =	vst.idx.msk $0xffff, v33  }
0x204: {  	[tilespmem:v36+s24+$0x0] =	vst.idx.msk $0xffff, v26  }
0x205: {  	[tilespmem:v27+s24+$0x0] =	vst.idx.msk $0xffff, v25  }
0x206: {  	[tilespmem:v24+s24+$0x0] =	vst.idx.msk $0xffff, v30  }
0x207: {  	s7 =	sadd.s32 $0x2, s0;
	[tilespmem:v31+s25+$0x0] =	vst.idx.msk $0xffff, v40  }
0x208: {  	v25 =	vadd.s32 s7, v0;
	[tilespmem:v42+s25+$0x0] =	vst.idx.msk $0xffff, v39  }
0x209: {  	[tilespmem:v43+s25+$0x0] =	vst.idx.msk $0xffff, v38;
	v38 =	vand.u32 $0x3F, v25;
	v25 =	vshll.u32 v25, $0x7  }
0x20a: {  	[tilespmem:v44+s25+$0x0] =	vst.idx.msk $0xffff, v35;
	v26 =	vor.u32 v14, v38;
	v31 =	vand.u32 $0x1F80, v25  }
0x20b: {  	v25 =	vor.u32 v9, v38;
	[tilespmem:v45+s25+$0x0] =	vst.idx.msk $0xffff, v32;
	v28 =	vor.u32 v20, v31  }
0x20c: {  	v32 =	vor.u32 v13, v38;
	[tilespmem:v36+s25+$0x0] =	vst.idx.msk $0xffff, v37  }
0x20d: {  	[tilespmem:v27+s25+$0x0] =	vst.idx.msk $0xffff, v41;
	v27 =	vor.u32 v15, v38  }
0x20e: {  	[tilespmem:v24+s25+$0x0] =	vst.idx.msk $0xffff, v29;
	v29 =	vor.u32 v12, v38  }
0x20f: {  	v33 =	vor.u32 v16, v38;
	v24 =	vld.idx.msk [tilespmem:v26+s16+$0x0], $0xffff  }
0x210: {  	v34 =	vor.u32 v6, v38;
	v30 =	vld.idx.msk [tilespmem:v25+s16+$0x0], $0xffff  }
0x211: {  	v35 =	vor.u32 v5, v38;
	v26 =	vld.idx.msk [tilespmem:v32+s16+$0x0], $0xffff  }
0x212: {  	v32 =	vor.u32 v10, v38;
	v25 =	vld.idx.msk [tilespmem:v27+s16+$0x0], $0xffff  }
0x213: {  	v36 =	vor.u32 v7, v38;
	v29 =	vld.idx.msk [tilespmem:v29+s16+$0x0], $0xffff  }
0x214: {  	v37 =	vor.u32 v1, v38;
	v27 =	vld.idx.msk [tilespmem:v33+s16+$0x0], $0xffff  }
0x215: {  	v39 =	vor.u32 v8, v38;
	v33 =	vld.idx.msk [tilespmem:v34+s16+$0x0], $0xffff  }
0x216: {  	v40 =	vor.u32 v3, v38;
	v34 =	vld.idx.msk [tilespmem:v35+s16+$0x0], $0xffff  }
0x217: {  	v41 =	vor.u32 v2, v38;
	v32 =	vld.idx.msk [tilespmem:v32+s16+$0x0], $0xffff  }
0x218: {  	v43 =	vor.u32 v4, v38;
	v35 =	vld.idx.msk [tilespmem:v36+s16+$0x0], $0xffff  }
0x219: {  	v38 =	vor.u32 v11, v38;
	v45 =	vld.idx.msk [tilespmem:v37+s16+$0x0], $0xffff  }
0x21a: {  	v36 =	vor.u32 v0, v31;
	v37 =	vld.idx.msk [tilespmem:v39+s16+$0x0], $0xffff  }
.Ltmp1:
0x21b: {  	v42 =	vld.idx.msk [tilespmem:v40+s16+$0x0], $0xffff;
	(pc) =	sbr.rel @p0 .LBB2_5-.Ltmp1, $4  }
0x21c: {  	v44 =	vld.idx.msk [tilespmem:v41+s16+$0x0], $0xffff  }
0x21d: {  	v39 =	vor.u32 v17, v31;
	v43 =	vld.idx.msk [tilespmem:v43+s16+$0x0], $0xffff  }
0x21e: {  	v41 =	vor.u32 v18, v31;
	v38 =	vld.idx.msk [tilespmem:v38+s16+$0x0], $0xffff  }
0x21f: {  	v40 =	vor.u32 v19, v31;
	[tilespmem:v36+s24+$0x0] =	vst.idx.msk $0xffff, v45  }
0x220: {  	_ =	sdelay $0x2  }
0x221: {  	v45 =	vor.u32 v21, v31  }
0x222: {  	v60 =	vor.u32 v22, v31;
	[tilespmem:v39+s24+$0x0] =	vst.idx.msk $0xffff, v44  }
0x223: {  	v61 =	vor.u32 v23, v31;
	[tilespmem:v41+s24+$0x0] =	vst.idx.msk $0xffff, v42  }
0x224: {  	[tilespmem:v40+s24+$0x0] =	vst.idx.msk $0xffff, v43  }
0x225: {  	[tilespmem:v28+s24+$0x0] =	vst.idx.msk $0xffff, v34  }
0x226: {  	[tilespmem:v45+s24+$0x0] =	vst.idx.msk $0xffff, v33  }
0x227: {  	[tilespmem:v60+s24+$0x0] =	vst.idx.msk $0xffff, v35  }
0x228: {  	[tilespmem:v61+s24+$0x0] =	vst.idx.msk $0xffff, v37  }
0x229: {  	s0 =	sadd.s32 $0x3, s0;
	[tilespmem:v36+s25+$0x0] =	vst.idx.msk $0xffff, v30  }
0x22a: {  	v62 =	vadd.s32 s0, v0;
	[tilespmem:v39+s25+$0x0] =	vst.idx.msk $0xffff, v32  }
0x22b: {  	v63 =	vand.u32 $0x3F, v62;
	[tilespmem:v41+s25+$0x0] =	vst.idx.msk $0xffff, v38  }
0x22c: {  	v41 =	vor.u32 v1, v63;
	[tilespmem:v40+s25+$0x0] =	vst.idx.msk $0xffff, v29  }
0x22d: {  	v42 =	vor.u32 v8, v63;
	[tilespmem:v28+s25+$0x0] =	vst.idx.msk $0xffff, v26  }
0x22e: {  	v43 =	vor.u32 v9, v63;
	[tilespmem:v45+s25+$0x0] =	vst.idx.msk $0xffff, v24  }
0x22f: {  	v46 =	vor.u32 v11, v63;
	[tilespmem:v60+s25+$0x0] =	vst.idx.msk $0xffff, v25  }
0x230: {  	v47 =	vor.u32 v12, v63;
	[tilespmem:v61+s25+$0x0] =	vst.idx.msk $0xffff, v27  }
0x231: {  	v48 =	vor.u32 v2, v63;
	v28 =	vld.idx.msk [tilespmem:v41+s16+$0x0], $0xffff  }
0x232: {  	v49 =	vor.u32 v3, v63;
	v26 =	vld.idx.msk [tilespmem:v42+s16+$0x0], $0xffff  }
0x233: {  	v50 =	vor.u32 v4, v63;
	v24 =	vld.idx.msk [tilespmem:v43+s16+$0x0], $0xffff  }
0x234: {  	v51 =	vor.u32 v5, v63;
	v27 =	vld.idx.msk [tilespmem:v46+s16+$0x0], $0xffff  }
0x235: {  	v52 =	vor.u32 v6, v63;
	v29 =	vld.idx.msk [tilespmem:v47+s16+$0x0], $0xffff  }
0x236: {  	v53 =	vor.u32 v7, v63;
	v31 =	vld.idx.msk [tilespmem:v48+s16+$0x0], $0xffff  }
0x237: {  	v54 =	vor.u32 v14, v63;
	v33 =	vld.idx.msk [tilespmem:v49+s16+$0x0], $0xffff  }
0x238: {  	v55 =	vor.u32 v15, v63;
	v34 =	vld.idx.msk [tilespmem:v50+s16+$0x0], $0xffff  }
0x239: {  	v56 =	vor.u32 v16, v63;
	v30 =	vshll.u32 v62, $0x7;
	v35 =	vld.idx.msk [tilespmem:v51+s16+$0x0], $0xffff  }
0x23a: {  	v30 =	vand.u32 $0x1F80, v30;
	v32 =	vor.u32 v13, v63;
	v36 =	vld.idx.msk [tilespmem:v52+s16+$0x0], $0xffff  }
0x23b: {  	v57 =	vor.u32 v0, v30;
	v45 =	vor.u32 v10, v63;
	v37 =	vld.idx.msk [tilespmem:v53+s16+$0x0], $0xffff  }
0x23c: {  	v58 =	vor.u32 v17, v30;
	v38 =	vld.idx.msk [tilespmem:v54+s16+$0x0], $0xffff  }
0x23d: {  	v59 =	vor.u32 v18, v30;
	v39 =	vld.idx.msk [tilespmem:v55+s16+$0x0], $0xffff  }
0x23e: {  	v60 =	vor.u32 v19, v30;
	v40 =	vld.idx.msk [tilespmem:v56+s16+$0x0], $0xffff  }
0x23f: {  	v61 =	vor.u32 v20, v30;
	v32 =	vld.idx.msk [tilespmem:v32+s16+$0x0], $0xffff  }
0x240: {  	v62 =	vor.u32 v21, v30;
	v25 =	vld.idx.msk [tilespmem:v45+s16+$0x0], $0xffff;
	[tilespmem:v57+s24+$0x0] =	vst.idx.msk $0xffff, v28  }
0x241: {  	v63 =	vor.u32 v22, v30;
	[tilespmem:v58+s24+$0x0] =	vst.idx.msk $0xffff, v31  }
0x242: {  	v30 =	vor.u32 v23, v30;
	[tilespmem:v59+s24+$0x0] =	vst.idx.msk $0xffff, v33  }
0x243: {  	[tilespmem:v60+s24+$0x0] =	vst.idx.msk $0xffff, v34  }
0x244: {  	[tilespmem:v61+s24+$0x0] =	vst.idx.msk $0xffff, v35  }
0x245: {  	[tilespmem:v62+s24+$0x0] =	vst.idx.msk $0xffff, v36  }
0x246: {  	[tilespmem:v63+s24+$0x0] =	vst.idx.msk $0xffff, v37  }
0x247: {  	[tilespmem:v30+s24+$0x0] =	vst.idx.msk $0xffff, v26  }
0x248: {  	[tilespmem:v57+s25+$0x0] =	vst.idx.msk $0xffff, v24  }
0x249: {  	[tilespmem:v58+s25+$0x0] =	vst.idx.msk $0xffff, v25  }
0x24a: {  	[tilespmem:v59+s25+$0x0] =	vst.idx.msk $0xffff, v27  }
0x24b: {  	[tilespmem:v60+s25+$0x0] =	vst.idx.msk $0xffff, v29  }
0x24c: {  	s26 =	sshll.u32 s2, $0x12;
	s30 =	sadd.s32 $0x1, s30;
	[tilespmem:v61+s25+$0x0] =	vst.idx.msk $0xffff, v32  }
0x24d: {  	s0 =	sor.u32 s31, s26;
	p0 =	sne.s32 s30, $0x32;
	[tilespmem:v62+s25+$0x0] =	vst.idx.msk $0xffff, v38  }
.Ltmp2:
0x24e: {  	s0 =	sshrl.u32 s0, $0x3;
	[tilespmem:v63+s25+$0x0] =	vst.idx.msk $0xffff, v39;
	(pc) =	sbr.rel @p0 .LBB2_2-.Ltmp2, $4  }
0x24f: {  	s0 =	sadd.s32 s4, s0;
	[tilespmem:v30+s25+$0x0] =	vst.idx.msk $0xffff, v40  }
0x250: {  	[hbm4b:s0+s11] =	stream.strided.scatter [tilespmem:s24], [sflag:$0x4], $0x2000, s22, s11, $0x38;
	[tilespmem:$0x18200] =	vst v63  }
0x251: {  	s0 =	sadd.s32 $0x80, s0  }
0x252: {  	[hbm4b:s0+s11] =	stream.strided.scatter [tilespmem:s25], [sflag:$0x4], $0x2000, s22, s11, $0x38;
	[tilespmem:$0x18200] =	vst v63  }
0x253: {  	s0 =	simm.s32 $0x3  }
0x254: {  	_ =	swait.ge [sflag:s0], $0x2000  }
0x255: {  	[sflag:s0] =	ssyncset.done $0x0  }
0x256: {  	[sflag:s0] =	ssyncadd.s32 $0xFFFFE000  }
0x257: {  	_ =	swait.ge [sflag:s0], $0x2000  }
0x258: {  	[sflag:s0] =	ssyncset.done $0x0  }
0x259: {  	[sflag:s0] =	ssyncadd.s32 $0xFFFFE000  }
0x25a: {  	_ =	swait.ge [sflag:s28], $0x2000  }
0x25b: {  	[sflag:s28] =	ssyncset.done $0x0  }
0x25c: {  	[sflag:s28] =	ssyncadd.s32 $0xFFFFE000  }
0x25d: {  	_ =	swait.ge [sflag:s28], $0x2000  }
0x25e: {  	s29 =	sadd.s32 $0x1, s29;
	s31 =	rddreg [dreg:$0x5]  }
0x25f: {  	p0 =	sne.s32 s29, s31  }
.Ltmp3:
0x260: {  	_ = 	snop;
	(pc) =	sbr.rel @p0 .LBB2_1-.Ltmp3, $3  }
0x261: {  	_ =	sdelay $0x1  }
0x262: {  	[sflag:s28] =	ssyncset.done $0x0  }
0x263: {  	[sflag:s28] =	ssyncadd.s32 $0xFFFFE000  }
0x264: {  	_ =	sfence.sel $0x180000  }
0x265: {  	[bflag:$0x0] =	sbarrier.arrive $0xFFFF  }
0x266: {  	_ =	strace $0x90000047  }
0x267: {  	s0 =	stileid.u32;
	[bflag:$0x2] =	sbarrier.arrive $0xFFFF  }
0x268: {  	p0 =	sne.s32 s0, $0x0;
	s0 =	rddreg [dreg:$0x3]  }
0x269: {  	s0 =	sadd.s32 @!p0 $0x100000, s0  }
0x26a: {  	[sflag:s0] =	ssyncadd.tile.s32 @!p0 $0x1;
	_ =	shalt  }
.Lfunc_end2:
_tile_overlayer_lowered:
.L_overlay_start_2:
0x26b: {  	(tag) =	ssettag $0x2  }
0x26c: {  	s0 =	rddreg [dreg:$0x0];
	s2 =	stileid.u32  }
0x26d: {  	s1 =	rddreg [dreg:$0x1];
	p0 =	sne.s32 s2, $0x0  }
0x26e: {  	s3 =	rddreg [dreg:$0x2];
	[bflag:$0x3] =	sbarrier.arrive $0xFFFF;
	s2 =	simm.s32 @!p0 $0x1C05  }
0x26f: {  	[timem:s3], [sflag:s2] =	dma.local @!p0 [hbm:s0], s1  }
0x270: {  	s0 =	simm.s32 @!p0 $0x5  }
0x271: {  	_ =	swait.ge @!p0 [sflag:s0], s1  }
0x272: {  	s1 =	ssub.s32 @!p0 $0x0, s1;
	[sflag:s0] =	ssyncset.done @!p0 $0x0  }
0x273: {  	[sflag:s0] =	ssyncadd.s32 @!p0 s1  }
0x274: {  	[bflag:$0x3] =	sbarrier.arrive $0xFFFF  }
0x275: {  	_ =	shalt  }

</sc_bundles>
